<compile_context>
chip_gen: v7x
topology: tpu7x:2x2x1
jax: 0.10.2.dev20260603
libtpu: 0.0.44.dev20260713+nightly
codegen_flags: <defaults>
</compile_context>

<pallas_src>
import functools

import jax
import jax.numpy as jnp
from jax import lax
from jax.experimental import pallas as pl
from jax.experimental.pallas import tpu as pltpu
from jax.experimental.pallas import tpu_sc as plsc

N = 10000
E = 320000
D = 128
NCLS = 10

NC = 2
NS = 16
NW = NC * NS

CS = 100
CHW = 100
QW = 25
NPAD = 10240
ROWS_PER_TILE = NPAD // NS
DEGW = NPAD // NS

_mesh = plsc.VectorSubcoreMesh(
    core_axis_name="c", subcore_axis_name="s", num_cores=NC, num_subcores=NS
)



@functools.partial(
    pl.kernel,
    out_type=jax.ShapeDtypeStruct((NC, NPAD), jnp.float32),
    mesh=_mesh,
    scratch_types=[
        pltpu.VMEM((CHW, CS), jnp.int32),
        pltpu.VMEM((CS,), jnp.float32),
        pltpu.VMEM((DEGW,), jnp.float32),
        pltpu.VMEM_SHARED((NPAD,), jnp.float32),
    ],
)
def _sc_deg(dst_hbm, degp_hbm, didx_v, ones_v, zero_v, acc_sh):
    c = lax.axis_index("c")
    s = lax.axis_index("s")
    w = c * NS + s
    pltpu.sync_copy(dst_hbm.at[w], didx_v)

    def fill(i, carry):
        ones_v[pl.ds(i * 16, 16)] = jnp.ones((16,), jnp.float32)
        return carry

    lax.fori_loop(0, CS // 16, fill, 0)
    ones_v[pl.ds(CS - 16, 16)] = jnp.ones((16,), jnp.float32)

    def zfill(i, carry):
        zero_v[pl.ds(i * 16, 16)] = jnp.zeros((16,), jnp.float32)
        return carry

    lax.fori_loop(0, DEGW // 16, zfill, 0)
    pltpu.sync_copy(zero_v, acc_sh.at[pl.ds(s * DEGW, DEGW)])
    plsc.subcore_barrier()

    def body(j, carry):
        pltpu.sync_copy(ones_v, acc_sh.at[didx_v.at[j]], add=True)
        return carry

    lax.fori_loop(0, CHW, body, 0)
    plsc.subcore_barrier()
    pltpu.sync_copy(acc_sh.at[pl.ds(s * DEGW, DEGW)],
                    degp_hbm.at[c, pl.ds(s * DEGW, DEGW)])



@functools.partial(
    pl.kernel,
    out_type=jax.ShapeDtypeStruct((NC, NPAD, D), jnp.float32),
    mesh=_mesh,
    scratch_types=[
        pltpu.VMEM((QW, CS), jnp.int32),
        pltpu.VMEM((QW, CS), jnp.int32),
        pltpu.VMEM((CS, D), jnp.float32),
        pltpu.VMEM((CS, D), jnp.float32),
        pltpu.VMEM((CS, D), jnp.float32),
        pltpu.VMEM_SHARED((NPAD, D), jnp.float32),
        pltpu.SemaphoreType.DMA,
        pltpu.SemaphoreType.DMA,
        pltpu.SemaphoreType.DMA,
    ],
)
def _sc_scatter(y_hbm, src_hbm, dst_hbm, out_hbm,
                sidx_v, didx_v, rows0_v, rows1_v, rows2_v, acc_sh,
                sem0, sem1, sem2):
    c = lax.axis_index("c")
    s = lax.axis_index("s")
    w = c * NS + s
    r0 = s * ROWS_PER_TILE

    def zfill(i, carry):
        rows0_v[i, pl.ds(0, 16)] = jnp.zeros((16,), jnp.float32)
        rows0_v[i, pl.ds(16, 16)] = jnp.zeros((16,), jnp.float32)
        rows0_v[i, pl.ds(32, 16)] = jnp.zeros((16,), jnp.float32)
        rows0_v[i, pl.ds(48, 16)] = jnp.zeros((16,), jnp.float32)
        rows0_v[i, pl.ds(64, 16)] = jnp.zeros((16,), jnp.float32)
        rows0_v[i, pl.ds(80, 16)] = jnp.zeros((16,), jnp.float32)
        rows0_v[i, pl.ds(96, 16)] = jnp.zeros((16,), jnp.float32)
        rows0_v[i, pl.ds(112, 16)] = jnp.zeros((16,), jnp.float32)
        return carry

    lax.fori_loop(0, 80, zfill, 0)
    for k in range(8):
        pltpu.sync_copy(rows0_v.at[pl.ds(0, 80)],
                        acc_sh.at[pl.ds(r0 + 80 * k, 80)])
    plsc.subcore_barrier()

    for q in range(4):
        pltpu.sync_copy(src_hbm.at[w, q], sidx_v)
        pltpu.sync_copy(dst_hbm.at[w, q], didx_v)
        pltpu.async_copy(y_hbm.at[sidx_v.at[0]], rows0_v, sem0)
        pltpu.async_copy(y_hbm.at[sidx_v.at[1]], rows1_v, sem1)
        pltpu.async_copy(y_hbm.at[sidx_v.at[2]], rows2_v, sem2)

        def body(t, carry):
            j0 = t * 3
            j1 = j0 + 1
            j2 = j0 + 2
            pltpu.make_async_copy(y_hbm.at[sidx_v.at[j0]], rows0_v, sem0).wait()
            pltpu.sync_copy(rows0_v, acc_sh.at[didx_v.at[j0]], add=True)

            @pl.when(j0 + 3 < QW)
            def _():
                pltpu.async_copy(y_hbm.at[sidx_v.at[j0 + 3]], rows0_v, sem0)

            pltpu.make_async_copy(y_hbm.at[sidx_v.at[j1]], rows1_v, sem1).wait()
            pltpu.sync_copy(rows1_v, acc_sh.at[didx_v.at[j1]], add=True)

            @pl.when(j1 + 3 < QW)
            def _():
                pltpu.async_copy(y_hbm.at[sidx_v.at[j1 + 3]], rows1_v, sem1)

            pltpu.make_async_copy(y_hbm.at[sidx_v.at[j2]], rows2_v, sem2).wait()
            pltpu.sync_copy(rows2_v, acc_sh.at[didx_v.at[j2]], add=True)

            @pl.when(j2 + 3 < QW)
            def _():
                pltpu.async_copy(y_hbm.at[sidx_v.at[j2 + 3]], rows2_v, sem2)

            return carry

        lax.fori_loop(0, QW // 3, body, 0)
        pltpu.make_async_copy(y_hbm.at[sidx_v.at[QW - 1]], rows0_v, sem0).wait()
        pltpu.sync_copy(rows0_v, acc_sh.at[didx_v.at[QW - 1]], add=True)

    plsc.subcore_barrier()
    pltpu.sync_copy(acc_sh.at[pl.ds(r0, ROWS_PER_TILE)],
                    out_hbm.at[c, pl.ds(r0, ROWS_PER_TILE)])



R = 2000


def _tc1_body(degp_ref, x_ref, w_ref, y_ref, dis_ref):
    deg = degp_ref[:, 0:1] + degp_ref[:, 1:2] + 1.0
    dis = lax.rsqrt(deg)
    xw = jnp.dot(x_ref[...], w_ref[...], preferred_element_type=jnp.float32)
    y_ref[...] = xw * dis
    dis_ref[...] = dis


def _tc1(degp_t, x, W1):
    return pl.pallas_call(
        _tc1_body,
        grid=(N // R,),
        in_specs=[
            pl.BlockSpec((R, 2), lambda i: (i, 0)),
            pl.BlockSpec((R, D), lambda i: (i, 0)),
            pl.BlockSpec((D, D), lambda i: (0, 0)),
        ],
        out_specs=[
            pl.BlockSpec((R, D), lambda i: (i, 0)),
            pl.BlockSpec((R, 1), lambda i: (i, 0)),
        ],
        out_shape=[
            jax.ShapeDtypeStruct((N, D), jnp.float32),
            jax.ShapeDtypeStruct((N, 1), jnp.float32),
        ],
    )(degp_t, x, W1)


def _tc2_body(sp_ref0, sp_ref1, y_ref, dis_ref, b_ref, w_ref, y2_ref):
    dis = dis_ref[...]
    h = (sp_ref0[0] + sp_ref1[0] + y_ref[...]) * dis + b_ref[...]
    h = jnp.maximum(h, 0.0)
    y2_ref[...] = jnp.dot(h, w_ref[...], preferred_element_type=jnp.float32) * dis


def _tc2(sp, y, dis, b, W2):
    return pl.pallas_call(
        _tc2_body,
        grid=(N // R,),
        in_specs=[
            pl.BlockSpec((1, R, D), lambda i: (0, i, 0)),
            pl.BlockSpec((1, R, D), lambda i: (1, i, 0)),
            pl.BlockSpec((R, D), lambda i: (i, 0)),
            pl.BlockSpec((R, 1), lambda i: (i, 0)),
            pl.BlockSpec((1, D), lambda i: (0, 0)),
            pl.BlockSpec((D, D), lambda i: (0, 0)),
        ],
        out_specs=pl.BlockSpec((R, D), lambda i: (i, 0)),
        out_shape=jax.ShapeDtypeStruct((N, D), jnp.float32),
    )(sp, sp, y, dis, b, W2)


def _tc3_body(sp_ref0, sp_ref1, y_ref, dis_ref, b_ref, wfc_ref, bfc_ref, out_ref):
    dis = dis_ref[...]
    h = (sp_ref0[0] + sp_ref1[0] + y_ref[...]) * dis + b_ref[...]
    h = jnp.maximum(h, 0.0)
    out_ref[...] = (
        lax.dot_general(wfc_ref[...], h, (((0,), (1,)), ((), ())),
                        preferred_element_type=jnp.float32)
        + bfc_ref[...]
    )


def _tc3(sp, y, dis, b, Wfc, bfc):
    return pl.pallas_call(
        _tc3_body,
        grid=(1,),
        in_specs=[
            pl.BlockSpec((1, N, D), lambda i: (0, 0, 0)),
            pl.BlockSpec((1, N, D), lambda i: (1, 0, 0)),
            pl.BlockSpec((N, D), lambda i: (0, 0)),
            pl.BlockSpec((N, 1), lambda i: (0, 0)),
            pl.BlockSpec((1, D), lambda i: (0, 0)),
            pl.BlockSpec((D, NCLS), lambda i: (0, 0)),
            pl.BlockSpec((NCLS, 1), lambda i: (0, 0)),
        ],
        out_specs=pl.BlockSpec((NCLS, N), lambda i: (0, 0)),
        out_shape=jax.ShapeDtypeStruct((NCLS, N), jnp.float32),
    )(sp, sp, y, dis, b, Wfc, bfc)



def kernel(x, edge_index, W1, b1, W2, b2, Wfc, bfc):
    src4 = edge_index[0].reshape(NW, CHW // QW, QW, CS)
    dst4 = edge_index[1].reshape(NW, CHW // QW, QW, CS)
    dst3 = edge_index[1].reshape(NW, CHW, CS)

    degp = _sc_deg(dst3)
    degp_t = degp[:, :N].T

    y1, dis = _tc1(degp_t, x, W1)
    sp1 = _sc_scatter(y1, src4, dst4)
    y2 = _tc2(sp1, y1, dis, b1.reshape(1, D), W2)
    sp2 = _sc_scatter(y2, src4, dst4)
    out_t = _tc3(sp2, y2, dis, b2.reshape(1, D), Wfc, bfc.reshape(NCLS, 1))
    return out_t.T

# --- scband reference (transcript-rebuilt; emitter-appended) ---
"""Pipeline reference for scband-gcn-22222160789955 (READ-ONLY COPY).

The authoritative reference and input builder live on the scoring server;
editing this copy changes nothing except your own understanding.
"""

import jax, jax.numpy as jnp
import numpy as np

N = 10000
E = 320000
D_IN = 128
D_HID = 128
D_OUT = 128
N_CLS = 10


def setup_inputs(seed: int = 0) -> dict:
    key = jax.random.key(seed)
    ks = jax.random.split(key, 8)
    x = jax.random.normal(ks[0], (N, D_IN), dtype=jnp.float32)
    edge_index = jax.random.randint(ks[1], (2, E), 0, N, dtype=jnp.int32)
    W1 = jax.random.normal(ks[2], (D_IN, D_HID), dtype=jnp.float32) * (1.0 / np.sqrt(D_IN))
    b1 = jnp.zeros((D_HID,), dtype=jnp.float32)
    W2 = jax.random.normal(ks[3], (D_HID, D_OUT), dtype=jnp.float32) * (1.0 / np.sqrt(D_HID))
    b2 = jnp.zeros((D_OUT,), dtype=jnp.float32)
    Wfc = jax.random.normal(ks[4], (D_OUT, N_CLS), dtype=jnp.float32) * (1.0 / np.sqrt(D_OUT))
    bfc = jnp.zeros((N_CLS,), dtype=jnp.float32)
    return {"x": x, "edge_index": edge_index, "W1": W1, "b1": b1, "W2": W2, "b2": b2, "Wfc": Wfc, "bfc": bfc}


def _gcn_conv(x, src, dst, deg_inv_sqrt, W, b):
    # GCNConv: out = D^{-1/2} (A + I) D^{-1/2} X W + b
    xw = x @ W
    norm = deg_inv_sqrt[src] * deg_inv_sqrt[dst]
    msg = xw[src] * norm[:, None]
    out = jnp.zeros((x.shape[0], W.shape[1]), dtype=xw.dtype).at[dst].add(msg)
    return out + b


def reference(x, edge_index, W1, b1, W2, b2, Wfc, bfc):
    num_nodes = x.shape[0]
    loop = jnp.arange(num_nodes, dtype=edge_index.dtype)
    src = jnp.concatenate([edge_index[0], loop])
    dst = jnp.concatenate([edge_index[1], loop])
    deg = jnp.zeros((num_nodes,), dtype=jnp.float32).at[dst].add(1.0)
    deg_inv_sqrt = jnp.where(deg > 0, jax.lax.rsqrt(jnp.maximum(deg, 1e-12)), 0.0)
    h = _gcn_conv(x, src, dst, deg_inv_sqrt, W1, b1)
    h = jax.nn.relu(h)
    h = _gcn_conv(h, src, dst, deg_inv_sqrt, W2, b2)
    h = jax.nn.relu(h)
    out = h @ Wfc + bfc
    return out

if __name__ == "__main__":
    import jax
    _d = setup_inputs()
    print(jax.jit(kernel)(*tuple(_d.values())))

</pallas_src>

<mosaic_0001>
#map = affine_map<(d0, d1) -> (0, 0, 0)>
#map1 = affine_map<(d0, d1) -> (0, 0)>
module attributes {stable_mosaic.version = 14 : i64} {
  func.func @_sc_deg(%arg0: i32, %arg1: i32, %arg2: memref<32x100x100xi32, #tpu.memory_space<hbm>>, %arg3: memref<2x10240xf32, #tpu.memory_space<hbm>>, %arg4: memref<100x100xi32, #tpu.memory_space<vmem>>, %arg5: memref<100xf32, #tpu.memory_space<vmem>>, %arg6: memref<640xf32, #tpu.memory_space<vmem>>, %arg7: memref<10240xf32, #tpu.memory_space<vmem_shared>>) attributes {dimension_semantics = [#tpu.dimension_semantics<core_parallel>, #tpu.dimension_semantics<subcore_parallel>], iteration_bounds = array<i64: 2, 16>, scalar_prefetch = 0 : i64, scratch_operands = 4 : i64, tpu.core_type = #tpu.core_type<sc_vector_subcore>, window_params = [{transform_indices = #map}, {transform_indices = #map1}]} {
    %mul3A = arith.constant 16 : i32
    %mul3A_0 = arith.muli %arg0, %mul3A : i32
    %add3A = arith.addi %mul3A_0, %arg1 : i32
    "tpu.region"() ({
      %run_scoped3A = tpu.sem_alloc : memref<!tpu.dma_semaphore, #tpu.memory_space<semaphore_mem>>
      %dma_start3A = arith.constant 0 : i32
      %dma_start3A_29 = arith.constant 0 : i32
      %dma_start3A_30 = tpu.memref_slice %arg2[%add3A, %dma_start3A, %dma_start3A_29] : memref<32x100x100xi32, #tpu.memory_space<hbm>> -> memref<1x100x100xi32, #tpu.memory_space<hbm>>
      %dma_start3A_31 = tpu.memref_squeeze %dma_start3A_30 : memref<1x100x100xi32, #tpu.memory_space<hbm>> -> memref<100x100xi32, #tpu.memory_space<hbm>>
      %dma_start3A_32 = arith.constant 0 : i32
      %dma_start3A_33 = arith.constant 0 : i32
      %dma_start3A_34 = tpu.memref_slice %arg2[%add3A, %dma_start3A_32, %dma_start3A_33] : memref<32x100x100xi32, #tpu.memory_space<hbm>> -> memref<1x100x100xi32, #tpu.memory_space<hbm>>
      %dma_start3A_35 = tpu.memref_squeeze %dma_start3A_34 : memref<1x100x100xi32, #tpu.memory_space<hbm>> -> memref<100x100xi32, #tpu.memory_space<hbm>>
      tpu.enqueue_dma source(%dma_start3A_35 : memref<100x100xi32, #tpu.memory_space<hbm>>) target(%arg4 : memref<100x100xi32, #tpu.memory_space<vmem>>) target_semaphore(%run_scoped3A : memref<!tpu.dma_semaphore, #tpu.memory_space<semaphore_mem>>)
      %dma_wait3A = arith.constant 0 : i32
      %dma_wait3A_36 = arith.constant 0 : i32
      %dma_wait3A_37 = tpu.memref_slice %arg2[%add3A, %dma_wait3A, %dma_wait3A_36] : memref<32x100x100xi32, #tpu.memory_space<hbm>> -> memref<1x100x100xi32, #tpu.memory_space<hbm>>
      %dma_wait3A_38 = tpu.memref_squeeze %dma_wait3A_37 : memref<1x100x100xi32, #tpu.memory_space<hbm>> -> memref<100x100xi32, #tpu.memory_space<hbm>>
      %dma_wait3A_39 = arith.constant 0 : i32
      %dma_wait3A_40 = arith.constant 0 : i32
      %dma_wait3A_41 = tpu.memref_slice %arg2[%add3A, %dma_wait3A_39, %dma_wait3A_40] : memref<32x100x100xi32, #tpu.memory_space<hbm>> -> memref<1x100x100xi32, #tpu.memory_space<hbm>>
      %dma_wait3A_42 = tpu.memref_squeeze %dma_wait3A_41 : memref<1x100x100xi32, #tpu.memory_space<hbm>> -> memref<100x100xi32, #tpu.memory_space<hbm>>
      tpu.wait_dma2 semaphore(%run_scoped3A : memref<!tpu.dma_semaphore, #tpu.memory_space<semaphore_mem>>) src(%dma_wait3A_42 : memref<100x100xi32, #tpu.memory_space<hbm>>) dst(%arg4 : memref<100x100xi32, #tpu.memory_space<vmem>>)
      tpu.yield
    }) : () -> ()
    %scan3A = arith.constant 0 : i32
    %scan3A_1 = arith.constant 0 : i32
    %scan3A_2 = arith.constant 6 : i32
    %scan3A_3 = arith.addi %scan3A_1, %scan3A_2 : i32
    %scan3A_4 = arith.constant 1 : i32
    scf.for %scan3A_29 = %scan3A_1 to %scan3A_3 step %scan3A_4  : i32 {
      %broadcast_in_dim3A_30 = arith.constant 1.000000e+00 : f32
      %broadcast_in_dim3A_31 = vector.broadcast %broadcast_in_dim3A_30 : f32 to vector<16xf32>
      %mul3A_32 = arith.constant 16 : i32
      %mul3A_33 = arith.muli %scan3A_29, %mul3A_32 : i32
      %swap3A_34 = arith.index_cast %mul3A_33 : i32 to index
      %swap3A_35 = tpu.vector_load %arg5[%swap3A_34] {strides = array<i32>} : memref<100xf32, #tpu.memory_space<vmem>>, vector<16xf32>,
      %swap3A_36 = vector.shape_cast %swap3A_35 : vector<16xf32> to vector<16xf32>
      %swap3A_37 = vector.shape_cast %broadcast_in_dim3A_31 : vector<16xf32> to vector<16xf32>
      tpu.vector_store %arg5[%swap3A_34], %swap3A_37 {strides = array<i32>} : memref<100xf32, #tpu.memory_space<vmem>>, vector<16xf32>,
    }
    %scan3A_5 = arith.constant 6 : i32
    %broadcast_in_dim3A = arith.constant 1.000000e+00 : f32
    %broadcast_in_dim3A_6 = vector.broadcast %broadcast_in_dim3A : f32 to vector<16xf32>
    %swap3A = arith.constant 84 : index
    %swap3A_7 = tpu.vector_load %arg5[%swap3A] {strides = array<i32>} : memref<100xf32, #tpu.memory_space<vmem>>, vector<16xf32>,
    %swap3A_8 = vector.shape_cast %swap3A_7 : vector<16xf32> to vector<16xf32>
    %swap3A_9 = vector.shape_cast %broadcast_in_dim3A_6 : vector<16xf32> to vector<16xf32>
    tpu.vector_store %arg5[%swap3A], %swap3A_9 {strides = array<i32>} : memref<100xf32, #tpu.memory_space<vmem>>, vector<16xf32>,
    %scan3A_10 = arith.constant 0 : i32
    %scan3A_11 = arith.constant 0 : i32
    %scan3A_12 = arith.constant 40 : i32
    %scan3A_13 = arith.addi %scan3A_11, %scan3A_12 : i32
    %scan3A_14 = arith.constant 1 : i32
    scf.for %scan3A_29 = %scan3A_11 to %scan3A_13 step %scan3A_14  : i32 {
      %broadcast_in_dim3A_30 = arith.constant 0.000000e+00 : f32
      %broadcast_in_dim3A_31 = vector.broadcast %broadcast_in_dim3A_30 : f32 to vector<16xf32>
      %mul3A_32 = arith.constant 16 : i32
      %mul3A_33 = arith.muli %scan3A_29, %mul3A_32 : i32
      %swap3A_34 = arith.index_cast %mul3A_33 : i32 to index
      %swap3A_35 = tpu.vector_load %arg6[%swap3A_34] {strides = array<i32>} : memref<640xf32, #tpu.memory_space<vmem>>, vector<16xf32>,
      %swap3A_36 = vector.shape_cast %swap3A_35 : vector<16xf32> to vector<16xf32>
      %swap3A_37 = vector.shape_cast %broadcast_in_dim3A_31 : vector<16xf32> to vector<16xf32>
      tpu.vector_store %arg6[%swap3A_34], %swap3A_37 {strides = array<i32>} : memref<640xf32, #tpu.memory_space<vmem>>, vector<16xf32>,
    }
    %scan3A_15 = arith.constant 40 : i32
    %mul3A_16 = arith.constant 640 : i32
    %mul3A_17 = arith.muli %arg1, %mul3A_16 : i32
    "tpu.region"() ({
      %run_scoped3A = tpu.sem_alloc : memref<!tpu.dma_semaphore, #tpu.memory_space<semaphore_mem>>
      %dma_start3A = tpu.memref_slice %arg7[%mul3A_17] : memref<10240xf32, #tpu.memory_space<vmem_shared>> -> memref<640xf32, #tpu.memory_space<vmem_shared>>
      %dma_start3A_29 = tpu.memref_slice %arg7[%mul3A_17] : memref<10240xf32, #tpu.memory_space<vmem_shared>> -> memref<640xf32, #tpu.memory_space<vmem_shared>>
      tpu.enqueue_dma source(%arg6 : memref<640xf32, #tpu.memory_space<vmem>>) target(%dma_start3A_29 : memref<640xf32, #tpu.memory_space<vmem_shared>>) target_semaphore(%run_scoped3A : memref<!tpu.dma_semaphore, #tpu.memory_space<semaphore_mem>>)
      %dma_wait3A = tpu.memref_slice %arg7[%mul3A_17] : memref<10240xf32, #tpu.memory_space<vmem_shared>> -> memref<640xf32, #tpu.memory_space<vmem_shared>>
      %dma_wait3A_30 = tpu.memref_slice %arg7[%mul3A_17] : memref<10240xf32, #tpu.memory_space<vmem_shared>> -> memref<640xf32, #tpu.memory_space<vmem_shared>>
      tpu.wait_dma2 semaphore(%run_scoped3A : memref<!tpu.dma_semaphore, #tpu.memory_space<semaphore_mem>>) src(%arg6 : memref<640xf32, #tpu.memory_space<vmem>>) dst(%dma_wait3A_30 : memref<640xf32, #tpu.memory_space<vmem_shared>>)
      tpu.yield
    }) : () -> ()
    %barrier3A = arith.constant 0 : index
    tpu.barrier barrier_id(%barrier3A)
    %scan3A_18 = arith.constant 0 : i32
    %scan3A_19 = arith.constant 0 : i32
    %scan3A_20 = arith.constant 100 : i32
    %scan3A_21 = arith.addi %scan3A_19, %scan3A_20 : i32
    %scan3A_22 = arith.constant 1 : i32
    scf.for %scan3A_29 = %scan3A_19 to %scan3A_21 step %scan3A_22  : i32 {
      "tpu.region"() ({
        %run_scoped3A = tpu.sem_alloc : memref<!tpu.dma_semaphore, #tpu.memory_space<semaphore_mem>>
        %dma_start3A = arith.constant 0 : i32
        %dma_start3A_30 = tpu.memref_slice %arg4[%scan3A_29, %dma_start3A] : memref<100x100xi32, #tpu.memory_space<vmem>> -> memref<1x100xi32, #tpu.memory_space<vmem>>
        %dma_start3A_31 = tpu.memref_squeeze %dma_start3A_30 : memref<1x100xi32, #tpu.memory_space<vmem>> -> memref<100xi32, #tpu.memory_space<vmem>>
        %dma_start3A_32 = arith.constant 0 : i32
        %dma_start3A_33 = tpu.memref_slice %arg7[%dma_start3A_32] : memref<10240xf32, #tpu.memory_space<vmem_shared>> -> memref<10240xf32, #tpu.memory_space<vmem_shared>>
        tpu.enqueue_indirect_dma source(%arg5 : memref<100xf32, #tpu.memory_space<vmem>>) target(%dma_start3A_33 : memref<10240xf32, #tpu.memory_space<vmem_shared>>) offsets(%dma_start3A_31 : memref<100xi32, #tpu.memory_space<vmem>>) semaphore(%run_scoped3A : memref<!tpu.dma_semaphore, #tpu.memory_space<semaphore_mem>>) {add = true}
        %dma_wait3A = arith.constant 0 : i32
        %dma_wait3A_34 = tpu.memref_slice %arg4[%scan3A_29, %dma_wait3A] : memref<100x100xi32, #tpu.memory_space<vmem>> -> memref<1x100xi32, #tpu.memory_space<vmem>>
        %dma_wait3A_35 = tpu.memref_squeeze %dma_wait3A_34 : memref<1x100xi32, #tpu.memory_space<vmem>> -> memref<100xi32, #tpu.memory_space<vmem>>
        %dma_wait3A_36 = arith.constant 0 : i32
        %dma_wait3A_37 = tpu.memref_slice %arg7[%dma_wait3A_36] : memref<10240xf32, #tpu.memory_space<vmem_shared>> -> memref<10240xf32, #tpu.memory_space<vmem_shared>>
        tpu.wait_indirect_dma semaphore(%run_scoped3A : memref<!tpu.dma_semaphore, #tpu.memory_space<semaphore_mem>>) src(%arg5 : memref<100xf32, #tpu.memory_space<vmem>>) dst(%dma_wait3A_37 : memref<10240xf32, #tpu.memory_space<vmem_shared>>)
        tpu.yield
      }) : () -> ()
    }
    %scan3A_23 = arith.constant 100 : i32
    %barrier3A_24 = arith.constant 0 : index
    tpu.barrier barrier_id(%barrier3A_24)
    %mul3A_25 = arith.constant 640 : i32
    %mul3A_26 = arith.muli %arg1, %mul3A_25 : i32
    %mul3A_27 = arith.constant 640 : i32
    %mul3A_28 = arith.muli %arg1, %mul3A_27 : i32
    "tpu.region"() ({
      %run_scoped3A = tpu.sem_alloc : memref<!tpu.dma_semaphore, #tpu.memory_space<semaphore_mem>>
      %dma_start3A = tpu.memref_slice %arg3[%arg0, %mul3A_28] : memref<2x10240xf32, #tpu.memory_space<hbm>> -> memref<1x640xf32, #tpu.memory_space<hbm>>
      %dma_start3A_29 = tpu.memref_squeeze %dma_start3A : memref<1x640xf32, #tpu.memory_space<hbm>> -> memref<640xf32, #tpu.memory_space<hbm>>
      %dma_start3A_30 = tpu.memref_slice %arg7[%mul3A_26] : memref<10240xf32, #tpu.memory_space<vmem_shared>> -> memref<640xf32, #tpu.memory_space<vmem_shared>>
      tpu.enqueue_dma source(%dma_start3A_30 : memref<640xf32, #tpu.memory_space<vmem_shared>>) target(%dma_start3A_29 : memref<640xf32, #tpu.memory_space<hbm>>) target_semaphore(%run_scoped3A : memref<!tpu.dma_semaphore, #tpu.memory_space<semaphore_mem>>)
      %dma_wait3A = tpu.memref_slice %arg3[%arg0, %mul3A_28] : memref<2x10240xf32, #tpu.memory_space<hbm>> -> memref<1x640xf32, #tpu.memory_space<hbm>>
      %dma_wait3A_31 = tpu.memref_squeeze %dma_wait3A : memref<1x640xf32, #tpu.memory_space<hbm>> -> memref<640xf32, #tpu.memory_space<hbm>>
      %dma_wait3A_32 = tpu.memref_slice %arg7[%mul3A_26] : memref<10240xf32, #tpu.memory_space<vmem_shared>> -> memref<640xf32, #tpu.memory_space<vmem_shared>>
      tpu.wait_dma2 semaphore(%run_scoped3A : memref<!tpu.dma_semaphore, #tpu.memory_space<semaphore_mem>>) src(%dma_wait3A_32 : memref<640xf32, #tpu.memory_space<vmem_shared>>) dst(%dma_wait3A_31 : memref<640xf32, #tpu.memory_space<hbm>>)
      tpu.yield
    }) : () -> ()
    return
  }
}

#map = affine_map<(d0, d1) -> (0, 0)>
#map1 = affine_map<(d0, d1) -> (0, 0, 0, 0)>
#map2 = affine_map<(d0, d1) -> (0, 0, 0)>
module attributes {stable_mosaic.version = 14 : i64} {
  func.func @_sc_scatter(%arg0: i32, %arg1: i32, %arg2: memref<10000x128xf32, #tpu.memory_space<hbm>>, %arg3: memref<32x4x25x100xi32, #tpu.memory_space<hbm>>, %arg4: memref<32x4x25x100xi32, #tpu.memory_space<hbm>>, %arg5: memref<2x10240x128xf32, #tpu.memory_space<hbm>>, %arg6: memref<25x100xi32, #tpu.memory_space<vmem>>, %arg7: memref<25x100xi32, #tpu.memory_space<vmem>>, %arg8: memref<100x128xf32, #tpu.memory_space<vmem>>, %arg9: memref<100x128xf32, #tpu.memory_space<vmem>>, %arg10: memref<100x128xf32, #tpu.memory_space<vmem>>, %arg11: memref<10240x128xf32, #tpu.memory_space<vmem_shared>>, %arg12: memref<!tpu.dma_semaphore, #tpu.memory_space<semaphore_mem>>, %arg13: memref<!tpu.dma_semaphore, #tpu.memory_space<semaphore_mem>>, %arg14: memref<!tpu.dma_semaphore, #tpu.memory_space<semaphore_mem>>) attributes {dimension_semantics = [#tpu.dimension_semantics<core_parallel>, #tpu.dimension_semantics<subcore_parallel>], iteration_bounds = array<i64: 2, 16>, scalar_prefetch = 0 : i64, scratch_operands = 9 : i64, tpu.core_type = #tpu.core_type<sc_vector_subcore>, window_params = [{transform_indices = #map}, {transform_indices = #map1}, {transform_indices = #map1}, {transform_indices = #map2}]} {
    %mul3A = arith.constant 16 : i32
    %mul3A_0 = arith.muli %arg0, %mul3A : i32
    %add3A = arith.addi %mul3A_0, %arg1 : i32
    %mul3A_1 = arith.constant 640 : i32
    %mul3A_2 = arith.muli %arg1, %mul3A_1 : i32
    %scan3A = arith.constant 0 : i32
    %scan3A_3 = arith.constant 0 : i32
    %scan3A_4 = arith.constant 80 : i32
    %scan3A_5 = arith.addi %scan3A_3, %scan3A_4 : i32
    %scan3A_6 = arith.constant 1 : i32
    scf.for %scan3A_170 = %scan3A_3 to %scan3A_5 step %scan3A_6  : i32 {
      %broadcast_in_dim3A = arith.constant 0.000000e+00 : f32
      %broadcast_in_dim3A_171 = vector.broadcast %broadcast_in_dim3A : f32 to vector<16xf32>
      %swap3A = arith.index_cast %scan3A_170 : i32 to index
      %swap3A_172 = arith.constant 0 : index
      %swap3A_173 = tpu.vector_load %arg8[%swap3A, %swap3A_172] {strides = array<i32>} : memref<100x128xf32, #tpu.memory_space<vmem>>, vector<1x16xf32>,
      %swap3A_174 = vector.shape_cast %swap3A_173 : vector<1x16xf32> to vector<16xf32>
      %swap3A_175 = vector.shape_cast %broadcast_in_dim3A_171 : vector<16xf32> to vector<1x16xf32>
      tpu.vector_store %arg8[%swap3A, %swap3A_172], %swap3A_175 {strides = array<i32>} : memref<100x128xf32, #tpu.memory_space<vmem>>, vector<1x16xf32>,
      %broadcast_in_dim3A_176 = arith.constant 0.000000e+00 : f32
      %broadcast_in_dim3A_177 = vector.broadcast %broadcast_in_dim3A_176 : f32 to vector<16xf32>
      %swap3A_178 = arith.index_cast %scan3A_170 : i32 to index
      %swap3A_179 = arith.constant 16 : index
      %swap3A_180 = tpu.vector_load %arg8[%swap3A_178, %swap3A_179] {strides = array<i32>} : memref<100x128xf32, #tpu.memory_space<vmem>>, vector<1x16xf32>,
      %swap3A_181 = vector.shape_cast %swap3A_180 : vector<1x16xf32> to vector<16xf32>
      %swap3A_182 = vector.shape_cast %broadcast_in_dim3A_177 : vector<16xf32> to vector<1x16xf32>
      tpu.vector_store %arg8[%swap3A_178, %swap3A_179], %swap3A_182 {strides = array<i32>} : memref<100x128xf32, #tpu.memory_space<vmem>>, vector<1x16xf32>,
      %broadcast_in_dim3A_183 = arith.constant 0.000000e+00 : f32
      %broadcast_in_dim3A_184 = vector.broadcast %broadcast_in_dim3A_183 : f32 to vector<16xf32>
      %swap3A_185 = arith.index_cast %scan3A_170 : i32 to index
      %swap3A_186 = arith.constant 32 : index
      %swap3A_187 = tpu.vector_load %arg8[%swap3A_185, %swap3A_186] {strides = array<i32>} : memref<100x128xf32, #tpu.memory_space<vmem>>, vector<1x16xf32>,
      %swap3A_188 = vector.shape_cast %swap3A_187 : vector<1x16xf32> to vector<16xf32>
      %swap3A_189 = vector.shape_cast %broadcast_in_dim3A_184 : vector<16xf32> to vector<1x16xf32>
      tpu.vector_store %arg8[%swap3A_185, %swap3A_186], %swap3A_189 {strides = array<i32>} : memref<100x128xf32, #tpu.memory_space<vmem>>, vector<1x16xf32>,
      %broadcast_in_dim3A_190 = arith.constant 0.000000e+00 : f32
      %broadcast_in_dim3A_191 = vector.broadcast %broadcast_in_dim3A_190 : f32 to vector<16xf32>
      %swap3A_192 = arith.index_cast %scan3A_170 : i32 to index
      %swap3A_193 = arith.constant 48 : index
      %swap3A_194 = tpu.vector_load %arg8[%swap3A_192, %swap3A_193] {strides = array<i32>} : memref<100x128xf32, #tpu.memory_space<vmem>>, vector<1x16xf32>,
      %swap3A_195 = vector.shape_cast %swap3A_194 : vector<1x16xf32> to vector<16xf32>
      %swap3A_196 = vector.shape_cast %broadcast_in_dim3A_191 : vector<16xf32> to vector<1x16xf32>
      tpu.vector_store %arg8[%swap3A_192, %swap3A_193], %swap3A_196 {strides = array<i32>} : memref<100x128xf32, #tpu.memory_space<vmem>>, vector<1x16xf32>,
      %broadcast_in_dim3A_197 = arith.constant 0.000000e+00 : f32
      %broadcast_in_dim3A_198 = vector.broadcast %broadcast_in_dim3A_197 : f32 to vector<16xf32>
      %swap3A_199 = arith.index_cast %scan3A_170 : i32 to index
      %swap3A_200 = arith.constant 64 : index
      %swap3A_201 = tpu.vector_load %arg8[%swap3A_199, %swap3A_200] {strides = array<i32>} : memref<100x128xf32, #tpu.memory_space<vmem>>, vector<1x16xf32>,
      %swap3A_202 = vector.shape_cast %swap3A_201 : vector<1x16xf32> to vector<16xf32>
      %swap3A_203 = vector.shape_cast %broadcast_in_dim3A_198 : vector<16xf32> to vector<1x16xf32>
      tpu.vector_store %arg8[%swap3A_199, %swap3A_200], %swap3A_203 {strides = array<i32>} : memref<100x128xf32, #tpu.memory_space<vmem>>, vector<1x16xf32>,
      %broadcast_in_dim3A_204 = arith.constant 0.000000e+00 : f32
      %broadcast_in_dim3A_205 = vector.broadcast %broadcast_in_dim3A_204 : f32 to vector<16xf32>
      %swap3A_206 = arith.index_cast %scan3A_170 : i32 to index
      %swap3A_207 = arith.constant 80 : index
      %swap3A_208 = tpu.vector_load %arg8[%swap3A_206, %swap3A_207] {strides = array<i32>} : memref<100x128xf32, #tpu.memory_space<vmem>>, vector<1x16xf32>,
      %swap3A_209 = vector.shape_cast %swap3A_208 : vector<1x16xf32> to vector<16xf32>
      %swap3A_210 = vector.shape_cast %broadcast_in_dim3A_205 : vector<16xf32> to vector<1x16xf32>
      tpu.vector_store %arg8[%swap3A_206, %swap3A_207], %swap3A_210 {strides = array<i32>} : memref<100x128xf32, #tpu.memory_space<vmem>>, vector<1x16xf32>,
      %broadcast_in_dim3A_211 = arith.constant 0.000000e+00 : f32
      %broadcast_in_dim3A_212 = vector.broadcast %broadcast_in_dim3A_211 : f32 to vector<16xf32>
      %swap3A_213 = arith.index_cast %scan3A_170 : i32 to index
      %swap3A_214 = arith.constant 96 : index
      %swap3A_215 = tpu.vector_load %arg8[%swap3A_213, %swap3A_214] {strides = array<i32>} : memref<100x128xf32, #tpu.memory_space<vmem>>, vector<1x16xf32>,
      %swap3A_216 = vector.shape_cast %swap3A_215 : vector<1x16xf32> to vector<16xf32>
      %swap3A_217 = vector.shape_cast %broadcast_in_dim3A_212 : vector<16xf32> to vector<1x16xf32>
      tpu.vector_store %arg8[%swap3A_213, %swap3A_214], %swap3A_217 {strides = array<i32>} : memref<100x128xf32, #tpu.memory_space<vmem>>, vector<1x16xf32>,
      %broadcast_in_dim3A_218 = arith.constant 0.000000e+00 : f32
      %broadcast_in_dim3A_219 = vector.broadcast %broadcast_in_dim3A_218 : f32 to vector<16xf32>
      %swap3A_220 = arith.index_cast %scan3A_170 : i32 to index
      %swap3A_221 = arith.constant 112 : index
      %swap3A_222 = tpu.vector_load %arg8[%swap3A_220, %swap3A_221] {strides = array<i32>} : memref<100x128xf32, #tpu.memory_space<vmem>>, vector<1x16xf32>,
      %swap3A_223 = vector.shape_cast %swap3A_222 : vector<1x16xf32> to vector<16xf32>
      %swap3A_224 = vector.shape_cast %broadcast_in_dim3A_219 : vector<16xf32> to vector<1x16xf32>
      tpu.vector_store %arg8[%swap3A_220, %swap3A_221], %swap3A_224 {strides = array<i32>} : memref<100x128xf32, #tpu.memory_space<vmem>>, vector<1x16xf32>,
    }
    %scan3A_7 = arith.constant 80 : i32
    %add3A_8 = arith.constant 0 : i32
    %add3A_9 = arith.addi %mul3A_2, %add3A_8 : i32
    "tpu.region"() ({
      %run_scoped3A_170 = tpu.sem_alloc : memref<!tpu.dma_semaphore, #tpu.memory_space<semaphore_mem>>
      %dma_start3A_171 = arith.constant 0 : i32
      %dma_start3A_172 = arith.constant 0 : i32
      %dma_start3A_173 = tpu.memref_slice %arg8[%dma_start3A_171, %dma_start3A_172] : memref<100x128xf32, #tpu.memory_space<vmem>> -> memref<80x128xf32, #tpu.memory_space<vmem>>
      %dma_start3A_174 = arith.constant 0 : i32
      %dma_start3A_175 = tpu.memref_slice %arg11[%add3A_9, %dma_start3A_174] : memref<10240x128xf32, #tpu.memory_space<vmem_shared>> -> memref<80x128xf32, #tpu.memory_space<vmem_shared>>
      %dma_start3A_176 = arith.constant 0 : i32
      %dma_start3A_177 = tpu.memref_slice %arg11[%add3A_9, %dma_start3A_176] : memref<10240x128xf32, #tpu.memory_space<vmem_shared>> -> memref<80x128xf32, #tpu.memory_space<vmem_shared>>
      %dma_start3A_178 = arith.constant 0 : i32
      %dma_start3A_179 = arith.constant 0 : i32
      %dma_start3A_180 = tpu.memref_slice %arg8[%dma_start3A_178, %dma_start3A_179] : memref<100x128xf32, #tpu.memory_space<vmem>> -> memref<80x128xf32, #tpu.memory_space<vmem>>
      tpu.enqueue_dma source(%dma_start3A_180 : memref<80x128xf32, #tpu.memory_space<vmem>>) target(%dma_start3A_177 : memref<80x128xf32, #tpu.memory_space<vmem_shared>>) target_semaphore(%run_scoped3A_170 : memref<!tpu.dma_semaphore, #tpu.memory_space<semaphore_mem>>)
      %dma_wait3A_181 = arith.constant 0 : i32
      %dma_wait3A_182 = arith.constant 0 : i32
      %dma_wait3A_183 = tpu.memref_slice %arg8[%dma_wait3A_181, %dma_wait3A_182] : memref<100x128xf32, #tpu.memory_space<vmem>> -> memref<80x128xf32, #tpu.memory_space<vmem>>
      %dma_wait3A_184 = arith.constant 0 : i32
      %dma_wait3A_185 = tpu.memref_slice %arg11[%add3A_9, %dma_wait3A_184] : memref<10240x128xf32, #tpu.memory_space<vmem_shared>> -> memref<80x128xf32, #tpu.memory_space<vmem_shared>>
      %dma_wait3A_186 = arith.constant 0 : i32
      %dma_wait3A_187 = tpu.memref_slice %arg11[%add3A_9, %dma_wait3A_186] : memref<10240x128xf32, #tpu.memory_space<vmem_shared>> -> memref<80x128xf32, #tpu.memory_space<vmem_shared>>
      %dma_wait3A_188 = arith.constant 0 : i32
      %dma_wait3A_189 = arith.constant 0 : i32
      %dma_wait3A_190 = tpu.memref_slice %arg8[%dma_wait3A_188, %dma_wait3A_189] : memref<100x128xf32, #tpu.memory_space<vmem>> -> memref<80x128xf32, #tpu.memory_space<vmem>>
      tpu.wait_dma2 semaphore(%run_scoped3A_170 : memref<!tpu.dma_semaphore, #tpu.memory_space<semaphore_mem>>) src(%dma_wait3A_190 : memref<80x128xf32, #tpu.memory_space<vmem>>) dst(%dma_wait3A_187 : memref<80x128xf32, #tpu.memory_space<vmem_shared>>)
      tpu.yield
    }) : () -> ()
    %add3A_10 = arith.constant 80 : i32
    %add3A_11 = arith.addi %mul3A_2, %add3A_10 : i32
    "tpu.region"() ({
      %run_scoped3A_170 = tpu.sem_alloc : memref<!tpu.dma_semaphore, #tpu.memory_space<semaphore_mem>>
      %dma_start3A_171 = arith.constant 0 : i32
      %dma_start3A_172 = arith.constant 0 : i32
      %dma_start3A_173 = tpu.memref_slice %arg8[%dma_start3A_171, %dma_start3A_172] : memref<100x128xf32, #tpu.memory_space<vmem>> -> memref<80x128xf32, #tpu.memory_space<vmem>>
      %dma_start3A_174 = arith.constant 0 : i32
      %dma_start3A_175 = tpu.memref_slice %arg11[%add3A_11, %dma_start3A_174] : memref<10240x128xf32, #tpu.memory_space<vmem_shared>> -> memref<80x128xf32, #tpu.memory_space<vmem_shared>>
      %dma_start3A_176 = arith.constant 0 : i32
      %dma_start3A_177 = tpu.memref_slice %arg11[%add3A_11, %dma_start3A_176] : memref<10240x128xf32, #tpu.memory_space<vmem_shared>> -> memref<80x128xf32, #tpu.memory_space<vmem_shared>>
      %dma_start3A_178 = arith.constant 0 : i32
      %dma_start3A_179 = arith.constant 0 : i32
      %dma_start3A_180 = tpu.memref_slice %arg8[%dma_start3A_178, %dma_start3A_179] : memref<100x128xf32, #tpu.memory_space<vmem>> -> memref<80x128xf32, #tpu.memory_space<vmem>>
      tpu.enqueue_dma source(%dma_start3A_180 : memref<80x128xf32, #tpu.memory_space<vmem>>) target(%dma_start3A_177 : memref<80x128xf32, #tpu.memory_space<vmem_shared>>) target_semaphore(%run_scoped3A_170 : memref<!tpu.dma_semaphore, #tpu.memory_space<semaphore_mem>>)
      %dma_wait3A_181 = arith.constant 0 : i32
      %dma_wait3A_182 = arith.constant 0 : i32
      %dma_wait3A_183 = tpu.memref_slice %arg8[%dma_wait3A_181, %dma_wait3A_182] : memref<100x128xf32, #tpu.memory_space<vmem>> -> memref<80x128xf32, #tpu.memory_space<vmem>>
      %dma_wait3A_184 = arith.constant 0 : i32
      %dma_wait3A_185 = tpu.memref_slice %arg11[%add3A_11, %dma_wait3A_184] : memref<10240x128xf32, #tpu.memory_space<vmem_shared>> -> memref<80x128xf32, #tpu.memory_space<vmem_shared>>
      %dma_wait3A_186 = arith.constant 0 : i32
      %dma_wait3A_187 = tpu.memref_slice %arg11[%add3A_11, %dma_wait3A_186] : memref<10240x128xf32, #tpu.memory_space<vmem_shared>> -> memref<80x128xf32, #tpu.memory_space<vmem_shared>>
      %dma_wait3A_188 = arith.constant 0 : i32
      %dma_wait3A_189 = arith.constant 0 : i32
      %dma_wait3A_190 = tpu.memref_slice %arg8[%dma_wait3A_188, %dma_wait3A_189] : memref<100x128xf32, #tpu.memory_space<vmem>> -> memref<80x128xf32, #tpu.memory_space<vmem>>
      tpu.wait_dma2 semaphore(%run_scoped3A_170 : memref<!tpu.dma_semaphore, #tpu.memory_space<semaphore_mem>>) src(%dma_wait3A_190 : memref<80x128xf32, #tpu.memory_space<vmem>>) dst(%dma_wait3A_187 : memref<80x128xf32, #tpu.memory_space<vmem_shared>>)
      tpu.yield
    }) : () -> ()
    %add3A_12 = arith.constant 160 : i32
    %add3A_13 = arith.addi %mul3A_2, %add3A_12 : i32
    "tpu.region"() ({
      %run_scoped3A_170 = tpu.sem_alloc : memref<!tpu.dma_semaphore, #tpu.memory_space<semaphore_mem>>
      %dma_start3A_171 = arith.constant 0 : i32
      %dma_start3A_172 = arith.constant 0 : i32
      %dma_start3A_173 = tpu.memref_slice %arg8[%dma_start3A_171, %dma_start3A_172] : memref<100x128xf32, #tpu.memory_space<vmem>> -> memref<80x128xf32, #tpu.memory_space<vmem>>
      %dma_start3A_174 = arith.constant 0 : i32
      %dma_start3A_175 = tpu.memref_slice %arg11[%add3A_13, %dma_start3A_174] : memref<10240x128xf32, #tpu.memory_space<vmem_shared>> -> memref<80x128xf32, #tpu.memory_space<vmem_shared>>
      %dma_start3A_176 = arith.constant 0 : i32
      %dma_start3A_177 = tpu.memref_slice %arg11[%add3A_13, %dma_start3A_176] : memref<10240x128xf32, #tpu.memory_space<vmem_shared>> -> memref<80x128xf32, #tpu.memory_space<vmem_shared>>
      %dma_start3A_178 = arith.constant 0 : i32
      %dma_start3A_179 = arith.constant 0 : i32
      %dma_start3A_180 = tpu.memref_slice %arg8[%dma_start3A_178, %dma_start3A_179] : memref<100x128xf32, #tpu.memory_space<vmem>> -> memref<80x128xf32, #tpu.memory_space<vmem>>
      tpu.enqueue_dma source(%dma_start3A_180 : memref<80x128xf32, #tpu.memory_space<vmem>>) target(%dma_start3A_177 : memref<80x128xf32, #tpu.memory_space<vmem_shared>>) target_semaphore(%run_scoped3A_170 : memref<!tpu.dma_semaphore, #tpu.memory_space<semaphore_mem>>)
      %dma_wait3A_181 = arith.constant 0 : i32
      %dma_wait3A_182 = arith.constant 0 : i32
      %dma_wait3A_183 = tpu.memref_slice %arg8[%dma_wait3A_181, %dma_wait3A_182] : memref<100x128xf32, #tpu.memory_space<vmem>> -> memref<80x128xf32, #tpu.memory_space<vmem>>
      %dma_wait3A_184 = arith.constant 0 : i32
      %dma_wait3A_185 = tpu.memref_slice %arg11[%add3A_13, %dma_wait3A_184] : memref<10240x128xf32, #tpu.memory_space<vmem_shared>> -> memref<80x128xf32, #tpu.memory_space<vmem_shared>>
      %dma_wait3A_186 = arith.constant 0 : i32
      %dma_wait3A_187 = tpu.memref_slice %arg11[%add3A_13, %dma_wait3A_186] : memref<10240x128xf32, #tpu.memory_space<vmem_shared>> -> memref<80x128xf32, #tpu.memory_space<vmem_shared>>
      %dma_wait3A_188 = arith.constant 0 : i32
      %dma_wait3A_189 = arith.constant 0 : i32
      %dma_wait3A_190 = tpu.memref_slice %arg8[%dma_wait3A_188, %dma_wait3A_189] : memref<100x128xf32, #tpu.memory_space<vmem>> -> memref<80x128xf32, #tpu.memory_space<vmem>>
      tpu.wait_dma2 semaphore(%run_scoped3A_170 : memref<!tpu.dma_semaphore, #tpu.memory_space<semaphore_mem>>) src(%dma_wait3A_190 : memref<80x128xf32, #tpu.memory_space<vmem>>) dst(%dma_wait3A_187 : memref<80x128xf32, #tpu.memory_space<vmem_shared>>)
      tpu.yield
    }) : () -> ()
    %add3A_14 = arith.constant 240 : i32
    %add3A_15 = arith.addi %mul3A_2, %add3A_14 : i32
    "tpu.region"() ({
      %run_scoped3A_170 = tpu.sem_alloc : memref<!tpu.dma_semaphore, #tpu.memory_space<semaphore_mem>>
      %dma_start3A_171 = arith.constant 0 : i32
      %dma_start3A_172 = arith.constant 0 : i32
      %dma_start3A_173 = tpu.memref_slice %arg8[%dma_start3A_171, %dma_start3A_172] : memref<100x128xf32, #tpu.memory_space<vmem>> -> memref<80x128xf32, #tpu.memory_space<vmem>>
      %dma_start3A_174 = arith.constant 0 : i32
      %dma_start3A_175 = tpu.memref_slice %arg11[%add3A_15, %dma_start3A_174] : memref<10240x128xf32, #tpu.memory_space<vmem_shared>> -> memref<80x128xf32, #tpu.memory_space<vmem_shared>>
      %dma_start3A_176 = arith.constant 0 : i32
      %dma_start3A_177 = tpu.memref_slice %arg11[%add3A_15, %dma_start3A_176] : memref<10240x128xf32, #tpu.memory_space<vmem_shared>> -> memref<80x128xf32, #tpu.memory_space<vmem_shared>>
      %dma_start3A_178 = arith.constant 0 : i32
      %dma_start3A_179 = arith.constant 0 : i32
      %dma_start3A_180 = tpu.memref_slice %arg8[%dma_start3A_178, %dma_start3A_179] : memref<100x128xf32, #tpu.memory_space<vmem>> -> memref<80x128xf32, #tpu.memory_space<vmem>>
      tpu.enqueue_dma source(%dma_start3A_180 : memref<80x128xf32, #tpu.memory_space<vmem>>) target(%dma_start3A_177 : memref<80x128xf32, #tpu.memory_space<vmem_shared>>) target_semaphore(%run_scoped3A_170 : memref<!tpu.dma_semaphore, #tpu.memory_space<semaphore_mem>>)
      %dma_wait3A_181 = arith.constant 0 : i32
      %dma_wait3A_182 = arith.constant 0 : i32
      %dma_wait3A_183 = tpu.memref_slice %arg8[%dma_wait3A_181, %dma_wait3A_182] : memref<100x128xf32, #tpu.memory_space<vmem>> -> memref<80x128xf32, #tpu.memory_space<vmem>>
      %dma_wait3A_184 = arith.constant 0 : i32
      %dma_wait3A_185 = tpu.memref_slice %arg11[%add3A_15, %dma_wait3A_184] : memref<10240x128xf32, #tpu.memory_space<vmem_shared>> -> memref<80x128xf32, #tpu.memory_space<vmem_shared>>
      %dma_wait3A_186 = arith.constant 0 : i32
      %dma_wait3A_187 = tpu.memref_slice %arg11[%add3A_15, %dma_wait3A_186] : memref<10240x128xf32, #tpu.memory_space<vmem_shared>> -> memref<80x128xf32, #tpu.memory_space<vmem_shared>>
      %dma_wait3A_188 = arith.constant 0 : i32
      %dma_wait3A_189 = arith.constant 0 : i32
      %dma_wait3A_190 = tpu.memref_slice %arg8[%dma_wait3A_188, %dma_wait3A_189] : memref<100x128xf32, #tpu.memory_space<vmem>> -> memref<80x128xf32, #tpu.memory_space<vmem>>
      tpu.wait_dma2 semaphore(%run_scoped3A_170 : memref<!tpu.dma_semaphore, #tpu.memory_space<semaphore_mem>>) src(%dma_wait3A_190 : memref<80x128xf32, #tpu.memory_space<vmem>>) dst(%dma_wait3A_187 : memref<80x128xf32, #tpu.memory_space<vmem_shared>>)
      tpu.yield
    }) : () -> ()
    %add3A_16 = arith.constant 320 : i32
    %add3A_17 = arith.addi %mul3A_2, %add3A_16 : i32
    "tpu.region"() ({
      %run_scoped3A_170 = tpu.sem_alloc : memref<!tpu.dma_semaphore, #tpu.memory_space<semaphore_mem>>
      %dma_start3A_171 = arith.constant 0 : i32
      %dma_start3A_172 = arith.constant 0 : i32
      %dma_start3A_173 = tpu.memref_slice %arg8[%dma_start3A_171, %dma_start3A_172] : memref<100x128xf32, #tpu.memory_space<vmem>> -> memref<80x128xf32, #tpu.memory_space<vmem>>
      %dma_start3A_174 = arith.constant 0 : i32
      %dma_start3A_175 = tpu.memref_slice %arg11[%add3A_17, %dma_start3A_174] : memref<10240x128xf32, #tpu.memory_space<vmem_shared>> -> memref<80x128xf32, #tpu.memory_space<vmem_shared>>
      %dma_start3A_176 = arith.constant 0 : i32
      %dma_start3A_177 = tpu.memref_slice %arg11[%add3A_17, %dma_start3A_176] : memref<10240x128xf32, #tpu.memory_space<vmem_shared>> -> memref<80x128xf32, #tpu.memory_space<vmem_shared>>
      %dma_start3A_178 = arith.constant 0 : i32
      %dma_start3A_179 = arith.constant 0 : i32
      %dma_start3A_180 = tpu.memref_slice %arg8[%dma_start3A_178, %dma_start3A_179] : memref<100x128xf32, #tpu.memory_space<vmem>> -> memref<80x128xf32, #tpu.memory_space<vmem>>
      tpu.enqueue_dma source(%dma_start3A_180 : memref<80x128xf32, #tpu.memory_space<vmem>>) target(%dma_start3A_177 : memref<80x128xf32, #tpu.memory_space<vmem_shared>>) target_semaphore(%run_scoped3A_170 : memref<!tpu.dma_semaphore, #tpu.memory_space<semaphore_mem>>)
      %dma_wait3A_181 = arith.constant 0 : i32
      %dma_wait3A_182 = arith.constant 0 : i32
      %dma_wait3A_183 = tpu.memref_slice %arg8[%dma_wait3A_181, %dma_wait3A_182] : memref<100x128xf32, #tpu.memory_space<vmem>> -> memref<80x128xf32, #tpu.memory_space<vmem>>
      %dma_wait3A_184 = arith.constant 0 : i32
      %dma_wait3A_185 = tpu.memref_slice %arg11[%add3A_17, %dma_wait3A_184] : memref<10240x128xf32, #tpu.memory_space<vmem_shared>> -> memref<80x128xf32, #tpu.memory_space<vmem_shared>>
      %dma_wait3A_186 = arith.constant 0 : i32
      %dma_wait3A_187 = tpu.memref_slice %arg11[%add3A_17, %dma_wait3A_186] : memref<10240x128xf32, #tpu.memory_space<vmem_shared>> -> memref<80x128xf32, #tpu.memory_space<vmem_shared>>
      %dma_wait3A_188 = arith.constant 0 : i32
      %dma_wait3A_189 = arith.constant 0 : i32
      %dma_wait3A_190 = tpu.memref_slice %arg8[%dma_wait3A_188, %dma_wait3A_189] : memref<100x128xf32, #tpu.memory_space<vmem>> -> memref<80x128xf32, #tpu.memory_space<vmem>>
      tpu.wait_dma2 semaphore(%run_scoped3A_170 : memref<!tpu.dma_semaphore, #tpu.memory_space<semaphore_mem>>) src(%dma_wait3A_190 : memref<80x128xf32, #tpu.memory_space<vmem>>) dst(%dma_wait3A_187 : memref<80x128xf32, #tpu.memory_space<vmem_shared>>)
      tpu.yield
    }) : () -> ()
    %add3A_18 = arith.constant 400 : i32
    %add3A_19 = arith.addi %mul3A_2, %add3A_18 : i32
    "tpu.region"() ({
      %run_scoped3A_170 = tpu.sem_alloc : memref<!tpu.dma_semaphore, #tpu.memory_space<semaphore_mem>>
      %dma_start3A_171 = arith.constant 0 : i32
      %dma_start3A_172 = arith.constant 0 : i32
      %dma_start3A_173 = tpu.memref_slice %arg8[%dma_start3A_171, %dma_start3A_172] : memref<100x128xf32, #tpu.memory_space<vmem>> -> memref<80x128xf32, #tpu.memory_space<vmem>>
      %dma_start3A_174 = arith.constant 0 : i32
      %dma_start3A_175 = tpu.memref_slice %arg11[%add3A_19, %dma_start3A_174] : memref<10240x128xf32, #tpu.memory_space<vmem_shared>> -> memref<80x128xf32, #tpu.memory_space<vmem_shared>>
      %dma_start3A_176 = arith.constant 0 : i32
      %dma_start3A_177 = tpu.memref_slice %arg11[%add3A_19, %dma_start3A_176] : memref<10240x128xf32, #tpu.memory_space<vmem_shared>> -> memref<80x128xf32, #tpu.memory_space<vmem_shared>>
      %dma_start3A_178 = arith.constant 0 : i32
      %dma_start3A_179 = arith.constant 0 : i32
      %dma_start3A_180 = tpu.memref_slice %arg8[%dma_start3A_178, %dma_start3A_179] : memref<100x128xf32, #tpu.memory_space<vmem>> -> memref<80x128xf32, #tpu.memory_space<vmem>>
      tpu.enqueue_dma source(%dma_start3A_180 : memref<80x128xf32, #tpu.memory_space<vmem>>) target(%dma_start3A_177 : memref<80x128xf32, #tpu.memory_space<vmem_shared>>) target_semaphore(%run_scoped3A_170 : memref<!tpu.dma_semaphore, #tpu.memory_space<semaphore_mem>>)
      %dma_wait3A_181 = arith.constant 0 : i32
      %dma_wait3A_182 = arith.constant 0 : i32
      %dma_wait3A_183 = tpu.memref_slice %arg8[%dma_wait3A_181, %dma_wait3A_182] : memref<100x128xf32, #tpu.memory_space<vmem>> -> memref<80x128xf32, #tpu.memory_space<vmem>>
      %dma_wait3A_184 = arith.constant 0 : i32
      %dma_wait3A_185 = tpu.memref_slice %arg11[%add3A_19, %dma_wait3A_184] : memref<10240x128xf32, #tpu.memory_space<vmem_shared>> -> memref<80x128xf32, #tpu.memory_space<vmem_shared>>
      %dma_wait3A_186 = arith.constant 0 : i32
      %dma_wait3A_187 = tpu.memref_slice %arg11[%add3A_19, %dma_wait3A_186] : memref<10240x128xf32, #tpu.memory_space<vmem_shared>> -> memref<80x128xf32, #tpu.memory_space<vmem_shared>>
      %dma_wait3A_188 = arith.constant 0 : i32
      %dma_wait3A_189 = arith.constant 0 : i32
      %dma_wait3A_190 = tpu.memref_slice %arg8[%dma_wait3A_188, %dma_wait3A_189] : memref<100x128xf32, #tpu.memory_space<vmem>> -> memref<80x128xf32, #tpu.memory_space<vmem>>
      tpu.wait_dma2 semaphore(%run_scoped3A_170 : memref<!tpu.dma_semaphore, #tpu.memory_space<semaphore_mem>>) src(%dma_wait3A_190 : memref<80x128xf32, #tpu.memory_space<vmem>>) dst(%dma_wait3A_187 : memref<80x128xf32, #tpu.memory_space<vmem_shared>>)
      tpu.yield
    }) : () -> ()
    %add3A_20 = arith.constant 480 : i32
    %add3A_21 = arith.addi %mul3A_2, %add3A_20 : i32
    "tpu.region"() ({
      %run_scoped3A_170 = tpu.sem_alloc : memref<!tpu.dma_semaphore, #tpu.memory_space<semaphore_mem>>
      %dma_start3A_171 = arith.constant 0 : i32
      %dma_start3A_172 = arith.constant 0 : i32
      %dma_start3A_173 = tpu.memref_slice %arg8[%dma_start3A_171, %dma_start3A_172] : memref<100x128xf32, #tpu.memory_space<vmem>> -> memref<80x128xf32, #tpu.memory_space<vmem>>
      %dma_start3A_174 = arith.constant 0 : i32
      %dma_start3A_175 = tpu.memref_slice %arg11[%add3A_21, %dma_start3A_174] : memref<10240x128xf32, #tpu.memory_space<vmem_shared>> -> memref<80x128xf32, #tpu.memory_space<vmem_shared>>
      %dma_start3A_176 = arith.constant 0 : i32
      %dma_start3A_177 = tpu.memref_slice %arg11[%add3A_21, %dma_start3A_176] : memref<10240x128xf32, #tpu.memory_space<vmem_shared>> -> memref<80x128xf32, #tpu.memory_space<vmem_shared>>
      %dma_start3A_178 = arith.constant 0 : i32
      %dma_start3A_179 = arith.constant 0 : i32
      %dma_start3A_180 = tpu.memref_slice %arg8[%dma_start3A_178, %dma_start3A_179] : memref<100x128xf32, #tpu.memory_space<vmem>> -> memref<80x128xf32, #tpu.memory_space<vmem>>
      tpu.enqueue_dma source(%dma_start3A_180 : memref<80x128xf32, #tpu.memory_space<vmem>>) target(%dma_start3A_177 : memref<80x128xf32, #tpu.memory_space<vmem_shared>>) target_semaphore(%run_scoped3A_170 : memref<!tpu.dma_semaphore, #tpu.memory_space<semaphore_mem>>)
      %dma_wait3A_181 = arith.constant 0 : i32
      %dma_wait3A_182 = arith.constant 0 : i32
      %dma_wait3A_183 = tpu.memref_slice %arg8[%dma_wait3A_181, %dma_wait3A_182] : memref<100x128xf32, #tpu.memory_space<vmem>> -> memref<80x128xf32, #tpu.memory_space<vmem>>
      %dma_wait3A_184 = arith.constant 0 : i32
      %dma_wait3A_185 = tpu.memref_slice %arg11[%add3A_21, %dma_wait3A_184] : memref<10240x128xf32, #tpu.memory_space<vmem_shared>> -> memref<80x128xf32, #tpu.memory_space<vmem_shared>>
      %dma_wait3A_186 = arith.constant 0 : i32
      %dma_wait3A_187 = tpu.memref_slice %arg11[%add3A_21, %dma_wait3A_186] : memref<10240x128xf32, #tpu.memory_space<vmem_shared>> -> memref<80x128xf32, #tpu.memory_space<vmem_shared>>
      %dma_wait3A_188 = arith.constant 0 : i32
      %dma_wait3A_189 = arith.constant 0 : i32
      %dma_wait3A_190 = tpu.memref_slice %arg8[%dma_wait3A_188, %dma_wait3A_189] : memref<100x128xf32, #tpu.memory_space<vmem>> -> memref<80x128xf32, #tpu.memory_space<vmem>>
      tpu.wait_dma2 semaphore(%run_scoped3A_170 : memref<!tpu.dma_semaphore, #tpu.memory_space<semaphore_mem>>) src(%dma_wait3A_190 : memref<80x128xf32, #tpu.memory_space<vmem>>) dst(%dma_wait3A_187 : memref<80x128xf32, #tpu.memory_space<vmem_shared>>)
      tpu.yield
    }) : () -> ()
    %add3A_22 = arith.constant 560 : i32
    %add3A_23 = arith.addi %mul3A_2, %add3A_22 : i32
    "tpu.region"() ({
      %run_scoped3A_170 = tpu.sem_alloc : memref<!tpu.dma_semaphore, #tpu.memory_space<semaphore_mem>>
      %dma_start3A_171 = arith.constant 0 : i32
      %dma_start3A_172 = arith.constant 0 : i32
      %dma_start3A_173 = tpu.memref_slice %arg8[%dma_start3A_171, %dma_start3A_172] : memref<100x128xf32, #tpu.memory_space<vmem>> -> memref<80x128xf32, #tpu.memory_space<vmem>>
      %dma_start3A_174 = arith.constant 0 : i32
      %dma_start3A_175 = tpu.memref_slice %arg11[%add3A_23, %dma_start3A_174] : memref<10240x128xf32, #tpu.memory_space<vmem_shared>> -> memref<80x128xf32, #tpu.memory_space<vmem_shared>>
      %dma_start3A_176 = arith.constant 0 : i32
      %dma_start3A_177 = tpu.memref_slice %arg11[%add3A_23, %dma_start3A_176] : memref<10240x128xf32, #tpu.memory_space<vmem_shared>> -> memref<80x128xf32, #tpu.memory_space<vmem_shared>>
      %dma_start3A_178 = arith.constant 0 : i32
      %dma_start3A_179 = arith.constant 0 : i32
      %dma_start3A_180 = tpu.memref_slice %arg8[%dma_start3A_178, %dma_start3A_179] : memref<100x128xf32, #tpu.memory_space<vmem>> -> memref<80x128xf32, #tpu.memory_space<vmem>>
      tpu.enqueue_dma source(%dma_start3A_180 : memref<80x128xf32, #tpu.memory_space<vmem>>) target(%dma_start3A_177 : memref<80x128xf32, #tpu.memory_space<vmem_shared>>) target_semaphore(%run_scoped3A_170 : memref<!tpu.dma_semaphore, #tpu.memory_space<semaphore_mem>>)
      %dma_wait3A_181 = arith.constant 0 : i32
      %dma_wait3A_182 = arith.constant 0 : i32
      %dma_wait3A_183 = tpu.memref_slice %arg8[%dma_wait3A_181, %dma_wait3A_182] : memref<100x128xf32, #tpu.memory_space<vmem>> -> memref<80x128xf32, #tpu.memory_space<vmem>>
      %dma_wait3A_184 = arith.constant 0 : i32
      %dma_wait3A_185 = tpu.memref_slice %arg11[%add3A_23, %dma_wait3A_184] : memref<10240x128xf32, #tpu.memory_space<vmem_shared>> -> memref<80x128xf32, #tpu.memory_space<vmem_shared>>
      %dma_wait3A_186 = arith.constant 0 : i32
      %dma_wait3A_187 = tpu.memref_slice %arg11[%add3A_23, %dma_wait3A_186] : memref<10240x128xf32, #tpu.memory_space<vmem_shared>> -> memref<80x128xf32, #tpu.memory_space<vmem_shared>>
      %dma_wait3A_188 = arith.constant 0 : i32
      %dma_wait3A_189 = arith.constant 0 : i32
      %dma_wait3A_190 = tpu.memref_slice %arg8[%dma_wait3A_188, %dma_wait3A_189] : memref<100x128xf32, #tpu.memory_space<vmem>> -> memref<80x128xf32, #tpu.memory_space<vmem>>
      tpu.wait_dma2 semaphore(%run_scoped3A_170 : memref<!tpu.dma_semaphore, #tpu.memory_space<semaphore_mem>>) src(%dma_wait3A_190 : memref<80x128xf32, #tpu.memory_space<vmem>>) dst(%dma_wait3A_187 : memref<80x128xf32, #tpu.memory_space<vmem_shared>>)
      tpu.yield
    }) : () -> ()
    %barrier3A = arith.constant 0 : index
    tpu.barrier barrier_id(%barrier3A)
    %run_scoped3A = arith.constant 0 : i32
    "tpu.region"() ({
      %run_scoped3A_170 = tpu.sem_alloc : memref<!tpu.dma_semaphore, #tpu.memory_space<semaphore_mem>>
      %dma_start3A_171 = arith.constant 0 : i32
      %dma_start3A_172 = arith.constant 0 : i32
      %dma_start3A_173 = tpu.memref_slice %arg3[%add3A, %run_scoped3A, %dma_start3A_171, %dma_start3A_172] : memref<32x4x25x100xi32, #tpu.memory_space<hbm>> -> memref<1x1x25x100xi32, #tpu.memory_space<hbm>>
      %dma_start3A_174 = tpu.memref_squeeze %dma_start3A_173 : memref<1x1x25x100xi32, #tpu.memory_space<hbm>> -> memref<25x100xi32, #tpu.memory_space<hbm>>
      %dma_start3A_175 = arith.constant 0 : i32
      %dma_start3A_176 = arith.constant 0 : i32
      %dma_start3A_177 = tpu.memref_slice %arg3[%add3A, %run_scoped3A, %dma_start3A_175, %dma_start3A_176] : memref<32x4x25x100xi32, #tpu.memory_space<hbm>> -> memref<1x1x25x100xi32, #tpu.memory_space<hbm>>
      %dma_start3A_178 = tpu.memref_squeeze %dma_start3A_177 : memref<1x1x25x100xi32, #tpu.memory_space<hbm>> -> memref<25x100xi32, #tpu.memory_space<hbm>>
      tpu.enqueue_dma source(%dma_start3A_178 : memref<25x100xi32, #tpu.memory_space<hbm>>) target(%arg6 : memref<25x100xi32, #tpu.memory_space<vmem>>) target_semaphore(%run_scoped3A_170 : memref<!tpu.dma_semaphore, #tpu.memory_space<semaphore_mem>>)
      %dma_wait3A_179 = arith.constant 0 : i32
      %dma_wait3A_180 = arith.constant 0 : i32
      %dma_wait3A_181 = tpu.memref_slice %arg3[%add3A, %run_scoped3A, %dma_wait3A_179, %dma_wait3A_180] : memref<32x4x25x100xi32, #tpu.memory_space<hbm>> -> memref<1x1x25x100xi32, #tpu.memory_space<hbm>>
      %dma_wait3A_182 = tpu.memref_squeeze %dma_wait3A_181 : memref<1x1x25x100xi32, #tpu.memory_space<hbm>> -> memref<25x100xi32, #tpu.memory_space<hbm>>
      %dma_wait3A_183 = arith.constant 0 : i32
      %dma_wait3A_184 = arith.constant 0 : i32
      %dma_wait3A_185 = tpu.memref_slice %arg3[%add3A, %run_scoped3A, %dma_wait3A_183, %dma_wait3A_184] : memref<32x4x25x100xi32, #tpu.memory_space<hbm>> -> memref<1x1x25x100xi32, #tpu.memory_space<hbm>>
      %dma_wait3A_186 = tpu.memref_squeeze %dma_wait3A_185 : memref<1x1x25x100xi32, #tpu.memory_space<hbm>> -> memref<25x100xi32, #tpu.memory_space<hbm>>
      tpu.wait_dma2 semaphore(%run_scoped3A_170 : memref<!tpu.dma_semaphore, #tpu.memory_space<semaphore_mem>>) src(%dma_wait3A_186 : memref<25x100xi32, #tpu.memory_space<hbm>>) dst(%arg6 : memref<25x100xi32, #tpu.memory_space<vmem>>)
      tpu.yield
    }) : () -> ()
    %run_scoped3A_24 = arith.constant 0 : i32
    "tpu.region"() ({
      %run_scoped3A_170 = tpu.sem_alloc : memref<!tpu.dma_semaphore, #tpu.memory_space<semaphore_mem>>
      %dma_start3A_171 = arith.constant 0 : i32
      %dma_start3A_172 = arith.constant 0 : i32
      %dma_start3A_173 = tpu.memref_slice %arg4[%add3A, %run_scoped3A_24, %dma_start3A_171, %dma_start3A_172] : memref<32x4x25x100xi32, #tpu.memory_space<hbm>> -> memref<1x1x25x100xi32, #tpu.memory_space<hbm>>
      %dma_start3A_174 = tpu.memref_squeeze %dma_start3A_173 : memref<1x1x25x100xi32, #tpu.memory_space<hbm>> -> memref<25x100xi32, #tpu.memory_space<hbm>>
      %dma_start3A_175 = arith.constant 0 : i32
      %dma_start3A_176 = arith.constant 0 : i32
      %dma_start3A_177 = tpu.memref_slice %arg4[%add3A, %run_scoped3A_24, %dma_start3A_175, %dma_start3A_176] : memref<32x4x25x100xi32, #tpu.memory_space<hbm>> -> memref<1x1x25x100xi32, #tpu.memory_space<hbm>>
      %dma_start3A_178 = tpu.memref_squeeze %dma_start3A_177 : memref<1x1x25x100xi32, #tpu.memory_space<hbm>> -> memref<25x100xi32, #tpu.memory_space<hbm>>
      tpu.enqueue_dma source(%dma_start3A_178 : memref<25x100xi32, #tpu.memory_space<hbm>>) target(%arg7 : memref<25x100xi32, #tpu.memory_space<vmem>>) target_semaphore(%run_scoped3A_170 : memref<!tpu.dma_semaphore, #tpu.memory_space<semaphore_mem>>)
      %dma_wait3A_179 = arith.constant 0 : i32
      %dma_wait3A_180 = arith.constant 0 : i32
      %dma_wait3A_181 = tpu.memref_slice %arg4[%add3A, %run_scoped3A_24, %dma_wait3A_179, %dma_wait3A_180] : memref<32x4x25x100xi32, #tpu.memory_space<hbm>> -> memref<1x1x25x100xi32, #tpu.memory_space<hbm>>
      %dma_wait3A_182 = tpu.memref_squeeze %dma_wait3A_181 : memref<1x1x25x100xi32, #tpu.memory_space<hbm>> -> memref<25x100xi32, #tpu.memory_space<hbm>>
      %dma_wait3A_183 = arith.constant 0 : i32
      %dma_wait3A_184 = arith.constant 0 : i32
      %dma_wait3A_185 = tpu.memref_slice %arg4[%add3A, %run_scoped3A_24, %dma_wait3A_183, %dma_wait3A_184] : memref<32x4x25x100xi32, #tpu.memory_space<hbm>> -> memref<1x1x25x100xi32, #tpu.memory_space<hbm>>
      %dma_wait3A_186 = tpu.memref_squeeze %dma_wait3A_185 : memref<1x1x25x100xi32, #tpu.memory_space<hbm>> -> memref<25x100xi32, #tpu.memory_space<hbm>>
      tpu.wait_dma2 semaphore(%run_scoped3A_170 : memref<!tpu.dma_semaphore, #tpu.memory_space<semaphore_mem>>) src(%dma_wait3A_186 : memref<25x100xi32, #tpu.memory_space<hbm>>) dst(%arg7 : memref<25x100xi32, #tpu.memory_space<vmem>>)
      tpu.yield
    }) : () -> ()
    %dma_start3A = arith.constant 0 : i32
    %dma_start3A_25 = arith.constant 0 : i32
    %dma_start3A_26 = tpu.memref_slice %arg6[%dma_start3A, %dma_start3A_25] : memref<25x100xi32, #tpu.memory_space<vmem>> -> memref<1x100xi32, #tpu.memory_space<vmem>>
    %dma_start3A_27 = tpu.memref_squeeze %dma_start3A_26 : memref<1x100xi32, #tpu.memory_space<vmem>> -> memref<100xi32, #tpu.memory_space<vmem>>
    %dma_start3A_28 = arith.constant 0 : i32
    %dma_start3A_29 = arith.constant 0 : i32
    %dma_start3A_30 = tpu.memref_slice %arg2[%dma_start3A_28, %dma_start3A_29] : memref<10000x128xf32, #tpu.memory_space<hbm>> -> memref<10000x128xf32, #tpu.memory_space<hbm>>
    tpu.enqueue_indirect_dma source(%dma_start3A_30 : memref<10000x128xf32, #tpu.memory_space<hbm>>) target(%arg8 : memref<100x128xf32, #tpu.memory_space<vmem>>) offsets(%dma_start3A_27 : memref<100xi32, #tpu.memory_space<vmem>>) semaphore(%arg12 : memref<!tpu.dma_semaphore, #tpu.memory_space<semaphore_mem>>)
    %dma_start3A_31 = arith.constant 1 : i32
    %dma_start3A_32 = arith.constant 0 : i32
    %dma_start3A_33 = tpu.memref_slice %arg6[%dma_start3A_31, %dma_start3A_32] : memref<25x100xi32, #tpu.memory_space<vmem>> -> memref<1x100xi32, #tpu.memory_space<vmem>>
    %dma_start3A_34 = tpu.memref_squeeze %dma_start3A_33 : memref<1x100xi32, #tpu.memory_space<vmem>> -> memref<100xi32, #tpu.memory_space<vmem>>
    %dma_start3A_35 = arith.constant 0 : i32
    %dma_start3A_36 = arith.constant 0 : i32
    %dma_start3A_37 = tpu.memref_slice %arg2[%dma_start3A_35, %dma_start3A_36] : memref<10000x128xf32, #tpu.memory_space<hbm>> -> memref<10000x128xf32, #tpu.memory_space<hbm>>
    tpu.enqueue_indirect_dma source(%dma_start3A_37 : memref<10000x128xf32, #tpu.memory_space<hbm>>) target(%arg9 : memref<100x128xf32, #tpu.memory_space<vmem>>) offsets(%dma_start3A_34 : memref<100xi32, #tpu.memory_space<vmem>>) semaphore(%arg13 : memref<!tpu.dma_semaphore, #tpu.memory_space<semaphore_mem>>)
    %dma_start3A_38 = arith.constant 2 : i32
    %dma_start3A_39 = arith.constant 0 : i32
    %dma_start3A_40 = tpu.memref_slice %arg6[%dma_start3A_38, %dma_start3A_39] : memref<25x100xi32, #tpu.memory_space<vmem>> -> memref<1x100xi32, #tpu.memory_space<vmem>>
    %dma_start3A_41 = tpu.memref_squeeze %dma_start3A_40 : memref<1x100xi32, #tpu.memory_space<vmem>> -> memref<100xi32, #tpu.memory_space<vmem>>
    %dma_start3A_42 = arith.constant 0 : i32
    %dma_start3A_43 = arith.constant 0 : i32
    %dma_start3A_44 = tpu.memref_slice %arg2[%dma_start3A_42, %dma_start3A_43] : memref<10000x128xf32, #tpu.memory_space<hbm>> -> memref<10000x128xf32, #tpu.memory_space<hbm>>
    tpu.enqueue_indirect_dma source(%dma_start3A_44 : memref<10000x128xf32, #tpu.memory_space<hbm>>) target(%arg10 : memref<100x128xf32, #tpu.memory_space<vmem>>) offsets(%dma_start3A_41 : memref<100xi32, #tpu.memory_space<vmem>>) semaphore(%arg14 : memref<!tpu.dma_semaphore, #tpu.memory_space<semaphore_mem>>)
    %scan3A_45 = arith.constant 0 : i32
    %scan3A_46 = arith.constant 0 : i32
    %scan3A_47 = arith.constant 8 : i32
    %scan3A_48 = arith.addi %scan3A_46, %scan3A_47 : i32
    %scan3A_49 = arith.constant 1 : i32
    scf.for %scan3A_170 = %scan3A_46 to %scan3A_48 step %scan3A_49  : i32 {
      %mul3A_171 = arith.constant 3 : i32
      %mul3A_172 = arith.muli %scan3A_170, %mul3A_171 : i32
      %add3A_173 = arith.constant 1 : i32
      %add3A_174 = arith.addi %mul3A_172, %add3A_173 : i32
      %add3A_175 = arith.constant 2 : i32
      %add3A_176 = arith.addi %mul3A_172, %add3A_175 : i32
      %dma_wait3A_177 = arith.constant 0 : i32
      %dma_wait3A_178 = tpu.memref_slice %arg6[%mul3A_172, %dma_wait3A_177] : memref<25x100xi32, #tpu.memory_space<vmem>> -> memref<1x100xi32, #tpu.memory_space<vmem>>
      %dma_wait3A_179 = tpu.memref_squeeze %dma_wait3A_178 : memref<1x100xi32, #tpu.memory_space<vmem>> -> memref<100xi32, #tpu.memory_space<vmem>>
      %dma_wait3A_180 = arith.constant 0 : i32
      %dma_wait3A_181 = arith.constant 0 : i32
      %dma_wait3A_182 = tpu.memref_slice %arg2[%dma_wait3A_180, %dma_wait3A_181] : memref<10000x128xf32, #tpu.memory_space<hbm>> -> memref<10000x128xf32, #tpu.memory_space<hbm>>
      tpu.wait_indirect_dma semaphore(%arg12 : memref<!tpu.dma_semaphore, #tpu.memory_space<semaphore_mem>>) src(%dma_wait3A_182 : memref<10000x128xf32, #tpu.memory_space<hbm>>) dst(%arg8 : memref<100x128xf32, #tpu.memory_space<vmem>>)
      "tpu.region"() ({
        %run_scoped3A_213 = tpu.sem_alloc : memref<!tpu.dma_semaphore, #tpu.memory_space<semaphore_mem>>
        %dma_start3A_214 = arith.constant 0 : i32
        %dma_start3A_215 = tpu.memref_slice %arg7[%mul3A_172, %dma_start3A_214] : memref<25x100xi32, #tpu.memory_space<vmem>> -> memref<1x100xi32, #tpu.memory_space<vmem>>
        %dma_start3A_216 = tpu.memref_squeeze %dma_start3A_215 : memref<1x100xi32, #tpu.memory_space<vmem>> -> memref<100xi32, #tpu.memory_space<vmem>>
        %dma_start3A_217 = arith.constant 0 : i32
        %dma_start3A_218 = arith.constant 0 : i32
        %dma_start3A_219 = tpu.memref_slice %arg11[%dma_start3A_217, %dma_start3A_218] : memref<10240x128xf32, #tpu.memory_space<vmem_shared>> -> memref<10240x128xf32, #tpu.memory_space<vmem_shared>>
        tpu.enqueue_indirect_dma source(%arg8 : memref<100x128xf32, #tpu.memory_space<vmem>>) target(%dma_start3A_219 : memref<10240x128xf32, #tpu.memory_space<vmem_shared>>) offsets(%dma_start3A_216 : memref<100xi32, #tpu.memory_space<vmem>>) semaphore(%run_scoped3A_213 : memref<!tpu.dma_semaphore, #tpu.memory_space<semaphore_mem>>) {add = true}
        %dma_wait3A_220 = arith.constant 0 : i32
        %dma_wait3A_221 = tpu.memref_slice %arg7[%mul3A_172, %dma_wait3A_220] : memref<25x100xi32, #tpu.memory_space<vmem>> -> memref<1x100xi32, #tpu.memory_space<vmem>>
        %dma_wait3A_222 = tpu.memref_squeeze %dma_wait3A_221 : memref<1x100xi32, #tpu.memory_space<vmem>> -> memref<100xi32, #tpu.memory_space<vmem>>
        %dma_wait3A_223 = arith.constant 0 : i32
        %dma_wait3A_224 = arith.constant 0 : i32
        %dma_wait3A_225 = tpu.memref_slice %arg11[%dma_wait3A_223, %dma_wait3A_224] : memref<10240x128xf32, #tpu.memory_space<vmem_shared>> -> memref<10240x128xf32, #tpu.memory_space<vmem_shared>>
        tpu.wait_indirect_dma semaphore(%run_scoped3A_213 : memref<!tpu.dma_semaphore, #tpu.memory_space<semaphore_mem>>) src(%arg8 : memref<100x128xf32, #tpu.memory_space<vmem>>) dst(%dma_wait3A_225 : memref<10240x128xf32, #tpu.memory_space<vmem_shared>>)
        tpu.yield
      }) : () -> ()
      %add3A_183 = arith.constant 3 : i32
      %add3A_184 = arith.addi %mul3A_172, %add3A_183 : i32
      %lt3A = arith.constant 25 : i32
      %lt3A_185 = arith.cmpi slt, %add3A_184, %lt3A : i32
      %convert_element_type3A = arith.extui %lt3A_185 : i1 to i32
      %cond3A = arith.constant 0 : i32
      %cond3A_186 = arith.cmpi ne, %convert_element_type3A, %cond3A : i32
      scf.if %cond3A_186 {
        %add3A_213 = arith.constant 3 : i32
        %add3A_214 = arith.addi %mul3A_172, %add3A_213 : i32
        %dma_start3A_215 = arith.constant 0 : i32
        %dma_start3A_216 = tpu.memref_slice %arg6[%add3A_214, %dma_start3A_215] : memref<25x100xi32, #tpu.memory_space<vmem>> -> memref<1x100xi32, #tpu.memory_space<vmem>>
        %dma_start3A_217 = tpu.memref_squeeze %dma_start3A_216 : memref<1x100xi32, #tpu.memory_space<vmem>> -> memref<100xi32, #tpu.memory_space<vmem>>
        %dma_start3A_218 = arith.constant 0 : i32
        %dma_start3A_219 = arith.constant 0 : i32
        %dma_start3A_220 = tpu.memref_slice %arg2[%dma_start3A_218, %dma_start3A_219] : memref<10000x128xf32, #tpu.memory_space<hbm>> -> memref<10000x128xf32, #tpu.memory_space<hbm>>
        tpu.enqueue_indirect_dma source(%dma_start3A_220 : memref<10000x128xf32, #tpu.memory_space<hbm>>) target(%arg8 : memref<100x128xf32, #tpu.memory_space<vmem>>) offsets(%dma_start3A_217 : memref<100xi32, #tpu.memory_space<vmem>>) semaphore(%arg12 : memref<!tpu.dma_semaphore, #tpu.memory_space<semaphore_mem>>)
      } else {
      }
      %dma_wait3A_187 = arith.constant 0 : i32
      %dma_wait3A_188 = tpu.memref_slice %arg6[%add3A_174, %dma_wait3A_187] : memref<25x100xi32, #tpu.memory_space<vmem>> -> memref<1x100xi32, #tpu.memory_space<vmem>>
      %dma_wait3A_189 = tpu.memref_squeeze %dma_wait3A_188 : memref<1x100xi32, #tpu.memory_space<vmem>> -> memref<100xi32, #tpu.memory_space<vmem>>
      %dma_wait3A_190 = arith.constant 0 : i32
      %dma_wait3A_191 = arith.constant 0 : i32
      %dma_wait3A_192 = tpu.memref_slice %arg2[%dma_wait3A_190, %dma_wait3A_191] : memref<10000x128xf32, #tpu.memory_space<hbm>> -> memref<10000x128xf32, #tpu.memory_space<hbm>>
      tpu.wait_indirect_dma semaphore(%arg13 : memref<!tpu.dma_semaphore, #tpu.memory_space<semaphore_mem>>) src(%dma_wait3A_192 : memref<10000x128xf32, #tpu.memory_space<hbm>>) dst(%arg9 : memref<100x128xf32, #tpu.memory_space<vmem>>)
      "tpu.region"() ({
        %run_scoped3A_213 = tpu.sem_alloc : memref<!tpu.dma_semaphore, #tpu.memory_space<semaphore_mem>>
        %dma_start3A_214 = arith.constant 0 : i32
        %dma_start3A_215 = tpu.memref_slice %arg7[%add3A_174, %dma_start3A_214] : memref<25x100xi32, #tpu.memory_space<vmem>> -> memref<1x100xi32, #tpu.memory_space<vmem>>
        %dma_start3A_216 = tpu.memref_squeeze %dma_start3A_215 : memref<1x100xi32, #tpu.memory_space<vmem>> -> memref<100xi32, #tpu.memory_space<vmem>>
        %dma_start3A_217 = arith.constant 0 : i32
        %dma_start3A_218 = arith.constant 0 : i32
        %dma_start3A_219 = tpu.memref_slice %arg11[%dma_start3A_217, %dma_start3A_218] : memref<10240x128xf32, #tpu.memory_space<vmem_shared>> -> memref<10240x128xf32, #tpu.memory_space<vmem_shared>>
        tpu.enqueue_indirect_dma source(%arg9 : memref<100x128xf32, #tpu.memory_space<vmem>>) target(%dma_start3A_219 : memref<10240x128xf32, #tpu.memory_space<vmem_shared>>) offsets(%dma_start3A_216 : memref<100xi32, #tpu.memory_space<vmem>>) semaphore(%run_scoped3A_213 : memref<!tpu.dma_semaphore, #tpu.memory_space<semaphore_mem>>) {add = true}
        %dma_wait3A_220 = arith.constant 0 : i32
        %dma_wait3A_221 = tpu.memref_slice %arg7[%add3A_174, %dma_wait3A_220] : memref<25x100xi32, #tpu.memory_space<vmem>> -> memref<1x100xi32, #tpu.memory_space<vmem>>
        %dma_wait3A_222 = tpu.memref_squeeze %dma_wait3A_221 : memref<1x100xi32, #tpu.memory_space<vmem>> -> memref<100xi32, #tpu.memory_space<vmem>>
        %dma_wait3A_223 = arith.constant 0 : i32
        %dma_wait3A_224 = arith.constant 0 : i32
        %dma_wait3A_225 = tpu.memref_slice %arg11[%dma_wait3A_223, %dma_wait3A_224] : memref<10240x128xf32, #tpu.memory_space<vmem_shared>> -> memref<10240x128xf32, #tpu.memory_space<vmem_shared>>
        tpu.wait_indirect_dma semaphore(%run_scoped3A_213 : memref<!tpu.dma_semaphore, #tpu.memory_space<semaphore_mem>>) src(%arg9 : memref<100x128xf32, #tpu.memory_space<vmem>>) dst(%dma_wait3A_225 : memref<10240x128xf32, #tpu.memory_space<vmem_shared>>)
        tpu.yield
      }) : () -> ()
      %add3A_193 = arith.constant 3 : i32
      %add3A_194 = arith.addi %add3A_174, %add3A_193 : i32
      %lt3A_195 = arith.constant 25 : i32
      %lt3A_196 = arith.cmpi slt, %add3A_194, %lt3A_195 : i32
      %convert_element_type3A_197 = arith.extui %lt3A_196 : i1 to i32
      %cond3A_198 = arith.constant 0 : i32
      %cond3A_199 = arith.cmpi ne, %convert_element_type3A_197, %cond3A_198 : i32
      scf.if %cond3A_199 {
        %add3A_213 = arith.constant 3 : i32
        %add3A_214 = arith.addi %add3A_174, %add3A_213 : i32
        %dma_start3A_215 = arith.constant 0 : i32
        %dma_start3A_216 = tpu.memref_slice %arg6[%add3A_214, %dma_start3A_215] : memref<25x100xi32, #tpu.memory_space<vmem>> -> memref<1x100xi32, #tpu.memory_space<vmem>>
        %dma_start3A_217 = tpu.memref_squeeze %dma_start3A_216 : memref<1x100xi32, #tpu.memory_space<vmem>> -> memref<100xi32, #tpu.memory_space<vmem>>
        %dma_start3A_218 = arith.constant 0 : i32
        %dma_start3A_219 = arith.constant 0 : i32
        %dma_start3A_220 = tpu.memref_slice %arg2[%dma_start3A_218, %dma_start3A_219] : memref<10000x128xf32, #tpu.memory_space<hbm>> -> memref<10000x128xf32, #tpu.memory_space<hbm>>
        tpu.enqueue_indirect_dma source(%dma_start3A_220 : memref<10000x128xf32, #tpu.memory_space<hbm>>) target(%arg9 : memref<100x128xf32, #tpu.memory_space<vmem>>) offsets(%dma_start3A_217 : memref<100xi32, #tpu.memory_space<vmem>>) semaphore(%arg13 : memref<!tpu.dma_semaphore, #tpu.memory_space<semaphore_mem>>)
      } else {
      }
      %dma_wait3A_200 = arith.constant 0 : i32
      %dma_wait3A_201 = tpu.memref_slice %arg6[%add3A_176, %dma_wait3A_200] : memref<25x100xi32, #tpu.memory_space<vmem>> -> memref<1x100xi32, #tpu.memory_space<vmem>>
      %dma_wait3A_202 = tpu.memref_squeeze %dma_wait3A_201 : memref<1x100xi32, #tpu.memory_space<vmem>> -> memref<100xi32, #tpu.memory_space<vmem>>
      %dma_wait3A_203 = arith.constant 0 : i32
      %dma_wait3A_204 = arith.constant 0 : i32
      %dma_wait3A_205 = tpu.memref_slice %arg2[%dma_wait3A_203, %dma_wait3A_204] : memref<10000x128xf32, #tpu.memory_space<hbm>> -> memref<10000x128xf32, #tpu.memory_space<hbm>>
      tpu.wait_indirect_dma semaphore(%arg14 : memref<!tpu.dma_semaphore, #tpu.memory_space<semaphore_mem>>) src(%dma_wait3A_205 : memref<10000x128xf32, #tpu.memory_space<hbm>>) dst(%arg10 : memref<100x128xf32, #tpu.memory_space<vmem>>)
      "tpu.region"() ({
        %run_scoped3A_213 = tpu.sem_alloc : memref<!tpu.dma_semaphore, #tpu.memory_space<semaphore_mem>>
        %dma_start3A_214 = arith.constant 0 : i32
        %dma_start3A_215 = tpu.memref_slice %arg7[%add3A_176, %dma_start3A_214] : memref<25x100xi32, #tpu.memory_space<vmem>> -> memref<1x100xi32, #tpu.memory_space<vmem>>
        %dma_start3A_216 = tpu.memref_squeeze %dma_start3A_215 : memref<1x100xi32, #tpu.memory_space<vmem>> -> memref<100xi32, #tpu.memory_space<vmem>>
        %dma_start3A_217 = arith.constant 0 : i32
        %dma_start3A_218 = arith.constant 0 : i32
        %dma_start3A_219 = tpu.memref_slice %arg11[%dma_start3A_217, %dma_start3A_218] : memref<10240x128xf32, #tpu.memory_space<vmem_shared>> -> memref<10240x128xf32, #tpu.memory_space<vmem_shared>>
        tpu.enqueue_indirect_dma source(%arg10 : memref<100x128xf32, #tpu.memory_space<vmem>>) target(%dma_start3A_219 : memref<10240x128xf32, #tpu.memory_space<vmem_shared>>) offsets(%dma_start3A_216 : memref<100xi32, #tpu.memory_space<vmem>>) semaphore(%run_scoped3A_213 : memref<!tpu.dma_semaphore, #tpu.memory_space<semaphore_mem>>) {add = true}
        %dma_wait3A_220 = arith.constant 0 : i32
        %dma_wait3A_221 = tpu.memref_slice %arg7[%add3A_176, %dma_wait3A_220] : memref<25x100xi32, #tpu.memory_space<vmem>> -> memref<1x100xi32, #tpu.memory_space<vmem>>
        %dma_wait3A_222 = tpu.memref_squeeze %dma_wait3A_221 : memref<1x100xi32, #tpu.memory_space<vmem>> -> memref<100xi32, #tpu.memory_space<vmem>>
        %dma_wait3A_223 = arith.constant 0 : i32
        %dma_wait3A_224 = arith.constant 0 : i32
        %dma_wait3A_225 = tpu.memref_slice %arg11[%dma_wait3A_223, %dma_wait3A_224] : memref<10240x128xf32, #tpu.memory_space<vmem_shared>> -> memref<10240x128xf32, #tpu.memory_space<vmem_shared>>
        tpu.wait_indirect_dma semaphore(%run_scoped3A_213 : memref<!tpu.dma_semaphore, #tpu.memory_space<semaphore_mem>>) src(%arg10 : memref<100x128xf32, #tpu.memory_space<vmem>>) dst(%dma_wait3A_225 : memref<10240x128xf32, #tpu.memory_space<vmem_shared>>)
        tpu.yield
      }) : () -> ()
      %add3A_206 = arith.constant 3 : i32
      %add3A_207 = arith.addi %add3A_176, %add3A_206 : i32
      %lt3A_208 = arith.constant 25 : i32
      %lt3A_209 = arith.cmpi slt, %add3A_207, %lt3A_208 : i32
      %convert_element_type3A_210 = arith.extui %lt3A_209 : i1 to i32
      %cond3A_211 = arith.constant 0 : i32
      %cond3A_212 = arith.cmpi ne, %convert_element_type3A_210, %cond3A_211 : i32
      scf.if %cond3A_212 {
        %add3A_213 = arith.constant 3 : i32
        %add3A_214 = arith.addi %add3A_176, %add3A_213 : i32
        %dma_start3A_215 = arith.constant 0 : i32
        %dma_start3A_216 = tpu.memref_slice %arg6[%add3A_214, %dma_start3A_215] : memref<25x100xi32, #tpu.memory_space<vmem>> -> memref<1x100xi32, #tpu.memory_space<vmem>>
        %dma_start3A_217 = tpu.memref_squeeze %dma_start3A_216 : memref<1x100xi32, #tpu.memory_space<vmem>> -> memref<100xi32, #tpu.memory_space<vmem>>
        %dma_start3A_218 = arith.constant 0 : i32
        %dma_start3A_219 = arith.constant 0 : i32
        %dma_start3A_220 = tpu.memref_slice %arg2[%dma_start3A_218, %dma_start3A_219] : memref<10000x128xf32, #tpu.memory_space<hbm>> -> memref<10000x128xf32, #tpu.memory_space<hbm>>
        tpu.enqueue_indirect_dma source(%dma_start3A_220 : memref<10000x128xf32, #tpu.memory_space<hbm>>) target(%arg10 : memref<100x128xf32, #tpu.memory_space<vmem>>) offsets(%dma_start3A_217 : memref<100xi32, #tpu.memory_space<vmem>>) semaphore(%arg14 : memref<!tpu.dma_semaphore, #tpu.memory_space<semaphore_mem>>)
      } else {
      }
    }
    %scan3A_50 = arith.constant 8 : i32
    %dma_wait3A = arith.constant 24 : i32
    %dma_wait3A_51 = arith.constant 0 : i32
    %dma_wait3A_52 = tpu.memref_slice %arg6[%dma_wait3A, %dma_wait3A_51] : memref<25x100xi32, #tpu.memory_space<vmem>> -> memref<1x100xi32, #tpu.memory_space<vmem>>
    %dma_wait3A_53 = tpu.memref_squeeze %dma_wait3A_52 : memref<1x100xi32, #tpu.memory_space<vmem>> -> memref<100xi32, #tpu.memory_space<vmem>>
    %dma_wait3A_54 = arith.constant 0 : i32
    %dma_wait3A_55 = arith.constant 0 : i32
    %dma_wait3A_56 = tpu.memref_slice %arg2[%dma_wait3A_54, %dma_wait3A_55] : memref<10000x128xf32, #tpu.memory_space<hbm>> -> memref<10000x128xf32, #tpu.memory_space<hbm>>
    tpu.wait_indirect_dma semaphore(%arg12 : memref<!tpu.dma_semaphore, #tpu.memory_space<semaphore_mem>>) src(%dma_wait3A_56 : memref<10000x128xf32, #tpu.memory_space<hbm>>) dst(%arg8 : memref<100x128xf32, #tpu.memory_space<vmem>>)
    %run_scoped3A_57 = arith.constant 24 : i32
    "tpu.region"() ({
      %run_scoped3A_170 = tpu.sem_alloc : memref<!tpu.dma_semaphore, #tpu.memory_space<semaphore_mem>>
      %dma_start3A_171 = arith.constant 0 : i32
      %dma_start3A_172 = tpu.memref_slice %arg7[%run_scoped3A_57, %dma_start3A_171] : memref<25x100xi32, #tpu.memory_space<vmem>> -> memref<1x100xi32, #tpu.memory_space<vmem>>
      %dma_start3A_173 = tpu.memref_squeeze %dma_start3A_172 : memref<1x100xi32, #tpu.memory_space<vmem>> -> memref<100xi32, #tpu.memory_space<vmem>>
      %dma_start3A_174 = arith.constant 0 : i32
      %dma_start3A_175 = arith.constant 0 : i32
      %dma_start3A_176 = tpu.memref_slice %arg11[%dma_start3A_174, %dma_start3A_175] : memref<10240x128xf32, #tpu.memory_space<vmem_shared>> -> memref<10240x128xf32, #tpu.memory_space<vmem_shared>>
      tpu.enqueue_indirect_dma source(%arg8 : memref<100x128xf32, #tpu.memory_space<vmem>>) target(%dma_start3A_176 : memref<10240x128xf32, #tpu.memory_space<vmem_shared>>) offsets(%dma_start3A_173 : memref<100xi32, #tpu.memory_space<vmem>>) semaphore(%run_scoped3A_170 : memref<!tpu.dma_semaphore, #tpu.memory_space<semaphore_mem>>) {add = true}
      %dma_wait3A_177 = arith.constant 0 : i32
      %dma_wait3A_178 = tpu.memref_slice %arg7[%run_scoped3A_57, %dma_wait3A_177] : memref<25x100xi32, #tpu.memory_space<vmem>> -> memref<1x100xi32, #tpu.memory_space<vmem>>
      %dma_wait3A_179 = tpu.memref_squeeze %dma_wait3A_178 : memref<1x100xi32, #tpu.memory_space<vmem>> -> memref<100xi32, #tpu.memory_space<vmem>>
      %dma_wait3A_180 = arith.constant 0 : i32
      %dma_wait3A_181 = arith.constant 0 : i32
      %dma_wait3A_182 = tpu.memref_slice %arg11[%dma_wait3A_180, %dma_wait3A_181] : memref<10240x128xf32, #tpu.memory_space<vmem_shared>> -> memref<10240x128xf32, #tpu.memory_space<vmem_shared>>
      tpu.wait_indirect_dma semaphore(%run_scoped3A_170 : memref<!tpu.dma_semaphore, #tpu.memory_space<semaphore_mem>>) src(%arg8 : memref<100x128xf32, #tpu.memory_space<vmem>>) dst(%dma_wait3A_182 : memref<10240x128xf32, #tpu.memory_space<vmem_shared>>)
      tpu.yield
    }) : () -> ()
    %run_scoped3A_58 = arith.constant 1 : i32
    "tpu.region"() ({
      %run_scoped3A_170 = tpu.sem_alloc : memref<!tpu.dma_semaphore, #tpu.memory_space<semaphore_mem>>
      %dma_start3A_171 = arith.constant 0 : i32
      %dma_start3A_172 = arith.constant 0 : i32
      %dma_start3A_173 = tpu.memref_slice %arg3[%add3A, %run_scoped3A_58, %dma_start3A_171, %dma_start3A_172] : memref<32x4x25x100xi32, #tpu.memory_space<hbm>> -> memref<1x1x25x100xi32, #tpu.memory_space<hbm>>
      %dma_start3A_174 = tpu.memref_squeeze %dma_start3A_173 : memref<1x1x25x100xi32, #tpu.memory_space<hbm>> -> memref<25x100xi32, #tpu.memory_space<hbm>>
      %dma_start3A_175 = arith.constant 0 : i32
      %dma_start3A_176 = arith.constant 0 : i32
      %dma_start3A_177 = tpu.memref_slice %arg3[%add3A, %run_scoped3A_58, %dma_start3A_175, %dma_start3A_176] : memref<32x4x25x100xi32, #tpu.memory_space<hbm>> -> memref<1x1x25x100xi32, #tpu.memory_space<hbm>>
      %dma_start3A_178 = tpu.memref_squeeze %dma_start3A_177 : memref<1x1x25x100xi32, #tpu.memory_space<hbm>> -> memref<25x100xi32, #tpu.memory_space<hbm>>
      tpu.enqueue_dma source(%dma_start3A_178 : memref<25x100xi32, #tpu.memory_space<hbm>>) target(%arg6 : memref<25x100xi32, #tpu.memory_space<vmem>>) target_semaphore(%run_scoped3A_170 : memref<!tpu.dma_semaphore, #tpu.memory_space<semaphore_mem>>)
      %dma_wait3A_179 = arith.constant 0 : i32
      %dma_wait3A_180 = arith.constant 0 : i32
      %dma_wait3A_181 = tpu.memref_slice %arg3[%add3A, %run_scoped3A_58, %dma_wait3A_179, %dma_wait3A_180] : memref<32x4x25x100xi32, #tpu.memory_space<hbm>> -> memref<1x1x25x100xi32, #tpu.memory_space<hbm>>
      %dma_wait3A_182 = tpu.memref_squeeze %dma_wait3A_181 : memref<1x1x25x100xi32, #tpu.memory_space<hbm>> -> memref<25x100xi32, #tpu.memory_space<hbm>>
      %dma_wait3A_183 = arith.constant 0 : i32
      %dma_wait3A_184 = arith.constant 0 : i32
      %dma_wait3A_185 = tpu.memref_slice %arg3[%add3A, %run_scoped3A_58, %dma_wait3A_183, %dma_wait3A_184] : memref<32x4x25x100xi32, #tpu.memory_space<hbm>> -> memref<1x1x25x100xi32, #tpu.memory_space<hbm>>
      %dma_wait3A_186 = tpu.memref_squeeze %dma_wait3A_185 : memref<1x1x25x100xi32, #tpu.memory_space<hbm>> -> memref<25x100xi32, #tpu.memory_space<hbm>>
      tpu.wait_dma2 semaphore(%run_scoped3A_170 : memref<!tpu.dma_semaphore, #tpu.memory_space<semaphore_mem>>) src(%dma_wait3A_186 : memref<25x100xi32, #tpu.memory_space<hbm>>) dst(%arg6 : memref<25x100xi32, #tpu.memory_space<vmem>>)
      tpu.yield
    }) : () -> ()
    %run_scoped3A_59 = arith.constant 1 : i32
    "tpu.region"() ({
      %run_scoped3A_170 = tpu.sem_alloc : memref<!tpu.dma_semaphore, #tpu.memory_space<semaphore_mem>>
      %dma_start3A_171 = arith.constant 0 : i32
      %dma_start3A_172 = arith.constant 0 : i32
      %dma_start3A_173 = tpu.memref_slice %arg4[%add3A, %run_scoped3A_59, %dma_start3A_171, %dma_start3A_172] : memref<32x4x25x100xi32, #tpu.memory_space<hbm>> -> memref<1x1x25x100xi32, #tpu.memory_space<hbm>>
      %dma_start3A_174 = tpu.memref_squeeze %dma_start3A_173 : memref<1x1x25x100xi32, #tpu.memory_space<hbm>> -> memref<25x100xi32, #tpu.memory_space<hbm>>
      %dma_start3A_175 = arith.constant 0 : i32
      %dma_start3A_176 = arith.constant 0 : i32
      %dma_start3A_177 = tpu.memref_slice %arg4[%add3A, %run_scoped3A_59, %dma_start3A_175, %dma_start3A_176] : memref<32x4x25x100xi32, #tpu.memory_space<hbm>> -> memref<1x1x25x100xi32, #tpu.memory_space<hbm>>
      %dma_start3A_178 = tpu.memref_squeeze %dma_start3A_177 : memref<1x1x25x100xi32, #tpu.memory_space<hbm>> -> memref<25x100xi32, #tpu.memory_space<hbm>>
      tpu.enqueue_dma source(%dma_start3A_178 : memref<25x100xi32, #tpu.memory_space<hbm>>) target(%arg7 : memref<25x100xi32, #tpu.memory_space<vmem>>) target_semaphore(%run_scoped3A_170 : memref<!tpu.dma_semaphore, #tpu.memory_space<semaphore_mem>>)
      %dma_wait3A_179 = arith.constant 0 : i32
      %dma_wait3A_180 = arith.constant 0 : i32
      %dma_wait3A_181 = tpu.memref_slice %arg4[%add3A, %run_scoped3A_59, %dma_wait3A_179, %dma_wait3A_180] : memref<32x4x25x100xi32, #tpu.memory_space<hbm>> -> memref<1x1x25x100xi32, #tpu.memory_space<hbm>>
      %dma_wait3A_182 = tpu.memref_squeeze %dma_wait3A_181 : memref<1x1x25x100xi32, #tpu.memory_space<hbm>> -> memref<25x100xi32, #tpu.memory_space<hbm>>
      %dma_wait3A_183 = arith.constant 0 : i32
      %dma_wait3A_184 = arith.constant 0 : i32
      %dma_wait3A_185 = tpu.memref_slice %arg4[%add3A, %run_scoped3A_59, %dma_wait3A_183, %dma_wait3A_184] : memref<32x4x25x100xi32, #tpu.memory_space<hbm>> -> memref<1x1x25x100xi32, #tpu.memory_space<hbm>>
      %dma_wait3A_186 = tpu.memref_squeeze %dma_wait3A_185 : memref<1x1x25x100xi32, #tpu.memory_space<hbm>> -> memref<25x100xi32, #tpu.memory_space<hbm>>
      tpu.wait_dma2 semaphore(%run_scoped3A_170 : memref<!tpu.dma_semaphore, #tpu.memory_space<semaphore_mem>>) src(%dma_wait3A_186 : memref<25x100xi32, #tpu.memory_space<hbm>>) dst(%arg7 : memref<25x100xi32, #tpu.memory_space<vmem>>)
      tpu.yield
    }) : () -> ()
    %dma_start3A_60 = arith.constant 0 : i32
    %dma_start3A_61 = arith.constant 0 : i32
    %dma_start3A_62 = tpu.memref_slice %arg6[%dma_start3A_60, %dma_start3A_61] : memref<25x100xi32, #tpu.memory_space<vmem>> -> memref<1x100xi32, #tpu.memory_space<vmem>>
    %dma_start3A_63 = tpu.memref_squeeze %dma_start3A_62 : memref<1x100xi32, #tpu.memory_space<vmem>> -> memref<100xi32, #tpu.memory_space<vmem>>
    %dma_start3A_64 = arith.constant 0 : i32
    %dma_start3A_65 = arith.constant 0 : i32
    %dma_start3A_66 = tpu.memref_slice %arg2[%dma_start3A_64, %dma_start3A_65] : memref<10000x128xf32, #tpu.memory_space<hbm>> -> memref<10000x128xf32, #tpu.memory_space<hbm>>
    tpu.enqueue_indirect_dma source(%dma_start3A_66 : memref<10000x128xf32, #tpu.memory_space<hbm>>) target(%arg8 : memref<100x128xf32, #tpu.memory_space<vmem>>) offsets(%dma_start3A_63 : memref<100xi32, #tpu.memory_space<vmem>>) semaphore(%arg12 : memref<!tpu.dma_semaphore, #tpu.memory_space<semaphore_mem>>)
    %dma_start3A_67 = arith.constant 1 : i32
    %dma_start3A_68 = arith.constant 0 : i32
    %dma_start3A_69 = tpu.memref_slice %arg6[%dma_start3A_67, %dma_start3A_68] : memref<25x100xi32, #tpu.memory_space<vmem>> -> memref<1x100xi32, #tpu.memory_space<vmem>>
    %dma_start3A_70 = tpu.memref_squeeze %dma_start3A_69 : memref<1x100xi32, #tpu.memory_space<vmem>> -> memref<100xi32, #tpu.memory_space<vmem>>
    %dma_start3A_71 = arith.constant 0 : i32
    %dma_start3A_72 = arith.constant 0 : i32
    %dma_start3A_73 = tpu.memref_slice %arg2[%dma_start3A_71, %dma_start3A_72] : memref<10000x128xf32, #tpu.memory_space<hbm>> -> memref<10000x128xf32, #tpu.memory_space<hbm>>
    tpu.enqueue_indirect_dma source(%dma_start3A_73 : memref<10000x128xf32, #tpu.memory_space<hbm>>) target(%arg9 : memref<100x128xf32, #tpu.memory_space<vmem>>) offsets(%dma_start3A_70 : memref<100xi32, #tpu.memory_space<vmem>>) semaphore(%arg13 : memref<!tpu.dma_semaphore, #tpu.memory_space<semaphore_mem>>)
    %dma_start3A_74 = arith.constant 2 : i32
    %dma_start3A_75 = arith.constant 0 : i32
    %dma_start3A_76 = tpu.memref_slice %arg6[%dma_start3A_74, %dma_start3A_75] : memref<25x100xi32, #tpu.memory_space<vmem>> -> memref<1x100xi32, #tpu.memory_space<vmem>>
    %dma_start3A_77 = tpu.memref_squeeze %dma_start3A_76 : memref<1x100xi32, #tpu.memory_space<vmem>> -> memref<100xi32, #tpu.memory_space<vmem>>
    %dma_start3A_78 = arith.constant 0 : i32
    %dma_start3A_79 = arith.constant 0 : i32
    %dma_start3A_80 = tpu.memref_slice %arg2[%dma_start3A_78, %dma_start3A_79] : memref<10000x128xf32, #tpu.memory_space<hbm>> -> memref<10000x128xf32, #tpu.memory_space<hbm>>
    tpu.enqueue_indirect_dma source(%dma_start3A_80 : memref<10000x128xf32, #tpu.memory_space<hbm>>) target(%arg10 : memref<100x128xf32, #tpu.memory_space<vmem>>) offsets(%dma_start3A_77 : memref<100xi32, #tpu.memory_space<vmem>>) semaphore(%arg14 : memref<!tpu.dma_semaphore, #tpu.memory_space<semaphore_mem>>)
    %scan3A_81 = arith.constant 0 : i32
    %scan3A_82 = arith.constant 0 : i32
    %scan3A_83 = arith.constant 8 : i32
    %scan3A_84 = arith.addi %scan3A_82, %scan3A_83 : i32
    %scan3A_85 = arith.constant 1 : i32
    scf.for %scan3A_170 = %scan3A_82 to %scan3A_84 step %scan3A_85  : i32 {
      %mul3A_171 = arith.constant 3 : i32
      %mul3A_172 = arith.muli %scan3A_170, %mul3A_171 : i32
      %add3A_173 = arith.constant 1 : i32
      %add3A_174 = arith.addi %mul3A_172, %add3A_173 : i32
      %add3A_175 = arith.constant 2 : i32
      %add3A_176 = arith.addi %mul3A_172, %add3A_175 : i32
      %dma_wait3A_177 = arith.constant 0 : i32
      %dma_wait3A_178 = tpu.memref_slice %arg6[%mul3A_172, %dma_wait3A_177] : memref<25x100xi32, #tpu.memory_space<vmem>> -> memref<1x100xi32, #tpu.memory_space<vmem>>
      %dma_wait3A_179 = tpu.memref_squeeze %dma_wait3A_178 : memref<1x100xi32, #tpu.memory_space<vmem>> -> memref<100xi32, #tpu.memory_space<vmem>>
      %dma_wait3A_180 = arith.constant 0 : i32
      %dma_wait3A_181 = arith.constant 0 : i32
      %dma_wait3A_182 = tpu.memref_slice %arg2[%dma_wait3A_180, %dma_wait3A_181] : memref<10000x128xf32, #tpu.memory_space<hbm>> -> memref<10000x128xf32, #tpu.memory_space<hbm>>
      tpu.wait_indirect_dma semaphore(%arg12 : memref<!tpu.dma_semaphore, #tpu.memory_space<semaphore_mem>>) src(%dma_wait3A_182 : memref<10000x128xf32, #tpu.memory_space<hbm>>) dst(%arg8 : memref<100x128xf32, #tpu.memory_space<vmem>>)
      "tpu.region"() ({
        %run_scoped3A_213 = tpu.sem_alloc : memref<!tpu.dma_semaphore, #tpu.memory_space<semaphore_mem>>
        %dma_start3A_214 = arith.constant 0 : i32
        %dma_start3A_215 = tpu.memref_slice %arg7[%mul3A_172, %dma_start3A_214] : memref<25x100xi32, #tpu.memory_space<vmem>> -> memref<1x100xi32, #tpu.memory_space<vmem>>
        %dma_start3A_216 = tpu.memref_squeeze %dma_start3A_215 : memref<1x100xi32, #tpu.memory_space<vmem>> -> memref<100xi32, #tpu.memory_space<vmem>>
        %dma_start3A_217 = arith.constant 0 : i32
        %dma_start3A_218 = arith.constant 0 : i32
        %dma_start3A_219 = tpu.memref_slice %arg11[%dma_start3A_217, %dma_start3A_218] : memref<10240x128xf32, #tpu.memory_space<vmem_shared>> -> memref<10240x128xf32, #tpu.memory_space<vmem_shared>>
        tpu.enqueue_indirect_dma source(%arg8 : memref<100x128xf32, #tpu.memory_space<vmem>>) target(%dma_start3A_219 : memref<10240x128xf32, #tpu.memory_space<vmem_shared>>) offsets(%dma_start3A_216 : memref<100xi32, #tpu.memory_space<vmem>>) semaphore(%run_scoped3A_213 : memref<!tpu.dma_semaphore, #tpu.memory_space<semaphore_mem>>) {add = true}
        %dma_wait3A_220 = arith.constant 0 : i32
        %dma_wait3A_221 = tpu.memref_slice %arg7[%mul3A_172, %dma_wait3A_220] : memref<25x100xi32, #tpu.memory_space<vmem>> -> memref<1x100xi32, #tpu.memory_space<vmem>>
        %dma_wait3A_222 = tpu.memref_squeeze %dma_wait3A_221 : memref<1x100xi32, #tpu.memory_space<vmem>> -> memref<100xi32, #tpu.memory_space<vmem>>
        %dma_wait3A_223 = arith.constant 0 : i32
        %dma_wait3A_224 = arith.constant 0 : i32
        %dma_wait3A_225 = tpu.memref_slice %arg11[%dma_wait3A_223, %dma_wait3A_224] : memref<10240x128xf32, #tpu.memory_space<vmem_shared>> -> memref<10240x128xf32, #tpu.memory_space<vmem_shared>>
        tpu.wait_indirect_dma semaphore(%run_scoped3A_213 : memref<!tpu.dma_semaphore, #tpu.memory_space<semaphore_mem>>) src(%arg8 : memref<100x128xf32, #tpu.memory_space<vmem>>) dst(%dma_wait3A_225 : memref<10240x128xf32, #tpu.memory_space<vmem_shared>>)
        tpu.yield
      }) : () -> ()
      %add3A_183 = arith.constant 3 : i32
      %add3A_184 = arith.addi %mul3A_172, %add3A_183 : i32
      %lt3A = arith.constant 25 : i32
      %lt3A_185 = arith.cmpi slt, %add3A_184, %lt3A : i32
      %convert_element_type3A = arith.extui %lt3A_185 : i1 to i32
      %cond3A = arith.constant 0 : i32
      %cond3A_186 = arith.cmpi ne, %convert_element_type3A, %cond3A : i32
      scf.if %cond3A_186 {
        %add3A_213 = arith.constant 3 : i32
        %add3A_214 = arith.addi %mul3A_172, %add3A_213 : i32
        %dma_start3A_215 = arith.constant 0 : i32
        %dma_start3A_216 = tpu.memref_slice %arg6[%add3A_214, %dma_start3A_215] : memref<25x100xi32, #tpu.memory_space<vmem>> -> memref<1x100xi32, #tpu.memory_space<vmem>>
        %dma_start3A_217 = tpu.memref_squeeze %dma_start3A_216 : memref<1x100xi32, #tpu.memory_space<vmem>> -> memref<100xi32, #tpu.memory_space<vmem>>
        %dma_start3A_218 = arith.constant 0 : i32
        %dma_start3A_219 = arith.constant 0 : i32
        %dma_start3A_220 = tpu.memref_slice %arg2[%dma_start3A_218, %dma_start3A_219] : memref<10000x128xf32, #tpu.memory_space<hbm>> -> memref<10000x128xf32, #tpu.memory_space<hbm>>
        tpu.enqueue_indirect_dma source(%dma_start3A_220 : memref<10000x128xf32, #tpu.memory_space<hbm>>) target(%arg8 : memref<100x128xf32, #tpu.memory_space<vmem>>) offsets(%dma_start3A_217 : memref<100xi32, #tpu.memory_space<vmem>>) semaphore(%arg12 : memref<!tpu.dma_semaphore, #tpu.memory_space<semaphore_mem>>)
      } else {
      }
      %dma_wait3A_187 = arith.constant 0 : i32
      %dma_wait3A_188 = tpu.memref_slice %arg6[%add3A_174, %dma_wait3A_187] : memref<25x100xi32, #tpu.memory_space<vmem>> -> memref<1x100xi32, #tpu.memory_space<vmem>>
      %dma_wait3A_189 = tpu.memref_squeeze %dma_wait3A_188 : memref<1x100xi32, #tpu.memory_space<vmem>> -> memref<100xi32, #tpu.memory_space<vmem>>
      %dma_wait3A_190 = arith.constant 0 : i32
      %dma_wait3A_191 = arith.constant 0 : i32
      %dma_wait3A_192 = tpu.memref_slice %arg2[%dma_wait3A_190, %dma_wait3A_191] : memref<10000x128xf32, #tpu.memory_space<hbm>> -> memref<10000x128xf32, #tpu.memory_space<hbm>>
      tpu.wait_indirect_dma semaphore(%arg13 : memref<!tpu.dma_semaphore, #tpu.memory_space<semaphore_mem>>) src(%dma_wait3A_192 : memref<10000x128xf32, #tpu.memory_space<hbm>>) dst(%arg9 : memref<100x128xf32, #tpu.memory_space<vmem>>)
      "tpu.region"() ({
        %run_scoped3A_213 = tpu.sem_alloc : memref<!tpu.dma_semaphore, #tpu.memory_space<semaphore_mem>>
        %dma_start3A_214 = arith.constant 0 : i32
        %dma_start3A_215 = tpu.memref_slice %arg7[%add3A_174, %dma_start3A_214] : memref<25x100xi32, #tpu.memory_space<vmem>> -> memref<1x100xi32, #tpu.memory_space<vmem>>
        %dma_start3A_216 = tpu.memref_squeeze %dma_start3A_215 : memref<1x100xi32, #tpu.memory_space<vmem>> -> memref<100xi32, #tpu.memory_space<vmem>>
        %dma_start3A_217 = arith.constant 0 : i32
        %dma_start3A_218 = arith.constant 0 : i32
        %dma_start3A_219 = tpu.memref_slice %arg11[%dma_start3A_217, %dma_start3A_218] : memref<10240x128xf32, #tpu.memory_space<vmem_shared>> -> memref<10240x128xf32, #tpu.memory_space<vmem_shared>>
        tpu.enqueue_indirect_dma source(%arg9 : memref<100x128xf32, #tpu.memory_space<vmem>>) target(%dma_start3A_219 : memref<10240x128xf32, #tpu.memory_space<vmem_shared>>) offsets(%dma_start3A_216 : memref<100xi32, #tpu.memory_space<vmem>>) semaphore(%run_scoped3A_213 : memref<!tpu.dma_semaphore, #tpu.memory_space<semaphore_mem>>) {add = true}
        %dma_wait3A_220 = arith.constant 0 : i32
        %dma_wait3A_221 = tpu.memref_slice %arg7[%add3A_174, %dma_wait3A_220] : memref<25x100xi32, #tpu.memory_space<vmem>> -> memref<1x100xi32, #tpu.memory_space<vmem>>
        %dma_wait3A_222 = tpu.memref_squeeze %dma_wait3A_221 : memref<1x100xi32, #tpu.memory_space<vmem>> -> memref<100xi32, #tpu.memory_space<vmem>>
        %dma_wait3A_223 = arith.constant 0 : i32
        %dma_wait3A_224 = arith.constant 0 : i32
        %dma_wait3A_225 = tpu.memref_slice %arg11[%dma_wait3A_223, %dma_wait3A_224] : memref<10240x128xf32, #tpu.memory_space<vmem_shared>> -> memref<10240x128xf32, #tpu.memory_space<vmem_shared>>
        tpu.wait_indirect_dma semaphore(%run_scoped3A_213 : memref<!tpu.dma_semaphore, #tpu.memory_space<semaphore_mem>>) src(%arg9 : memref<100x128xf32, #tpu.memory_space<vmem>>) dst(%dma_wait3A_225 : memref<10240x128xf32, #tpu.memory_space<vmem_shared>>)
        tpu.yield
      }) : () -> ()
      %add3A_193 = arith.constant 3 : i32
      %add3A_194 = arith.addi %add3A_174, %add3A_193 : i32
      %lt3A_195 = arith.constant 25 : i32
      %lt3A_196 = arith.cmpi slt, %add3A_194, %lt3A_195 : i32
      %convert_element_type3A_197 = arith.extui %lt3A_196 : i1 to i32
      %cond3A_198 = arith.constant 0 : i32
      %cond3A_199 = arith.cmpi ne, %convert_element_type3A_197, %cond3A_198 : i32
      scf.if %cond3A_199 {
        %add3A_213 = arith.constant 3 : i32
        %add3A_214 = arith.addi %add3A_174, %add3A_213 : i32
        %dma_start3A_215 = arith.constant 0 : i32
        %dma_start3A_216 = tpu.memref_slice %arg6[%add3A_214, %dma_start3A_215] : memref<25x100xi32, #tpu.memory_space<vmem>> -> memref<1x100xi32, #tpu.memory_space<vmem>>
        %dma_start3A_217 = tpu.memref_squeeze %dma_start3A_216 : memref<1x100xi32, #tpu.memory_space<vmem>> -> memref<100xi32, #tpu.memory_space<vmem>>
        %dma_start3A_218 = arith.constant 0 : i32
        %dma_start3A_219 = arith.constant 0 : i32
        %dma_start3A_220 = tpu.memref_slice %arg2[%dma_start3A_218, %dma_start3A_219] : memref<10000x128xf32, #tpu.memory_space<hbm>> -> memref<10000x128xf32, #tpu.memory_space<hbm>>
        tpu.enqueue_indirect_dma source(%dma_start3A_220 : memref<10000x128xf32, #tpu.memory_space<hbm>>) target(%arg9 : memref<100x128xf32, #tpu.memory_space<vmem>>) offsets(%dma_start3A_217 : memref<100xi32, #tpu.memory_space<vmem>>) semaphore(%arg13 : memref<!tpu.dma_semaphore, #tpu.memory_space<semaphore_mem>>)
      } else {
      }
      %dma_wait3A_200 = arith.constant 0 : i32
      %dma_wait3A_201 = tpu.memref_slice %arg6[%add3A_176, %dma_wait3A_200] : memref<25x100xi32, #tpu.memory_space<vmem>> -> memref<1x100xi32, #tpu.memory_space<vmem>>
      %dma_wait3A_202 = tpu.memref_squeeze %dma_wait3A_201 : memref<1x100xi32, #tpu.memory_space<vmem>> -> memref<100xi32, #tpu.memory_space<vmem>>
      %dma_wait3A_203 = arith.constant 0 : i32
      %dma_wait3A_204 = arith.constant 0 : i32
      %dma_wait3A_205 = tpu.memref_slice %arg2[%dma_wait3A_203, %dma_wait3A_204] : memref<10000x128xf32, #tpu.memory_space<hbm>> -> memref<10000x128xf32, #tpu.memory_space<hbm>>
      tpu.wait_indirect_dma semaphore(%arg14 : memref<!tpu.dma_semaphore, #tpu.memory_space<semaphore_mem>>) src(%dma_wait3A_205 : memref<10000x128xf32, #tpu.memory_space<hbm>>) dst(%arg10 : memref<100x128xf32, #tpu.memory_space<vmem>>)
      "tpu.region"() ({
        %run_scoped3A_213 = tpu.sem_alloc : memref<!tpu.dma_semaphore, #tpu.memory_space<semaphore_mem>>
        %dma_start3A_214 = arith.constant 0 : i32
        %dma_start3A_215 = tpu.memref_slice %arg7[%add3A_176, %dma_start3A_214] : memref<25x100xi32, #tpu.memory_space<vmem>> -> memref<1x100xi32, #tpu.memory_space<vmem>>
        %dma_start3A_216 = tpu.memref_squeeze %dma_start3A_215 : memref<1x100xi32, #tpu.memory_space<vmem>> -> memref<100xi32, #tpu.memory_space<vmem>>
        %dma_start3A_217 = arith.constant 0 : i32
        %dma_start3A_218 = arith.constant 0 : i32
        %dma_start3A_219 = tpu.memref_slice %arg11[%dma_start3A_217, %dma_start3A_218] : memref<10240x128xf32, #tpu.memory_space<vmem_shared>> -> memref<10240x128xf32, #tpu.memory_space<vmem_shared>>
        tpu.enqueue_indirect_dma source(%arg10 : memref<100x128xf32, #tpu.memory_space<vmem>>) target(%dma_start3A_219 : memref<10240x128xf32, #tpu.memory_space<vmem_shared>>) offsets(%dma_start3A_216 : memref<100xi32, #tpu.memory_space<vmem>>) semaphore(%run_scoped3A_213 : memref<!tpu.dma_semaphore, #tpu.memory_space<semaphore_mem>>) {add = true}
        %dma_wait3A_220 = arith.constant 0 : i32
        %dma_wait3A_221 = tpu.memref_slice %arg7[%add3A_176, %dma_wait3A_220] : memref<25x100xi32, #tpu.memory_space<vmem>> -> memref<1x100xi32, #tpu.memory_space<vmem>>
        %dma_wait3A_222 = tpu.memref_squeeze %dma_wait3A_221 : memref<1x100xi32, #tpu.memory_space<vmem>> -> memref<100xi32, #tpu.memory_space<vmem>>
        %dma_wait3A_223 = arith.constant 0 : i32
        %dma_wait3A_224 = arith.constant 0 : i32
        %dma_wait3A_225 = tpu.memref_slice %arg11[%dma_wait3A_223, %dma_wait3A_224] : memref<10240x128xf32, #tpu.memory_space<vmem_shared>> -> memref<10240x128xf32, #tpu.memory_space<vmem_shared>>
        tpu.wait_indirect_dma semaphore(%run_scoped3A_213 : memref<!tpu.dma_semaphore, #tpu.memory_space<semaphore_mem>>) src(%arg10 : memref<100x128xf32, #tpu.memory_space<vmem>>) dst(%dma_wait3A_225 : memref<10240x128xf32, #tpu.memory_space<vmem_shared>>)
        tpu.yield
      }) : () -> ()
      %add3A_206 = arith.constant 3 : i32
      %add3A_207 = arith.addi %add3A_176, %add3A_206 : i32
      %lt3A_208 = arith.constant 25 : i32
      %lt3A_209 = arith.cmpi slt, %add3A_207, %lt3A_208 : i32
      %convert_element_type3A_210 = arith.extui %lt3A_209 : i1 to i32
      %cond3A_211 = arith.constant 0 : i32
      %cond3A_212 = arith.cmpi ne, %convert_element_type3A_210, %cond3A_211 : i32
      scf.if %cond3A_212 {
        %add3A_213 = arith.constant 3 : i32
        %add3A_214 = arith.addi %add3A_176, %add3A_213 : i32
        %dma_start3A_215 = arith.constant 0 : i32
        %dma_start3A_216 = tpu.memref_slice %arg6[%add3A_214, %dma_start3A_215] : memref<25x100xi32, #tpu.memory_space<vmem>> -> memref<1x100xi32, #tpu.memory_space<vmem>>
        %dma_start3A_217 = tpu.memref_squeeze %dma_start3A_216 : memref<1x100xi32, #tpu.memory_space<vmem>> -> memref<100xi32, #tpu.memory_space<vmem>>
        %dma_start3A_218 = arith.constant 0 : i32
        %dma_start3A_219 = arith.constant 0 : i32
        %dma_start3A_220 = tpu.memref_slice %arg2[%dma_start3A_218, %dma_start3A_219] : memref<10000x128xf32, #tpu.memory_space<hbm>> -> memref<10000x128xf32, #tpu.memory_space<hbm>>
        tpu.enqueue_indirect_dma source(%dma_start3A_220 : memref<10000x128xf32, #tpu.memory_space<hbm>>) target(%arg10 : memref<100x128xf32, #tpu.memory_space<vmem>>) offsets(%dma_start3A_217 : memref<100xi32, #tpu.memory_space<vmem>>) semaphore(%arg14 : memref<!tpu.dma_semaphore, #tpu.memory_space<semaphore_mem>>)
      } else {
      }
    }
    %scan3A_86 = arith.constant 8 : i32
    %dma_wait3A_87 = arith.constant 24 : i32
    %dma_wait3A_88 = arith.constant 0 : i32
    %dma_wait3A_89 = tpu.memref_slice %arg6[%dma_wait3A_87, %dma_wait3A_88] : memref<25x100xi32, #tpu.memory_space<vmem>> -> memref<1x100xi32, #tpu.memory_space<vmem>>
    %dma_wait3A_90 = tpu.memref_squeeze %dma_wait3A_89 : memref<1x100xi32, #tpu.memory_space<vmem>> -> memref<100xi32, #tpu.memory_space<vmem>>
    %dma_wait3A_91 = arith.constant 0 : i32
    %dma_wait3A_92 = arith.constant 0 : i32
    %dma_wait3A_93 = tpu.memref_slice %arg2[%dma_wait3A_91, %dma_wait3A_92] : memref<10000x128xf32, #tpu.memory_space<hbm>> -> memref<10000x128xf32, #tpu.memory_space<hbm>>
    tpu.wait_indirect_dma semaphore(%arg12 : memref<!tpu.dma_semaphore, #tpu.memory_space<semaphore_mem>>) src(%dma_wait3A_93 : memref<10000x128xf32, #tpu.memory_space<hbm>>) dst(%arg8 : memref<100x128xf32, #tpu.memory_space<vmem>>)
    %run_scoped3A_94 = arith.constant 24 : i32
    "tpu.region"() ({
      %run_scoped3A_170 = tpu.sem_alloc : memref<!tpu.dma_semaphore, #tpu.memory_space<semaphore_mem>>
      %dma_start3A_171 = arith.constant 0 : i32
      %dma_start3A_172 = tpu.memref_slice %arg7[%run_scoped3A_94, %dma_start3A_171] : memref<25x100xi32, #tpu.memory_space<vmem>> -> memref<1x100xi32, #tpu.memory_space<vmem>>
      %dma_start3A_173 = tpu.memref_squeeze %dma_start3A_172 : memref<1x100xi32, #tpu.memory_space<vmem>> -> memref<100xi32, #tpu.memory_space<vmem>>
      %dma_start3A_174 = arith.constant 0 : i32
      %dma_start3A_175 = arith.constant 0 : i32
      %dma_start3A_176 = tpu.memref_slice %arg11[%dma_start3A_174, %dma_start3A_175] : memref<10240x128xf32, #tpu.memory_space<vmem_shared>> -> memref<10240x128xf32, #tpu.memory_space<vmem_shared>>
      tpu.enqueue_indirect_dma source(%arg8 : memref<100x128xf32, #tpu.memory_space<vmem>>) target(%dma_start3A_176 : memref<10240x128xf32, #tpu.memory_space<vmem_shared>>) offsets(%dma_start3A_173 : memref<100xi32, #tpu.memory_space<vmem>>) semaphore(%run_scoped3A_170 : memref<!tpu.dma_semaphore, #tpu.memory_space<semaphore_mem>>) {add = true}
      %dma_wait3A_177 = arith.constant 0 : i32
      %dma_wait3A_178 = tpu.memref_slice %arg7[%run_scoped3A_94, %dma_wait3A_177] : memref<25x100xi32, #tpu.memory_space<vmem>> -> memref<1x100xi32, #tpu.memory_space<vmem>>
      %dma_wait3A_179 = tpu.memref_squeeze %dma_wait3A_178 : memref<1x100xi32, #tpu.memory_space<vmem>> -> memref<100xi32, #tpu.memory_space<vmem>>
      %dma_wait3A_180 = arith.constant 0 : i32
      %dma_wait3A_181 = arith.constant 0 : i32
      %dma_wait3A_182 = tpu.memref_slice %arg11[%dma_wait3A_180, %dma_wait3A_181] : memref<10240x128xf32, #tpu.memory_space<vmem_shared>> -> memref<10240x128xf32, #tpu.memory_space<vmem_shared>>
      tpu.wait_indirect_dma semaphore(%run_scoped3A_170 : memref<!tpu.dma_semaphore, #tpu.memory_space<semaphore_mem>>) src(%arg8 : memref<100x128xf32, #tpu.memory_space<vmem>>) dst(%dma_wait3A_182 : memref<10240x128xf32, #tpu.memory_space<vmem_shared>>)
      tpu.yield
    }) : () -> ()
    %run_scoped3A_95 = arith.constant 2 : i32
    "tpu.region"() ({
      %run_scoped3A_170 = tpu.sem_alloc : memref<!tpu.dma_semaphore, #tpu.memory_space<semaphore_mem>>
      %dma_start3A_171 = arith.constant 0 : i32
      %dma_start3A_172 = arith.constant 0 : i32
      %dma_start3A_173 = tpu.memref_slice %arg3[%add3A, %run_scoped3A_95, %dma_start3A_171, %dma_start3A_172] : memref<32x4x25x100xi32, #tpu.memory_space<hbm>> -> memref<1x1x25x100xi32, #tpu.memory_space<hbm>>
      %dma_start3A_174 = tpu.memref_squeeze %dma_start3A_173 : memref<1x1x25x100xi32, #tpu.memory_space<hbm>> -> memref<25x100xi32, #tpu.memory_space<hbm>>
      %dma_start3A_175 = arith.constant 0 : i32
      %dma_start3A_176 = arith.constant 0 : i32
      %dma_start3A_177 = tpu.memref_slice %arg3[%add3A, %run_scoped3A_95, %dma_start3A_175, %dma_start3A_176] : memref<32x4x25x100xi32, #tpu.memory_space<hbm>> -> memref<1x1x25x100xi32, #tpu.memory_space<hbm>>
      %dma_start3A_178 = tpu.memref_squeeze %dma_start3A_177 : memref<1x1x25x100xi32, #tpu.memory_space<hbm>> -> memref<25x100xi32, #tpu.memory_space<hbm>>
      tpu.enqueue_dma source(%dma_start3A_178 : memref<25x100xi32, #tpu.memory_space<hbm>>) target(%arg6 : memref<25x100xi32, #tpu.memory_space<vmem>>) target_semaphore(%run_scoped3A_170 : memref<!tpu.dma_semaphore, #tpu.memory_space<semaphore_mem>>)
      %dma_wait3A_179 = arith.constant 0 : i32
      %dma_wait3A_180 = arith.constant 0 : i32
      %dma_wait3A_181 = tpu.memref_slice %arg3[%add3A, %run_scoped3A_95, %dma_wait3A_179, %dma_wait3A_180] : memref<32x4x25x100xi32, #tpu.memory_space<hbm>> -> memref<1x1x25x100xi32, #tpu.memory_space<hbm>>
      %dma_wait3A_182 = tpu.memref_squeeze %dma_wait3A_181 : memref<1x1x25x100xi32, #tpu.memory_space<hbm>> -> memref<25x100xi32, #tpu.memory_space<hbm>>
      %dma_wait3A_183 = arith.constant 0 : i32
      %dma_wait3A_184 = arith.constant 0 : i32
      %dma_wait3A_185 = tpu.memref_slice %arg3[%add3A, %run_scoped3A_95, %dma_wait3A_183, %dma_wait3A_184] : memref<32x4x25x100xi32, #tpu.memory_space<hbm>> -> memref<1x1x25x100xi32, #tpu.memory_space<hbm>>
      %dma_wait3A_186 = tpu.memref_squeeze %dma_wait3A_185 : memref<1x1x25x100xi32, #tpu.memory_space<hbm>> -> memref<25x100xi32, #tpu.memory_space<hbm>>
      tpu.wait_dma2 semaphore(%run_scoped3A_170 : memref<!tpu.dma_semaphore, #tpu.memory_space<semaphore_mem>>) src(%dma_wait3A_186 : memref<25x100xi32, #tpu.memory_space<hbm>>) dst(%arg6 : memref<25x100xi32, #tpu.memory_space<vmem>>)
      tpu.yield
    }) : () -> ()
    %run_scoped3A_96 = arith.constant 2 : i32
    "tpu.region"() ({
      %run_scoped3A_170 = tpu.sem_alloc : memref<!tpu.dma_semaphore, #tpu.memory_space<semaphore_mem>>
      %dma_start3A_171 = arith.constant 0 : i32
      %dma_start3A_172 = arith.constant 0 : i32
      %dma_start3A_173 = tpu.memref_slice %arg4[%add3A, %run_scoped3A_96, %dma_start3A_171, %dma_start3A_172] : memref<32x4x25x100xi32, #tpu.memory_space<hbm>> -> memref<1x1x25x100xi32, #tpu.memory_space<hbm>>
      %dma_start3A_174 = tpu.memref_squeeze %dma_start3A_173 : memref<1x1x25x100xi32, #tpu.memory_space<hbm>> -> memref<25x100xi32, #tpu.memory_space<hbm>>
      %dma_start3A_175 = arith.constant 0 : i32
      %dma_start3A_176 = arith.constant 0 : i32
      %dma_start3A_177 = tpu.memref_slice %arg4[%add3A, %run_scoped3A_96, %dma_start3A_175, %dma_start3A_176] : memref<32x4x25x100xi32, #tpu.memory_space<hbm>> -> memref<1x1x25x100xi32, #tpu.memory_space<hbm>>
      %dma_start3A_178 = tpu.memref_squeeze %dma_start3A_177 : memref<1x1x25x100xi32, #tpu.memory_space<hbm>> -> memref<25x100xi32, #tpu.memory_space<hbm>>
      tpu.enqueue_dma source(%dma_start3A_178 : memref<25x100xi32, #tpu.memory_space<hbm>>) target(%arg7 : memref<25x100xi32, #tpu.memory_space<vmem>>) target_semaphore(%run_scoped3A_170 : memref<!tpu.dma_semaphore, #tpu.memory_space<semaphore_mem>>)
      %dma_wait3A_179 = arith.constant 0 : i32
      %dma_wait3A_180 = arith.constant 0 : i32
      %dma_wait3A_181 = tpu.memref_slice %arg4[%add3A, %run_scoped3A_96, %dma_wait3A_179, %dma_wait3A_180] : memref<32x4x25x100xi32, #tpu.memory_space<hbm>> -> memref<1x1x25x100xi32, #tpu.memory_space<hbm>>
      %dma_wait3A_182 = tpu.memref_squeeze %dma_wait3A_181 : memref<1x1x25x100xi32, #tpu.memory_space<hbm>> -> memref<25x100xi32, #tpu.memory_space<hbm>>
      %dma_wait3A_183 = arith.constant 0 : i32
      %dma_wait3A_184 = arith.constant 0 : i32
      %dma_wait3A_185 = tpu.memref_slice %arg4[%add3A, %run_scoped3A_96, %dma_wait3A_183, %dma_wait3A_184] : memref<32x4x25x100xi32, #tpu.memory_space<hbm>> -> memref<1x1x25x100xi32, #tpu.memory_space<hbm>>
      %dma_wait3A_186 = tpu.memref_squeeze %dma_wait3A_185 : memref<1x1x25x100xi32, #tpu.memory_space<hbm>> -> memref<25x100xi32, #tpu.memory_space<hbm>>
      tpu.wait_dma2 semaphore(%run_scoped3A_170 : memref<!tpu.dma_semaphore, #tpu.memory_space<semaphore_mem>>) src(%dma_wait3A_186 : memref<25x100xi32, #tpu.memory_space<hbm>>) dst(%arg7 : memref<25x100xi32, #tpu.memory_space<vmem>>)
      tpu.yield
    }) : () -> ()
    %dma_start3A_97 = arith.constant 0 : i32
    %dma_start3A_98 = arith.constant 0 : i32
    %dma_start3A_99 = tpu.memref_slice %arg6[%dma_start3A_97, %dma_start3A_98] : memref<25x100xi32, #tpu.memory_space<vmem>> -> memref<1x100xi32, #tpu.memory_space<vmem>>
    %dma_start3A_100 = tpu.memref_squeeze %dma_start3A_99 : memref<1x100xi32, #tpu.memory_space<vmem>> -> memref<100xi32, #tpu.memory_space<vmem>>
    %dma_start3A_101 = arith.constant 0 : i32
    %dma_start3A_102 = arith.constant 0 : i32
    %dma_start3A_103 = tpu.memref_slice %arg2[%dma_start3A_101, %dma_start3A_102] : memref<10000x128xf32, #tpu.memory_space<hbm>> -> memref<10000x128xf32, #tpu.memory_space<hbm>>
    tpu.enqueue_indirect_dma source(%dma_start3A_103 : memref<10000x128xf32, #tpu.memory_space<hbm>>) target(%arg8 : memref<100x128xf32, #tpu.memory_space<vmem>>) offsets(%dma_start3A_100 : memref<100xi32, #tpu.memory_space<vmem>>) semaphore(%arg12 : memref<!tpu.dma_semaphore, #tpu.memory_space<semaphore_mem>>)
    %dma_start3A_104 = arith.constant 1 : i32
    %dma_start3A_105 = arith.constant 0 : i32
    %dma_start3A_106 = tpu.memref_slice %arg6[%dma_start3A_104, %dma_start3A_105] : memref<25x100xi32, #tpu.memory_space<vmem>> -> memref<1x100xi32, #tpu.memory_space<vmem>>
    %dma_start3A_107 = tpu.memref_squeeze %dma_start3A_106 : memref<1x100xi32, #tpu.memory_space<vmem>> -> memref<100xi32, #tpu.memory_space<vmem>>
    %dma_start3A_108 = arith.constant 0 : i32
    %dma_start3A_109 = arith.constant 0 : i32
    %dma_start3A_110 = tpu.memref_slice %arg2[%dma_start3A_108, %dma_start3A_109] : memref<10000x128xf32, #tpu.memory_space<hbm>> -> memref<10000x128xf32, #tpu.memory_space<hbm>>
    tpu.enqueue_indirect_dma source(%dma_start3A_110 : memref<10000x128xf32, #tpu.memory_space<hbm>>) target(%arg9 : memref<100x128xf32, #tpu.memory_space<vmem>>) offsets(%dma_start3A_107 : memref<100xi32, #tpu.memory_space<vmem>>) semaphore(%arg13 : memref<!tpu.dma_semaphore, #tpu.memory_space<semaphore_mem>>)
    %dma_start3A_111 = arith.constant 2 : i32
    %dma_start3A_112 = arith.constant 0 : i32
    %dma_start3A_113 = tpu.memref_slice %arg6[%dma_start3A_111, %dma_start3A_112] : memref<25x100xi32, #tpu.memory_space<vmem>> -> memref<1x100xi32, #tpu.memory_space<vmem>>
    %dma_start3A_114 = tpu.memref_squeeze %dma_start3A_113 : memref<1x100xi32, #tpu.memory_space<vmem>> -> memref<100xi32, #tpu.memory_space<vmem>>
    %dma_start3A_115 = arith.constant 0 : i32
    %dma_start3A_116 = arith.constant 0 : i32
    %dma_start3A_117 = tpu.memref_slice %arg2[%dma_start3A_115, %dma_start3A_116] : memref<10000x128xf32, #tpu.memory_space<hbm>> -> memref<10000x128xf32, #tpu.memory_space<hbm>>
    tpu.enqueue_indirect_dma source(%dma_start3A_117 : memref<10000x128xf32, #tpu.memory_space<hbm>>) target(%arg10 : memref<100x128xf32, #tpu.memory_space<vmem>>) offsets(%dma_start3A_114 : memref<100xi32, #tpu.memory_space<vmem>>) semaphore(%arg14 : memref<!tpu.dma_semaphore, #tpu.memory_space<semaphore_mem>>)
    %scan3A_118 = arith.constant 0 : i32
    %scan3A_119 = arith.constant 0 : i32
    %scan3A_120 = arith.constant 8 : i32
    %scan3A_121 = arith.addi %scan3A_119, %scan3A_120 : i32
    %scan3A_122 = arith.constant 1 : i32
    scf.for %scan3A_170 = %scan3A_119 to %scan3A_121 step %scan3A_122  : i32 {
      %mul3A_171 = arith.constant 3 : i32
      %mul3A_172 = arith.muli %scan3A_170, %mul3A_171 : i32
      %add3A_173 = arith.constant 1 : i32
      %add3A_174 = arith.addi %mul3A_172, %add3A_173 : i32
      %add3A_175 = arith.constant 2 : i32
      %add3A_176 = arith.addi %mul3A_172, %add3A_175 : i32
      %dma_wait3A_177 = arith.constant 0 : i32
      %dma_wait3A_178 = tpu.memref_slice %arg6[%mul3A_172, %dma_wait3A_177] : memref<25x100xi32, #tpu.memory_space<vmem>> -> memref<1x100xi32, #tpu.memory_space<vmem>>
      %dma_wait3A_179 = tpu.memref_squeeze %dma_wait3A_178 : memref<1x100xi32, #tpu.memory_space<vmem>> -> memref<100xi32, #tpu.memory_space<vmem>>
      %dma_wait3A_180 = arith.constant 0 : i32
      %dma_wait3A_181 = arith.constant 0 : i32
      %dma_wait3A_182 = tpu.memref_slice %arg2[%dma_wait3A_180, %dma_wait3A_181] : memref<10000x128xf32, #tpu.memory_space<hbm>> -> memref<10000x128xf32, #tpu.memory_space<hbm>>
      tpu.wait_indirect_dma semaphore(%arg12 : memref<!tpu.dma_semaphore, #tpu.memory_space<semaphore_mem>>) src(%dma_wait3A_182 : memref<10000x128xf32, #tpu.memory_space<hbm>>) dst(%arg8 : memref<100x128xf32, #tpu.memory_space<vmem>>)
      "tpu.region"() ({
        %run_scoped3A_213 = tpu.sem_alloc : memref<!tpu.dma_semaphore, #tpu.memory_space<semaphore_mem>>
        %dma_start3A_214 = arith.constant 0 : i32
        %dma_start3A_215 = tpu.memref_slice %arg7[%mul3A_172, %dma_start3A_214] : memref<25x100xi32, #tpu.memory_space<vmem>> -> memref<1x100xi32, #tpu.memory_space<vmem>>
        %dma_start3A_216 = tpu.memref_squeeze %dma_start3A_215 : memref<1x100xi32, #tpu.memory_space<vmem>> -> memref<100xi32, #tpu.memory_space<vmem>>
        %dma_start3A_217 = arith.constant 0 : i32
        %dma_start3A_218 = arith.constant 0 : i32
        %dma_start3A_219 = tpu.memref_slice %arg11[%dma_start3A_217, %dma_start3A_218] : memref<10240x128xf32, #tpu.memory_space<vmem_shared>> -> memref<10240x128xf32, #tpu.memory_space<vmem_shared>>
        tpu.enqueue_indirect_dma source(%arg8 : memref<100x128xf32, #tpu.memory_space<vmem>>) target(%dma_start3A_219 : memref<10240x128xf32, #tpu.memory_space<vmem_shared>>) offsets(%dma_start3A_216 : memref<100xi32, #tpu.memory_space<vmem>>) semaphore(%run_scoped3A_213 : memref<!tpu.dma_semaphore, #tpu.memory_space<semaphore_mem>>) {add = true}
        %dma_wait3A_220 = arith.constant 0 : i32
        %dma_wait3A_221 = tpu.memref_slice %arg7[%mul3A_172, %dma_wait3A_220] : memref<25x100xi32, #tpu.memory_space<vmem>> -> memref<1x100xi32, #tpu.memory_space<vmem>>
        %dma_wait3A_222 = tpu.memref_squeeze %dma_wait3A_221 : memref<1x100xi32, #tpu.memory_space<vmem>> -> memref<100xi32, #tpu.memory_space<vmem>>
        %dma_wait3A_223 = arith.constant 0 : i32
        %dma_wait3A_224 = arith.constant 0 : i32
        %dma_wait3A_225 = tpu.memref_slice %arg11[%dma_wait3A_223, %dma_wait3A_224] : memref<10240x128xf32, #tpu.memory_space<vmem_shared>> -> memref<10240x128xf32, #tpu.memory_space<vmem_shared>>
        tpu.wait_indirect_dma semaphore(%run_scoped3A_213 : memref<!tpu.dma_semaphore, #tpu.memory_space<semaphore_mem>>) src(%arg8 : memref<100x128xf32, #tpu.memory_space<vmem>>) dst(%dma_wait3A_225 : memref<10240x128xf32, #tpu.memory_space<vmem_shared>>)
        tpu.yield
      }) : () -> ()
      %add3A_183 = arith.constant 3 : i32
      %add3A_184 = arith.addi %mul3A_172, %add3A_183 : i32
      %lt3A = arith.constant 25 : i32
      %lt3A_185 = arith.cmpi slt, %add3A_184, %lt3A : i32
      %convert_element_type3A = arith.extui %lt3A_185 : i1 to i32
      %cond3A = arith.constant 0 : i32
      %cond3A_186 = arith.cmpi ne, %convert_element_type3A, %cond3A : i32
      scf.if %cond3A_186 {
        %add3A_213 = arith.constant 3 : i32
        %add3A_214 = arith.addi %mul3A_172, %add3A_213 : i32
        %dma_start3A_215 = arith.constant 0 : i32
        %dma_start3A_216 = tpu.memref_slice %arg6[%add3A_214, %dma_start3A_215] : memref<25x100xi32, #tpu.memory_space<vmem>> -> memref<1x100xi32, #tpu.memory_space<vmem>>
        %dma_start3A_217 = tpu.memref_squeeze %dma_start3A_216 : memref<1x100xi32, #tpu.memory_space<vmem>> -> memref<100xi32, #tpu.memory_space<vmem>>
        %dma_start3A_218 = arith.constant 0 : i32
        %dma_start3A_219 = arith.constant 0 : i32
        %dma_start3A_220 = tpu.memref_slice %arg2[%dma_start3A_218, %dma_start3A_219] : memref<10000x128xf32, #tpu.memory_space<hbm>> -> memref<10000x128xf32, #tpu.memory_space<hbm>>
        tpu.enqueue_indirect_dma source(%dma_start3A_220 : memref<10000x128xf32, #tpu.memory_space<hbm>>) target(%arg8 : memref<100x128xf32, #tpu.memory_space<vmem>>) offsets(%dma_start3A_217 : memref<100xi32, #tpu.memory_space<vmem>>) semaphore(%arg12 : memref<!tpu.dma_semaphore, #tpu.memory_space<semaphore_mem>>)
      } else {
      }
      %dma_wait3A_187 = arith.constant 0 : i32
      %dma_wait3A_188 = tpu.memref_slice %arg6[%add3A_174, %dma_wait3A_187] : memref<25x100xi32, #tpu.memory_space<vmem>> -> memref<1x100xi32, #tpu.memory_space<vmem>>
      %dma_wait3A_189 = tpu.memref_squeeze %dma_wait3A_188 : memref<1x100xi32, #tpu.memory_space<vmem>> -> memref<100xi32, #tpu.memory_space<vmem>>
      %dma_wait3A_190 = arith.constant 0 : i32
      %dma_wait3A_191 = arith.constant 0 : i32
      %dma_wait3A_192 = tpu.memref_slice %arg2[%dma_wait3A_190, %dma_wait3A_191] : memref<10000x128xf32, #tpu.memory_space<hbm>> -> memref<10000x128xf32, #tpu.memory_space<hbm>>
      tpu.wait_indirect_dma semaphore(%arg13 : memref<!tpu.dma_semaphore, #tpu.memory_space<semaphore_mem>>) src(%dma_wait3A_192 : memref<10000x128xf32, #tpu.memory_space<hbm>>) dst(%arg9 : memref<100x128xf32, #tpu.memory_space<vmem>>)
      "tpu.region"() ({
        %run_scoped3A_213 = tpu.sem_alloc : memref<!tpu.dma_semaphore, #tpu.memory_space<semaphore_mem>>
        %dma_start3A_214 = arith.constant 0 : i32
        %dma_start3A_215 = tpu.memref_slice %arg7[%add3A_174, %dma_start3A_214] : memref<25x100xi32, #tpu.memory_space<vmem>> -> memref<1x100xi32, #tpu.memory_space<vmem>>
        %dma_start3A_216 = tpu.memref_squeeze %dma_start3A_215 : memref<1x100xi32, #tpu.memory_space<vmem>> -> memref<100xi32, #tpu.memory_space<vmem>>
        %dma_start3A_217 = arith.constant 0 : i32
        %dma_start3A_218 = arith.constant 0 : i32
        %dma_start3A_219 = tpu.memref_slice %arg11[%dma_start3A_217, %dma_start3A_218] : memref<10240x128xf32, #tpu.memory_space<vmem_shared>> -> memref<10240x128xf32, #tpu.memory_space<vmem_shared>>
        tpu.enqueue_indirect_dma source(%arg9 : memref<100x128xf32, #tpu.memory_space<vmem>>) target(%dma_start3A_219 : memref<10240x128xf32, #tpu.memory_space<vmem_shared>>) offsets(%dma_start3A_216 : memref<100xi32, #tpu.memory_space<vmem>>) semaphore(%run_scoped3A_213 : memref<!tpu.dma_semaphore, #tpu.memory_space<semaphore_mem>>) {add = true}
        %dma_wait3A_220 = arith.constant 0 : i32
        %dma_wait3A_221 = tpu.memref_slice %arg7[%add3A_174, %dma_wait3A_220] : memref<25x100xi32, #tpu.memory_space<vmem>> -> memref<1x100xi32, #tpu.memory_space<vmem>>
        %dma_wait3A_222 = tpu.memref_squeeze %dma_wait3A_221 : memref<1x100xi32, #tpu.memory_space<vmem>> -> memref<100xi32, #tpu.memory_space<vmem>>
        %dma_wait3A_223 = arith.constant 0 : i32
        %dma_wait3A_224 = arith.constant 0 : i32
        %dma_wait3A_225 = tpu.memref_slice %arg11[%dma_wait3A_223, %dma_wait3A_224] : memref<10240x128xf32, #tpu.memory_space<vmem_shared>> -> memref<10240x128xf32, #tpu.memory_space<vmem_shared>>
        tpu.wait_indirect_dma semaphore(%run_scoped3A_213 : memref<!tpu.dma_semaphore, #tpu.memory_space<semaphore_mem>>) src(%arg9 : memref<100x128xf32, #tpu.memory_space<vmem>>) dst(%dma_wait3A_225 : memref<10240x128xf32, #tpu.memory_space<vmem_shared>>)
        tpu.yield
      }) : () -> ()
      %add3A_193 = arith.constant 3 : i32
      %add3A_194 = arith.addi %add3A_174, %add3A_193 : i32
      %lt3A_195 = arith.constant 25 : i32
      %lt3A_196 = arith.cmpi slt, %add3A_194, %lt3A_195 : i32
      %convert_element_type3A_197 = arith.extui %lt3A_196 : i1 to i32
      %cond3A_198 = arith.constant 0 : i32
      %cond3A_199 = arith.cmpi ne, %convert_element_type3A_197, %cond3A_198 : i32
      scf.if %cond3A_199 {
        %add3A_213 = arith.constant 3 : i32
        %add3A_214 = arith.addi %add3A_174, %add3A_213 : i32
        %dma_start3A_215 = arith.constant 0 : i32
        %dma_start3A_216 = tpu.memref_slice %arg6[%add3A_214, %dma_start3A_215] : memref<25x100xi32, #tpu.memory_space<vmem>> -> memref<1x100xi32, #tpu.memory_space<vmem>>
        %dma_start3A_217 = tpu.memref_squeeze %dma_start3A_216 : memref<1x100xi32, #tpu.memory_space<vmem>> -> memref<100xi32, #tpu.memory_space<vmem>>
        %dma_start3A_218 = arith.constant 0 : i32
        %dma_start3A_219 = arith.constant 0 : i32
        %dma_start3A_220 = tpu.memref_slice %arg2[%dma_start3A_218, %dma_start3A_219] : memref<10000x128xf32, #tpu.memory_space<hbm>> -> memref<10000x128xf32, #tpu.memory_space<hbm>>
        tpu.enqueue_indirect_dma source(%dma_start3A_220 : memref<10000x128xf32, #tpu.memory_space<hbm>>) target(%arg9 : memref<100x128xf32, #tpu.memory_space<vmem>>) offsets(%dma_start3A_217 : memref<100xi32, #tpu.memory_space<vmem>>) semaphore(%arg13 : memref<!tpu.dma_semaphore, #tpu.memory_space<semaphore_mem>>)
      } else {
      }
      %dma_wait3A_200 = arith.constant 0 : i32
      %dma_wait3A_201 = tpu.memref_slice %arg6[%add3A_176, %dma_wait3A_200] : memref<25x100xi32, #tpu.memory_space<vmem>> -> memref<1x100xi32, #tpu.memory_space<vmem>>
      %dma_wait3A_202 = tpu.memref_squeeze %dma_wait3A_201 : memref<1x100xi32, #tpu.memory_space<vmem>> -> memref<100xi32, #tpu.memory_space<vmem>>
      %dma_wait3A_203 = arith.constant 0 : i32
      %dma_wait3A_204 = arith.constant 0 : i32
      %dma_wait3A_205 = tpu.memref_slice %arg2[%dma_wait3A_203, %dma_wait3A_204] : memref<10000x128xf32, #tpu.memory_space<hbm>> -> memref<10000x128xf32, #tpu.memory_space<hbm>>
      tpu.wait_indirect_dma semaphore(%arg14 : memref<!tpu.dma_semaphore, #tpu.memory_space<semaphore_mem>>) src(%dma_wait3A_205 : memref<10000x128xf32, #tpu.memory_space<hbm>>) dst(%arg10 : memref<100x128xf32, #tpu.memory_space<vmem>>)
      "tpu.region"() ({
        %run_scoped3A_213 = tpu.sem_alloc : memref<!tpu.dma_semaphore, #tpu.memory_space<semaphore_mem>>
        %dma_start3A_214 = arith.constant 0 : i32
        %dma_start3A_215 = tpu.memref_slice %arg7[%add3A_176, %dma_start3A_214] : memref<25x100xi32, #tpu.memory_space<vmem>> -> memref<1x100xi32, #tpu.memory_space<vmem>>
        %dma_start3A_216 = tpu.memref_squeeze %dma_start3A_215 : memref<1x100xi32, #tpu.memory_space<vmem>> -> memref<100xi32, #tpu.memory_space<vmem>>
        %dma_start3A_217 = arith.constant 0 : i32
        %dma_start3A_218 = arith.constant 0 : i32
        %dma_start3A_219 = tpu.memref_slice %arg11[%dma_start3A_217, %dma_start3A_218] : memref<10240x128xf32, #tpu.memory_space<vmem_shared>> -> memref<10240x128xf32, #tpu.memory_space<vmem_shared>>
        tpu.enqueue_indirect_dma source(%arg10 : memref<100x128xf32, #tpu.memory_space<vmem>>) target(%dma_start3A_219 : memref<10240x128xf32, #tpu.memory_space<vmem_shared>>) offsets(%dma_start3A_216 : memref<100xi32, #tpu.memory_space<vmem>>) semaphore(%run_scoped3A_213 : memref<!tpu.dma_semaphore, #tpu.memory_space<semaphore_mem>>) {add = true}
        %dma_wait3A_220 = arith.constant 0 : i32
        %dma_wait3A_221 = tpu.memref_slice %arg7[%add3A_176, %dma_wait3A_220] : memref<25x100xi32, #tpu.memory_space<vmem>> -> memref<1x100xi32, #tpu.memory_space<vmem>>
        %dma_wait3A_222 = tpu.memref_squeeze %dma_wait3A_221 : memref<1x100xi32, #tpu.memory_space<vmem>> -> memref<100xi32, #tpu.memory_space<vmem>>
        %dma_wait3A_223 = arith.constant 0 : i32
        %dma_wait3A_224 = arith.constant 0 : i32
        %dma_wait3A_225 = tpu.memref_slice %arg11[%dma_wait3A_223, %dma_wait3A_224] : memref<10240x128xf32, #tpu.memory_space<vmem_shared>> -> memref<10240x128xf32, #tpu.memory_space<vmem_shared>>
        tpu.wait_indirect_dma semaphore(%run_scoped3A_213 : memref<!tpu.dma_semaphore, #tpu.memory_space<semaphore_mem>>) src(%arg10 : memref<100x128xf32, #tpu.memory_space<vmem>>) dst(%dma_wait3A_225 : memref<10240x128xf32, #tpu.memory_space<vmem_shared>>)
        tpu.yield
      }) : () -> ()
      %add3A_206 = arith.constant 3 : i32
      %add3A_207 = arith.addi %add3A_176, %add3A_206 : i32
      %lt3A_208 = arith.constant 25 : i32
      %lt3A_209 = arith.cmpi slt, %add3A_207, %lt3A_208 : i32
      %convert_element_type3A_210 = arith.extui %lt3A_209 : i1 to i32
      %cond3A_211 = arith.constant 0 : i32
      %cond3A_212 = arith.cmpi ne, %convert_element_type3A_210, %cond3A_211 : i32
      scf.if %cond3A_212 {
        %add3A_213 = arith.constant 3 : i32
        %add3A_214 = arith.addi %add3A_176, %add3A_213 : i32
        %dma_start3A_215 = arith.constant 0 : i32
        %dma_start3A_216 = tpu.memref_slice %arg6[%add3A_214, %dma_start3A_215] : memref<25x100xi32, #tpu.memory_space<vmem>> -> memref<1x100xi32, #tpu.memory_space<vmem>>
        %dma_start3A_217 = tpu.memref_squeeze %dma_start3A_216 : memref<1x100xi32, #tpu.memory_space<vmem>> -> memref<100xi32, #tpu.memory_space<vmem>>
        %dma_start3A_218 = arith.constant 0 : i32
        %dma_start3A_219 = arith.constant 0 : i32
        %dma_start3A_220 = tpu.memref_slice %arg2[%dma_start3A_218, %dma_start3A_219] : memref<10000x128xf32, #tpu.memory_space<hbm>> -> memref<10000x128xf32, #tpu.memory_space<hbm>>
        tpu.enqueue_indirect_dma source(%dma_start3A_220 : memref<10000x128xf32, #tpu.memory_space<hbm>>) target(%arg10 : memref<100x128xf32, #tpu.memory_space<vmem>>) offsets(%dma_start3A_217 : memref<100xi32, #tpu.memory_space<vmem>>) semaphore(%arg14 : memref<!tpu.dma_semaphore, #tpu.memory_space<semaphore_mem>>)
      } else {
      }
    }
    %scan3A_123 = arith.constant 8 : i32
    %dma_wait3A_124 = arith.constant 24 : i32
    %dma_wait3A_125 = arith.constant 0 : i32
    %dma_wait3A_126 = tpu.memref_slice %arg6[%dma_wait3A_124, %dma_wait3A_125] : memref<25x100xi32, #tpu.memory_space<vmem>> -> memref<1x100xi32, #tpu.memory_space<vmem>>
    %dma_wait3A_127 = tpu.memref_squeeze %dma_wait3A_126 : memref<1x100xi32, #tpu.memory_space<vmem>> -> memref<100xi32, #tpu.memory_space<vmem>>
    %dma_wait3A_128 = arith.constant 0 : i32
    %dma_wait3A_129 = arith.constant 0 : i32
    %dma_wait3A_130 = tpu.memref_slice %arg2[%dma_wait3A_128, %dma_wait3A_129] : memref<10000x128xf32, #tpu.memory_space<hbm>> -> memref<10000x128xf32, #tpu.memory_space<hbm>>
    tpu.wait_indirect_dma semaphore(%arg12 : memref<!tpu.dma_semaphore, #tpu.memory_space<semaphore_mem>>) src(%dma_wait3A_130 : memref<10000x128xf32, #tpu.memory_space<hbm>>) dst(%arg8 : memref<100x128xf32, #tpu.memory_space<vmem>>)
    %run_scoped3A_131 = arith.constant 24 : i32
    "tpu.region"() ({
      %run_scoped3A_170 = tpu.sem_alloc : memref<!tpu.dma_semaphore, #tpu.memory_space<semaphore_mem>>
      %dma_start3A_171 = arith.constant 0 : i32
      %dma_start3A_172 = tpu.memref_slice %arg7[%run_scoped3A_131, %dma_start3A_171] : memref<25x100xi32, #tpu.memory_space<vmem>> -> memref<1x100xi32, #tpu.memory_space<vmem>>
      %dma_start3A_173 = tpu.memref_squeeze %dma_start3A_172 : memref<1x100xi32, #tpu.memory_space<vmem>> -> memref<100xi32, #tpu.memory_space<vmem>>
      %dma_start3A_174 = arith.constant 0 : i32
      %dma_start3A_175 = arith.constant 0 : i32
      %dma_start3A_176 = tpu.memref_slice %arg11[%dma_start3A_174, %dma_start3A_175] : memref<10240x128xf32, #tpu.memory_space<vmem_shared>> -> memref<10240x128xf32, #tpu.memory_space<vmem_shared>>
      tpu.enqueue_indirect_dma source(%arg8 : memref<100x128xf32, #tpu.memory_space<vmem>>) target(%dma_start3A_176 : memref<10240x128xf32, #tpu.memory_space<vmem_shared>>) offsets(%dma_start3A_173 : memref<100xi32, #tpu.memory_space<vmem>>) semaphore(%run_scoped3A_170 : memref<!tpu.dma_semaphore, #tpu.memory_space<semaphore_mem>>) {add = true}
      %dma_wait3A_177 = arith.constant 0 : i32
      %dma_wait3A_178 = tpu.memref_slice %arg7[%run_scoped3A_131, %dma_wait3A_177] : memref<25x100xi32, #tpu.memory_space<vmem>> -> memref<1x100xi32, #tpu.memory_space<vmem>>
      %dma_wait3A_179 = tpu.memref_squeeze %dma_wait3A_178 : memref<1x100xi32, #tpu.memory_space<vmem>> -> memref<100xi32, #tpu.memory_space<vmem>>
      %dma_wait3A_180 = arith.constant 0 : i32
      %dma_wait3A_181 = arith.constant 0 : i32
      %dma_wait3A_182 = tpu.memref_slice %arg11[%dma_wait3A_180, %dma_wait3A_181] : memref<10240x128xf32, #tpu.memory_space<vmem_shared>> -> memref<10240x128xf32, #tpu.memory_space<vmem_shared>>
      tpu.wait_indirect_dma semaphore(%run_scoped3A_170 : memref<!tpu.dma_semaphore, #tpu.memory_space<semaphore_mem>>) src(%arg8 : memref<100x128xf32, #tpu.memory_space<vmem>>) dst(%dma_wait3A_182 : memref<10240x128xf32, #tpu.memory_space<vmem_shared>>)
      tpu.yield
    }) : () -> ()
    %run_scoped3A_132 = arith.constant 3 : i32
    "tpu.region"() ({
      %run_scoped3A_170 = tpu.sem_alloc : memref<!tpu.dma_semaphore, #tpu.memory_space<semaphore_mem>>
      %dma_start3A_171 = arith.constant 0 : i32
      %dma_start3A_172 = arith.constant 0 : i32
      %dma_start3A_173 = tpu.memref_slice %arg3[%add3A, %run_scoped3A_132, %dma_start3A_171, %dma_start3A_172] : memref<32x4x25x100xi32, #tpu.memory_space<hbm>> -> memref<1x1x25x100xi32, #tpu.memory_space<hbm>>
      %dma_start3A_174 = tpu.memref_squeeze %dma_start3A_173 : memref<1x1x25x100xi32, #tpu.memory_space<hbm>> -> memref<25x100xi32, #tpu.memory_space<hbm>>
      %dma_start3A_175 = arith.constant 0 : i32
      %dma_start3A_176 = arith.constant 0 : i32
      %dma_start3A_177 = tpu.memref_slice %arg3[%add3A, %run_scoped3A_132, %dma_start3A_175, %dma_start3A_176] : memref<32x4x25x100xi32, #tpu.memory_space<hbm>> -> memref<1x1x25x100xi32, #tpu.memory_space<hbm>>
      %dma_start3A_178 = tpu.memref_squeeze %dma_start3A_177 : memref<1x1x25x100xi32, #tpu.memory_space<hbm>> -> memref<25x100xi32, #tpu.memory_space<hbm>>
      tpu.enqueue_dma source(%dma_start3A_178 : memref<25x100xi32, #tpu.memory_space<hbm>>) target(%arg6 : memref<25x100xi32, #tpu.memory_space<vmem>>) target_semaphore(%run_scoped3A_170 : memref<!tpu.dma_semaphore, #tpu.memory_space<semaphore_mem>>)
      %dma_wait3A_179 = arith.constant 0 : i32
      %dma_wait3A_180 = arith.constant 0 : i32
      %dma_wait3A_181 = tpu.memref_slice %arg3[%add3A, %run_scoped3A_132, %dma_wait3A_179, %dma_wait3A_180] : memref<32x4x25x100xi32, #tpu.memory_space<hbm>> -> memref<1x1x25x100xi32, #tpu.memory_space<hbm>>
      %dma_wait3A_182 = tpu.memref_squeeze %dma_wait3A_181 : memref<1x1x25x100xi32, #tpu.memory_space<hbm>> -> memref<25x100xi32, #tpu.memory_space<hbm>>
      %dma_wait3A_183 = arith.constant 0 : i32
      %dma_wait3A_184 = arith.constant 0 : i32
      %dma_wait3A_185 = tpu.memref_slice %arg3[%add3A, %run_scoped3A_132, %dma_wait3A_183, %dma_wait3A_184] : memref<32x4x25x100xi32, #tpu.memory_space<hbm>> -> memref<1x1x25x100xi32, #tpu.memory_space<hbm>>
      %dma_wait3A_186 = tpu.memref_squeeze %dma_wait3A_185 : memref<1x1x25x100xi32, #tpu.memory_space<hbm>> -> memref<25x100xi32, #tpu.memory_space<hbm>>
      tpu.wait_dma2 semaphore(%run_scoped3A_170 : memref<!tpu.dma_semaphore, #tpu.memory_space<semaphore_mem>>) src(%dma_wait3A_186 : memref<25x100xi32, #tpu.memory_space<hbm>>) dst(%arg6 : memref<25x100xi32, #tpu.memory_space<vmem>>)
      tpu.yield
    }) : () -> ()
    %run_scoped3A_133 = arith.constant 3 : i32
    "tpu.region"() ({
      %run_scoped3A_170 = tpu.sem_alloc : memref<!tpu.dma_semaphore, #tpu.memory_space<semaphore_mem>>
      %dma_start3A_171 = arith.constant 0 : i32
      %dma_start3A_172 = arith.constant 0 : i32
      %dma_start3A_173 = tpu.memref_slice %arg4[%add3A, %run_scoped3A_133, %dma_start3A_171, %dma_start3A_172] : memref<32x4x25x100xi32, #tpu.memory_space<hbm>> -> memref<1x1x25x100xi32, #tpu.memory_space<hbm>>
      %dma_start3A_174 = tpu.memref_squeeze %dma_start3A_173 : memref<1x1x25x100xi32, #tpu.memory_space<hbm>> -> memref<25x100xi32, #tpu.memory_space<hbm>>
      %dma_start3A_175 = arith.constant 0 : i32
      %dma_start3A_176 = arith.constant 0 : i32
      %dma_start3A_177 = tpu.memref_slice %arg4[%add3A, %run_scoped3A_133, %dma_start3A_175, %dma_start3A_176] : memref<32x4x25x100xi32, #tpu.memory_space<hbm>> -> memref<1x1x25x100xi32, #tpu.memory_space<hbm>>
      %dma_start3A_178 = tpu.memref_squeeze %dma_start3A_177 : memref<1x1x25x100xi32, #tpu.memory_space<hbm>> -> memref<25x100xi32, #tpu.memory_space<hbm>>
      tpu.enqueue_dma source(%dma_start3A_178 : memref<25x100xi32, #tpu.memory_space<hbm>>) target(%arg7 : memref<25x100xi32, #tpu.memory_space<vmem>>) target_semaphore(%run_scoped3A_170 : memref<!tpu.dma_semaphore, #tpu.memory_space<semaphore_mem>>)
      %dma_wait3A_179 = arith.constant 0 : i32
      %dma_wait3A_180 = arith.constant 0 : i32
      %dma_wait3A_181 = tpu.memref_slice %arg4[%add3A, %run_scoped3A_133, %dma_wait3A_179, %dma_wait3A_180] : memref<32x4x25x100xi32, #tpu.memory_space<hbm>> -> memref<1x1x25x100xi32, #tpu.memory_space<hbm>>
      %dma_wait3A_182 = tpu.memref_squeeze %dma_wait3A_181 : memref<1x1x25x100xi32, #tpu.memory_space<hbm>> -> memref<25x100xi32, #tpu.memory_space<hbm>>
      %dma_wait3A_183 = arith.constant 0 : i32
      %dma_wait3A_184 = arith.constant 0 : i32
      %dma_wait3A_185 = tpu.memref_slice %arg4[%add3A, %run_scoped3A_133, %dma_wait3A_183, %dma_wait3A_184] : memref<32x4x25x100xi32, #tpu.memory_space<hbm>> -> memref<1x1x25x100xi32, #tpu.memory_space<hbm>>
      %dma_wait3A_186 = tpu.memref_squeeze %dma_wait3A_185 : memref<1x1x25x100xi32, #tpu.memory_space<hbm>> -> memref<25x100xi32, #tpu.memory_space<hbm>>
      tpu.wait_dma2 semaphore(%run_scoped3A_170 : memref<!tpu.dma_semaphore, #tpu.memory_space<semaphore_mem>>) src(%dma_wait3A_186 : memref<25x100xi32, #tpu.memory_space<hbm>>) dst(%arg7 : memref<25x100xi32, #tpu.memory_space<vmem>>)
      tpu.yield
    }) : () -> ()
    %dma_start3A_134 = arith.constant 0 : i32
    %dma_start3A_135 = arith.constant 0 : i32
    %dma_start3A_136 = tpu.memref_slice %arg6[%dma_start3A_134, %dma_start3A_135] : memref<25x100xi32, #tpu.memory_space<vmem>> -> memref<1x100xi32, #tpu.memory_space<vmem>>
    %dma_start3A_137 = tpu.memref_squeeze %dma_start3A_136 : memref<1x100xi32, #tpu.memory_space<vmem>> -> memref<100xi32, #tpu.memory_space<vmem>>
    %dma_start3A_138 = arith.constant 0 : i32
    %dma_start3A_139 = arith.constant 0 : i32
    %dma_start3A_140 = tpu.memref_slice %arg2[%dma_start3A_138, %dma_start3A_139] : memref<10000x128xf32, #tpu.memory_space<hbm>> -> memref<10000x128xf32, #tpu.memory_space<hbm>>
    tpu.enqueue_indirect_dma source(%dma_start3A_140 : memref<10000x128xf32, #tpu.memory_space<hbm>>) target(%arg8 : memref<100x128xf32, #tpu.memory_space<vmem>>) offsets(%dma_start3A_137 : memref<100xi32, #tpu.memory_space<vmem>>) semaphore(%arg12 : memref<!tpu.dma_semaphore, #tpu.memory_space<semaphore_mem>>)
    %dma_start3A_141 = arith.constant 1 : i32
    %dma_start3A_142 = arith.constant 0 : i32
    %dma_start3A_143 = tpu.memref_slice %arg6[%dma_start3A_141, %dma_start3A_142] : memref<25x100xi32, #tpu.memory_space<vmem>> -> memref<1x100xi32, #tpu.memory_space<vmem>>
    %dma_start3A_144 = tpu.memref_squeeze %dma_start3A_143 : memref<1x100xi32, #tpu.memory_space<vmem>> -> memref<100xi32, #tpu.memory_space<vmem>>
    %dma_start3A_145 = arith.constant 0 : i32
    %dma_start3A_146 = arith.constant 0 : i32
    %dma_start3A_147 = tpu.memref_slice %arg2[%dma_start3A_145, %dma_start3A_146] : memref<10000x128xf32, #tpu.memory_space<hbm>> -> memref<10000x128xf32, #tpu.memory_space<hbm>>
    tpu.enqueue_indirect_dma source(%dma_start3A_147 : memref<10000x128xf32, #tpu.memory_space<hbm>>) target(%arg9 : memref<100x128xf32, #tpu.memory_space<vmem>>) offsets(%dma_start3A_144 : memref<100xi32, #tpu.memory_space<vmem>>) semaphore(%arg13 : memref<!tpu.dma_semaphore, #tpu.memory_space<semaphore_mem>>)
    %dma_start3A_148 = arith.constant 2 : i32
    %dma_start3A_149 = arith.constant 0 : i32
    %dma_start3A_150 = tpu.memref_slice %arg6[%dma_start3A_148, %dma_start3A_149] : memref<25x100xi32, #tpu.memory_space<vmem>> -> memref<1x100xi32, #tpu.memory_space<vmem>>
    %dma_start3A_151 = tpu.memref_squeeze %dma_start3A_150 : memref<1x100xi32, #tpu.memory_space<vmem>> -> memref<100xi32, #tpu.memory_space<vmem>>
    %dma_start3A_152 = arith.constant 0 : i32
    %dma_start3A_153 = arith.constant 0 : i32
    %dma_start3A_154 = tpu.memref_slice %arg2[%dma_start3A_152, %dma_start3A_153] : memref<10000x128xf32, #tpu.memory_space<hbm>> -> memref<10000x128xf32, #tpu.memory_space<hbm>>
    tpu.enqueue_indirect_dma source(%dma_start3A_154 : memref<10000x128xf32, #tpu.memory_space<hbm>>) target(%arg10 : memref<100x128xf32, #tpu.memory_space<vmem>>) offsets(%dma_start3A_151 : memref<100xi32, #tpu.memory_space<vmem>>) semaphore(%arg14 : memref<!tpu.dma_semaphore, #tpu.memory_space<semaphore_mem>>)
    %scan3A_155 = arith.constant 0 : i32
    %scan3A_156 = arith.constant 0 : i32
    %scan3A_157 = arith.constant 8 : i32
    %scan3A_158 = arith.addi %scan3A_156, %scan3A_157 : i32
    %scan3A_159 = arith.constant 1 : i32
    scf.for %scan3A_170 = %scan3A_156 to %scan3A_158 step %scan3A_159  : i32 {
      %mul3A_171 = arith.constant 3 : i32
      %mul3A_172 = arith.muli %scan3A_170, %mul3A_171 : i32
      %add3A_173 = arith.constant 1 : i32
      %add3A_174 = arith.addi %mul3A_172, %add3A_173 : i32
      %add3A_175 = arith.constant 2 : i32
      %add3A_176 = arith.addi %mul3A_172, %add3A_175 : i32
      %dma_wait3A_177 = arith.constant 0 : i32
      %dma_wait3A_178 = tpu.memref_slice %arg6[%mul3A_172, %dma_wait3A_177] : memref<25x100xi32, #tpu.memory_space<vmem>> -> memref<1x100xi32, #tpu.memory_space<vmem>>
      %dma_wait3A_179 = tpu.memref_squeeze %dma_wait3A_178 : memref<1x100xi32, #tpu.memory_space<vmem>> -> memref<100xi32, #tpu.memory_space<vmem>>
      %dma_wait3A_180 = arith.constant 0 : i32
      %dma_wait3A_181 = arith.constant 0 : i32
      %dma_wait3A_182 = tpu.memref_slice %arg2[%dma_wait3A_180, %dma_wait3A_181] : memref<10000x128xf32, #tpu.memory_space<hbm>> -> memref<10000x128xf32, #tpu.memory_space<hbm>>
      tpu.wait_indirect_dma semaphore(%arg12 : memref<!tpu.dma_semaphore, #tpu.memory_space<semaphore_mem>>) src(%dma_wait3A_182 : memref<10000x128xf32, #tpu.memory_space<hbm>>) dst(%arg8 : memref<100x128xf32, #tpu.memory_space<vmem>>)
      "tpu.region"() ({
        %run_scoped3A_213 = tpu.sem_alloc : memref<!tpu.dma_semaphore, #tpu.memory_space<semaphore_mem>>
        %dma_start3A_214 = arith.constant 0 : i32
        %dma_start3A_215 = tpu.memref_slice %arg7[%mul3A_172, %dma_start3A_214] : memref<25x100xi32, #tpu.memory_space<vmem>> -> memref<1x100xi32, #tpu.memory_space<vmem>>
        %dma_start3A_216 = tpu.memref_squeeze %dma_start3A_215 : memref<1x100xi32, #tpu.memory_space<vmem>> -> memref<100xi32, #tpu.memory_space<vmem>>
        %dma_start3A_217 = arith.constant 0 : i32
        %dma_start3A_218 = arith.constant 0 : i32
        %dma_start3A_219 = tpu.memref_slice %arg11[%dma_start3A_217, %dma_start3A_218] : memref<10240x128xf32, #tpu.memory_space<vmem_shared>> -> memref<10240x128xf32, #tpu.memory_space<vmem_shared>>
        tpu.enqueue_indirect_dma source(%arg8 : memref<100x128xf32, #tpu.memory_space<vmem>>) target(%dma_start3A_219 : memref<10240x128xf32, #tpu.memory_space<vmem_shared>>) offsets(%dma_start3A_216 : memref<100xi32, #tpu.memory_space<vmem>>) semaphore(%run_scoped3A_213 : memref<!tpu.dma_semaphore, #tpu.memory_space<semaphore_mem>>) {add = true}
        %dma_wait3A_220 = arith.constant 0 : i32
        %dma_wait3A_221 = tpu.memref_slice %arg7[%mul3A_172, %dma_wait3A_220] : memref<25x100xi32, #tpu.memory_space<vmem>> -> memref<1x100xi32, #tpu.memory_space<vmem>>
        %dma_wait3A_222 = tpu.memref_squeeze %dma_wait3A_221 : memref<1x100xi32, #tpu.memory_space<vmem>> -> memref<100xi32, #tpu.memory_space<vmem>>
        %dma_wait3A_223 = arith.constant 0 : i32
        %dma_wait3A_224 = arith.constant 0 : i32
        %dma_wait3A_225 = tpu.memref_slice %arg11[%dma_wait3A_223, %dma_wait3A_224] : memref<10240x128xf32, #tpu.memory_space<vmem_shared>> -> memref<10240x128xf32, #tpu.memory_space<vmem_shared>>
        tpu.wait_indirect_dma semaphore(%run_scoped3A_213 : memref<!tpu.dma_semaphore, #tpu.memory_space<semaphore_mem>>) src(%arg8 : memref<100x128xf32, #tpu.memory_space<vmem>>) dst(%dma_wait3A_225 : memref<10240x128xf32, #tpu.memory_space<vmem_shared>>)
        tpu.yield
      }) : () -> ()
      %add3A_183 = arith.constant 3 : i32
      %add3A_184 = arith.addi %mul3A_172, %add3A_183 : i32
      %lt3A = arith.constant 25 : i32
      %lt3A_185 = arith.cmpi slt, %add3A_184, %lt3A : i32
      %convert_element_type3A = arith.extui %lt3A_185 : i1 to i32
      %cond3A = arith.constant 0 : i32
      %cond3A_186 = arith.cmpi ne, %convert_element_type3A, %cond3A : i32
      scf.if %cond3A_186 {
        %add3A_213 = arith.constant 3 : i32
        %add3A_214 = arith.addi %mul3A_172, %add3A_213 : i32
        %dma_start3A_215 = arith.constant 0 : i32
        %dma_start3A_216 = tpu.memref_slice %arg6[%add3A_214, %dma_start3A_215] : memref<25x100xi32, #tpu.memory_space<vmem>> -> memref<1x100xi32, #tpu.memory_space<vmem>>
        %dma_start3A_217 = tpu.memref_squeeze %dma_start3A_216 : memref<1x100xi32, #tpu.memory_space<vmem>> -> memref<100xi32, #tpu.memory_space<vmem>>
        %dma_start3A_218 = arith.constant 0 : i32
        %dma_start3A_219 = arith.constant 0 : i32
        %dma_start3A_220 = tpu.memref_slice %arg2[%dma_start3A_218, %dma_start3A_219] : memref<10000x128xf32, #tpu.memory_space<hbm>> -> memref<10000x128xf32, #tpu.memory_space<hbm>>
        tpu.enqueue_indirect_dma source(%dma_start3A_220 : memref<10000x128xf32, #tpu.memory_space<hbm>>) target(%arg8 : memref<100x128xf32, #tpu.memory_space<vmem>>) offsets(%dma_start3A_217 : memref<100xi32, #tpu.memory_space<vmem>>) semaphore(%arg12 : memref<!tpu.dma_semaphore, #tpu.memory_space<semaphore_mem>>)
      } else {
      }
      %dma_wait3A_187 = arith.constant 0 : i32
      %dma_wait3A_188 = tpu.memref_slice %arg6[%add3A_174, %dma_wait3A_187] : memref<25x100xi32, #tpu.memory_space<vmem>> -> memref<1x100xi32, #tpu.memory_space<vmem>>
      %dma_wait3A_189 = tpu.memref_squeeze %dma_wait3A_188 : memref<1x100xi32, #tpu.memory_space<vmem>> -> memref<100xi32, #tpu.memory_space<vmem>>
      %dma_wait3A_190 = arith.constant 0 : i32
      %dma_wait3A_191 = arith.constant 0 : i32
      %dma_wait3A_192 = tpu.memref_slice %arg2[%dma_wait3A_190, %dma_wait3A_191] : memref<10000x128xf32, #tpu.memory_space<hbm>> -> memref<10000x128xf32, #tpu.memory_space<hbm>>
      tpu.wait_indirect_dma semaphore(%arg13 : memref<!tpu.dma_semaphore, #tpu.memory_space<semaphore_mem>>) src(%dma_wait3A_192 : memref<10000x128xf32, #tpu.memory_space<hbm>>) dst(%arg9 : memref<100x128xf32, #tpu.memory_space<vmem>>)
      "tpu.region"() ({
        %run_scoped3A_213 = tpu.sem_alloc : memref<!tpu.dma_semaphore, #tpu.memory_space<semaphore_mem>>
        %dma_start3A_214 = arith.constant 0 : i32
        %dma_start3A_215 = tpu.memref_slice %arg7[%add3A_174, %dma_start3A_214] : memref<25x100xi32, #tpu.memory_space<vmem>> -> memref<1x100xi32, #tpu.memory_space<vmem>>
        %dma_start3A_216 = tpu.memref_squeeze %dma_start3A_215 : memref<1x100xi32, #tpu.memory_space<vmem>> -> memref<100xi32, #tpu.memory_space<vmem>>
        %dma_start3A_217 = arith.constant 0 : i32
        %dma_start3A_218 = arith.constant 0 : i32
        %dma_start3A_219 = tpu.memref_slice %arg11[%dma_start3A_217, %dma_start3A_218] : memref<10240x128xf32, #tpu.memory_space<vmem_shared>> -> memref<10240x128xf32, #tpu.memory_space<vmem_shared>>
        tpu.enqueue_indirect_dma source(%arg9 : memref<100x128xf32, #tpu.memory_space<vmem>>) target(%dma_start3A_219 : memref<10240x128xf32, #tpu.memory_space<vmem_shared>>) offsets(%dma_start3A_216 : memref<100xi32, #tpu.memory_space<vmem>>) semaphore(%run_scoped3A_213 : memref<!tpu.dma_semaphore, #tpu.memory_space<semaphore_mem>>) {add = true}
        %dma_wait3A_220 = arith.constant 0 : i32
        %dma_wait3A_221 = tpu.memref_slice %arg7[%add3A_174, %dma_wait3A_220] : memref<25x100xi32, #tpu.memory_space<vmem>> -> memref<1x100xi32, #tpu.memory_space<vmem>>
        %dma_wait3A_222 = tpu.memref_squeeze %dma_wait3A_221 : memref<1x100xi32, #tpu.memory_space<vmem>> -> memref<100xi32, #tpu.memory_space<vmem>>
        %dma_wait3A_223 = arith.constant 0 : i32
        %dma_wait3A_224 = arith.constant 0 : i32
        %dma_wait3A_225 = tpu.memref_slice %arg11[%dma_wait3A_223, %dma_wait3A_224] : memref<10240x128xf32, #tpu.memory_space<vmem_shared>> -> memref<10240x128xf32, #tpu.memory_space<vmem_shared>>
        tpu.wait_indirect_dma semaphore(%run_scoped3A_213 : memref<!tpu.dma_semaphore, #tpu.memory_space<semaphore_mem>>) src(%arg9 : memref<100x128xf32, #tpu.memory_space<vmem>>) dst(%dma_wait3A_225 : memref<10240x128xf32, #tpu.memory_space<vmem_shared>>)
        tpu.yield
      }) : () -> ()
      %add3A_193 = arith.constant 3 : i32
      %add3A_194 = arith.addi %add3A_174, %add3A_193 : i32
      %lt3A_195 = arith.constant 25 : i32
      %lt3A_196 = arith.cmpi slt, %add3A_194, %lt3A_195 : i32
      %convert_element_type3A_197 = arith.extui %lt3A_196 : i1 to i32
      %cond3A_198 = arith.constant 0 : i32
      %cond3A_199 = arith.cmpi ne, %convert_element_type3A_197, %cond3A_198 : i32
      scf.if %cond3A_199 {
        %add3A_213 = arith.constant 3 : i32
        %add3A_214 = arith.addi %add3A_174, %add3A_213 : i32
        %dma_start3A_215 = arith.constant 0 : i32
        %dma_start3A_216 = tpu.memref_slice %arg6[%add3A_214, %dma_start3A_215] : memref<25x100xi32, #tpu.memory_space<vmem>> -> memref<1x100xi32, #tpu.memory_space<vmem>>
        %dma_start3A_217 = tpu.memref_squeeze %dma_start3A_216 : memref<1x100xi32, #tpu.memory_space<vmem>> -> memref<100xi32, #tpu.memory_space<vmem>>
        %dma_start3A_218 = arith.constant 0 : i32
        %dma_start3A_219 = arith.constant 0 : i32
        %dma_start3A_220 = tpu.memref_slice %arg2[%dma_start3A_218, %dma_start3A_219] : memref<10000x128xf32, #tpu.memory_space<hbm>> -> memref<10000x128xf32, #tpu.memory_space<hbm>>
        tpu.enqueue_indirect_dma source(%dma_start3A_220 : memref<10000x128xf32, #tpu.memory_space<hbm>>) target(%arg9 : memref<100x128xf32, #tpu.memory_space<vmem>>) offsets(%dma_start3A_217 : memref<100xi32, #tpu.memory_space<vmem>>) semaphore(%arg13 : memref<!tpu.dma_semaphore, #tpu.memory_space<semaphore_mem>>)
      } else {
      }
      %dma_wait3A_200 = arith.constant 0 : i32
      %dma_wait3A_201 = tpu.memref_slice %arg6[%add3A_176, %dma_wait3A_200] : memref<25x100xi32, #tpu.memory_space<vmem>> -> memref<1x100xi32, #tpu.memory_space<vmem>>
      %dma_wait3A_202 = tpu.memref_squeeze %dma_wait3A_201 : memref<1x100xi32, #tpu.memory_space<vmem>> -> memref<100xi32, #tpu.memory_space<vmem>>
      %dma_wait3A_203 = arith.constant 0 : i32
      %dma_wait3A_204 = arith.constant 0 : i32
      %dma_wait3A_205 = tpu.memref_slice %arg2[%dma_wait3A_203, %dma_wait3A_204] : memref<10000x128xf32, #tpu.memory_space<hbm>> -> memref<10000x128xf32, #tpu.memory_space<hbm>>
      tpu.wait_indirect_dma semaphore(%arg14 : memref<!tpu.dma_semaphore, #tpu.memory_space<semaphore_mem>>) src(%dma_wait3A_205 : memref<10000x128xf32, #tpu.memory_space<hbm>>) dst(%arg10 : memref<100x128xf32, #tpu.memory_space<vmem>>)
      "tpu.region"() ({
        %run_scoped3A_213 = tpu.sem_alloc : memref<!tpu.dma_semaphore, #tpu.memory_space<semaphore_mem>>
        %dma_start3A_214 = arith.constant 0 : i32
        %dma_start3A_215 = tpu.memref_slice %arg7[%add3A_176, %dma_start3A_214] : memref<25x100xi32, #tpu.memory_space<vmem>> -> memref<1x100xi32, #tpu.memory_space<vmem>>
        %dma_start3A_216 = tpu.memref_squeeze %dma_start3A_215 : memref<1x100xi32, #tpu.memory_space<vmem>> -> memref<100xi32, #tpu.memory_space<vmem>>
        %dma_start3A_217 = arith.constant 0 : i32
        %dma_start3A_218 = arith.constant 0 : i32
        %dma_start3A_219 = tpu.memref_slice %arg11[%dma_start3A_217, %dma_start3A_218] : memref<10240x128xf32, #tpu.memory_space<vmem_shared>> -> memref<10240x128xf32, #tpu.memory_space<vmem_shared>>
        tpu.enqueue_indirect_dma source(%arg10 : memref<100x128xf32, #tpu.memory_space<vmem>>) target(%dma_start3A_219 : memref<10240x128xf32, #tpu.memory_space<vmem_shared>>) offsets(%dma_start3A_216 : memref<100xi32, #tpu.memory_space<vmem>>) semaphore(%run_scoped3A_213 : memref<!tpu.dma_semaphore, #tpu.memory_space<semaphore_mem>>) {add = true}
        %dma_wait3A_220 = arith.constant 0 : i32
        %dma_wait3A_221 = tpu.memref_slice %arg7[%add3A_176, %dma_wait3A_220] : memref<25x100xi32, #tpu.memory_space<vmem>> -> memref<1x100xi32, #tpu.memory_space<vmem>>
        %dma_wait3A_222 = tpu.memref_squeeze %dma_wait3A_221 : memref<1x100xi32, #tpu.memory_space<vmem>> -> memref<100xi32, #tpu.memory_space<vmem>>
        %dma_wait3A_223 = arith.constant 0 : i32
        %dma_wait3A_224 = arith.constant 0 : i32
        %dma_wait3A_225 = tpu.memref_slice %arg11[%dma_wait3A_223, %dma_wait3A_224] : memref<10240x128xf32, #tpu.memory_space<vmem_shared>> -> memref<10240x128xf32, #tpu.memory_space<vmem_shared>>
        tpu.wait_indirect_dma semaphore(%run_scoped3A_213 : memref<!tpu.dma_semaphore, #tpu.memory_space<semaphore_mem>>) src(%arg10 : memref<100x128xf32, #tpu.memory_space<vmem>>) dst(%dma_wait3A_225 : memref<10240x128xf32, #tpu.memory_space<vmem_shared>>)
        tpu.yield
      }) : () -> ()
      %add3A_206 = arith.constant 3 : i32
      %add3A_207 = arith.addi %add3A_176, %add3A_206 : i32
      %lt3A_208 = arith.constant 25 : i32
      %lt3A_209 = arith.cmpi slt, %add3A_207, %lt3A_208 : i32
      %convert_element_type3A_210 = arith.extui %lt3A_209 : i1 to i32
      %cond3A_211 = arith.constant 0 : i32
      %cond3A_212 = arith.cmpi ne, %convert_element_type3A_210, %cond3A_211 : i32
      scf.if %cond3A_212 {
        %add3A_213 = arith.constant 3 : i32
        %add3A_214 = arith.addi %add3A_176, %add3A_213 : i32
        %dma_start3A_215 = arith.constant 0 : i32
        %dma_start3A_216 = tpu.memref_slice %arg6[%add3A_214, %dma_start3A_215] : memref<25x100xi32, #tpu.memory_space<vmem>> -> memref<1x100xi32, #tpu.memory_space<vmem>>
        %dma_start3A_217 = tpu.memref_squeeze %dma_start3A_216 : memref<1x100xi32, #tpu.memory_space<vmem>> -> memref<100xi32, #tpu.memory_space<vmem>>
        %dma_start3A_218 = arith.constant 0 : i32
        %dma_start3A_219 = arith.constant 0 : i32
        %dma_start3A_220 = tpu.memref_slice %arg2[%dma_start3A_218, %dma_start3A_219] : memref<10000x128xf32, #tpu.memory_space<hbm>> -> memref<10000x128xf32, #tpu.memory_space<hbm>>
        tpu.enqueue_indirect_dma source(%dma_start3A_220 : memref<10000x128xf32, #tpu.memory_space<hbm>>) target(%arg10 : memref<100x128xf32, #tpu.memory_space<vmem>>) offsets(%dma_start3A_217 : memref<100xi32, #tpu.memory_space<vmem>>) semaphore(%arg14 : memref<!tpu.dma_semaphore, #tpu.memory_space<semaphore_mem>>)
      } else {
      }
    }
    %scan3A_160 = arith.constant 8 : i32
    %dma_wait3A_161 = arith.constant 24 : i32
    %dma_wait3A_162 = arith.constant 0 : i32
    %dma_wait3A_163 = tpu.memref_slice %arg6[%dma_wait3A_161, %dma_wait3A_162] : memref<25x100xi32, #tpu.memory_space<vmem>> -> memref<1x100xi32, #tpu.memory_space<vmem>>
    %dma_wait3A_164 = tpu.memref_squeeze %dma_wait3A_163 : memref<1x100xi32, #tpu.memory_space<vmem>> -> memref<100xi32, #tpu.memory_space<vmem>>
    %dma_wait3A_165 = arith.constant 0 : i32
    %dma_wait3A_166 = arith.constant 0 : i32
    %dma_wait3A_167 = tpu.memref_slice %arg2[%dma_wait3A_165, %dma_wait3A_166] : memref<10000x128xf32, #tpu.memory_space<hbm>> -> memref<10000x128xf32, #tpu.memory_space<hbm>>
    tpu.wait_indirect_dma semaphore(%arg12 : memref<!tpu.dma_semaphore, #tpu.memory_space<semaphore_mem>>) src(%dma_wait3A_167 : memref<10000x128xf32, #tpu.memory_space<hbm>>) dst(%arg8 : memref<100x128xf32, #tpu.memory_space<vmem>>)
    %run_scoped3A_168 = arith.constant 24 : i32
    "tpu.region"() ({
      %run_scoped3A_170 = tpu.sem_alloc : memref<!tpu.dma_semaphore, #tpu.memory_space<semaphore_mem>>
      %dma_start3A_171 = arith.constant 0 : i32
      %dma_start3A_172 = tpu.memref_slice %arg7[%run_scoped3A_168, %dma_start3A_171] : memref<25x100xi32, #tpu.memory_space<vmem>> -> memref<1x100xi32, #tpu.memory_space<vmem>>
      %dma_start3A_173 = tpu.memref_squeeze %dma_start3A_172 : memref<1x100xi32, #tpu.memory_space<vmem>> -> memref<100xi32, #tpu.memory_space<vmem>>
      %dma_start3A_174 = arith.constant 0 : i32
      %dma_start3A_175 = arith.constant 0 : i32
      %dma_start3A_176 = tpu.memref_slice %arg11[%dma_start3A_174, %dma_start3A_175] : memref<10240x128xf32, #tpu.memory_space<vmem_shared>> -> memref<10240x128xf32, #tpu.memory_space<vmem_shared>>
      tpu.enqueue_indirect_dma source(%arg8 : memref<100x128xf32, #tpu.memory_space<vmem>>) target(%dma_start3A_176 : memref<10240x128xf32, #tpu.memory_space<vmem_shared>>) offsets(%dma_start3A_173 : memref<100xi32, #tpu.memory_space<vmem>>) semaphore(%run_scoped3A_170 : memref<!tpu.dma_semaphore, #tpu.memory_space<semaphore_mem>>) {add = true}
      %dma_wait3A_177 = arith.constant 0 : i32
      %dma_wait3A_178 = tpu.memref_slice %arg7[%run_scoped3A_168, %dma_wait3A_177] : memref<25x100xi32, #tpu.memory_space<vmem>> -> memref<1x100xi32, #tpu.memory_space<vmem>>
      %dma_wait3A_179 = tpu.memref_squeeze %dma_wait3A_178 : memref<1x100xi32, #tpu.memory_space<vmem>> -> memref<100xi32, #tpu.memory_space<vmem>>
      %dma_wait3A_180 = arith.constant 0 : i32
      %dma_wait3A_181 = arith.constant 0 : i32
      %dma_wait3A_182 = tpu.memref_slice %arg11[%dma_wait3A_180, %dma_wait3A_181] : memref<10240x128xf32, #tpu.memory_space<vmem_shared>> -> memref<10240x128xf32, #tpu.memory_space<vmem_shared>>
      tpu.wait_indirect_dma semaphore(%run_scoped3A_170 : memref<!tpu.dma_semaphore, #tpu.memory_space<semaphore_mem>>) src(%arg8 : memref<100x128xf32, #tpu.memory_space<vmem>>) dst(%dma_wait3A_182 : memref<10240x128xf32, #tpu.memory_space<vmem_shared>>)
      tpu.yield
    }) : () -> ()
    %barrier3A_169 = arith.constant 0 : index
    tpu.barrier barrier_id(%barrier3A_169)
    "tpu.region"() ({
      %run_scoped3A_170 = tpu.sem_alloc : memref<!tpu.dma_semaphore, #tpu.memory_space<semaphore_mem>>
      %dma_start3A_171 = arith.constant 0 : i32
      %dma_start3A_172 = tpu.memref_slice %arg5[%arg0, %mul3A_2, %dma_start3A_171] : memref<2x10240x128xf32, #tpu.memory_space<hbm>> -> memref<1x640x128xf32, #tpu.memory_space<hbm>>
      %dma_start3A_173 = tpu.memref_squeeze %dma_start3A_172 : memref<1x640x128xf32, #tpu.memory_space<hbm>> -> memref<640x128xf32, #tpu.memory_space<hbm>>
      %dma_start3A_174 = arith.constant 0 : i32
      %dma_start3A_175 = tpu.memref_slice %arg11[%mul3A_2, %dma_start3A_174] : memref<10240x128xf32, #tpu.memory_space<vmem_shared>> -> memref<640x128xf32, #tpu.memory_space<vmem_shared>>
      tpu.enqueue_dma source(%dma_start3A_175 : memref<640x128xf32, #tpu.memory_space<vmem_shared>>) target(%dma_start3A_173 : memref<640x128xf32, #tpu.memory_space<hbm>>) target_semaphore(%run_scoped3A_170 : memref<!tpu.dma_semaphore, #tpu.memory_space<semaphore_mem>>)
      %dma_wait3A_176 = arith.constant 0 : i32
      %dma_wait3A_177 = tpu.memref_slice %arg5[%arg0, %mul3A_2, %dma_wait3A_176] : memref<2x10240x128xf32, #tpu.memory_space<hbm>> -> memref<1x640x128xf32, #tpu.memory_space<hbm>>
      %dma_wait3A_178 = tpu.memref_squeeze %dma_wait3A_177 : memref<1x640x128xf32, #tpu.memory_space<hbm>> -> memref<640x128xf32, #tpu.memory_space<hbm>>
      %dma_wait3A_179 = arith.constant 0 : i32
      %dma_wait3A_180 = tpu.memref_slice %arg11[%mul3A_2, %dma_wait3A_179] : memref<10240x128xf32, #tpu.memory_space<vmem_shared>> -> memref<640x128xf32, #tpu.memory_space<vmem_shared>>
      tpu.wait_dma2 semaphore(%run_scoped3A_170 : memref<!tpu.dma_semaphore, #tpu.memory_space<semaphore_mem>>) src(%dma_wait3A_180 : memref<640x128xf32, #tpu.memory_space<vmem_shared>>) dst(%dma_wait3A_178 : memref<640x128xf32, #tpu.memory_space<hbm>>)
      tpu.yield
    }) : () -> ()
    return
  }
}

#map = affine_map<(d0, d1) -> (0, 0)>
#map1 = affine_map<(d0, d1) -> (0, 0, 0, 0)>
#map2 = affine_map<(d0, d1) -> (0, 0, 0)>
module attributes {stable_mosaic.version = 14 : i64} {
  func.func @_sc_scatter(%arg0: i32, %arg1: i32, %arg2: memref<10000x128xf32, #tpu.memory_space<hbm>>, %arg3: memref<32x4x25x100xi32, #tpu.memory_space<hbm>>, %arg4: memref<32x4x25x100xi32, #tpu.memory_space<hbm>>, %arg5: memref<2x10240x128xf32, #tpu.memory_space<hbm>>, %arg6: memref<25x100xi32, #tpu.memory_space<vmem>>, %arg7: memref<25x100xi32, #tpu.memory_space<vmem>>, %arg8: memref<100x128xf32, #tpu.memory_space<vmem>>, %arg9: memref<100x128xf32, #tpu.memory_space<vmem>>, %arg10: memref<100x128xf32, #tpu.memory_space<vmem>>, %arg11: memref<10240x128xf32, #tpu.memory_space<vmem_shared>>, %arg12: memref<!tpu.dma_semaphore, #tpu.memory_space<semaphore_mem>>, %arg13: memref<!tpu.dma_semaphore, #tpu.memory_space<semaphore_mem>>, %arg14: memref<!tpu.dma_semaphore, #tpu.memory_space<semaphore_mem>>) attributes {dimension_semantics = [#tpu.dimension_semantics<core_parallel>, #tpu.dimension_semantics<subcore_parallel>], iteration_bounds = array<i64: 2, 16>, scalar_prefetch = 0 : i64, scratch_operands = 9 : i64, tpu.core_type = #tpu.core_type<sc_vector_subcore>, window_params = [{transform_indices = #map}, {transform_indices = #map1}, {transform_indices = #map1}, {transform_indices = #map2}]} {
    %mul3A = arith.constant 16 : i32
    %mul3A_0 = arith.muli %arg0, %mul3A : i32
    %add3A = arith.addi %mul3A_0, %arg1 : i32
    %mul3A_1 = arith.constant 640 : i32
    %mul3A_2 = arith.muli %arg1, %mul3A_1 : i32
    %scan3A = arith.constant 0 : i32
    %scan3A_3 = arith.constant 0 : i32
    %scan3A_4 = arith.constant 80 : i32
    %scan3A_5 = arith.addi %scan3A_3, %scan3A_4 : i32
    %scan3A_6 = arith.constant 1 : i32
    scf.for %scan3A_170 = %scan3A_3 to %scan3A_5 step %scan3A_6  : i32 {
      %broadcast_in_dim3A = arith.constant 0.000000e+00 : f32
      %broadcast_in_dim3A_171 = vector.broadcast %broadcast_in_dim3A : f32 to vector<16xf32>
      %swap3A = arith.index_cast %scan3A_170 : i32 to index
      %swap3A_172 = arith.constant 0 : index
      %swap3A_173 = tpu.vector_load %arg8[%swap3A, %swap3A_172] {strides = array<i32>} : memref<100x128xf32, #tpu.memory_space<vmem>>, vector<1x16xf32>,
      %swap3A_174 = vector.shape_cast %swap3A_173 : vector<1x16xf32> to vector<16xf32>
      %swap3A_175 = vector.shape_cast %broadcast_in_dim3A_171 : vector<16xf32> to vector<1x16xf32>
      tpu.vector_store %arg8[%swap3A, %swap3A_172], %swap3A_175 {strides = array<i32>} : memref<100x128xf32, #tpu.memory_space<vmem>>, vector<1x16xf32>,
      %broadcast_in_dim3A_176 = arith.constant 0.000000e+00 : f32
      %broadcast_in_dim3A_177 = vector.broadcast %broadcast_in_dim3A_176 : f32 to vector<16xf32>
      %swap3A_178 = arith.index_cast %scan3A_170 : i32 to index
      %swap3A_179 = arith.constant 16 : index
      %swap3A_180 = tpu.vector_load %arg8[%swap3A_178, %swap3A_179] {strides = array<i32>} : memref<100x128xf32, #tpu.memory_space<vmem>>, vector<1x16xf32>,
      %swap3A_181 = vector.shape_cast %swap3A_180 : vector<1x16xf32> to vector<16xf32>
      %swap3A_182 = vector.shape_cast %broadcast_in_dim3A_177 : vector<16xf32> to vector<1x16xf32>
      tpu.vector_store %arg8[%swap3A_178, %swap3A_179], %swap3A_182 {strides = array<i32>} : memref<100x128xf32, #tpu.memory_space<vmem>>, vector<1x16xf32>,
      %broadcast_in_dim3A_183 = arith.constant 0.000000e+00 : f32
      %broadcast_in_dim3A_184 = vector.broadcast %broadcast_in_dim3A_183 : f32 to vector<16xf32>
      %swap3A_185 = arith.index_cast %scan3A_170 : i32 to index
      %swap3A_186 = arith.constant 32 : index
      %swap3A_187 = tpu.vector_load %arg8[%swap3A_185, %swap3A_186] {strides = array<i32>} : memref<100x128xf32, #tpu.memory_space<vmem>>, vector<1x16xf32>,
      %swap3A_188 = vector.shape_cast %swap3A_187 : vector<1x16xf32> to vector<16xf32>
      %swap3A_189 = vector.shape_cast %broadcast_in_dim3A_184 : vector<16xf32> to vector<1x16xf32>
      tpu.vector_store %arg8[%swap3A_185, %swap3A_186], %swap3A_189 {strides = array<i32>} : memref<100x128xf32, #tpu.memory_space<vmem>>, vector<1x16xf32>,
      %broadcast_in_dim3A_190 = arith.constant 0.000000e+00 : f32
      %broadcast_in_dim3A_191 = vector.broadcast %broadcast_in_dim3A_190 : f32 to vector<16xf32>
      %swap3A_192 = arith.index_cast %scan3A_170 : i32 to index
      %swap3A_193 = arith.constant 48 : index
      %swap3A_194 = tpu.vector_load %arg8[%swap3A_192, %swap3A_193] {strides = array<i32>} : memref<100x128xf32, #tpu.memory_space<vmem>>, vector<1x16xf32>,
      %swap3A_195 = vector.shape_cast %swap3A_194 : vector<1x16xf32> to vector<16xf32>
      %swap3A_196 = vector.shape_cast %broadcast_in_dim3A_191 : vector<16xf32> to vector<1x16xf32>
      tpu.vector_store %arg8[%swap3A_192, %swap3A_193], %swap3A_196 {strides = array<i32>} : memref<100x128xf32, #tpu.memory_space<vmem>>, vector<1x16xf32>,
      %broadcast_in_dim3A_197 = arith.constant 0.000000e+00 : f32
      %broadcast_in_dim3A_198 = vector.broadcast %broadcast_in_dim3A_197 : f32 to vector<16xf32>
      %swap3A_199 = arith.index_cast %scan3A_170 : i32 to index
      %swap3A_200 = arith.constant 64 : index
      %swap3A_201 = tpu.vector_load %arg8[%swap3A_199, %swap3A_200] {strides = array<i32>} : memref<100x128xf32, #tpu.memory_space<vmem>>, vector<1x16xf32>,
      %swap3A_202 = vector.shape_cast %swap3A_201 : vector<1x16xf32> to vector<16xf32>
      %swap3A_203 = vector.shape_cast %broadcast_in_dim3A_198 : vector<16xf32> to vector<1x16xf32>
      tpu.vector_store %arg8[%swap3A_199, %swap3A_200], %swap3A_203 {strides = array<i32>} : memref<100x128xf32, #tpu.memory_space<vmem>>, vector<1x16xf32>,
      %broadcast_in_dim3A_204 = arith.constant 0.000000e+00 : f32
      %broadcast_in_dim3A_205 = vector.broadcast %broadcast_in_dim3A_204 : f32 to vector<16xf32>
      %swap3A_206 = arith.index_cast %scan3A_170 : i32 to index
      %swap3A_207 = arith.constant 80 : index
      %swap3A_208 = tpu.vector_load %arg8[%swap3A_206, %swap3A_207] {strides = array<i32>} : memref<100x128xf32, #tpu.memory_space<vmem>>, vector<1x16xf32>,
      %swap3A_209 = vector.shape_cast %swap3A_208 : vector<1x16xf32> to vector<16xf32>
      %swap3A_210 = vector.shape_cast %broadcast_in_dim3A_205 : vector<16xf32> to vector<1x16xf32>
      tpu.vector_store %arg8[%swap3A_206, %swap3A_207], %swap3A_210 {strides = array<i32>} : memref<100x128xf32, #tpu.memory_space<vmem>>, vector<1x16xf32>,
      %broadcast_in_dim3A_211 = arith.constant 0.000000e+00 : f32
      %broadcast_in_dim3A_212 = vector.broadcast %broadcast_in_dim3A_211 : f32 to vector<16xf32>
      %swap3A_213 = arith.index_cast %scan3A_170 : i32 to index
      %swap3A_214 = arith.constant 96 : index
      %swap3A_215 = tpu.vector_load %arg8[%swap3A_213, %swap3A_214] {strides = array<i32>} : memref<100x128xf32, #tpu.memory_space<vmem>>, vector<1x16xf32>,
      %swap3A_216 = vector.shape_cast %swap3A_215 : vector<1x16xf32> to vector<16xf32>
      %swap3A_217 = vector.shape_cast %broadcast_in_dim3A_212 : vector<16xf32> to vector<1x16xf32>
      tpu.vector_store %arg8[%swap3A_213, %swap3A_214], %swap3A_217 {strides = array<i32>} : memref<100x128xf32, #tpu.memory_space<vmem>>, vector<1x16xf32>,
      %broadcast_in_dim3A_218 = arith.constant 0.000000e+00 : f32
      %broadcast_in_dim3A_219 = vector.broadcast %broadcast_in_dim3A_218 : f32 to vector<16xf32>
      %swap3A_220 = arith.index_cast %scan3A_170 : i32 to index
      %swap3A_221 = arith.constant 112 : index
      %swap3A_222 = tpu.vector_load %arg8[%swap3A_220, %swap3A_221] {strides = array<i32>} : memref<100x128xf32, #tpu.memory_space<vmem>>, vector<1x16xf32>,
      %swap3A_223 = vector.shape_cast %swap3A_222 : vector<1x16xf32> to vector<16xf32>
      %swap3A_224 = vector.shape_cast %broadcast_in_dim3A_219 : vector<16xf32> to vector<1x16xf32>
      tpu.vector_store %arg8[%swap3A_220, %swap3A_221], %swap3A_224 {strides = array<i32>} : memref<100x128xf32, #tpu.memory_space<vmem>>, vector<1x16xf32>,
    }
    %scan3A_7 = arith.constant 80 : i32
    %add3A_8 = arith.constant 0 : i32
    %add3A_9 = arith.addi %mul3A_2, %add3A_8 : i32
    "tpu.region"() ({
      %run_scoped3A_170 = tpu.sem_alloc : memref<!tpu.dma_semaphore, #tpu.memory_space<semaphore_mem>>
      %dma_start3A_171 = arith.constant 0 : i32
      %dma_start3A_172 = arith.constant 0 : i32
      %dma_start3A_173 = tpu.memref_slice %arg8[%dma_start3A_171, %dma_start3A_172] : memref<100x128xf32, #tpu.memory_space<vmem>> -> memref<80x128xf32, #tpu.memory_space<vmem>>
      %dma_start3A_174 = arith.constant 0 : i32
      %dma_start3A_175 = tpu.memref_slice %arg11[%add3A_9, %dma_start3A_174] : memref<10240x128xf32, #tpu.memory_space<vmem_shared>> -> memref<80x128xf32, #tpu.memory_space<vmem_shared>>
      %dma_start3A_176 = arith.constant 0 : i32
      %dma_start3A_177 = tpu.memref_slice %arg11[%add3A_9, %dma_start3A_176] : memref<10240x128xf32, #tpu.memory_space<vmem_shared>> -> memref<80x128xf32, #tpu.memory_space<vmem_shared>>
      %dma_start3A_178 = arith.constant 0 : i32
      %dma_start3A_179 = arith.constant 0 : i32
      %dma_start3A_180 = tpu.memref_slice %arg8[%dma_start3A_178, %dma_start3A_179] : memref<100x128xf32, #tpu.memory_space<vmem>> -> memref<80x128xf32, #tpu.memory_space<vmem>>
      tpu.enqueue_dma source(%dma_start3A_180 : memref<80x128xf32, #tpu.memory_space<vmem>>) target(%dma_start3A_177 : memref<80x128xf32, #tpu.memory_space<vmem_shared>>) target_semaphore(%run_scoped3A_170 : memref<!tpu.dma_semaphore, #tpu.memory_space<semaphore_mem>>)
      %dma_wait3A_181 = arith.constant 0 : i32
      %dma_wait3A_182 = arith.constant 0 : i32
      %dma_wait3A_183 = tpu.memref_slice %arg8[%dma_wait3A_181, %dma_wait3A_182] : memref<100x128xf32, #tpu.memory_space<vmem>> -> memref<80x128xf32, #tpu.memory_space<vmem>>
      %dma_wait3A_184 = arith.constant 0 : i32
      %dma_wait3A_185 = tpu.memref_slice %arg11[%add3A_9, %dma_wait3A_184] : memref<10240x128xf32, #tpu.memory_space<vmem_shared>> -> memref<80x128xf32, #tpu.memory_space<vmem_shared>>
      %dma_wait3A_186 = arith.constant 0 : i32
      %dma_wait3A_187 = tpu.memref_slice %arg11[%add3A_9, %dma_wait3A_186] : memref<10240x128xf32, #tpu.memory_space<vmem_shared>> -> memref<80x128xf32, #tpu.memory_space<vmem_shared>>
      %dma_wait3A_188 = arith.constant 0 : i32
      %dma_wait3A_189 = arith.constant 0 : i32
      %dma_wait3A_190 = tpu.memref_slice %arg8[%dma_wait3A_188, %dma_wait3A_189] : memref<100x128xf32, #tpu.memory_space<vmem>> -> memref<80x128xf32, #tpu.memory_space<vmem>>
      tpu.wait_dma2 semaphore(%run_scoped3A_170 : memref<!tpu.dma_semaphore, #tpu.memory_space<semaphore_mem>>) src(%dma_wait3A_190 : memref<80x128xf32, #tpu.memory_space<vmem>>) dst(%dma_wait3A_187 : memref<80x128xf32, #tpu.memory_space<vmem_shared>>)
      tpu.yield
    }) : () -> ()
    %add3A_10 = arith.constant 80 : i32
    %add3A_11 = arith.addi %mul3A_2, %add3A_10 : i32
    "tpu.region"() ({
      %run_scoped3A_170 = tpu.sem_alloc : memref<!tpu.dma_semaphore, #tpu.memory_space<semaphore_mem>>
      %dma_start3A_171 = arith.constant 0 : i32
      %dma_start3A_172 = arith.constant 0 : i32
      %dma_start3A_173 = tpu.memref_slice %arg8[%dma_start3A_171, %dma_start3A_172] : memref<100x128xf32, #tpu.memory_space<vmem>> -> memref<80x128xf32, #tpu.memory_space<vmem>>
      %dma_start3A_174 = arith.constant 0 : i32
      %dma_start3A_175 = tpu.memref_slice %arg11[%add3A_11, %dma_start3A_174] : memref<10240x128xf32, #tpu.memory_space<vmem_shared>> -> memref<80x128xf32, #tpu.memory_space<vmem_shared>>
      %dma_start3A_176 = arith.constant 0 : i32
      %dma_start3A_177 = tpu.memref_slice %arg11[%add3A_11, %dma_start3A_176] : memref<10240x128xf32, #tpu.memory_space<vmem_shared>> -> memref<80x128xf32, #tpu.memory_space<vmem_shared>>
      %dma_start3A_178 = arith.constant 0 : i32
      %dma_start3A_179 = arith.constant 0 : i32
      %dma_start3A_180 = tpu.memref_slice %arg8[%dma_start3A_178, %dma_start3A_179] : memref<100x128xf32, #tpu.memory_space<vmem>> -> memref<80x128xf32, #tpu.memory_space<vmem>>
      tpu.enqueue_dma source(%dma_start3A_180 : memref<80x128xf32, #tpu.memory_space<vmem>>) target(%dma_start3A_177 : memref<80x128xf32, #tpu.memory_space<vmem_shared>>) target_semaphore(%run_scoped3A_170 : memref<!tpu.dma_semaphore, #tpu.memory_space<semaphore_mem>>)
      %dma_wait3A_181 = arith.constant 0 : i32
      %dma_wait3A_182 = arith.constant 0 : i32
      %dma_wait3A_183 = tpu.memref_slice %arg8[%dma_wait3A_181, %dma_wait3A_182] : memref<100x128xf32, #tpu.memory_space<vmem>> -> memref<80x128xf32, #tpu.memory_space<vmem>>
      %dma_wait3A_184 = arith.constant 0 : i32
      %dma_wait3A_185 = tpu.memref_slice %arg11[%add3A_11, %dma_wait3A_184] : memref<10240x128xf32, #tpu.memory_space<vmem_shared>> -> memref<80x128xf32, #tpu.memory_space<vmem_shared>>
      %dma_wait3A_186 = arith.constant 0 : i32
      %dma_wait3A_187 = tpu.memref_slice %arg11[%add3A_11, %dma_wait3A_186] : memref<10240x128xf32, #tpu.memory_space<vmem_shared>> -> memref<80x128xf32, #tpu.memory_space<vmem_shared>>
      %dma_wait3A_188 = arith.constant 0 : i32
      %dma_wait3A_189 = arith.constant 0 : i32
      %dma_wait3A_190 = tpu.memref_slice %arg8[%dma_wait3A_188, %dma_wait3A_189] : memref<100x128xf32, #tpu.memory_space<vmem>> -> memref<80x128xf32, #tpu.memory_space<vmem>>
      tpu.wait_dma2 semaphore(%run_scoped3A_170 : memref<!tpu.dma_semaphore, #tpu.memory_space<semaphore_mem>>) src(%dma_wait3A_190 : memref<80x128xf32, #tpu.memory_space<vmem>>) dst(%dma_wait3A_187 : memref<80x128xf32, #tpu.memory_space<vmem_shared>>)
      tpu.yield
    }) : () -> ()
    %add3A_12 = arith.constant 160 : i32
    %add3A_13 = arith.addi %mul3A_2, %add3A_12 : i32
    "tpu.region"() ({
      %run_scoped3A_170 = tpu.sem_alloc : memref<!tpu.dma_semaphore, #tpu.memory_space<semaphore_mem>>
      %dma_start3A_171 = arith.constant 0 : i32
      %dma_start3A_172 = arith.constant 0 : i32
      %dma_start3A_173 = tpu.memref_slice %arg8[%dma_start3A_171, %dma_start3A_172] : memref<100x128xf32, #tpu.memory_space<vmem>> -> memref<80x128xf32, #tpu.memory_space<vmem>>
      %dma_start3A_174 = arith.constant 0 : i32
      %dma_start3A_175 = tpu.memref_slice %arg11[%add3A_13, %dma_start3A_174] : memref<10240x128xf32, #tpu.memory_space<vmem_shared>> -> memref<80x128xf32, #tpu.memory_space<vmem_shared>>
      %dma_start3A_176 = arith.constant 0 : i32
      %dma_start3A_177 = tpu.memref_slice %arg11[%add3A_13, %dma_start3A_176] : memref<10240x128xf32, #tpu.memory_space<vmem_shared>> -> memref<80x128xf32, #tpu.memory_space<vmem_shared>>
      %dma_start3A_178 = arith.constant 0 : i32
      %dma_start3A_179 = arith.constant 0 : i32
      %dma_start3A_180 = tpu.memref_slice %arg8[%dma_start3A_178, %dma_start3A_179] : memref<100x128xf32, #tpu.memory_space<vmem>> -> memref<80x128xf32, #tpu.memory_space<vmem>>
      tpu.enqueue_dma source(%dma_start3A_180 : memref<80x128xf32, #tpu.memory_space<vmem>>) target(%dma_start3A_177 : memref<80x128xf32, #tpu.memory_space<vmem_shared>>) target_semaphore(%run_scoped3A_170 : memref<!tpu.dma_semaphore, #tpu.memory_space<semaphore_mem>>)
      %dma_wait3A_181 = arith.constant 0 : i32
      %dma_wait3A_182 = arith.constant 0 : i32
      %dma_wait3A_183 = tpu.memref_slice %arg8[%dma_wait3A_181, %dma_wait3A_182] : memref<100x128xf32, #tpu.memory_space<vmem>> -> memref<80x128xf32, #tpu.memory_space<vmem>>
      %dma_wait3A_184 = arith.constant 0 : i32
      %dma_wait3A_185 = tpu.memref_slice %arg11[%add3A_13, %dma_wait3A_184] : memref<10240x128xf32, #tpu.memory_space<vmem_shared>> -> memref<80x128xf32, #tpu.memory_space<vmem_shared>>
      %dma_wait3A_186 = arith.constant 0 : i32
      %dma_wait3A_187 = tpu.memref_slice %arg11[%add3A_13, %dma_wait3A_186] : memref<10240x128xf32, #tpu.memory_space<vmem_shared>> -> memref<80x128xf32, #tpu.memory_space<vmem_shared>>
      %dma_wait3A_188 = arith.constant 0 : i32
      %dma_wait3A_189 = arith.constant 0 : i32
      %dma_wait3A_190 = tpu.memref_slice %arg8[%dma_wait3A_188, %dma_wait3A_189] : memref<100x128xf32, #tpu.memory_space<vmem>> -> memref<80x128xf32, #tpu.memory_space<vmem>>
      tpu.wait_dma2 semaphore(%run_scoped3A_170 : memref<!tpu.dma_semaphore, #tpu.memory_space<semaphore_mem>>) src(%dma_wait3A_190 : memref<80x128xf32, #tpu.memory_space<vmem>>) dst(%dma_wait3A_187 : memref<80x128xf32, #tpu.memory_space<vmem_shared>>)
      tpu.yield
    }) : () -> ()
    %add3A_14 = arith.constant 240 : i32
    %add3A_15 = arith.addi %mul3A_2, %add3A_14 : i32
    "tpu.region"() ({
      %run_scoped3A_170 = tpu.sem_alloc : memref<!tpu.dma_semaphore, #tpu.memory_space<semaphore_mem>>
      %dma_start3A_171 = arith.constant 0 : i32
      %dma_start3A_172 = arith.constant 0 : i32
      %dma_start3A_173 = tpu.memref_slice %arg8[%dma_start3A_171, %dma_start3A_172] : memref<100x128xf32, #tpu.memory_space<vmem>> -> memref<80x128xf32, #tpu.memory_space<vmem>>
      %dma_start3A_174 = arith.constant 0 : i32
      %dma_start3A_175 = tpu.memref_slice %arg11[%add3A_15, %dma_start3A_174] : memref<10240x128xf32, #tpu.memory_space<vmem_shared>> -> memref<80x128xf32, #tpu.memory_space<vmem_shared>>
      %dma_start3A_176 = arith.constant 0 : i32
      %dma_start3A_177 = tpu.memref_slice %arg11[%add3A_15, %dma_start3A_176] : memref<10240x128xf32, #tpu.memory_space<vmem_shared>> -> memref<80x128xf32, #tpu.memory_space<vmem_shared>>
      %dma_start3A_178 = arith.constant 0 : i32
      %dma_start3A_179 = arith.constant 0 : i32
      %dma_start3A_180 = tpu.memref_slice %arg8[%dma_start3A_178, %dma_start3A_179] : memref<100x128xf32, #tpu.memory_space<vmem>> -> memref<80x128xf32, #tpu.memory_space<vmem>>
      tpu.enqueue_dma source(%dma_start3A_180 : memref<80x128xf32, #tpu.memory_space<vmem>>) target(%dma_start3A_177 : memref<80x128xf32, #tpu.memory_space<vmem_shared>>) target_semaphore(%run_scoped3A_170 : memref<!tpu.dma_semaphore, #tpu.memory_space<semaphore_mem>>)
      %dma_wait3A_181 = arith.constant 0 : i32
      %dma_wait3A_182 = arith.constant 0 : i32
      %dma_wait3A_183 = tpu.memref_slice %arg8[%dma_wait3A_181, %dma_wait3A_182] : memref<100x128xf32, #tpu.memory_space<vmem>> -> memref<80x128xf32, #tpu.memory_space<vmem>>
      %dma_wait3A_184 = arith.constant 0 : i32
      %dma_wait3A_185 = tpu.memref_slice %arg11[%add3A_15, %dma_wait3A_184] : memref<10240x128xf32, #tpu.memory_space<vmem_shared>> -> memref<80x128xf32, #tpu.memory_space<vmem_shared>>
      %dma_wait3A_186 = arith.constant 0 : i32
      %dma_wait3A_187 = tpu.memref_slice %arg11[%add3A_15, %dma_wait3A_186] : memref<10240x128xf32, #tpu.memory_space<vmem_shared>> -> memref<80x128xf32, #tpu.memory_space<vmem_shared>>
      %dma_wait3A_188 = arith.constant 0 : i32
      %dma_wait3A_189 = arith.constant 0 : i32
      %dma_wait3A_190 = tpu.memref_slice %arg8[%dma_wait3A_188, %dma_wait3A_189] : memref<100x128xf32, #tpu.memory_space<vmem>> -> memref<80x128xf32, #tpu.memory_space<vmem>>
      tpu.wait_dma2 semaphore(%run_scoped3A_170 : memref<!tpu.dma_semaphore, #tpu.memory_space<semaphore_mem>>) src(%dma_wait3A_190 : memref<80x128xf32, #tpu.memory_space<vmem>>) dst(%dma_wait3A_187 : memref<80x128xf32, #tpu.memory_space<vmem_shared>>)
      tpu.yield
    }) : () -> ()
    %add3A_16 = arith.constant 320 : i32
    %add3A_17 = arith.addi %mul3A_2, %add3A_16 : i32
    "tpu.region"() ({
      %run_scoped3A_170 = tpu.sem_alloc : memref<!tpu.dma_semaphore, #tpu.memory_space<semaphore_mem>>
      %dma_start3A_171 = arith.constant 0 : i32
      %dma_start3A_172 = arith.constant 0 : i32
      %dma_start3A_173 = tpu.memref_slice %arg8[%dma_start3A_171, %dma_start3A_172] : memref<100x128xf32, #tpu.memory_space<vmem>> -> memref<80x128xf32, #tpu.memory_space<vmem>>
      %dma_start3A_174 = arith.constant 0 : i32
      %dma_start3A_175 = tpu.memref_slice %arg11[%add3A_17, %dma_start3A_174] : memref<10240x128xf32, #tpu.memory_space<vmem_shared>> -> memref<80x128xf32, #tpu.memory_space<vmem_shared>>
      %dma_start3A_176 = arith.constant 0 : i32
      %dma_start3A_177 = tpu.memref_slice %arg11[%add3A_17, %dma_start3A_176] : memref<10240x128xf32, #tpu.memory_space<vmem_shared>> -> memref<80x128xf32, #tpu.memory_space<vmem_shared>>
      %dma_start3A_178 = arith.constant 0 : i32
      %dma_start3A_179 = arith.constant 0 : i32
      %dma_start3A_180 = tpu.memref_slice %arg8[%dma_start3A_178, %dma_start3A_179] : memref<100x128xf32, #tpu.memory_space<vmem>> -> memref<80x128xf32, #tpu.memory_space<vmem>>
      tpu.enqueue_dma source(%dma_start3A_180 : memref<80x128xf32, #tpu.memory_space<vmem>>) target(%dma_start3A_177 : memref<80x128xf32, #tpu.memory_space<vmem_shared>>) target_semaphore(%run_scoped3A_170 : memref<!tpu.dma_semaphore, #tpu.memory_space<semaphore_mem>>)
      %dma_wait3A_181 = arith.constant 0 : i32
      %dma_wait3A_182 = arith.constant 0 : i32
      %dma_wait3A_183 = tpu.memref_slice %arg8[%dma_wait3A_181, %dma_wait3A_182] : memref<100x128xf32, #tpu.memory_space<vmem>> -> memref<80x128xf32, #tpu.memory_space<vmem>>
      %dma_wait3A_184 = arith.constant 0 : i32
      %dma_wait3A_185 = tpu.memref_slice %arg11[%add3A_17, %dma_wait3A_184] : memref<10240x128xf32, #tpu.memory_space<vmem_shared>> -> memref<80x128xf32, #tpu.memory_space<vmem_shared>>
      %dma_wait3A_186 = arith.constant 0 : i32
      %dma_wait3A_187 = tpu.memref_slice %arg11[%add3A_17, %dma_wait3A_186] : memref<10240x128xf32, #tpu.memory_space<vmem_shared>> -> memref<80x128xf32, #tpu.memory_space<vmem_shared>>
      %dma_wait3A_188 = arith.constant 0 : i32
      %dma_wait3A_189 = arith.constant 0 : i32
      %dma_wait3A_190 = tpu.memref_slice %arg8[%dma_wait3A_188, %dma_wait3A_189] : memref<100x128xf32, #tpu.memory_space<vmem>> -> memref<80x128xf32, #tpu.memory_space<vmem>>
      tpu.wait_dma2 semaphore(%run_scoped3A_170 : memref<!tpu.dma_semaphore, #tpu.memory_space<semaphore_mem>>) src(%dma_wait3A_190 : memref<80x128xf32, #tpu.memory_space<vmem>>) dst(%dma_wait3A_187 : memref<80x128xf32, #tpu.memory_space<vmem_shared>>)
      tpu.yield
    }) : () -> ()
    %add3A_18 = arith.constant 400 : i32
    %add3A_19 = arith.addi %mul3A_2, %add3A_18 : i32
    "tpu.region"() ({
      %run_scoped3A_170 = tpu.sem_alloc : memref<!tpu.dma_semaphore, #tpu.memory_space<semaphore_mem>>
      %dma_start3A_171 = arith.constant 0 : i32
      %dma_start3A_172 = arith.constant 0 : i32
      %dma_start3A_173 = tpu.memref_slice %arg8[%dma_start3A_171, %dma_start3A_172] : memref<100x128xf32, #tpu.memory_space<vmem>> -> memref<80x128xf32, #tpu.memory_space<vmem>>
      %dma_start3A_174 = arith.constant 0 : i32
      %dma_start3A_175 = tpu.memref_slice %arg11[%add3A_19, %dma_start3A_174] : memref<10240x128xf32, #tpu.memory_space<vmem_shared>> -> memref<80x128xf32, #tpu.memory_space<vmem_shared>>
      %dma_start3A_176 = arith.constant 0 : i32
      %dma_start3A_177 = tpu.memref_slice %arg11[%add3A_19, %dma_start3A_176] : memref<10240x128xf32, #tpu.memory_space<vmem_shared>> -> memref<80x128xf32, #tpu.memory_space<vmem_shared>>
      %dma_start3A_178 = arith.constant 0 : i32
      %dma_start3A_179 = arith.constant 0 : i32
      %dma_start3A_180 = tpu.memref_slice %arg8[%dma_start3A_178, %dma_start3A_179] : memref<100x128xf32, #tpu.memory_space<vmem>> -> memref<80x128xf32, #tpu.memory_space<vmem>>
      tpu.enqueue_dma source(%dma_start3A_180 : memref<80x128xf32, #tpu.memory_space<vmem>>) target(%dma_start3A_177 : memref<80x128xf32, #tpu.memory_space<vmem_shared>>) target_semaphore(%run_scoped3A_170 : memref<!tpu.dma_semaphore, #tpu.memory_space<semaphore_mem>>)
      %dma_wait3A_181 = arith.constant 0 : i32
      %dma_wait3A_182 = arith.constant 0 : i32
      %dma_wait3A_183 = tpu.memref_slice %arg8[%dma_wait3A_181, %dma_wait3A_182] : memref<100x128xf32, #tpu.memory_space<vmem>> -> memref<80x128xf32, #tpu.memory_space<vmem>>
      %dma_wait3A_184 = arith.constant 0 : i32
      %dma_wait3A_185 = tpu.memref_slice %arg11[%add3A_19, %dma_wait3A_184] : memref<10240x128xf32, #tpu.memory_space<vmem_shared>> -> memref<80x128xf32, #tpu.memory_space<vmem_shared>>
      %dma_wait3A_186 = arith.constant 0 : i32
      %dma_wait3A_187 = tpu.memref_slice %arg11[%add3A_19, %dma_wait3A_186] : memref<10240x128xf32, #tpu.memory_space<vmem_shared>> -> memref<80x128xf32, #tpu.memory_space<vmem_shared>>
      %dma_wait3A_188 = arith.constant 0 : i32
      %dma_wait3A_189 = arith.constant 0 : i32
      %dma_wait3A_190 = tpu.memref_slice %arg8[%dma_wait3A_188, %dma_wait3A_189] : memref<100x128xf32, #tpu.memory_space<vmem>> -> memref<80x128xf32, #tpu.memory_space<vmem>>
      tpu.wait_dma2 semaphore(%run_scoped3A_170 : memref<!tpu.dma_semaphore, #tpu.memory_space<semaphore_mem>>) src(%dma_wait3A_190 : memref<80x128xf32, #tpu.memory_space<vmem>>) dst(%dma_wait3A_187 : memref<80x128xf32, #tpu.memory_space<vmem_shared>>)
      tpu.yield
    }) : () -> ()
    %add3A_20 = arith.constant 480 : i32
    %add3A_21 = arith.addi %mul3A_2, %add3A_20 : i32
    "tpu.region"() ({
      %run_scoped3A_170 = tpu.sem_alloc : memref<!tpu.dma_semaphore, #tpu.memory_space<semaphore_mem>>
      %dma_start3A_171 = arith.constant 0 : i32
      %dma_start3A_172 = arith.constant 0 : i32
      %dma_start3A_173 = tpu.memref_slice %arg8[%dma_start3A_171, %dma_start3A_172] : memref<100x128xf32, #tpu.memory_space<vmem>> -> memref<80x128xf32, #tpu.memory_space<vmem>>
      %dma_start3A_174 = arith.constant 0 : i32
      %dma_start3A_175 = tpu.memref_slice %arg11[%add3A_21, %dma_start3A_174] : memref<10240x128xf32, #tpu.memory_space<vmem_shared>> -> memref<80x128xf32, #tpu.memory_space<vmem_shared>>
      %dma_start3A_176 = arith.constant 0 : i32
      %dma_start3A_177 = tpu.memref_slice %arg11[%add3A_21, %dma_start3A_176] : memref<10240x128xf32, #tpu.memory_space<vmem_shared>> -> memref<80x128xf32, #tpu.memory_space<vmem_shared>>
      %dma_start3A_178 = arith.constant 0 : i32
      %dma_start3A_179 = arith.constant 0 : i32
      %dma_start3A_180 = tpu.memref_slice %arg8[%dma_start3A_178, %dma_start3A_179] : memref<100x128xf32, #tpu.memory_space<vmem>> -> memref<80x128xf32, #tpu.memory_space<vmem>>
      tpu.enqueue_dma source(%dma_start3A_180 : memref<80x128xf32, #tpu.memory_space<vmem>>) target(%dma_start3A_177 : memref<80x128xf32, #tpu.memory_space<vmem_shared>>) target_semaphore(%run_scoped3A_170 : memref<!tpu.dma_semaphore, #tpu.memory_space<semaphore_mem>>)
      %dma_wait3A_181 = arith.constant 0 : i32
      %dma_wait3A_182 = arith.constant 0 : i32
      %dma_wait3A_183 = tpu.memref_slice %arg8[%dma_wait3A_181, %dma_wait3A_182] : memref<100x128xf32, #tpu.memory_space<vmem>> -> memref<80x128xf32, #tpu.memory_space<vmem>>
      %dma_wait3A_184 = arith.constant 0 : i32
      %dma_wait3A_185 = tpu.memref_slice %arg11[%add3A_21, %dma_wait3A_184] : memref<10240x128xf32, #tpu.memory_space<vmem_shared>> -> memref<80x128xf32, #tpu.memory_space<vmem_shared>>
      %dma_wait3A_186 = arith.constant 0 : i32
      %dma_wait3A_187 = tpu.memref_slice %arg11[%add3A_21, %dma_wait3A_186] : memref<10240x128xf32, #tpu.memory_space<vmem_shared>> -> memref<80x128xf32, #tpu.memory_space<vmem_shared>>
      %dma_wait3A_188 = arith.constant 0 : i32
      %dma_wait3A_189 = arith.constant 0 : i32
      %dma_wait3A_190 = tpu.memref_slice %arg8[%dma_wait3A_188, %dma_wait3A_189] : memref<100x128xf32, #tpu.memory_space<vmem>> -> memref<80x128xf32, #tpu.memory_space<vmem>>
      tpu.wait_dma2 semaphore(%run_scoped3A_170 : memref<!tpu.dma_semaphore, #tpu.memory_space<semaphore_mem>>) src(%dma_wait3A_190 : memref<80x128xf32, #tpu.memory_space<vmem>>) dst(%dma_wait3A_187 : memref<80x128xf32, #tpu.memory_space<vmem_shared>>)
      tpu.yield
    }) : () -> ()
    %add3A_22 = arith.constant 560 : i32
    %add3A_23 = arith.addi %mul3A_2, %add3A_22 : i32
    "tpu.region"() ({
      %run_scoped3A_170 = tpu.sem_alloc : memref<!tpu.dma_semaphore, #tpu.memory_space<semaphore_mem>>
      %dma_start3A_171 = arith.constant 0 : i32
      %dma_start3A_172 = arith.constant 0 : i32
      %dma_start3A_173 = tpu.memref_slice %arg8[%dma_start3A_171, %dma_start3A_172] : memref<100x128xf32, #tpu.memory_space<vmem>> -> memref<80x128xf32, #tpu.memory_space<vmem>>
      %dma_start3A_174 = arith.constant 0 : i32
      %dma_start3A_175 = tpu.memref_slice %arg11[%add3A_23, %dma_start3A_174] : memref<10240x128xf32, #tpu.memory_space<vmem_shared>> -> memref<80x128xf32, #tpu.memory_space<vmem_shared>>
      %dma_start3A_176 = arith.constant 0 : i32
      %dma_start3A_177 = tpu.memref_slice %arg11[%add3A_23, %dma_start3A_176] : memref<10240x128xf32, #tpu.memory_space<vmem_shared>> -> memref<80x128xf32, #tpu.memory_space<vmem_shared>>
      %dma_start3A_178 = arith.constant 0 : i32
      %dma_start3A_179 = arith.constant 0 : i32
      %dma_start3A_180 = tpu.memref_slice %arg8[%dma_start3A_178, %dma_start3A_179] : memref<100x128xf32, #tpu.memory_space<vmem>> -> memref<80x128xf32, #tpu.memory_space<vmem>>
      tpu.enqueue_dma source(%dma_start3A_180 : memref<80x128xf32, #tpu.memory_space<vmem>>) target(%dma_start3A_177 : memref<80x128xf32, #tpu.memory_space<vmem_shared>>) target_semaphore(%run_scoped3A_170 : memref<!tpu.dma_semaphore, #tpu.memory_space<semaphore_mem>>)
      %dma_wait3A_181 = arith.constant 0 : i32
      %dma_wait3A_182 = arith.constant 0 : i32
      %dma_wait3A_183 = tpu.memref_slice %arg8[%dma_wait3A_181, %dma_wait3A_182] : memref<100x128xf32, #tpu.memory_space<vmem>> -> memref<80x128xf32, #tpu.memory_space<vmem>>
      %dma_wait3A_184 = arith.constant 0 : i32
      %dma_wait3A_185 = tpu.memref_slice %arg11[%add3A_23, %dma_wait3A_184] : memref<10240x128xf32, #tpu.memory_space<vmem_shared>> -> memref<80x128xf32, #tpu.memory_space<vmem_shared>>
      %dma_wait3A_186 = arith.constant 0 : i32
      %dma_wait3A_187 = tpu.memref_slice %arg11[%add3A_23, %dma_wait3A_186] : memref<10240x128xf32, #tpu.memory_space<vmem_shared>> -> memref<80x128xf32, #tpu.memory_space<vmem_shared>>
      %dma_wait3A_188 = arith.constant 0 : i32
      %dma_wait3A_189 = arith.constant 0 : i32
      %dma_wait3A_190 = tpu.memref_slice %arg8[%dma_wait3A_188, %dma_wait3A_189] : memref<100x128xf32, #tpu.memory_space<vmem>> -> memref<80x128xf32, #tpu.memory_space<vmem>>
      tpu.wait_dma2 semaphore(%run_scoped3A_170 : memref<!tpu.dma_semaphore, #tpu.memory_space<semaphore_mem>>) src(%dma_wait3A_190 : memref<80x128xf32, #tpu.memory_space<vmem>>) dst(%dma_wait3A_187 : memref<80x128xf32, #tpu.memory_space<vmem_shared>>)
      tpu.yield
    }) : () -> ()
    %barrier3A = arith.constant 0 : index
    tpu.barrier barrier_id(%barrier3A)
    %run_scoped3A = arith.constant 0 : i32
    "tpu.region"() ({
      %run_scoped3A_170 = tpu.sem_alloc : memref<!tpu.dma_semaphore, #tpu.memory_space<semaphore_mem>>
      %dma_start3A_171 = arith.constant 0 : i32
      %dma_start3A_172 = arith.constant 0 : i32
      %dma_start3A_173 = tpu.memref_slice %arg3[%add3A, %run_scoped3A, %dma_start3A_171, %dma_start3A_172] : memref<32x4x25x100xi32, #tpu.memory_space<hbm>> -> memref<1x1x25x100xi32, #tpu.memory_space<hbm>>
      %dma_start3A_174 = tpu.memref_squeeze %dma_start3A_173 : memref<1x1x25x100xi32, #tpu.memory_space<hbm>> -> memref<25x100xi32, #tpu.memory_space<hbm>>
      %dma_start3A_175 = arith.constant 0 : i32
      %dma_start3A_176 = arith.constant 0 : i32
      %dma_start3A_177 = tpu.memref_slice %arg3[%add3A, %run_scoped3A, %dma_start3A_175, %dma_start3A_176] : memref<32x4x25x100xi32, #tpu.memory_space<hbm>> -> memref<1x1x25x100xi32, #tpu.memory_space<hbm>>
      %dma_start3A_178 = tpu.memref_squeeze %dma_start3A_177 : memref<1x1x25x100xi32, #tpu.memory_space<hbm>> -> memref<25x100xi32, #tpu.memory_space<hbm>>
      tpu.enqueue_dma source(%dma_start3A_178 : memref<25x100xi32, #tpu.memory_space<hbm>>) target(%arg6 : memref<25x100xi32, #tpu.memory_space<vmem>>) target_semaphore(%run_scoped3A_170 : memref<!tpu.dma_semaphore, #tpu.memory_space<semaphore_mem>>)
      %dma_wait3A_179 = arith.constant 0 : i32
      %dma_wait3A_180 = arith.constant 0 : i32
      %dma_wait3A_181 = tpu.memref_slice %arg3[%add3A, %run_scoped3A, %dma_wait3A_179, %dma_wait3A_180] : memref<32x4x25x100xi32, #tpu.memory_space<hbm>> -> memref<1x1x25x100xi32, #tpu.memory_space<hbm>>
      %dma_wait3A_182 = tpu.memref_squeeze %dma_wait3A_181 : memref<1x1x25x100xi32, #tpu.memory_space<hbm>> -> memref<25x100xi32, #tpu.memory_space<hbm>>
      %dma_wait3A_183 = arith.constant 0 : i32
      %dma_wait3A_184 = arith.constant 0 : i32
      %dma_wait3A_185 = tpu.memref_slice %arg3[%add3A, %run_scoped3A, %dma_wait3A_183, %dma_wait3A_184] : memref<32x4x25x100xi32, #tpu.memory_space<hbm>> -> memref<1x1x25x100xi32, #tpu.memory_space<hbm>>
      %dma_wait3A_186 = tpu.memref_squeeze %dma_wait3A_185 : memref<1x1x25x100xi32, #tpu.memory_space<hbm>> -> memref<25x100xi32, #tpu.memory_space<hbm>>
      tpu.wait_dma2 semaphore(%run_scoped3A_170 : memref<!tpu.dma_semaphore, #tpu.memory_space<semaphore_mem>>) src(%dma_wait3A_186 : memref<25x100xi32, #tpu.memory_space<hbm>>) dst(%arg6 : memref<25x100xi32, #tpu.memory_space<vmem>>)
      tpu.yield
    }) : () -> ()
    %run_scoped3A_24 = arith.constant 0 : i32
    "tpu.region"() ({
      %run_scoped3A_170 = tpu.sem_alloc : memref<!tpu.dma_semaphore, #tpu.memory_space<semaphore_mem>>
      %dma_start3A_171 = arith.constant 0 : i32
      %dma_start3A_172 = arith.constant 0 : i32
      %dma_start3A_173 = tpu.memref_slice %arg4[%add3A, %run_scoped3A_24, %dma_start3A_171, %dma_start3A_172] : memref<32x4x25x100xi32, #tpu.memory_space<hbm>> -> memref<1x1x25x100xi32, #tpu.memory_space<hbm>>
      %dma_start3A_174 = tpu.memref_squeeze %dma_start3A_173 : memref<1x1x25x100xi32, #tpu.memory_space<hbm>> -> memref<25x100xi32, #tpu.memory_space<hbm>>
      %dma_start3A_175 = arith.constant 0 : i32
      %dma_start3A_176 = arith.constant 0 : i32
      %dma_start3A_177 = tpu.memref_slice %arg4[%add3A, %run_scoped3A_24, %dma_start3A_175, %dma_start3A_176] : memref<32x4x25x100xi32, #tpu.memory_space<hbm>> -> memref<1x1x25x100xi32, #tpu.memory_space<hbm>>
      %dma_start3A_178 = tpu.memref_squeeze %dma_start3A_177 : memref<1x1x25x100xi32, #tpu.memory_space<hbm>> -> memref<25x100xi32, #tpu.memory_space<hbm>>
      tpu.enqueue_dma source(%dma_start3A_178 : memref<25x100xi32, #tpu.memory_space<hbm>>) target(%arg7 : memref<25x100xi32, #tpu.memory_space<vmem>>) target_semaphore(%run_scoped3A_170 : memref<!tpu.dma_semaphore, #tpu.memory_space<semaphore_mem>>)
      %dma_wait3A_179 = arith.constant 0 : i32
      %dma_wait3A_180 = arith.constant 0 : i32
      %dma_wait3A_181 = tpu.memref_slice %arg4[%add3A, %run_scoped3A_24, %dma_wait3A_179, %dma_wait3A_180] : memref<32x4x25x100xi32, #tpu.memory_space<hbm>> -> memref<1x1x25x100xi32, #tpu.memory_space<hbm>>
      %dma_wait3A_182 = tpu.memref_squeeze %dma_wait3A_181 : memref<1x1x25x100xi32, #tpu.memory_space<hbm>> -> memref<25x100xi32, #tpu.memory_space<hbm>>
      %dma_wait3A_183 = arith.constant 0 : i32
      %dma_wait3A_184 = arith.constant 0 : i32
      %dma_wait3A_185 = tpu.memref_slice %arg4[%add3A, %run_scoped3A_24, %dma_wait3A_183, %dma_wait3A_184] : memref<32x4x25x100xi32, #tpu.memory_space<hbm>> -> memref<1x1x25x100xi32, #tpu.memory_space<hbm>>
      %dma_wait3A_186 = tpu.memref_squeeze %dma_wait3A_185 : memref<1x1x25x100xi32, #tpu.memory_space<hbm>> -> memref<25x100xi32, #tpu.memory_space<hbm>>
      tpu.wait_dma2 semaphore(%run_scoped3A_170 : memref<!tpu.dma_semaphore, #tpu.memory_space<semaphore_mem>>) src(%dma_wait3A_186 : memref<25x100xi32, #tpu.memory_space<hbm>>) dst(%arg7 : memref<25x100xi32, #tpu.memory_space<vmem>>)
      tpu.yield
    }) : () -> ()
    %dma_start3A = arith.constant 0 : i32
    %dma_start3A_25 = arith.constant 0 : i32
    %dma_start3A_26 = tpu.memref_slice %arg6[%dma_start3A, %dma_start3A_25] : memref<25x100xi32, #tpu.memory_space<vmem>> -> memref<1x100xi32, #tpu.memory_space<vmem>>
    %dma_start3A_27 = tpu.memref_squeeze %dma_start3A_26 : memref<1x100xi32, #tpu.memory_space<vmem>> -> memref<100xi32, #tpu.memory_space<vmem>>
    %dma_start3A_28 = arith.constant 0 : i32
    %dma_start3A_29 = arith.constant 0 : i32
    %dma_start3A_30 = tpu.memref_slice %arg2[%dma_start3A_28, %dma_start3A_29] : memref<10000x128xf32, #tpu.memory_space<hbm>> -> memref<10000x128xf32, #tpu.memory_space<hbm>>
    tpu.enqueue_indirect_dma source(%dma_start3A_30 : memref<10000x128xf32, #tpu.memory_space<hbm>>) target(%arg8 : memref<100x128xf32, #tpu.memory_space<vmem>>) offsets(%dma_start3A_27 : memref<100xi32, #tpu.memory_space<vmem>>) semaphore(%arg12 : memref<!tpu.dma_semaphore, #tpu.memory_space<semaphore_mem>>)
    %dma_start3A_31 = arith.constant 1 : i32
    %dma_start3A_32 = arith.constant 0 : i32
    %dma_start3A_33 = tpu.memref_slice %arg6[%dma_start3A_31, %dma_start3A_32] : memref<25x100xi32, #tpu.memory_space<vmem>> -> memref<1x100xi32, #tpu.memory_space<vmem>>
    %dma_start3A_34 = tpu.memref_squeeze %dma_start3A_33 : memref<1x100xi32, #tpu.memory_space<vmem>> -> memref<100xi32, #tpu.memory_space<vmem>>
    %dma_start3A_35 = arith.constant 0 : i32
    %dma_start3A_36 = arith.constant 0 : i32
    %dma_start3A_37 = tpu.memref_slice %arg2[%dma_start3A_35, %dma_start3A_36] : memref<10000x128xf32, #tpu.memory_space<hbm>> -> memref<10000x128xf32, #tpu.memory_space<hbm>>
    tpu.enqueue_indirect_dma source(%dma_start3A_37 : memref<10000x128xf32, #tpu.memory_space<hbm>>) target(%arg9 : memref<100x128xf32, #tpu.memory_space<vmem>>) offsets(%dma_start3A_34 : memref<100xi32, #tpu.memory_space<vmem>>) semaphore(%arg13 : memref<!tpu.dma_semaphore, #tpu.memory_space<semaphore_mem>>)
    %dma_start3A_38 = arith.constant 2 : i32
    %dma_start3A_39 = arith.constant 0 : i32
    %dma_start3A_40 = tpu.memref_slice %arg6[%dma_start3A_38, %dma_start3A_39] : memref<25x100xi32, #tpu.memory_space<vmem>> -> memref<1x100xi32, #tpu.memory_space<vmem>>
    %dma_start3A_41 = tpu.memref_squeeze %dma_start3A_40 : memref<1x100xi32, #tpu.memory_space<vmem>> -> memref<100xi32, #tpu.memory_space<vmem>>
    %dma_start3A_42 = arith.constant 0 : i32
    %dma_start3A_43 = arith.constant 0 : i32
    %dma_start3A_44 = tpu.memref_slice %arg2[%dma_start3A_42, %dma_start3A_43] : memref<10000x128xf32, #tpu.memory_space<hbm>> -> memref<10000x128xf32, #tpu.memory_space<hbm>>
    tpu.enqueue_indirect_dma source(%dma_start3A_44 : memref<10000x128xf32, #tpu.memory_space<hbm>>) target(%arg10 : memref<100x128xf32, #tpu.memory_space<vmem>>) offsets(%dma_start3A_41 : memref<100xi32, #tpu.memory_space<vmem>>) semaphore(%arg14 : memref<!tpu.dma_semaphore, #tpu.memory_space<semaphore_mem>>)
    %scan3A_45 = arith.constant 0 : i32
    %scan3A_46 = arith.constant 0 : i32
    %scan3A_47 = arith.constant 8 : i32
    %scan3A_48 = arith.addi %scan3A_46, %scan3A_47 : i32
    %scan3A_49 = arith.constant 1 : i32
    scf.for %scan3A_170 = %scan3A_46 to %scan3A_48 step %scan3A_49  : i32 {
      %mul3A_171 = arith.constant 3 : i32
      %mul3A_172 = arith.muli %scan3A_170, %mul3A_171 : i32
      %add3A_173 = arith.constant 1 : i32
      %add3A_174 = arith.addi %mul3A_172, %add3A_173 : i32
      %add3A_175 = arith.constant 2 : i32
      %add3A_176 = arith.addi %mul3A_172, %add3A_175 : i32
      %dma_wait3A_177 = arith.constant 0 : i32
      %dma_wait3A_178 = tpu.memref_slice %arg6[%mul3A_172, %dma_wait3A_177] : memref<25x100xi32, #tpu.memory_space<vmem>> -> memref<1x100xi32, #tpu.memory_space<vmem>>
      %dma_wait3A_179 = tpu.memref_squeeze %dma_wait3A_178 : memref<1x100xi32, #tpu.memory_space<vmem>> -> memref<100xi32, #tpu.memory_space<vmem>>
      %dma_wait3A_180 = arith.constant 0 : i32
      %dma_wait3A_181 = arith.constant 0 : i32
      %dma_wait3A_182 = tpu.memref_slice %arg2[%dma_wait3A_180, %dma_wait3A_181] : memref<10000x128xf32, #tpu.memory_space<hbm>> -> memref<10000x128xf32, #tpu.memory_space<hbm>>
      tpu.wait_indirect_dma semaphore(%arg12 : memref<!tpu.dma_semaphore, #tpu.memory_space<semaphore_mem>>) src(%dma_wait3A_182 : memref<10000x128xf32, #tpu.memory_space<hbm>>) dst(%arg8 : memref<100x128xf32, #tpu.memory_space<vmem>>)
      "tpu.region"() ({
        %run_scoped3A_213 = tpu.sem_alloc : memref<!tpu.dma_semaphore, #tpu.memory_space<semaphore_mem>>
        %dma_start3A_214 = arith.constant 0 : i32
        %dma_start3A_215 = tpu.memref_slice %arg7[%mul3A_172, %dma_start3A_214] : memref<25x100xi32, #tpu.memory_space<vmem>> -> memref<1x100xi32, #tpu.memory_space<vmem>>
        %dma_start3A_216 = tpu.memref_squeeze %dma_start3A_215 : memref<1x100xi32, #tpu.memory_space<vmem>> -> memref<100xi32, #tpu.memory_space<vmem>>
        %dma_start3A_217 = arith.constant 0 : i32
        %dma_start3A_218 = arith.constant 0 : i32
        %dma_start3A_219 = tpu.memref_slice %arg11[%dma_start3A_217, %dma_start3A_218] : memref<10240x128xf32, #tpu.memory_space<vmem_shared>> -> memref<10240x128xf32, #tpu.memory_space<vmem_shared>>
        tpu.enqueue_indirect_dma source(%arg8 : memref<100x128xf32, #tpu.memory_space<vmem>>) target(%dma_start3A_219 : memref<10240x128xf32, #tpu.memory_space<vmem_shared>>) offsets(%dma_start3A_216 : memref<100xi32, #tpu.memory_space<vmem>>) semaphore(%run_scoped3A_213 : memref<!tpu.dma_semaphore, #tpu.memory_space<semaphore_mem>>) {add = true}
        %dma_wait3A_220 = arith.constant 0 : i32
        %dma_wait3A_221 = tpu.memref_slice %arg7[%mul3A_172, %dma_wait3A_220] : memref<25x100xi32, #tpu.memory_space<vmem>> -> memref<1x100xi32, #tpu.memory_space<vmem>>
        %dma_wait3A_222 = tpu.memref_squeeze %dma_wait3A_221 : memref<1x100xi32, #tpu.memory_space<vmem>> -> memref<100xi32, #tpu.memory_space<vmem>>
        %dma_wait3A_223 = arith.constant 0 : i32
        %dma_wait3A_224 = arith.constant 0 : i32
        %dma_wait3A_225 = tpu.memref_slice %arg11[%dma_wait3A_223, %dma_wait3A_224] : memref<10240x128xf32, #tpu.memory_space<vmem_shared>> -> memref<10240x128xf32, #tpu.memory_space<vmem_shared>>
        tpu.wait_indirect_dma semaphore(%run_scoped3A_213 : memref<!tpu.dma_semaphore, #tpu.memory_space<semaphore_mem>>) src(%arg8 : memref<100x128xf32, #tpu.memory_space<vmem>>) dst(%dma_wait3A_225 : memref<10240x128xf32, #tpu.memory_space<vmem_shared>>)
        tpu.yield
      }) : () -> ()
      %add3A_183 = arith.constant 3 : i32
      %add3A_184 = arith.addi %mul3A_172, %add3A_183 : i32
      %lt3A = arith.constant 25 : i32
      %lt3A_185 = arith.cmpi slt, %add3A_184, %lt3A : i32
      %convert_element_type3A = arith.extui %lt3A_185 : i1 to i32
      %cond3A = arith.constant 0 : i32
      %cond3A_186 = arith.cmpi ne, %convert_element_type3A, %cond3A : i32
      scf.if %cond3A_186 {
        %add3A_213 = arith.constant 3 : i32
        %add3A_214 = arith.addi %mul3A_172, %add3A_213 : i32
        %dma_start3A_215 = arith.constant 0 : i32
        %dma_start3A_216 = tpu.memref_slice %arg6[%add3A_214, %dma_start3A_215] : memref<25x100xi32, #tpu.memory_space<vmem>> -> memref<1x100xi32, #tpu.memory_space<vmem>>
        %dma_start3A_217 = tpu.memref_squeeze %dma_start3A_216 : memref<1x100xi32, #tpu.memory_space<vmem>> -> memref<100xi32, #tpu.memory_space<vmem>>
        %dma_start3A_218 = arith.constant 0 : i32
        %dma_start3A_219 = arith.constant 0 : i32
        %dma_start3A_220 = tpu.memref_slice %arg2[%dma_start3A_218, %dma_start3A_219] : memref<10000x128xf32, #tpu.memory_space<hbm>> -> memref<10000x128xf32, #tpu.memory_space<hbm>>
        tpu.enqueue_indirect_dma source(%dma_start3A_220 : memref<10000x128xf32, #tpu.memory_space<hbm>>) target(%arg8 : memref<100x128xf32, #tpu.memory_space<vmem>>) offsets(%dma_start3A_217 : memref<100xi32, #tpu.memory_space<vmem>>) semaphore(%arg12 : memref<!tpu.dma_semaphore, #tpu.memory_space<semaphore_mem>>)
      } else {
      }
      %dma_wait3A_187 = arith.constant 0 : i32
      %dma_wait3A_188 = tpu.memref_slice %arg6[%add3A_174, %dma_wait3A_187] : memref<25x100xi32, #tpu.memory_space<vmem>> -> memref<1x100xi32, #tpu.memory_space<vmem>>
      %dma_wait3A_189 = tpu.memref_squeeze %dma_wait3A_188 : memref<1x100xi32, #tpu.memory_space<vmem>> -> memref<100xi32, #tpu.memory_space<vmem>>
      %dma_wait3A_190 = arith.constant 0 : i32
      %dma_wait3A_191 = arith.constant 0 : i32
      %dma_wait3A_192 = tpu.memref_slice %arg2[%dma_wait3A_190, %dma_wait3A_191] : memref<10000x128xf32, #tpu.memory_space<hbm>> -> memref<10000x128xf32, #tpu.memory_space<hbm>>
      tpu.wait_indirect_dma semaphore(%arg13 : memref<!tpu.dma_semaphore, #tpu.memory_space<semaphore_mem>>) src(%dma_wait3A_192 : memref<10000x128xf32, #tpu.memory_space<hbm>>) dst(%arg9 : memref<100x128xf32, #tpu.memory_space<vmem>>)
      "tpu.region"() ({
        %run_scoped3A_213 = tpu.sem_alloc : memref<!tpu.dma_semaphore, #tpu.memory_space<semaphore_mem>>
        %dma_start3A_214 = arith.constant 0 : i32
        %dma_start3A_215 = tpu.memref_slice %arg7[%add3A_174, %dma_start3A_214] : memref<25x100xi32, #tpu.memory_space<vmem>> -> memref<1x100xi32, #tpu.memory_space<vmem>>
        %dma_start3A_216 = tpu.memref_squeeze %dma_start3A_215 : memref<1x100xi32, #tpu.memory_space<vmem>> -> memref<100xi32, #tpu.memory_space<vmem>>
        %dma_start3A_217 = arith.constant 0 : i32
        %dma_start3A_218 = arith.constant 0 : i32
        %dma_start3A_219 = tpu.memref_slice %arg11[%dma_start3A_217, %dma_start3A_218] : memref<10240x128xf32, #tpu.memory_space<vmem_shared>> -> memref<10240x128xf32, #tpu.memory_space<vmem_shared>>
        tpu.enqueue_indirect_dma source(%arg9 : memref<100x128xf32, #tpu.memory_space<vmem>>) target(%dma_start3A_219 : memref<10240x128xf32, #tpu.memory_space<vmem_shared>>) offsets(%dma_start3A_216 : memref<100xi32, #tpu.memory_space<vmem>>) semaphore(%run_scoped3A_213 : memref<!tpu.dma_semaphore, #tpu.memory_space<semaphore_mem>>) {add = true}
        %dma_wait3A_220 = arith.constant 0 : i32
        %dma_wait3A_221 = tpu.memref_slice %arg7[%add3A_174, %dma_wait3A_220] : memref<25x100xi32, #tpu.memory_space<vmem>> -> memref<1x100xi32, #tpu.memory_space<vmem>>
        %dma_wait3A_222 = tpu.memref_squeeze %dma_wait3A_221 : memref<1x100xi32, #tpu.memory_space<vmem>> -> memref<100xi32, #tpu.memory_space<vmem>>
        %dma_wait3A_223 = arith.constant 0 : i32
        %dma_wait3A_224 = arith.constant 0 : i32
        %dma_wait3A_225 = tpu.memref_slice %arg11[%dma_wait3A_223, %dma_wait3A_224] : memref<10240x128xf32, #tpu.memory_space<vmem_shared>> -> memref<10240x128xf32, #tpu.memory_space<vmem_shared>>
        tpu.wait_indirect_dma semaphore(%run_scoped3A_213 : memref<!tpu.dma_semaphore, #tpu.memory_space<semaphore_mem>>) src(%arg9 : memref<100x128xf32, #tpu.memory_space<vmem>>) dst(%dma_wait3A_225 : memref<10240x128xf32, #tpu.memory_space<vmem_shared>>)
        tpu.yield
      }) : () -> ()
      %add3A_193 = arith.constant 3 : i32
      %add3A_194 = arith.addi %add3A_174, %add3A_193 : i32
      %lt3A_195 = arith.constant 25 : i32
      %lt3A_196 = arith.cmpi slt, %add3A_194, %lt3A_195 : i32
      %convert_element_type3A_197 = arith.extui %lt3A_196 : i1 to i32
      %cond3A_198 = arith.constant 0 : i32
      %cond3A_199 = arith.cmpi ne, %convert_element_type3A_197, %cond3A_198 : i32
      scf.if %cond3A_199 {
        %add3A_213 = arith.constant 3 : i32
        %add3A_214 = arith.addi %add3A_174, %add3A_213 : i32
        %dma_start3A_215 = arith.constant 0 : i32
        %dma_start3A_216 = tpu.memref_slice %arg6[%add3A_214, %dma_start3A_215] : memref<25x100xi32, #tpu.memory_space<vmem>> -> memref<1x100xi32, #tpu.memory_space<vmem>>
        %dma_start3A_217 = tpu.memref_squeeze %dma_start3A_216 : memref<1x100xi32, #tpu.memory_space<vmem>> -> memref<100xi32, #tpu.memory_space<vmem>>
        %dma_start3A_218 = arith.constant 0 : i32
        %dma_start3A_219 = arith.constant 0 : i32
        %dma_start3A_220 = tpu.memref_slice %arg2[%dma_start3A_218, %dma_start3A_219] : memref<10000x128xf32, #tpu.memory_space<hbm>> -> memref<10000x128xf32, #tpu.memory_space<hbm>>
        tpu.enqueue_indirect_dma source(%dma_start3A_220 : memref<10000x128xf32, #tpu.memory_space<hbm>>) target(%arg9 : memref<100x128xf32, #tpu.memory_space<vmem>>) offsets(%dma_start3A_217 : memref<100xi32, #tpu.memory_space<vmem>>) semaphore(%arg13 : memref<!tpu.dma_semaphore, #tpu.memory_space<semaphore_mem>>)
      } else {
      }
      %dma_wait3A_200 = arith.constant 0 : i32
      %dma_wait3A_201 = tpu.memref_slice %arg6[%add3A_176, %dma_wait3A_200] : memref<25x100xi32, #tpu.memory_space<vmem>> -> memref<1x100xi32, #tpu.memory_space<vmem>>
      %dma_wait3A_202 = tpu.memref_squeeze %dma_wait3A_201 : memref<1x100xi32, #tpu.memory_space<vmem>> -> memref<100xi32, #tpu.memory_space<vmem>>
      %dma_wait3A_203 = arith.constant 0 : i32
      %dma_wait3A_204 = arith.constant 0 : i32
      %dma_wait3A_205 = tpu.memref_slice %arg2[%dma_wait3A_203, %dma_wait3A_204] : memref<10000x128xf32, #tpu.memory_space<hbm>> -> memref<10000x128xf32, #tpu.memory_space<hbm>>
      tpu.wait_indirect_dma semaphore(%arg14 : memref<!tpu.dma_semaphore, #tpu.memory_space<semaphore_mem>>) src(%dma_wait3A_205 : memref<10000x128xf32, #tpu.memory_space<hbm>>) dst(%arg10 : memref<100x128xf32, #tpu.memory_space<vmem>>)
      "tpu.region"() ({
        %run_scoped3A_213 = tpu.sem_alloc : memref<!tpu.dma_semaphore, #tpu.memory_space<semaphore_mem>>
        %dma_start3A_214 = arith.constant 0 : i32
        %dma_start3A_215 = tpu.memref_slice %arg7[%add3A_176, %dma_start3A_214] : memref<25x100xi32, #tpu.memory_space<vmem>> -> memref<1x100xi32, #tpu.memory_space<vmem>>
        %dma_start3A_216 = tpu.memref_squeeze %dma_start3A_215 : memref<1x100xi32, #tpu.memory_space<vmem>> -> memref<100xi32, #tpu.memory_space<vmem>>
        %dma_start3A_217 = arith.constant 0 : i32
        %dma_start3A_218 = arith.constant 0 : i32
        %dma_start3A_219 = tpu.memref_slice %arg11[%dma_start3A_217, %dma_start3A_218] : memref<10240x128xf32, #tpu.memory_space<vmem_shared>> -> memref<10240x128xf32, #tpu.memory_space<vmem_shared>>
        tpu.enqueue_indirect_dma source(%arg10 : memref<100x128xf32, #tpu.memory_space<vmem>>) target(%dma_start3A_219 : memref<10240x128xf32, #tpu.memory_space<vmem_shared>>) offsets(%dma_start3A_216 : memref<100xi32, #tpu.memory_space<vmem>>) semaphore(%run_scoped3A_213 : memref<!tpu.dma_semaphore, #tpu.memory_space<semaphore_mem>>) {add = true}
        %dma_wait3A_220 = arith.constant 0 : i32
        %dma_wait3A_221 = tpu.memref_slice %arg7[%add3A_176, %dma_wait3A_220] : memref<25x100xi32, #tpu.memory_space<vmem>> -> memref<1x100xi32, #tpu.memory_space<vmem>>
        %dma_wait3A_222 = tpu.memref_squeeze %dma_wait3A_221 : memref<1x100xi32, #tpu.memory_space<vmem>> -> memref<100xi32, #tpu.memory_space<vmem>>
        %dma_wait3A_223 = arith.constant 0 : i32
        %dma_wait3A_224 = arith.constant 0 : i32
        %dma_wait3A_225 = tpu.memref_slice %arg11[%dma_wait3A_223, %dma_wait3A_224] : memref<10240x128xf32, #tpu.memory_space<vmem_shared>> -> memref<10240x128xf32, #tpu.memory_space<vmem_shared>>
        tpu.wait_indirect_dma semaphore(%run_scoped3A_213 : memref<!tpu.dma_semaphore, #tpu.memory_space<semaphore_mem>>) src(%arg10 : memref<100x128xf32, #tpu.memory_space<vmem>>) dst(%dma_wait3A_225 : memref<10240x128xf32, #tpu.memory_space<vmem_shared>>)
        tpu.yield
      }) : () -> ()
      %add3A_206 = arith.constant 3 : i32
      %add3A_207 = arith.addi %add3A_176, %add3A_206 : i32
      %lt3A_208 = arith.constant 25 : i32
      %lt3A_209 = arith.cmpi slt, %add3A_207, %lt3A_208 : i32
      %convert_element_type3A_210 = arith.extui %lt3A_209 : i1 to i32
      %cond3A_211 = arith.constant 0 : i32
      %cond3A_212 = arith.cmpi ne, %convert_element_type3A_210, %cond3A_211 : i32
      scf.if %cond3A_212 {
        %add3A_213 = arith.constant 3 : i32
        %add3A_214 = arith.addi %add3A_176, %add3A_213 : i32
        %dma_start3A_215 = arith.constant 0 : i32
        %dma_start3A_216 = tpu.memref_slice %arg6[%add3A_214, %dma_start3A_215] : memref<25x100xi32, #tpu.memory_space<vmem>> -> memref<1x100xi32, #tpu.memory_space<vmem>>
        %dma_start3A_217 = tpu.memref_squeeze %dma_start3A_216 : memref<1x100xi32, #tpu.memory_space<vmem>> -> memref<100xi32, #tpu.memory_space<vmem>>
        %dma_start3A_218 = arith.constant 0 : i32
        %dma_start3A_219 = arith.constant 0 : i32
        %dma_start3A_220 = tpu.memref_slice %arg2[%dma_start3A_218, %dma_start3A_219] : memref<10000x128xf32, #tpu.memory_space<hbm>> -> memref<10000x128xf32, #tpu.memory_space<hbm>>
        tpu.enqueue_indirect_dma source(%dma_start3A_220 : memref<10000x128xf32, #tpu.memory_space<hbm>>) target(%arg10 : memref<100x128xf32, #tpu.memory_space<vmem>>) offsets(%dma_start3A_217 : memref<100xi32, #tpu.memory_space<vmem>>) semaphore(%arg14 : memref<!tpu.dma_semaphore, #tpu.memory_space<semaphore_mem>>)
      } else {
      }
    }
    %scan3A_50 = arith.constant 8 : i32
    %dma_wait3A = arith.constant 24 : i32
    %dma_wait3A_51 = arith.constant 0 : i32
    %dma_wait3A_52 = tpu.memref_slice %arg6[%dma_wait3A, %dma_wait3A_51] : memref<25x100xi32, #tpu.memory_space<vmem>> -> memref<1x100xi32, #tpu.memory_space<vmem>>
    %dma_wait3A_53 = tpu.memref_squeeze %dma_wait3A_52 : memref<1x100xi32, #tpu.memory_space<vmem>> -> memref<100xi32, #tpu.memory_space<vmem>>
    %dma_wait3A_54 = arith.constant 0 : i32
    %dma_wait3A_55 = arith.constant 0 : i32
    %dma_wait3A_56 = tpu.memref_slice %arg2[%dma_wait3A_54, %dma_wait3A_55] : memref<10000x128xf32, #tpu.memory_space<hbm>> -> memref<10000x128xf32, #tpu.memory_space<hbm>>
    tpu.wait_indirect_dma semaphore(%arg12 : memref<!tpu.dma_semaphore, #tpu.memory_space<semaphore_mem>>) src(%dma_wait3A_56 : memref<10000x128xf32, #tpu.memory_space<hbm>>) dst(%arg8 : memref<100x128xf32, #tpu.memory_space<vmem>>)
    %run_scoped3A_57 = arith.constant 24 : i32
    "tpu.region"() ({
      %run_scoped3A_170 = tpu.sem_alloc : memref<!tpu.dma_semaphore, #tpu.memory_space<semaphore_mem>>
      %dma_start3A_171 = arith.constant 0 : i32
      %dma_start3A_172 = tpu.memref_slice %arg7[%run_scoped3A_57, %dma_start3A_171] : memref<25x100xi32, #tpu.memory_space<vmem>> -> memref<1x100xi32, #tpu.memory_space<vmem>>
      %dma_start3A_173 = tpu.memref_squeeze %dma_start3A_172 : memref<1x100xi32, #tpu.memory_space<vmem>> -> memref<100xi32, #tpu.memory_space<vmem>>
      %dma_start3A_174 = arith.constant 0 : i32
      %dma_start3A_175 = arith.constant 0 : i32
      %dma_start3A_176 = tpu.memref_slice %arg11[%dma_start3A_174, %dma_start3A_175] : memref<10240x128xf32, #tpu.memory_space<vmem_shared>> -> memref<10240x128xf32, #tpu.memory_space<vmem_shared>>
      tpu.enqueue_indirect_dma source(%arg8 : memref<100x128xf32, #tpu.memory_space<vmem>>) target(%dma_start3A_176 : memref<10240x128xf32, #tpu.memory_space<vmem_shared>>) offsets(%dma_start3A_173 : memref<100xi32, #tpu.memory_space<vmem>>) semaphore(%run_scoped3A_170 : memref<!tpu.dma_semaphore, #tpu.memory_space<semaphore_mem>>) {add = true}
      %dma_wait3A_177 = arith.constant 0 : i32
      %dma_wait3A_178 = tpu.memref_slice %arg7[%run_scoped3A_57, %dma_wait3A_177] : memref<25x100xi32, #tpu.memory_space<vmem>> -> memref<1x100xi32, #tpu.memory_space<vmem>>
      %dma_wait3A_179 = tpu.memref_squeeze %dma_wait3A_178 : memref<1x100xi32, #tpu.memory_space<vmem>> -> memref<100xi32, #tpu.memory_space<vmem>>
      %dma_wait3A_180 = arith.constant 0 : i32
      %dma_wait3A_181 = arith.constant 0 : i32
      %dma_wait3A_182 = tpu.memref_slice %arg11[%dma_wait3A_180, %dma_wait3A_181] : memref<10240x128xf32, #tpu.memory_space<vmem_shared>> -> memref<10240x128xf32, #tpu.memory_space<vmem_shared>>
      tpu.wait_indirect_dma semaphore(%run_scoped3A_170 : memref<!tpu.dma_semaphore, #tpu.memory_space<semaphore_mem>>) src(%arg8 : memref<100x128xf32, #tpu.memory_space<vmem>>) dst(%dma_wait3A_182 : memref<10240x128xf32, #tpu.memory_space<vmem_shared>>)
      tpu.yield
    }) : () -> ()
    %run_scoped3A_58 = arith.constant 1 : i32
    "tpu.region"() ({
      %run_scoped3A_170 = tpu.sem_alloc : memref<!tpu.dma_semaphore, #tpu.memory_space<semaphore_mem>>
      %dma_start3A_171 = arith.constant 0 : i32
      %dma_start3A_172 = arith.constant 0 : i32
      %dma_start3A_173 = tpu.memref_slice %arg3[%add3A, %run_scoped3A_58, %dma_start3A_171, %dma_start3A_172] : memref<32x4x25x100xi32, #tpu.memory_space<hbm>> -> memref<1x1x25x100xi32, #tpu.memory_space<hbm>>
      %dma_start3A_174 = tpu.memref_squeeze %dma_start3A_173 : memref<1x1x25x100xi32, #tpu.memory_space<hbm>> -> memref<25x100xi32, #tpu.memory_space<hbm>>
      %dma_start3A_175 = arith.constant 0 : i32
      %dma_start3A_176 = arith.constant 0 : i32
      %dma_start3A_177 = tpu.memref_slice %arg3[%add3A, %run_scoped3A_58, %dma_start3A_175, %dma_start3A_176] : memref<32x4x25x100xi32, #tpu.memory_space<hbm>> -> memref<1x1x25x100xi32, #tpu.memory_space<hbm>>
      %dma_start3A_178 = tpu.memref_squeeze %dma_start3A_177 : memref<1x1x25x100xi32, #tpu.memory_space<hbm>> -> memref<25x100xi32, #tpu.memory_space<hbm>>
      tpu.enqueue_dma source(%dma_start3A_178 : memref<25x100xi32, #tpu.memory_space<hbm>>) target(%arg6 : memref<25x100xi32, #tpu.memory_space<vmem>>) target_semaphore(%run_scoped3A_170 : memref<!tpu.dma_semaphore, #tpu.memory_space<semaphore_mem>>)
      %dma_wait3A_179 = arith.constant 0 : i32
      %dma_wait3A_180 = arith.constant 0 : i32
      %dma_wait3A_181 = tpu.memref_slice %arg3[%add3A, %run_scoped3A_58, %dma_wait3A_179, %dma_wait3A_180] : memref<32x4x25x100xi32, #tpu.memory_space<hbm>> -> memref<1x1x25x100xi32, #tpu.memory_space<hbm>>
      %dma_wait3A_182 = tpu.memref_squeeze %dma_wait3A_181 : memref<1x1x25x100xi32, #tpu.memory_space<hbm>> -> memref<25x100xi32, #tpu.memory_space<hbm>>
      %dma_wait3A_183 = arith.constant 0 : i32
      %dma_wait3A_184 = arith.constant 0 : i32
      %dma_wait3A_185 = tpu.memref_slice %arg3[%add3A, %run_scoped3A_58, %dma_wait3A_183, %dma_wait3A_184] : memref<32x4x25x100xi32, #tpu.memory_space<hbm>> -> memref<1x1x25x100xi32, #tpu.memory_space<hbm>>
      %dma_wait3A_186 = tpu.memref_squeeze %dma_wait3A_185 : memref<1x1x25x100xi32, #tpu.memory_space<hbm>> -> memref<25x100xi32, #tpu.memory_space<hbm>>
      tpu.wait_dma2 semaphore(%run_scoped3A_170 : memref<!tpu.dma_semaphore, #tpu.memory_space<semaphore_mem>>) src(%dma_wait3A_186 : memref<25x100xi32, #tpu.memory_space<hbm>>) dst(%arg6 : memref<25x100xi32, #tpu.memory_space<vmem>>)
      tpu.yield
    }) : () -> ()
    %run_scoped3A_59 = arith.constant 1 : i32
    "tpu.region"() ({
      %run_scoped3A_170 = tpu.sem_alloc : memref<!tpu.dma_semaphore, #tpu.memory_space<semaphore_mem>>
      %dma_start3A_171 = arith.constant 0 : i32
      %dma_start3A_172 = arith.constant 0 : i32
      %dma_start3A_173 = tpu.memref_slice %arg4[%add3A, %run_scoped3A_59, %dma_start3A_171, %dma_start3A_172] : memref<32x4x25x100xi32, #tpu.memory_space<hbm>> -> memref<1x1x25x100xi32, #tpu.memory_space<hbm>>
      %dma_start3A_174 = tpu.memref_squeeze %dma_start3A_173 : memref<1x1x25x100xi32, #tpu.memory_space<hbm>> -> memref<25x100xi32, #tpu.memory_space<hbm>>
      %dma_start3A_175 = arith.constant 0 : i32
      %dma_start3A_176 = arith.constant 0 : i32
      %dma_start3A_177 = tpu.memref_slice %arg4[%add3A, %run_scoped3A_59, %dma_start3A_175, %dma_start3A_176] : memref<32x4x25x100xi32, #tpu.memory_space<hbm>> -> memref<1x1x25x100xi32, #tpu.memory_space<hbm>>
      %dma_start3A_178 = tpu.memref_squeeze %dma_start3A_177 : memref<1x1x25x100xi32, #tpu.memory_space<hbm>> -> memref<25x100xi32, #tpu.memory_space<hbm>>
      tpu.enqueue_dma source(%dma_start3A_178 : memref<25x100xi32, #tpu.memory_space<hbm>>) target(%arg7 : memref<25x100xi32, #tpu.memory_space<vmem>>) target_semaphore(%run_scoped3A_170 : memref<!tpu.dma_semaphore, #tpu.memory_space<semaphore_mem>>)
      %dma_wait3A_179 = arith.constant 0 : i32
      %dma_wait3A_180 = arith.constant 0 : i32
      %dma_wait3A_181 = tpu.memref_slice %arg4[%add3A, %run_scoped3A_59, %dma_wait3A_179, %dma_wait3A_180] : memref<32x4x25x100xi32, #tpu.memory_space<hbm>> -> memref<1x1x25x100xi32, #tpu.memory_space<hbm>>
      %dma_wait3A_182 = tpu.memref_squeeze %dma_wait3A_181 : memref<1x1x25x100xi32, #tpu.memory_space<hbm>> -> memref<25x100xi32, #tpu.memory_space<hbm>>
      %dma_wait3A_183 = arith.constant 0 : i32
      %dma_wait3A_184 = arith.constant 0 : i32
      %dma_wait3A_185 = tpu.memref_slice %arg4[%add3A, %run_scoped3A_59, %dma_wait3A_183, %dma_wait3A_184] : memref<32x4x25x100xi32, #tpu.memory_space<hbm>> -> memref<1x1x25x100xi32, #tpu.memory_space<hbm>>
      %dma_wait3A_186 = tpu.memref_squeeze %dma_wait3A_185 : memref<1x1x25x100xi32, #tpu.memory_space<hbm>> -> memref<25x100xi32, #tpu.memory_space<hbm>>
      tpu.wait_dma2 semaphore(%run_scoped3A_170 : memref<!tpu.dma_semaphore, #tpu.memory_space<semaphore_mem>>) src(%dma_wait3A_186 : memref<25x100xi32, #tpu.memory_space<hbm>>) dst(%arg7 : memref<25x100xi32, #tpu.memory_space<vmem>>)
      tpu.yield
    }) : () -> ()
    %dma_start3A_60 = arith.constant 0 : i32
    %dma_start3A_61 = arith.constant 0 : i32
    %dma_start3A_62 = tpu.memref_slice %arg6[%dma_start3A_60, %dma_start3A_61] : memref<25x100xi32, #tpu.memory_space<vmem>> -> memref<1x100xi32, #tpu.memory_space<vmem>>
    %dma_start3A_63 = tpu.memref_squeeze %dma_start3A_62 : memref<1x100xi32, #tpu.memory_space<vmem>> -> memref<100xi32, #tpu.memory_space<vmem>>
    %dma_start3A_64 = arith.constant 0 : i32
    %dma_start3A_65 = arith.constant 0 : i32
    %dma_start3A_66 = tpu.memref_slice %arg2[%dma_start3A_64, %dma_start3A_65] : memref<10000x128xf32, #tpu.memory_space<hbm>> -> memref<10000x128xf32, #tpu.memory_space<hbm>>
    tpu.enqueue_indirect_dma source(%dma_start3A_66 : memref<10000x128xf32, #tpu.memory_space<hbm>>) target(%arg8 : memref<100x128xf32, #tpu.memory_space<vmem>>) offsets(%dma_start3A_63 : memref<100xi32, #tpu.memory_space<vmem>>) semaphore(%arg12 : memref<!tpu.dma_semaphore, #tpu.memory_space<semaphore_mem>>)
    %dma_start3A_67 = arith.constant 1 : i32
    %dma_start3A_68 = arith.constant 0 : i32
    %dma_start3A_69 = tpu.memref_slice %arg6[%dma_start3A_67, %dma_start3A_68] : memref<25x100xi32, #tpu.memory_space<vmem>> -> memref<1x100xi32, #tpu.memory_space<vmem>>
    %dma_start3A_70 = tpu.memref_squeeze %dma_start3A_69 : memref<1x100xi32, #tpu.memory_space<vmem>> -> memref<100xi32, #tpu.memory_space<vmem>>
    %dma_start3A_71 = arith.constant 0 : i32
    %dma_start3A_72 = arith.constant 0 : i32
    %dma_start3A_73 = tpu.memref_slice %arg2[%dma_start3A_71, %dma_start3A_72] : memref<10000x128xf32, #tpu.memory_space<hbm>> -> memref<10000x128xf32, #tpu.memory_space<hbm>>
    tpu.enqueue_indirect_dma source(%dma_start3A_73 : memref<10000x128xf32, #tpu.memory_space<hbm>>) target(%arg9 : memref<100x128xf32, #tpu.memory_space<vmem>>) offsets(%dma_start3A_70 : memref<100xi32, #tpu.memory_space<vmem>>) semaphore(%arg13 : memref<!tpu.dma_semaphore, #tpu.memory_space<semaphore_mem>>)
    %dma_start3A_74 = arith.constant 2 : i32
    %dma_start3A_75 = arith.constant 0 : i32
    %dma_start3A_76 = tpu.memref_slice %arg6[%dma_start3A_74, %dma_start3A_75] : memref<25x100xi32, #tpu.memory_space<vmem>> -> memref<1x100xi32, #tpu.memory_space<vmem>>
    %dma_start3A_77 = tpu.memref_squeeze %dma_start3A_76 : memref<1x100xi32, #tpu.memory_space<vmem>> -> memref<100xi32, #tpu.memory_space<vmem>>
    %dma_start3A_78 = arith.constant 0 : i32
    %dma_start3A_79 = arith.constant 0 : i32
    %dma_start3A_80 = tpu.memref_slice %arg2[%dma_start3A_78, %dma_start3A_79] : memref<10000x128xf32, #tpu.memory_space<hbm>> -> memref<10000x128xf32, #tpu.memory_space<hbm>>
    tpu.enqueue_indirect_dma source(%dma_start3A_80 : memref<10000x128xf32, #tpu.memory_space<hbm>>) target(%arg10 : memref<100x128xf32, #tpu.memory_space<vmem>>) offsets(%dma_start3A_77 : memref<100xi32, #tpu.memory_space<vmem>>) semaphore(%arg14 : memref<!tpu.dma_semaphore, #tpu.memory_space<semaphore_mem>>)
    %scan3A_81 = arith.constant 0 : i32
    %scan3A_82 = arith.constant 0 : i32
    %scan3A_83 = arith.constant 8 : i32
    %scan3A_84 = arith.addi %scan3A_82, %scan3A_83 : i32
    %scan3A_85 = arith.constant 1 : i32
    scf.for %scan3A_170 = %scan3A_82 to %scan3A_84 step %scan3A_85  : i32 {
      %mul3A_171 = arith.constant 3 : i32
      %mul3A_172 = arith.muli %scan3A_170, %mul3A_171 : i32
      %add3A_173 = arith.constant 1 : i32
      %add3A_174 = arith.addi %mul3A_172, %add3A_173 : i32
      %add3A_175 = arith.constant 2 : i32
      %add3A_176 = arith.addi %mul3A_172, %add3A_175 : i32
      %dma_wait3A_177 = arith.constant 0 : i32
      %dma_wait3A_178 = tpu.memref_slice %arg6[%mul3A_172, %dma_wait3A_177] : memref<25x100xi32, #tpu.memory_space<vmem>> -> memref<1x100xi32, #tpu.memory_space<vmem>>
      %dma_wait3A_179 = tpu.memref_squeeze %dma_wait3A_178 : memref<1x100xi32, #tpu.memory_space<vmem>> -> memref<100xi32, #tpu.memory_space<vmem>>
      %dma_wait3A_180 = arith.constant 0 : i32
      %dma_wait3A_181 = arith.constant 0 : i32
      %dma_wait3A_182 = tpu.memref_slice %arg2[%dma_wait3A_180, %dma_wait3A_181] : memref<10000x128xf32, #tpu.memory_space<hbm>> -> memref<10000x128xf32, #tpu.memory_space<hbm>>
      tpu.wait_indirect_dma semaphore(%arg12 : memref<!tpu.dma_semaphore, #tpu.memory_space<semaphore_mem>>) src(%dma_wait3A_182 : memref<10000x128xf32, #tpu.memory_space<hbm>>) dst(%arg8 : memref<100x128xf32, #tpu.memory_space<vmem>>)
      "tpu.region"() ({
        %run_scoped3A_213 = tpu.sem_alloc : memref<!tpu.dma_semaphore, #tpu.memory_space<semaphore_mem>>
        %dma_start3A_214 = arith.constant 0 : i32
        %dma_start3A_215 = tpu.memref_slice %arg7[%mul3A_172, %dma_start3A_214] : memref<25x100xi32, #tpu.memory_space<vmem>> -> memref<1x100xi32, #tpu.memory_space<vmem>>
        %dma_start3A_216 = tpu.memref_squeeze %dma_start3A_215 : memref<1x100xi32, #tpu.memory_space<vmem>> -> memref<100xi32, #tpu.memory_space<vmem>>
        %dma_start3A_217 = arith.constant 0 : i32
        %dma_start3A_218 = arith.constant 0 : i32
        %dma_start3A_219 = tpu.memref_slice %arg11[%dma_start3A_217, %dma_start3A_218] : memref<10240x128xf32, #tpu.memory_space<vmem_shared>> -> memref<10240x128xf32, #tpu.memory_space<vmem_shared>>
        tpu.enqueue_indirect_dma source(%arg8 : memref<100x128xf32, #tpu.memory_space<vmem>>) target(%dma_start3A_219 : memref<10240x128xf32, #tpu.memory_space<vmem_shared>>) offsets(%dma_start3A_216 : memref<100xi32, #tpu.memory_space<vmem>>) semaphore(%run_scoped3A_213 : memref<!tpu.dma_semaphore, #tpu.memory_space<semaphore_mem>>) {add = true}
        %dma_wait3A_220 = arith.constant 0 : i32
        %dma_wait3A_221 = tpu.memref_slice %arg7[%mul3A_172, %dma_wait3A_220] : memref<25x100xi32, #tpu.memory_space<vmem>> -> memref<1x100xi32, #tpu.memory_space<vmem>>
        %dma_wait3A_222 = tpu.memref_squeeze %dma_wait3A_221 : memref<1x100xi32, #tpu.memory_space<vmem>> -> memref<100xi32, #tpu.memory_space<vmem>>
        %dma_wait3A_223 = arith.constant 0 : i32
        %dma_wait3A_224 = arith.constant 0 : i32
        %dma_wait3A_225 = tpu.memref_slice %arg11[%dma_wait3A_223, %dma_wait3A_224] : memref<10240x128xf32, #tpu.memory_space<vmem_shared>> -> memref<10240x128xf32, #tpu.memory_space<vmem_shared>>
        tpu.wait_indirect_dma semaphore(%run_scoped3A_213 : memref<!tpu.dma_semaphore, #tpu.memory_space<semaphore_mem>>) src(%arg8 : memref<100x128xf32, #tpu.memory_space<vmem>>) dst(%dma_wait3A_225 : memref<10240x128xf32, #tpu.memory_space<vmem_shared>>)
        tpu.yield
      }) : () -> ()
      %add3A_183 = arith.constant 3 : i32
      %add3A_184 = arith.addi %mul3A_172, %add3A_183 : i32
      %lt3A = arith.constant 25 : i32
      %lt3A_185 = arith.cmpi slt, %add3A_184, %lt3A : i32
      %convert_element_type3A = arith.extui %lt3A_185 : i1 to i32
      %cond3A = arith.constant 0 : i32
      %cond3A_186 = arith.cmpi ne, %convert_element_type3A, %cond3A : i32
      scf.if %cond3A_186 {
        %add3A_213 = arith.constant 3 : i32
        %add3A_214 = arith.addi %mul3A_172, %add3A_213 : i32
        %dma_start3A_215 = arith.constant 0 : i32
        %dma_start3A_216 = tpu.memref_slice %arg6[%add3A_214, %dma_start3A_215] : memref<25x100xi32, #tpu.memory_space<vmem>> -> memref<1x100xi32, #tpu.memory_space<vmem>>
        %dma_start3A_217 = tpu.memref_squeeze %dma_start3A_216 : memref<1x100xi32, #tpu.memory_space<vmem>> -> memref<100xi32, #tpu.memory_space<vmem>>
        %dma_start3A_218 = arith.constant 0 : i32
        %dma_start3A_219 = arith.constant 0 : i32
        %dma_start3A_220 = tpu.memref_slice %arg2[%dma_start3A_218, %dma_start3A_219] : memref<10000x128xf32, #tpu.memory_space<hbm>> -> memref<10000x128xf32, #tpu.memory_space<hbm>>
        tpu.enqueue_indirect_dma source(%dma_start3A_220 : memref<10000x128xf32, #tpu.memory_space<hbm>>) target(%arg8 : memref<100x128xf32, #tpu.memory_space<vmem>>) offsets(%dma_start3A_217 : memref<100xi32, #tpu.memory_space<vmem>>) semaphore(%arg12 : memref<!tpu.dma_semaphore, #tpu.memory_space<semaphore_mem>>)
      } else {
      }
      %dma_wait3A_187 = arith.constant 0 : i32
      %dma_wait3A_188 = tpu.memref_slice %arg6[%add3A_174, %dma_wait3A_187] : memref<25x100xi32, #tpu.memory_space<vmem>> -> memref<1x100xi32, #tpu.memory_space<vmem>>
      %dma_wait3A_189 = tpu.memref_squeeze %dma_wait3A_188 : memref<1x100xi32, #tpu.memory_space<vmem>> -> memref<100xi32, #tpu.memory_space<vmem>>
      %dma_wait3A_190 = arith.constant 0 : i32
      %dma_wait3A_191 = arith.constant 0 : i32
      %dma_wait3A_192 = tpu.memref_slice %arg2[%dma_wait3A_190, %dma_wait3A_191] : memref<10000x128xf32, #tpu.memory_space<hbm>> -> memref<10000x128xf32, #tpu.memory_space<hbm>>
      tpu.wait_indirect_dma semaphore(%arg13 : memref<!tpu.dma_semaphore, #tpu.memory_space<semaphore_mem>>) src(%dma_wait3A_192 : memref<10000x128xf32, #tpu.memory_space<hbm>>) dst(%arg9 : memref<100x128xf32, #tpu.memory_space<vmem>>)
      "tpu.region"() ({
        %run_scoped3A_213 = tpu.sem_alloc : memref<!tpu.dma_semaphore, #tpu.memory_space<semaphore_mem>>
        %dma_start3A_214 = arith.constant 0 : i32
        %dma_start3A_215 = tpu.memref_slice %arg7[%add3A_174, %dma_start3A_214] : memref<25x100xi32, #tpu.memory_space<vmem>> -> memref<1x100xi32, #tpu.memory_space<vmem>>
        %dma_start3A_216 = tpu.memref_squeeze %dma_start3A_215 : memref<1x100xi32, #tpu.memory_space<vmem>> -> memref<100xi32, #tpu.memory_space<vmem>>
        %dma_start3A_217 = arith.constant 0 : i32
        %dma_start3A_218 = arith.constant 0 : i32
        %dma_start3A_219 = tpu.memref_slice %arg11[%dma_start3A_217, %dma_start3A_218] : memref<10240x128xf32, #tpu.memory_space<vmem_shared>> -> memref<10240x128xf32, #tpu.memory_space<vmem_shared>>
        tpu.enqueue_indirect_dma source(%arg9 : memref<100x128xf32, #tpu.memory_space<vmem>>) target(%dma_start3A_219 : memref<10240x128xf32, #tpu.memory_space<vmem_shared>>) offsets(%dma_start3A_216 : memref<100xi32, #tpu.memory_space<vmem>>) semaphore(%run_scoped3A_213 : memref<!tpu.dma_semaphore, #tpu.memory_space<semaphore_mem>>) {add = true}
        %dma_wait3A_220 = arith.constant 0 : i32
        %dma_wait3A_221 = tpu.memref_slice %arg7[%add3A_174, %dma_wait3A_220] : memref<25x100xi32, #tpu.memory_space<vmem>> -> memref<1x100xi32, #tpu.memory_space<vmem>>
        %dma_wait3A_222 = tpu.memref_squeeze %dma_wait3A_221 : memref<1x100xi32, #tpu.memory_space<vmem>> -> memref<100xi32, #tpu.memory_space<vmem>>
        %dma_wait3A_223 = arith.constant 0 : i32
        %dma_wait3A_224 = arith.constant 0 : i32
        %dma_wait3A_225 = tpu.memref_slice %arg11[%dma_wait3A_223, %dma_wait3A_224] : memref<10240x128xf32, #tpu.memory_space<vmem_shared>> -> memref<10240x128xf32, #tpu.memory_space<vmem_shared>>
        tpu.wait_indirect_dma semaphore(%run_scoped3A_213 : memref<!tpu.dma_semaphore, #tpu.memory_space<semaphore_mem>>) src(%arg9 : memref<100x128xf32, #tpu.memory_space<vmem>>) dst(%dma_wait3A_225 : memref<10240x128xf32, #tpu.memory_space<vmem_shared>>)
        tpu.yield
      }) : () -> ()
      %add3A_193 = arith.constant 3 : i32
      %add3A_194 = arith.addi %add3A_174, %add3A_193 : i32
      %lt3A_195 = arith.constant 25 : i32
      %lt3A_196 = arith.cmpi slt, %add3A_194, %lt3A_195 : i32
      %convert_element_type3A_197 = arith.extui %lt3A_196 : i1 to i32
      %cond3A_198 = arith.constant 0 : i32
      %cond3A_199 = arith.cmpi ne, %convert_element_type3A_197, %cond3A_198 : i32
      scf.if %cond3A_199 {
        %add3A_213 = arith.constant 3 : i32
        %add3A_214 = arith.addi %add3A_174, %add3A_213 : i32
        %dma_start3A_215 = arith.constant 0 : i32
        %dma_start3A_216 = tpu.memref_slice %arg6[%add3A_214, %dma_start3A_215] : memref<25x100xi32, #tpu.memory_space<vmem>> -> memref<1x100xi32, #tpu.memory_space<vmem>>
        %dma_start3A_217 = tpu.memref_squeeze %dma_start3A_216 : memref<1x100xi32, #tpu.memory_space<vmem>> -> memref<100xi32, #tpu.memory_space<vmem>>
        %dma_start3A_218 = arith.constant 0 : i32
        %dma_start3A_219 = arith.constant 0 : i32
        %dma_start3A_220 = tpu.memref_slice %arg2[%dma_start3A_218, %dma_start3A_219] : memref<10000x128xf32, #tpu.memory_space<hbm>> -> memref<10000x128xf32, #tpu.memory_space<hbm>>
        tpu.enqueue_indirect_dma source(%dma_start3A_220 : memref<10000x128xf32, #tpu.memory_space<hbm>>) target(%arg9 : memref<100x128xf32, #tpu.memory_space<vmem>>) offsets(%dma_start3A_217 : memref<100xi32, #tpu.memory_space<vmem>>) semaphore(%arg13 : memref<!tpu.dma_semaphore, #tpu.memory_space<semaphore_mem>>)
      } else {
      }
      %dma_wait3A_200 = arith.constant 0 : i32
      %dma_wait3A_201 = tpu.memref_slice %arg6[%add3A_176, %dma_wait3A_200] : memref<25x100xi32, #tpu.memory_space<vmem>> -> memref<1x100xi32, #tpu.memory_space<vmem>>
      %dma_wait3A_202 = tpu.memref_squeeze %dma_wait3A_201 : memref<1x100xi32, #tpu.memory_space<vmem>> -> memref<100xi32, #tpu.memory_space<vmem>>
      %dma_wait3A_203 = arith.constant 0 : i32
      %dma_wait3A_204 = arith.constant 0 : i32
      %dma_wait3A_205 = tpu.memref_slice %arg2[%dma_wait3A_203, %dma_wait3A_204] : memref<10000x128xf32, #tpu.memory_space<hbm>> -> memref<10000x128xf32, #tpu.memory_space<hbm>>
      tpu.wait_indirect_dma semaphore(%arg14 : memref<!tpu.dma_semaphore, #tpu.memory_space<semaphore_mem>>) src(%dma_wait3A_205 : memref<10000x128xf32, #tpu.memory_space<hbm>>) dst(%arg10 : memref<100x128xf32, #tpu.memory_space<vmem>>)
      "tpu.region"() ({
        %run_scoped3A_213 = tpu.sem_alloc : memref<!tpu.dma_semaphore, #tpu.memory_space<semaphore_mem>>
        %dma_start3A_214 = arith.constant 0 : i32
        %dma_start3A_215 = tpu.memref_slice %arg7[%add3A_176, %dma_start3A_214] : memref<25x100xi32, #tpu.memory_space<vmem>> -> memref<1x100xi32, #tpu.memory_space<vmem>>
        %dma_start3A_216 = tpu.memref_squeeze %dma_start3A_215 : memref<1x100xi32, #tpu.memory_space<vmem>> -> memref<100xi32, #tpu.memory_space<vmem>>
        %dma_start3A_217 = arith.constant 0 : i32
        %dma_start3A_218 = arith.constant 0 : i32
        %dma_start3A_219 = tpu.memref_slice %arg11[%dma_start3A_217, %dma_start3A_218] : memref<10240x128xf32, #tpu.memory_space<vmem_shared>> -> memref<10240x128xf32, #tpu.memory_space<vmem_shared>>
        tpu.enqueue_indirect_dma source(%arg10 : memref<100x128xf32, #tpu.memory_space<vmem>>) target(%dma_start3A_219 : memref<10240x128xf32, #tpu.memory_space<vmem_shared>>) offsets(%dma_start3A_216 : memref<100xi32, #tpu.memory_space<vmem>>) semaphore(%run_scoped3A_213 : memref<!tpu.dma_semaphore, #tpu.memory_space<semaphore_mem>>) {add = true}
        %dma_wait3A_220 = arith.constant 0 : i32
        %dma_wait3A_221 = tpu.memref_slice %arg7[%add3A_176, %dma_wait3A_220] : memref<25x100xi32, #tpu.memory_space<vmem>> -> memref<1x100xi32, #tpu.memory_space<vmem>>
        %dma_wait3A_222 = tpu.memref_squeeze %dma_wait3A_221 : memref<1x100xi32, #tpu.memory_space<vmem>> -> memref<100xi32, #tpu.memory_space<vmem>>
        %dma_wait3A_223 = arith.constant 0 : i32
        %dma_wait3A_224 = arith.constant 0 : i32
        %dma_wait3A_225 = tpu.memref_slice %arg11[%dma_wait3A_223, %dma_wait3A_224] : memref<10240x128xf32, #tpu.memory_space<vmem_shared>> -> memref<10240x128xf32, #tpu.memory_space<vmem_shared>>
        tpu.wait_indirect_dma semaphore(%run_scoped3A_213 : memref<!tpu.dma_semaphore, #tpu.memory_space<semaphore_mem>>) src(%arg10 : memref<100x128xf32, #tpu.memory_space<vmem>>) dst(%dma_wait3A_225 : memref<10240x128xf32, #tpu.memory_space<vmem_shared>>)
        tpu.yield
      }) : () -> ()
      %add3A_206 = arith.constant 3 : i32
      %add3A_207 = arith.addi %add3A_176, %add3A_206 : i32
      %lt3A_208 = arith.constant 25 : i32
      %lt3A_209 = arith.cmpi slt, %add3A_207, %lt3A_208 : i32
      %convert_element_type3A_210 = arith.extui %lt3A_209 : i1 to i32
      %cond3A_211 = arith.constant 0 : i32
      %cond3A_212 = arith.cmpi ne, %convert_element_type3A_210, %cond3A_211 : i32
      scf.if %cond3A_212 {
        %add3A_213 = arith.constant 3 : i32
        %add3A_214 = arith.addi %add3A_176, %add3A_213 : i32
        %dma_start3A_215 = arith.constant 0 : i32
        %dma_start3A_216 = tpu.memref_slice %arg6[%add3A_214, %dma_start3A_215] : memref<25x100xi32, #tpu.memory_space<vmem>> -> memref<1x100xi32, #tpu.memory_space<vmem>>
        %dma_start3A_217 = tpu.memref_squeeze %dma_start3A_216 : memref<1x100xi32, #tpu.memory_space<vmem>> -> memref<100xi32, #tpu.memory_space<vmem>>
        %dma_start3A_218 = arith.constant 0 : i32
        %dma_start3A_219 = arith.constant 0 : i32
        %dma_start3A_220 = tpu.memref_slice %arg2[%dma_start3A_218, %dma_start3A_219] : memref<10000x128xf32, #tpu.memory_space<hbm>> -> memref<10000x128xf32, #tpu.memory_space<hbm>>
        tpu.enqueue_indirect_dma source(%dma_start3A_220 : memref<10000x128xf32, #tpu.memory_space<hbm>>) target(%arg10 : memref<100x128xf32, #tpu.memory_space<vmem>>) offsets(%dma_start3A_217 : memref<100xi32, #tpu.memory_space<vmem>>) semaphore(%arg14 : memref<!tpu.dma_semaphore, #tpu.memory_space<semaphore_mem>>)
      } else {
      }
    }
    %scan3A_86 = arith.constant 8 : i32
    %dma_wait3A_87 = arith.constant 24 : i32
    %dma_wait3A_88 = arith.constant 0 : i32
    %dma_wait3A_89 = tpu.memref_slice %arg6[%dma_wait3A_87, %dma_wait3A_88] : memref<25x100xi32, #tpu.memory_space<vmem>> -> memref<1x100xi32, #tpu.memory_space<vmem>>
    %dma_wait3A_90 = tpu.memref_squeeze %dma_wait3A_89 : memref<1x100xi32, #tpu.memory_space<vmem>> -> memref<100xi32, #tpu.memory_space<vmem>>
    %dma_wait3A_91 = arith.constant 0 : i32
    %dma_wait3A_92 = arith.constant 0 : i32
    %dma_wait3A_93 = tpu.memref_slice %arg2[%dma_wait3A_91, %dma_wait3A_92] : memref<10000x128xf32, #tpu.memory_space<hbm>> -> memref<10000x128xf32, #tpu.memory_space<hbm>>
    tpu.wait_indirect_dma semaphore(%arg12 : memref<!tpu.dma_semaphore, #tpu.memory_space<semaphore_mem>>) src(%dma_wait3A_93 : memref<10000x128xf32, #tpu.memory_space<hbm>>) dst(%arg8 : memref<100x128xf32, #tpu.memory_space<vmem>>)
    %run_scoped3A_94 = arith.constant 24 : i32
    "tpu.region"() ({
      %run_scoped3A_170 = tpu.sem_alloc : memref<!tpu.dma_semaphore, #tpu.memory_space<semaphore_mem>>
      %dma_start3A_171 = arith.constant 0 : i32
      %dma_start3A_172 = tpu.memref_slice %arg7[%run_scoped3A_94, %dma_start3A_171] : memref<25x100xi32, #tpu.memory_space<vmem>> -> memref<1x100xi32, #tpu.memory_space<vmem>>
      %dma_start3A_173 = tpu.memref_squeeze %dma_start3A_172 : memref<1x100xi32, #tpu.memory_space<vmem>> -> memref<100xi32, #tpu.memory_space<vmem>>
      %dma_start3A_174 = arith.constant 0 : i32
      %dma_start3A_175 = arith.constant 0 : i32
      %dma_start3A_176 = tpu.memref_slice %arg11[%dma_start3A_174, %dma_start3A_175] : memref<10240x128xf32, #tpu.memory_space<vmem_shared>> -> memref<10240x128xf32, #tpu.memory_space<vmem_shared>>
      tpu.enqueue_indirect_dma source(%arg8 : memref<100x128xf32, #tpu.memory_space<vmem>>) target(%dma_start3A_176 : memref<10240x128xf32, #tpu.memory_space<vmem_shared>>) offsets(%dma_start3A_173 : memref<100xi32, #tpu.memory_space<vmem>>) semaphore(%run_scoped3A_170 : memref<!tpu.dma_semaphore, #tpu.memory_space<semaphore_mem>>) {add = true}
      %dma_wait3A_177 = arith.constant 0 : i32
      %dma_wait3A_178 = tpu.memref_slice %arg7[%run_scoped3A_94, %dma_wait3A_177] : memref<25x100xi32, #tpu.memory_space<vmem>> -> memref<1x100xi32, #tpu.memory_space<vmem>>
      %dma_wait3A_179 = tpu.memref_squeeze %dma_wait3A_178 : memref<1x100xi32, #tpu.memory_space<vmem>> -> memref<100xi32, #tpu.memory_space<vmem>>
      %dma_wait3A_180 = arith.constant 0 : i32
      %dma_wait3A_181 = arith.constant 0 : i32
      %dma_wait3A_182 = tpu.memref_slice %arg11[%dma_wait3A_180, %dma_wait3A_181] : memref<10240x128xf32, #tpu.memory_space<vmem_shared>> -> memref<10240x128xf32, #tpu.memory_space<vmem_shared>>
      tpu.wait_indirect_dma semaphore(%run_scoped3A_170 : memref<!tpu.dma_semaphore, #tpu.memory_space<semaphore_mem>>) src(%arg8 : memref<100x128xf32, #tpu.memory_space<vmem>>) dst(%dma_wait3A_182 : memref<10240x128xf32, #tpu.memory_space<vmem_shared>>)
      tpu.yield
    }) : () -> ()
    %run_scoped3A_95 = arith.constant 2 : i32
    "tpu.region"() ({
      %run_scoped3A_170 = tpu.sem_alloc : memref<!tpu.dma_semaphore, #tpu.memory_space<semaphore_mem>>
      %dma_start3A_171 = arith.constant 0 : i32
      %dma_start3A_172 = arith.constant 0 : i32
      %dma_start3A_173 = tpu.memref_slice %arg3[%add3A, %run_scoped3A_95, %dma_start3A_171, %dma_start3A_172] : memref<32x4x25x100xi32, #tpu.memory_space<hbm>> -> memref<1x1x25x100xi32, #tpu.memory_space<hbm>>
      %dma_start3A_174 = tpu.memref_squeeze %dma_start3A_173 : memref<1x1x25x100xi32, #tpu.memory_space<hbm>> -> memref<25x100xi32, #tpu.memory_space<hbm>>
      %dma_start3A_175 = arith.constant 0 : i32
      %dma_start3A_176 = arith.constant 0 : i32
      %dma_start3A_177 = tpu.memref_slice %arg3[%add3A, %run_scoped3A_95, %dma_start3A_175, %dma_start3A_176] : memref<32x4x25x100xi32, #tpu.memory_space<hbm>> -> memref<1x1x25x100xi32, #tpu.memory_space<hbm>>
      %dma_start3A_178 = tpu.memref_squeeze %dma_start3A_177 : memref<1x1x25x100xi32, #tpu.memory_space<hbm>> -> memref<25x100xi32, #tpu.memory_space<hbm>>
      tpu.enqueue_dma source(%dma_start3A_178 : memref<25x100xi32, #tpu.memory_space<hbm>>) target(%arg6 : memref<25x100xi32, #tpu.memory_space<vmem>>) target_semaphore(%run_scoped3A_170 : memref<!tpu.dma_semaphore, #tpu.memory_space<semaphore_mem>>)
      %dma_wait3A_179 = arith.constant 0 : i32
      %dma_wait3A_180 = arith.constant 0 : i32
      %dma_wait3A_181 = tpu.memref_slice %arg3[%add3A, %run_scoped3A_95, %dma_wait3A_179, %dma_wait3A_180] : memref<32x4x25x100xi32, #tpu.memory_space<hbm>> -> memref<1x1x25x100xi32, #tpu.memory_space<hbm>>
      %dma_wait3A_182 = tpu.memref_squeeze %dma_wait3A_181 : memref<1x1x25x100xi32, #tpu.memory_space<hbm>> -> memref<25x100xi32, #tpu.memory_space<hbm>>
      %dma_wait3A_183 = arith.constant 0 : i32
      %dma_wait3A_184 = arith.constant 0 : i32
      %dma_wait3A_185 = tpu.memref_slice %arg3[%add3A, %run_scoped3A_95, %dma_wait3A_183, %dma_wait3A_184] : memref<32x4x25x100xi32, #tpu.memory_space<hbm>> -> memref<1x1x25x100xi32, #tpu.memory_space<hbm>>
      %dma_wait3A_186 = tpu.memref_squeeze %dma_wait3A_185 : memref<1x1x25x100xi32, #tpu.memory_space<hbm>> -> memref<25x100xi32, #tpu.memory_space<hbm>>
      tpu.wait_dma2 semaphore(%run_scoped3A_170 : memref<!tpu.dma_semaphore, #tpu.memory_space<semaphore_mem>>) src(%dma_wait3A_186 : memref<25x100xi32, #tpu.memory_space<hbm>>) dst(%arg6 : memref<25x100xi32, #tpu.memory_space<vmem>>)
      tpu.yield
    }) : () -> ()
    %run_scoped3A_96 = arith.constant 2 : i32
    "tpu.region"() ({
      %run_scoped3A_170 = tpu.sem_alloc : memref<!tpu.dma_semaphore, #tpu.memory_space<semaphore_mem>>
      %dma_start3A_171 = arith.constant 0 : i32
      %dma_start3A_172 = arith.constant 0 : i32
      %dma_start3A_173 = tpu.memref_slice %arg4[%add3A, %run_scoped3A_96, %dma_start3A_171, %dma_start3A_172] : memref<32x4x25x100xi32, #tpu.memory_space<hbm>> -> memref<1x1x25x100xi32, #tpu.memory_space<hbm>>
      %dma_start3A_174 = tpu.memref_squeeze %dma_start3A_173 : memref<1x1x25x100xi32, #tpu.memory_space<hbm>> -> memref<25x100xi32, #tpu.memory_space<hbm>>
      %dma_start3A_175 = arith.constant 0 : i32
      %dma_start3A_176 = arith.constant 0 : i32
      %dma_start3A_177 = tpu.memref_slice %arg4[%add3A, %run_scoped3A_96, %dma_start3A_175, %dma_start3A_176] : memref<32x4x25x100xi32, #tpu.memory_space<hbm>> -> memref<1x1x25x100xi32, #tpu.memory_space<hbm>>
      %dma_start3A_178 = tpu.memref_squeeze %dma_start3A_177 : memref<1x1x25x100xi32, #tpu.memory_space<hbm>> -> memref<25x100xi32, #tpu.memory_space<hbm>>
      tpu.enqueue_dma source(%dma_start3A_178 : memref<25x100xi32, #tpu.memory_space<hbm>>) target(%arg7 : memref<25x100xi32, #tpu.memory_space<vmem>>) target_semaphore(%run_scoped3A_170 : memref<!tpu.dma_semaphore, #tpu.memory_space<semaphore_mem>>)
      %dma_wait3A_179 = arith.constant 0 : i32
      %dma_wait3A_180 = arith.constant 0 : i32
      %dma_wait3A_181 = tpu.memref_slice %arg4[%add3A, %run_scoped3A_96, %dma_wait3A_179, %dma_wait3A_180] : memref<32x4x25x100xi32, #tpu.memory_space<hbm>> -> memref<1x1x25x100xi32, #tpu.memory_space<hbm>>
      %dma_wait3A_182 = tpu.memref_squeeze %dma_wait3A_181 : memref<1x1x25x100xi32, #tpu.memory_space<hbm>> -> memref<25x100xi32, #tpu.memory_space<hbm>>
      %dma_wait3A_183 = arith.constant 0 : i32
      %dma_wait3A_184 = arith.constant 0 : i32
      %dma_wait3A_185 = tpu.memref_slice %arg4[%add3A, %run_scoped3A_96, %dma_wait3A_183, %dma_wait3A_184] : memref<32x4x25x100xi32, #tpu.memory_space<hbm>> -> memref<1x1x25x100xi32, #tpu.memory_space<hbm>>
      %dma_wait3A_186 = tpu.memref_squeeze %dma_wait3A_185 : memref<1x1x25x100xi32, #tpu.memory_space<hbm>> -> memref<25x100xi32, #tpu.memory_space<hbm>>
      tpu.wait_dma2 semaphore(%run_scoped3A_170 : memref<!tpu.dma_semaphore, #tpu.memory_space<semaphore_mem>>) src(%dma_wait3A_186 : memref<25x100xi32, #tpu.memory_space<hbm>>) dst(%arg7 : memref<25x100xi32, #tpu.memory_space<vmem>>)
      tpu.yield
    }) : () -> ()
    %dma_start3A_97 = arith.constant 0 : i32
    %dma_start3A_98 = arith.constant 0 : i32
    %dma_start3A_99 = tpu.memref_slice %arg6[%dma_start3A_97, %dma_start3A_98] : memref<25x100xi32, #tpu.memory_space<vmem>> -> memref<1x100xi32, #tpu.memory_space<vmem>>
    %dma_start3A_100 = tpu.memref_squeeze %dma_start3A_99 : memref<1x100xi32, #tpu.memory_space<vmem>> -> memref<100xi32, #tpu.memory_space<vmem>>
    %dma_start3A_101 = arith.constant 0 : i32
    %dma_start3A_102 = arith.constant 0 : i32
    %dma_start3A_103 = tpu.memref_slice %arg2[%dma_start3A_101, %dma_start3A_102] : memref<10000x128xf32, #tpu.memory_space<hbm>> -> memref<10000x128xf32, #tpu.memory_space<hbm>>
    tpu.enqueue_indirect_dma source(%dma_start3A_103 : memref<10000x128xf32, #tpu.memory_space<hbm>>) target(%arg8 : memref<100x128xf32, #tpu.memory_space<vmem>>) offsets(%dma_start3A_100 : memref<100xi32, #tpu.memory_space<vmem>>) semaphore(%arg12 : memref<!tpu.dma_semaphore, #tpu.memory_space<semaphore_mem>>)
    %dma_start3A_104 = arith.constant 1 : i32
    %dma_start3A_105 = arith.constant 0 : i32
    %dma_start3A_106 = tpu.memref_slice %arg6[%dma_start3A_104, %dma_start3A_105] : memref<25x100xi32, #tpu.memory_space<vmem>> -> memref<1x100xi32, #tpu.memory_space<vmem>>
    %dma_start3A_107 = tpu.memref_squeeze %dma_start3A_106 : memref<1x100xi32, #tpu.memory_space<vmem>> -> memref<100xi32, #tpu.memory_space<vmem>>
    %dma_start3A_108 = arith.constant 0 : i32
    %dma_start3A_109 = arith.constant 0 : i32
    %dma_start3A_110 = tpu.memref_slice %arg2[%dma_start3A_108, %dma_start3A_109] : memref<10000x128xf32, #tpu.memory_space<hbm>> -> memref<10000x128xf32, #tpu.memory_space<hbm>>
    tpu.enqueue_indirect_dma source(%dma_start3A_110 : memref<10000x128xf32, #tpu.memory_space<hbm>>) target(%arg9 : memref<100x128xf32, #tpu.memory_space<vmem>>) offsets(%dma_start3A_107 : memref<100xi32, #tpu.memory_space<vmem>>) semaphore(%arg13 : memref<!tpu.dma_semaphore, #tpu.memory_space<semaphore_mem>>)
    %dma_start3A_111 = arith.constant 2 : i32
    %dma_start3A_112 = arith.constant 0 : i32
    %dma_start3A_113 = tpu.memref_slice %arg6[%dma_start3A_111, %dma_start3A_112] : memref<25x100xi32, #tpu.memory_space<vmem>> -> memref<1x100xi32, #tpu.memory_space<vmem>>
    %dma_start3A_114 = tpu.memref_squeeze %dma_start3A_113 : memref<1x100xi32, #tpu.memory_space<vmem>> -> memref<100xi32, #tpu.memory_space<vmem>>
    %dma_start3A_115 = arith.constant 0 : i32
    %dma_start3A_116 = arith.constant 0 : i32
    %dma_start3A_117 = tpu.memref_slice %arg2[%dma_start3A_115, %dma_start3A_116] : memref<10000x128xf32, #tpu.memory_space<hbm>> -> memref<10000x128xf32, #tpu.memory_space<hbm>>
    tpu.enqueue_indirect_dma source(%dma_start3A_117 : memref<10000x128xf32, #tpu.memory_space<hbm>>) target(%arg10 : memref<100x128xf32, #tpu.memory_space<vmem>>) offsets(%dma_start3A_114 : memref<100xi32, #tpu.memory_space<vmem>>) semaphore(%arg14 : memref<!tpu.dma_semaphore, #tpu.memory_space<semaphore_mem>>)
    %scan3A_118 = arith.constant 0 : i32
    %scan3A_119 = arith.constant 0 : i32
    %scan3A_120 = arith.constant 8 : i32
    %scan3A_121 = arith.addi %scan3A_119, %scan3A_120 : i32
    %scan3A_122 = arith.constant 1 : i32
    scf.for %scan3A_170 = %scan3A_119 to %scan3A_121 step %scan3A_122  : i32 {
      %mul3A_171 = arith.constant 3 : i32
      %mul3A_172 = arith.muli %scan3A_170, %mul3A_171 : i32
      %add3A_173 = arith.constant 1 : i32
      %add3A_174 = arith.addi %mul3A_172, %add3A_173 : i32
      %add3A_175 = arith.constant 2 : i32
      %add3A_176 = arith.addi %mul3A_172, %add3A_175 : i32
      %dma_wait3A_177 = arith.constant 0 : i32
      %dma_wait3A_178 = tpu.memref_slice %arg6[%mul3A_172, %dma_wait3A_177] : memref<25x100xi32, #tpu.memory_space<vmem>> -> memref<1x100xi32, #tpu.memory_space<vmem>>
      %dma_wait3A_179 = tpu.memref_squeeze %dma_wait3A_178 : memref<1x100xi32, #tpu.memory_space<vmem>> -> memref<100xi32, #tpu.memory_space<vmem>>
      %dma_wait3A_180 = arith.constant 0 : i32
      %dma_wait3A_181 = arith.constant 0 : i32
      %dma_wait3A_182 = tpu.memref_slice %arg2[%dma_wait3A_180, %dma_wait3A_181] : memref<10000x128xf32, #tpu.memory_space<hbm>> -> memref<10000x128xf32, #tpu.memory_space<hbm>>
      tpu.wait_indirect_dma semaphore(%arg12 : memref<!tpu.dma_semaphore, #tpu.memory_space<semaphore_mem>>) src(%dma_wait3A_182 : memref<10000x128xf32, #tpu.memory_space<hbm>>) dst(%arg8 : memref<100x128xf32, #tpu.memory_space<vmem>>)
      "tpu.region"() ({
        %run_scoped3A_213 = tpu.sem_alloc : memref<!tpu.dma_semaphore, #tpu.memory_space<semaphore_mem>>
        %dma_start3A_214 = arith.constant 0 : i32
        %dma_start3A_215 = tpu.memref_slice %arg7[%mul3A_172, %dma_start3A_214] : memref<25x100xi32, #tpu.memory_space<vmem>> -> memref<1x100xi32, #tpu.memory_space<vmem>>
        %dma_start3A_216 = tpu.memref_squeeze %dma_start3A_215 : memref<1x100xi32, #tpu.memory_space<vmem>> -> memref<100xi32, #tpu.memory_space<vmem>>
        %dma_start3A_217 = arith.constant 0 : i32
        %dma_start3A_218 = arith.constant 0 : i32
        %dma_start3A_219 = tpu.memref_slice %arg11[%dma_start3A_217, %dma_start3A_218] : memref<10240x128xf32, #tpu.memory_space<vmem_shared>> -> memref<10240x128xf32, #tpu.memory_space<vmem_shared>>
        tpu.enqueue_indirect_dma source(%arg8 : memref<100x128xf32, #tpu.memory_space<vmem>>) target(%dma_start3A_219 : memref<10240x128xf32, #tpu.memory_space<vmem_shared>>) offsets(%dma_start3A_216 : memref<100xi32, #tpu.memory_space<vmem>>) semaphore(%run_scoped3A_213 : memref<!tpu.dma_semaphore, #tpu.memory_space<semaphore_mem>>) {add = true}
        %dma_wait3A_220 = arith.constant 0 : i32
        %dma_wait3A_221 = tpu.memref_slice %arg7[%mul3A_172, %dma_wait3A_220] : memref<25x100xi32, #tpu.memory_space<vmem>> -> memref<1x100xi32, #tpu.memory_space<vmem>>
        %dma_wait3A_222 = tpu.memref_squeeze %dma_wait3A_221 : memref<1x100xi32, #tpu.memory_space<vmem>> -> memref<100xi32, #tpu.memory_space<vmem>>
        %dma_wait3A_223 = arith.constant 0 : i32
        %dma_wait3A_224 = arith.constant 0 : i32
        %dma_wait3A_225 = tpu.memref_slice %arg11[%dma_wait3A_223, %dma_wait3A_224] : memref<10240x128xf32, #tpu.memory_space<vmem_shared>> -> memref<10240x128xf32, #tpu.memory_space<vmem_shared>>
        tpu.wait_indirect_dma semaphore(%run_scoped3A_213 : memref<!tpu.dma_semaphore, #tpu.memory_space<semaphore_mem>>) src(%arg8 : memref<100x128xf32, #tpu.memory_space<vmem>>) dst(%dma_wait3A_225 : memref<10240x128xf32, #tpu.memory_space<vmem_shared>>)
        tpu.yield
      }) : () -> ()
      %add3A_183 = arith.constant 3 : i32
      %add3A_184 = arith.addi %mul3A_172, %add3A_183 : i32
      %lt3A = arith.constant 25 : i32
      %lt3A_185 = arith.cmpi slt, %add3A_184, %lt3A : i32
      %convert_element_type3A = arith.extui %lt3A_185 : i1 to i32
      %cond3A = arith.constant 0 : i32
      %cond3A_186 = arith.cmpi ne, %convert_element_type3A, %cond3A : i32
      scf.if %cond3A_186 {
        %add3A_213 = arith.constant 3 : i32
        %add3A_214 = arith.addi %mul3A_172, %add3A_213 : i32
        %dma_start3A_215 = arith.constant 0 : i32
        %dma_start3A_216 = tpu.memref_slice %arg6[%add3A_214, %dma_start3A_215] : memref<25x100xi32, #tpu.memory_space<vmem>> -> memref<1x100xi32, #tpu.memory_space<vmem>>
        %dma_start3A_217 = tpu.memref_squeeze %dma_start3A_216 : memref<1x100xi32, #tpu.memory_space<vmem>> -> memref<100xi32, #tpu.memory_space<vmem>>
        %dma_start3A_218 = arith.constant 0 : i32
        %dma_start3A_219 = arith.constant 0 : i32
        %dma_start3A_220 = tpu.memref_slice %arg2[%dma_start3A_218, %dma_start3A_219] : memref<10000x128xf32, #tpu.memory_space<hbm>> -> memref<10000x128xf32, #tpu.memory_space<hbm>>
        tpu.enqueue_indirect_dma source(%dma_start3A_220 : memref<10000x128xf32, #tpu.memory_space<hbm>>) target(%arg8 : memref<100x128xf32, #tpu.memory_space<vmem>>) offsets(%dma_start3A_217 : memref<100xi32, #tpu.memory_space<vmem>>) semaphore(%arg12 : memref<!tpu.dma_semaphore, #tpu.memory_space<semaphore_mem>>)
      } else {
      }
      %dma_wait3A_187 = arith.constant 0 : i32
      %dma_wait3A_188 = tpu.memref_slice %arg6[%add3A_174, %dma_wait3A_187] : memref<25x100xi32, #tpu.memory_space<vmem>> -> memref<1x100xi32, #tpu.memory_space<vmem>>
      %dma_wait3A_189 = tpu.memref_squeeze %dma_wait3A_188 : memref<1x100xi32, #tpu.memory_space<vmem>> -> memref<100xi32, #tpu.memory_space<vmem>>
      %dma_wait3A_190 = arith.constant 0 : i32
      %dma_wait3A_191 = arith.constant 0 : i32
      %dma_wait3A_192 = tpu.memref_slice %arg2[%dma_wait3A_190, %dma_wait3A_191] : memref<10000x128xf32, #tpu.memory_space<hbm>> -> memref<10000x128xf32, #tpu.memory_space<hbm>>
      tpu.wait_indirect_dma semaphore(%arg13 : memref<!tpu.dma_semaphore, #tpu.memory_space<semaphore_mem>>) src(%dma_wait3A_192 : memref<10000x128xf32, #tpu.memory_space<hbm>>) dst(%arg9 : memref<100x128xf32, #tpu.memory_space<vmem>>)
      "tpu.region"() ({
        %run_scoped3A_213 = tpu.sem_alloc : memref<!tpu.dma_semaphore, #tpu.memory_space<semaphore_mem>>
        %dma_start3A_214 = arith.constant 0 : i32
        %dma_start3A_215 = tpu.memref_slice %arg7[%add3A_174, %dma_start3A_214] : memref<25x100xi32, #tpu.memory_space<vmem>> -> memref<1x100xi32, #tpu.memory_space<vmem>>
        %dma_start3A_216 = tpu.memref_squeeze %dma_start3A_215 : memref<1x100xi32, #tpu.memory_space<vmem>> -> memref<100xi32, #tpu.memory_space<vmem>>
        %dma_start3A_217 = arith.constant 0 : i32
        %dma_start3A_218 = arith.constant 0 : i32
        %dma_start3A_219 = tpu.memref_slice %arg11[%dma_start3A_217, %dma_start3A_218] : memref<10240x128xf32, #tpu.memory_space<vmem_shared>> -> memref<10240x128xf32, #tpu.memory_space<vmem_shared>>
        tpu.enqueue_indirect_dma source(%arg9 : memref<100x128xf32, #tpu.memory_space<vmem>>) target(%dma_start3A_219 : memref<10240x128xf32, #tpu.memory_space<vmem_shared>>) offsets(%dma_start3A_216 : memref<100xi32, #tpu.memory_space<vmem>>) semaphore(%run_scoped3A_213 : memref<!tpu.dma_semaphore, #tpu.memory_space<semaphore_mem>>) {add = true}
        %dma_wait3A_220 = arith.constant 0 : i32
        %dma_wait3A_221 = tpu.memref_slice %arg7[%add3A_174, %dma_wait3A_220] : memref<25x100xi32, #tpu.memory_space<vmem>> -> memref<1x100xi32, #tpu.memory_space<vmem>>
        %dma_wait3A_222 = tpu.memref_squeeze %dma_wait3A_221 : memref<1x100xi32, #tpu.memory_space<vmem>> -> memref<100xi32, #tpu.memory_space<vmem>>
        %dma_wait3A_223 = arith.constant 0 : i32
        %dma_wait3A_224 = arith.constant 0 : i32
        %dma_wait3A_225 = tpu.memref_slice %arg11[%dma_wait3A_223, %dma_wait3A_224] : memref<10240x128xf32, #tpu.memory_space<vmem_shared>> -> memref<10240x128xf32, #tpu.memory_space<vmem_shared>>
        tpu.wait_indirect_dma semaphore(%run_scoped3A_213 : memref<!tpu.dma_semaphore, #tpu.memory_space<semaphore_mem>>) src(%arg9 : memref<100x128xf32, #tpu.memory_space<vmem>>) dst(%dma_wait3A_225 : memref<10240x128xf32, #tpu.memory_space<vmem_shared>>)
        tpu.yield
      }) : () -> ()
      %add3A_193 = arith.constant 3 : i32
      %add3A_194 = arith.addi %add3A_174, %add3A_193 : i32
      %lt3A_195 = arith.constant 25 : i32
      %lt3A_196 = arith.cmpi slt, %add3A_194, %lt3A_195 : i32
      %convert_element_type3A_197 = arith.extui %lt3A_196 : i1 to i32
      %cond3A_198 = arith.constant 0 : i32
      %cond3A_199 = arith.cmpi ne, %convert_element_type3A_197, %cond3A_198 : i32
      scf.if %cond3A_199 {
        %add3A_213 = arith.constant 3 : i32
        %add3A_214 = arith.addi %add3A_174, %add3A_213 : i32
        %dma_start3A_215 = arith.constant 0 : i32
        %dma_start3A_216 = tpu.memref_slice %arg6[%add3A_214, %dma_start3A_215] : memref<25x100xi32, #tpu.memory_space<vmem>> -> memref<1x100xi32, #tpu.memory_space<vmem>>
        %dma_start3A_217 = tpu.memref_squeeze %dma_start3A_216 : memref<1x100xi32, #tpu.memory_space<vmem>> -> memref<100xi32, #tpu.memory_space<vmem>>
        %dma_start3A_218 = arith.constant 0 : i32
        %dma_start3A_219 = arith.constant 0 : i32
        %dma_start3A_220 = tpu.memref_slice %arg2[%dma_start3A_218, %dma_start3A_219] : memref<10000x128xf32, #tpu.memory_space<hbm>> -> memref<10000x128xf32, #tpu.memory_space<hbm>>
        tpu.enqueue_indirect_dma source(%dma_start3A_220 : memref<10000x128xf32, #tpu.memory_space<hbm>>) target(%arg9 : memref<100x128xf32, #tpu.memory_space<vmem>>) offsets(%dma_start3A_217 : memref<100xi32, #tpu.memory_space<vmem>>) semaphore(%arg13 : memref<!tpu.dma_semaphore, #tpu.memory_space<semaphore_mem>>)
      } else {
      }
      %dma_wait3A_200 = arith.constant 0 : i32
      %dma_wait3A_201 = tpu.memref_slice %arg6[%add3A_176, %dma_wait3A_200] : memref<25x100xi32, #tpu.memory_space<vmem>> -> memref<1x100xi32, #tpu.memory_space<vmem>>
      %dma_wait3A_202 = tpu.memref_squeeze %dma_wait3A_201 : memref<1x100xi32, #tpu.memory_space<vmem>> -> memref<100xi32, #tpu.memory_space<vmem>>
      %dma_wait3A_203 = arith.constant 0 : i32
      %dma_wait3A_204 = arith.constant 0 : i32
      %dma_wait3A_205 = tpu.memref_slice %arg2[%dma_wait3A_203, %dma_wait3A_204] : memref<10000x128xf32, #tpu.memory_space<hbm>> -> memref<10000x128xf32, #tpu.memory_space<hbm>>
      tpu.wait_indirect_dma semaphore(%arg14 : memref<!tpu.dma_semaphore, #tpu.memory_space<semaphore_mem>>) src(%dma_wait3A_205 : memref<10000x128xf32, #tpu.memory_space<hbm>>) dst(%arg10 : memref<100x128xf32, #tpu.memory_space<vmem>>)
      "tpu.region"() ({
        %run_scoped3A_213 = tpu.sem_alloc : memref<!tpu.dma_semaphore, #tpu.memory_space<semaphore_mem>>
        %dma_start3A_214 = arith.constant 0 : i32
        %dma_start3A_215 = tpu.memref_slice %arg7[%add3A_176, %dma_start3A_214] : memref<25x100xi32, #tpu.memory_space<vmem>> -> memref<1x100xi32, #tpu.memory_space<vmem>>
        %dma_start3A_216 = tpu.memref_squeeze %dma_start3A_215 : memref<1x100xi32, #tpu.memory_space<vmem>> -> memref<100xi32, #tpu.memory_space<vmem>>
        %dma_start3A_217 = arith.constant 0 : i32
        %dma_start3A_218 = arith.constant 0 : i32
        %dma_start3A_219 = tpu.memref_slice %arg11[%dma_start3A_217, %dma_start3A_218] : memref<10240x128xf32, #tpu.memory_space<vmem_shared>> -> memref<10240x128xf32, #tpu.memory_space<vmem_shared>>
        tpu.enqueue_indirect_dma source(%arg10 : memref<100x128xf32, #tpu.memory_space<vmem>>) target(%dma_start3A_219 : memref<10240x128xf32, #tpu.memory_space<vmem_shared>>) offsets(%dma_start3A_216 : memref<100xi32, #tpu.memory_space<vmem>>) semaphore(%run_scoped3A_213 : memref<!tpu.dma_semaphore, #tpu.memory_space<semaphore_mem>>) {add = true}
        %dma_wait3A_220 = arith.constant 0 : i32
        %dma_wait3A_221 = tpu.memref_slice %arg7[%add3A_176, %dma_wait3A_220] : memref<25x100xi32, #tpu.memory_space<vmem>> -> memref<1x100xi32, #tpu.memory_space<vmem>>
        %dma_wait3A_222 = tpu.memref_squeeze %dma_wait3A_221 : memref<1x100xi32, #tpu.memory_space<vmem>> -> memref<100xi32, #tpu.memory_space<vmem>>
        %dma_wait3A_223 = arith.constant 0 : i32
        %dma_wait3A_224 = arith.constant 0 : i32
        %dma_wait3A_225 = tpu.memref_slice %arg11[%dma_wait3A_223, %dma_wait3A_224] : memref<10240x128xf32, #tpu.memory_space<vmem_shared>> -> memref<10240x128xf32, #tpu.memory_space<vmem_shared>>
        tpu.wait_indirect_dma semaphore(%run_scoped3A_213 : memref<!tpu.dma_semaphore, #tpu.memory_space<semaphore_mem>>) src(%arg10 : memref<100x128xf32, #tpu.memory_space<vmem>>) dst(%dma_wait3A_225 : memref<10240x128xf32, #tpu.memory_space<vmem_shared>>)
        tpu.yield
      }) : () -> ()
      %add3A_206 = arith.constant 3 : i32
      %add3A_207 = arith.addi %add3A_176, %add3A_206 : i32
      %lt3A_208 = arith.constant 25 : i32
      %lt3A_209 = arith.cmpi slt, %add3A_207, %lt3A_208 : i32
      %convert_element_type3A_210 = arith.extui %lt3A_209 : i1 to i32
      %cond3A_211 = arith.constant 0 : i32
      %cond3A_212 = arith.cmpi ne, %convert_element_type3A_210, %cond3A_211 : i32
      scf.if %cond3A_212 {
        %add3A_213 = arith.constant 3 : i32
        %add3A_214 = arith.addi %add3A_176, %add3A_213 : i32
        %dma_start3A_215 = arith.constant 0 : i32
        %dma_start3A_216 = tpu.memref_slice %arg6[%add3A_214, %dma_start3A_215] : memref<25x100xi32, #tpu.memory_space<vmem>> -> memref<1x100xi32, #tpu.memory_space<vmem>>
        %dma_start3A_217 = tpu.memref_squeeze %dma_start3A_216 : memref<1x100xi32, #tpu.memory_space<vmem>> -> memref<100xi32, #tpu.memory_space<vmem>>
        %dma_start3A_218 = arith.constant 0 : i32
        %dma_start3A_219 = arith.constant 0 : i32
        %dma_start3A_220 = tpu.memref_slice %arg2[%dma_start3A_218, %dma_start3A_219] : memref<10000x128xf32, #tpu.memory_space<hbm>> -> memref<10000x128xf32, #tpu.memory_space<hbm>>
        tpu.enqueue_indirect_dma source(%dma_start3A_220 : memref<10000x128xf32, #tpu.memory_space<hbm>>) target(%arg10 : memref<100x128xf32, #tpu.memory_space<vmem>>) offsets(%dma_start3A_217 : memref<100xi32, #tpu.memory_space<vmem>>) semaphore(%arg14 : memref<!tpu.dma_semaphore, #tpu.memory_space<semaphore_mem>>)
      } else {
      }
    }
    %scan3A_123 = arith.constant 8 : i32
    %dma_wait3A_124 = arith.constant 24 : i32
    %dma_wait3A_125 = arith.constant 0 : i32
    %dma_wait3A_126 = tpu.memref_slice %arg6[%dma_wait3A_124, %dma_wait3A_125] : memref<25x100xi32, #tpu.memory_space<vmem>> -> memref<1x100xi32, #tpu.memory_space<vmem>>
    %dma_wait3A_127 = tpu.memref_squeeze %dma_wait3A_126 : memref<1x100xi32, #tpu.memory_space<vmem>> -> memref<100xi32, #tpu.memory_space<vmem>>
    %dma_wait3A_128 = arith.constant 0 : i32
    %dma_wait3A_129 = arith.constant 0 : i32
    %dma_wait3A_130 = tpu.memref_slice %arg2[%dma_wait3A_128, %dma_wait3A_129] : memref<10000x128xf32, #tpu.memory_space<hbm>> -> memref<10000x128xf32, #tpu.memory_space<hbm>>
    tpu.wait_indirect_dma semaphore(%arg12 : memref<!tpu.dma_semaphore, #tpu.memory_space<semaphore_mem>>) src(%dma_wait3A_130 : memref<10000x128xf32, #tpu.memory_space<hbm>>) dst(%arg8 : memref<100x128xf32, #tpu.memory_space<vmem>>)
    %run_scoped3A_131 = arith.constant 24 : i32
    "tpu.region"() ({
      %run_scoped3A_170 = tpu.sem_alloc : memref<!tpu.dma_semaphore, #tpu.memory_space<semaphore_mem>>
      %dma_start3A_171 = arith.constant 0 : i32
      %dma_start3A_172 = tpu.memref_slice %arg7[%run_scoped3A_131, %dma_start3A_171] : memref<25x100xi32, #tpu.memory_space<vmem>> -> memref<1x100xi32, #tpu.memory_space<vmem>>
      %dma_start3A_173 = tpu.memref_squeeze %dma_start3A_172 : memref<1x100xi32, #tpu.memory_space<vmem>> -> memref<100xi32, #tpu.memory_space<vmem>>
      %dma_start3A_174 = arith.constant 0 : i32
      %dma_start3A_175 = arith.constant 0 : i32
      %dma_start3A_176 = tpu.memref_slice %arg11[%dma_start3A_174, %dma_start3A_175] : memref<10240x128xf32, #tpu.memory_space<vmem_shared>> -> memref<10240x128xf32, #tpu.memory_space<vmem_shared>>
      tpu.enqueue_indirect_dma source(%arg8 : memref<100x128xf32, #tpu.memory_space<vmem>>) target(%dma_start3A_176 : memref<10240x128xf32, #tpu.memory_space<vmem_shared>>) offsets(%dma_start3A_173 : memref<100xi32, #tpu.memory_space<vmem>>) semaphore(%run_scoped3A_170 : memref<!tpu.dma_semaphore, #tpu.memory_space<semaphore_mem>>) {add = true}
      %dma_wait3A_177 = arith.constant 0 : i32
      %dma_wait3A_178 = tpu.memref_slice %arg7[%run_scoped3A_131, %dma_wait3A_177] : memref<25x100xi32, #tpu.memory_space<vmem>> -> memref<1x100xi32, #tpu.memory_space<vmem>>
      %dma_wait3A_179 = tpu.memref_squeeze %dma_wait3A_178 : memref<1x100xi32, #tpu.memory_space<vmem>> -> memref<100xi32, #tpu.memory_space<vmem>>
      %dma_wait3A_180 = arith.constant 0 : i32
      %dma_wait3A_181 = arith.constant 0 : i32
      %dma_wait3A_182 = tpu.memref_slice %arg11[%dma_wait3A_180, %dma_wait3A_181] : memref<10240x128xf32, #tpu.memory_space<vmem_shared>> -> memref<10240x128xf32, #tpu.memory_space<vmem_shared>>
      tpu.wait_indirect_dma semaphore(%run_scoped3A_170 : memref<!tpu.dma_semaphore, #tpu.memory_space<semaphore_mem>>) src(%arg8 : memref<100x128xf32, #tpu.memory_space<vmem>>) dst(%dma_wait3A_182 : memref<10240x128xf32, #tpu.memory_space<vmem_shared>>)
      tpu.yield
    }) : () -> ()
    %run_scoped3A_132 = arith.constant 3 : i32
    "tpu.region"() ({
      %run_scoped3A_170 = tpu.sem_alloc : memref<!tpu.dma_semaphore, #tpu.memory_space<semaphore_mem>>
      %dma_start3A_171 = arith.constant 0 : i32
      %dma_start3A_172 = arith.constant 0 : i32
      %dma_start3A_173 = tpu.memref_slice %arg3[%add3A, %run_scoped3A_132, %dma_start3A_171, %dma_start3A_172] : memref<32x4x25x100xi32, #tpu.memory_space<hbm>> -> memref<1x1x25x100xi32, #tpu.memory_space<hbm>>
      %dma_start3A_174 = tpu.memref_squeeze %dma_start3A_173 : memref<1x1x25x100xi32, #tpu.memory_space<hbm>> -> memref<25x100xi32, #tpu.memory_space<hbm>>
      %dma_start3A_175 = arith.constant 0 : i32
      %dma_start3A_176 = arith.constant 0 : i32
      %dma_start3A_177 = tpu.memref_slice %arg3[%add3A, %run_scoped3A_132, %dma_start3A_175, %dma_start3A_176] : memref<32x4x25x100xi32, #tpu.memory_space<hbm>> -> memref<1x1x25x100xi32, #tpu.memory_space<hbm>>
      %dma_start3A_178 = tpu.memref_squeeze %dma_start3A_177 : memref<1x1x25x100xi32, #tpu.memory_space<hbm>> -> memref<25x100xi32, #tpu.memory_space<hbm>>
      tpu.enqueue_dma source(%dma_start3A_178 : memref<25x100xi32, #tpu.memory_space<hbm>>) target(%arg6 : memref<25x100xi32, #tpu.memory_space<vmem>>) target_semaphore(%run_scoped3A_170 : memref<!tpu.dma_semaphore, #tpu.memory_space<semaphore_mem>>)
      %dma_wait3A_179 = arith.constant 0 : i32
      %dma_wait3A_180 = arith.constant 0 : i32
      %dma_wait3A_181 = tpu.memref_slice %arg3[%add3A, %run_scoped3A_132, %dma_wait3A_179, %dma_wait3A_180] : memref<32x4x25x100xi32, #tpu.memory_space<hbm>> -> memref<1x1x25x100xi32, #tpu.memory_space<hbm>>
      %dma_wait3A_182 = tpu.memref_squeeze %dma_wait3A_181 : memref<1x1x25x100xi32, #tpu.memory_space<hbm>> -> memref<25x100xi32, #tpu.memory_space<hbm>>
      %dma_wait3A_183 = arith.constant 0 : i32
      %dma_wait3A_184 = arith.constant 0 : i32
      %dma_wait3A_185 = tpu.memref_slice %arg3[%add3A, %run_scoped3A_132, %dma_wait3A_183, %dma_wait3A_184] : memref<32x4x25x100xi32, #tpu.memory_space<hbm>> -> memref<1x1x25x100xi32, #tpu.memory_space<hbm>>
      %dma_wait3A_186 = tpu.memref_squeeze %dma_wait3A_185 : memref<1x1x25x100xi32, #tpu.memory_space<hbm>> -> memref<25x100xi32, #tpu.memory_space<hbm>>
      tpu.wait_dma2 semaphore(%run_scoped3A_170 : memref<!tpu.dma_semaphore, #tpu.memory_space<semaphore_mem>>) src(%dma_wait3A_186 : memref<25x100xi32, #tpu.memory_space<hbm>>) dst(%arg6 : memref<25x100xi32, #tpu.memory_space<vmem>>)
      tpu.yield
    }) : () -> ()
    %run_scoped3A_133 = arith.constant 3 : i32
    "tpu.region"() ({
      %run_scoped3A_170 = tpu.sem_alloc : memref<!tpu.dma_semaphore, #tpu.memory_space<semaphore_mem>>
      %dma_start3A_171 = arith.constant 0 : i32
      %dma_start3A_172 = arith.constant 0 : i32
      %dma_start3A_173 = tpu.memref_slice %arg4[%add3A, %run_scoped3A_133, %dma_start3A_171, %dma_start3A_172] : memref<32x4x25x100xi32, #tpu.memory_space<hbm>> -> memref<1x1x25x100xi32, #tpu.memory_space<hbm>>
      %dma_start3A_174 = tpu.memref_squeeze %dma_start3A_173 : memref<1x1x25x100xi32, #tpu.memory_space<hbm>> -> memref<25x100xi32, #tpu.memory_space<hbm>>
      %dma_start3A_175 = arith.constant 0 : i32
      %dma_start3A_176 = arith.constant 0 : i32
      %dma_start3A_177 = tpu.memref_slice %arg4[%add3A, %run_scoped3A_133, %dma_start3A_175, %dma_start3A_176] : memref<32x4x25x100xi32, #tpu.memory_space<hbm>> -> memref<1x1x25x100xi32, #tpu.memory_space<hbm>>
      %dma_start3A_178 = tpu.memref_squeeze %dma_start3A_177 : memref<1x1x25x100xi32, #tpu.memory_space<hbm>> -> memref<25x100xi32, #tpu.memory_space<hbm>>
      tpu.enqueue_dma source(%dma_start3A_178 : memref<25x100xi32, #tpu.memory_space<hbm>>) target(%arg7 : memref<25x100xi32, #tpu.memory_space<vmem>>) target_semaphore(%run_scoped3A_170 : memref<!tpu.dma_semaphore, #tpu.memory_space<semaphore_mem>>)
      %dma_wait3A_179 = arith.constant 0 : i32
      %dma_wait3A_180 = arith.constant 0 : i32
      %dma_wait3A_181 = tpu.memref_slice %arg4[%add3A, %run_scoped3A_133, %dma_wait3A_179, %dma_wait3A_180] : memref<32x4x25x100xi32, #tpu.memory_space<hbm>> -> memref<1x1x25x100xi32, #tpu.memory_space<hbm>>
      %dma_wait3A_182 = tpu.memref_squeeze %dma_wait3A_181 : memref<1x1x25x100xi32, #tpu.memory_space<hbm>> -> memref<25x100xi32, #tpu.memory_space<hbm>>
      %dma_wait3A_183 = arith.constant 0 : i32
      %dma_wait3A_184 = arith.constant 0 : i32
      %dma_wait3A_185 = tpu.memref_slice %arg4[%add3A, %run_scoped3A_133, %dma_wait3A_183, %dma_wait3A_184] : memref<32x4x25x100xi32, #tpu.memory_space<hbm>> -> memref<1x1x25x100xi32, #tpu.memory_space<hbm>>
      %dma_wait3A_186 = tpu.memref_squeeze %dma_wait3A_185 : memref<1x1x25x100xi32, #tpu.memory_space<hbm>> -> memref<25x100xi32, #tpu.memory_space<hbm>>
      tpu.wait_dma2 semaphore(%run_scoped3A_170 : memref<!tpu.dma_semaphore, #tpu.memory_space<semaphore_mem>>) src(%dma_wait3A_186 : memref<25x100xi32, #tpu.memory_space<hbm>>) dst(%arg7 : memref<25x100xi32, #tpu.memory_space<vmem>>)
      tpu.yield
    }) : () -> ()
    %dma_start3A_134 = arith.constant 0 : i32
    %dma_start3A_135 = arith.constant 0 : i32
    %dma_start3A_136 = tpu.memref_slice %arg6[%dma_start3A_134, %dma_start3A_135] : memref<25x100xi32, #tpu.memory_space<vmem>> -> memref<1x100xi32, #tpu.memory_space<vmem>>
    %dma_start3A_137 = tpu.memref_squeeze %dma_start3A_136 : memref<1x100xi32, #tpu.memory_space<vmem>> -> memref<100xi32, #tpu.memory_space<vmem>>
    %dma_start3A_138 = arith.constant 0 : i32
    %dma_start3A_139 = arith.constant 0 : i32
    %dma_start3A_140 = tpu.memref_slice %arg2[%dma_start3A_138, %dma_start3A_139] : memref<10000x128xf32, #tpu.memory_space<hbm>> -> memref<10000x128xf32, #tpu.memory_space<hbm>>
    tpu.enqueue_indirect_dma source(%dma_start3A_140 : memref<10000x128xf32, #tpu.memory_space<hbm>>) target(%arg8 : memref<100x128xf32, #tpu.memory_space<vmem>>) offsets(%dma_start3A_137 : memref<100xi32, #tpu.memory_space<vmem>>) semaphore(%arg12 : memref<!tpu.dma_semaphore, #tpu.memory_space<semaphore_mem>>)
    %dma_start3A_141 = arith.constant 1 : i32
    %dma_start3A_142 = arith.constant 0 : i32
    %dma_start3A_143 = tpu.memref_slice %arg6[%dma_start3A_141, %dma_start3A_142] : memref<25x100xi32, #tpu.memory_space<vmem>> -> memref<1x100xi32, #tpu.memory_space<vmem>>
    %dma_start3A_144 = tpu.memref_squeeze %dma_start3A_143 : memref<1x100xi32, #tpu.memory_space<vmem>> -> memref<100xi32, #tpu.memory_space<vmem>>
    %dma_start3A_145 = arith.constant 0 : i32
    %dma_start3A_146 = arith.constant 0 : i32
    %dma_start3A_147 = tpu.memref_slice %arg2[%dma_start3A_145, %dma_start3A_146] : memref<10000x128xf32, #tpu.memory_space<hbm>> -> memref<10000x128xf32, #tpu.memory_space<hbm>>
    tpu.enqueue_indirect_dma source(%dma_start3A_147 : memref<10000x128xf32, #tpu.memory_space<hbm>>) target(%arg9 : memref<100x128xf32, #tpu.memory_space<vmem>>) offsets(%dma_start3A_144 : memref<100xi32, #tpu.memory_space<vmem>>) semaphore(%arg13 : memref<!tpu.dma_semaphore, #tpu.memory_space<semaphore_mem>>)
    %dma_start3A_148 = arith.constant 2 : i32
    %dma_start3A_149 = arith.constant 0 : i32
    %dma_start3A_150 = tpu.memref_slice %arg6[%dma_start3A_148, %dma_start3A_149] : memref<25x100xi32, #tpu.memory_space<vmem>> -> memref<1x100xi32, #tpu.memory_space<vmem>>
    %dma_start3A_151 = tpu.memref_squeeze %dma_start3A_150 : memref<1x100xi32, #tpu.memory_space<vmem>> -> memref<100xi32, #tpu.memory_space<vmem>>
    %dma_start3A_152 = arith.constant 0 : i32
    %dma_start3A_153 = arith.constant 0 : i32
    %dma_start3A_154 = tpu.memref_slice %arg2[%dma_start3A_152, %dma_start3A_153] : memref<10000x128xf32, #tpu.memory_space<hbm>> -> memref<10000x128xf32, #tpu.memory_space<hbm>>
    tpu.enqueue_indirect_dma source(%dma_start3A_154 : memref<10000x128xf32, #tpu.memory_space<hbm>>) target(%arg10 : memref<100x128xf32, #tpu.memory_space<vmem>>) offsets(%dma_start3A_151 : memref<100xi32, #tpu.memory_space<vmem>>) semaphore(%arg14 : memref<!tpu.dma_semaphore, #tpu.memory_space<semaphore_mem>>)
    %scan3A_155 = arith.constant 0 : i32
    %scan3A_156 = arith.constant 0 : i32
    %scan3A_157 = arith.constant 8 : i32
    %scan3A_158 = arith.addi %scan3A_156, %scan3A_157 : i32
    %scan3A_159 = arith.constant 1 : i32
    scf.for %scan3A_170 = %scan3A_156 to %scan3A_158 step %scan3A_159  : i32 {
      %mul3A_171 = arith.constant 3 : i32
      %mul3A_172 = arith.muli %scan3A_170, %mul3A_171 : i32
      %add3A_173 = arith.constant 1 : i32
      %add3A_174 = arith.addi %mul3A_172, %add3A_173 : i32
      %add3A_175 = arith.constant 2 : i32
      %add3A_176 = arith.addi %mul3A_172, %add3A_175 : i32
      %dma_wait3A_177 = arith.constant 0 : i32
      %dma_wait3A_178 = tpu.memref_slice %arg6[%mul3A_172, %dma_wait3A_177] : memref<25x100xi32, #tpu.memory_space<vmem>> -> memref<1x100xi32, #tpu.memory_space<vmem>>
      %dma_wait3A_179 = tpu.memref_squeeze %dma_wait3A_178 : memref<1x100xi32, #tpu.memory_space<vmem>> -> memref<100xi32, #tpu.memory_space<vmem>>
      %dma_wait3A_180 = arith.constant 0 : i32
      %dma_wait3A_181 = arith.constant 0 : i32
      %dma_wait3A_182 = tpu.memref_slice %arg2[%dma_wait3A_180, %dma_wait3A_181] : memref<10000x128xf32, #tpu.memory_space<hbm>> -> memref<10000x128xf32, #tpu.memory_space<hbm>>
      tpu.wait_indirect_dma semaphore(%arg12 : memref<!tpu.dma_semaphore, #tpu.memory_space<semaphore_mem>>) src(%dma_wait3A_182 : memref<10000x128xf32, #tpu.memory_space<hbm>>) dst(%arg8 : memref<100x128xf32, #tpu.memory_space<vmem>>)
      "tpu.region"() ({
        %run_scoped3A_213 = tpu.sem_alloc : memref<!tpu.dma_semaphore, #tpu.memory_space<semaphore_mem>>
        %dma_start3A_214 = arith.constant 0 : i32
        %dma_start3A_215 = tpu.memref_slice %arg7[%mul3A_172, %dma_start3A_214] : memref<25x100xi32, #tpu.memory_space<vmem>> -> memref<1x100xi32, #tpu.memory_space<vmem>>
        %dma_start3A_216 = tpu.memref_squeeze %dma_start3A_215 : memref<1x100xi32, #tpu.memory_space<vmem>> -> memref<100xi32, #tpu.memory_space<vmem>>
        %dma_start3A_217 = arith.constant 0 : i32
        %dma_start3A_218 = arith.constant 0 : i32
        %dma_start3A_219 = tpu.memref_slice %arg11[%dma_start3A_217, %dma_start3A_218] : memref<10240x128xf32, #tpu.memory_space<vmem_shared>> -> memref<10240x128xf32, #tpu.memory_space<vmem_shared>>
        tpu.enqueue_indirect_dma source(%arg8 : memref<100x128xf32, #tpu.memory_space<vmem>>) target(%dma_start3A_219 : memref<10240x128xf32, #tpu.memory_space<vmem_shared>>) offsets(%dma_start3A_216 : memref<100xi32, #tpu.memory_space<vmem>>) semaphore(%run_scoped3A_213 : memref<!tpu.dma_semaphore, #tpu.memory_space<semaphore_mem>>) {add = true}
        %dma_wait3A_220 = arith.constant 0 : i32
        %dma_wait3A_221 = tpu.memref_slice %arg7[%mul3A_172, %dma_wait3A_220] : memref<25x100xi32, #tpu.memory_space<vmem>> -> memref<1x100xi32, #tpu.memory_space<vmem>>
        %dma_wait3A_222 = tpu.memref_squeeze %dma_wait3A_221 : memref<1x100xi32, #tpu.memory_space<vmem>> -> memref<100xi32, #tpu.memory_space<vmem>>
        %dma_wait3A_223 = arith.constant 0 : i32
        %dma_wait3A_224 = arith.constant 0 : i32
        %dma_wait3A_225 = tpu.memref_slice %arg11[%dma_wait3A_223, %dma_wait3A_224] : memref<10240x128xf32, #tpu.memory_space<vmem_shared>> -> memref<10240x128xf32, #tpu.memory_space<vmem_shared>>
        tpu.wait_indirect_dma semaphore(%run_scoped3A_213 : memref<!tpu.dma_semaphore, #tpu.memory_space<semaphore_mem>>) src(%arg8 : memref<100x128xf32, #tpu.memory_space<vmem>>) dst(%dma_wait3A_225 : memref<10240x128xf32, #tpu.memory_space<vmem_shared>>)
        tpu.yield
      }) : () -> ()
      %add3A_183 = arith.constant 3 : i32
      %add3A_184 = arith.addi %mul3A_172, %add3A_183 : i32
      %lt3A = arith.constant 25 : i32
      %lt3A_185 = arith.cmpi slt, %add3A_184, %lt3A : i32
      %convert_element_type3A = arith.extui %lt3A_185 : i1 to i32
      %cond3A = arith.constant 0 : i32
      %cond3A_186 = arith.cmpi ne, %convert_element_type3A, %cond3A : i32
      scf.if %cond3A_186 {
        %add3A_213 = arith.constant 3 : i32
        %add3A_214 = arith.addi %mul3A_172, %add3A_213 : i32
        %dma_start3A_215 = arith.constant 0 : i32
        %dma_start3A_216 = tpu.memref_slice %arg6[%add3A_214, %dma_start3A_215] : memref<25x100xi32, #tpu.memory_space<vmem>> -> memref<1x100xi32, #tpu.memory_space<vmem>>
        %dma_start3A_217 = tpu.memref_squeeze %dma_start3A_216 : memref<1x100xi32, #tpu.memory_space<vmem>> -> memref<100xi32, #tpu.memory_space<vmem>>
        %dma_start3A_218 = arith.constant 0 : i32
        %dma_start3A_219 = arith.constant 0 : i32
        %dma_start3A_220 = tpu.memref_slice %arg2[%dma_start3A_218, %dma_start3A_219] : memref<10000x128xf32, #tpu.memory_space<hbm>> -> memref<10000x128xf32, #tpu.memory_space<hbm>>
        tpu.enqueue_indirect_dma source(%dma_start3A_220 : memref<10000x128xf32, #tpu.memory_space<hbm>>) target(%arg8 : memref<100x128xf32, #tpu.memory_space<vmem>>) offsets(%dma_start3A_217 : memref<100xi32, #tpu.memory_space<vmem>>) semaphore(%arg12 : memref<!tpu.dma_semaphore, #tpu.memory_space<semaphore_mem>>)
      } else {
      }
      %dma_wait3A_187 = arith.constant 0 : i32
      %dma_wait3A_188 = tpu.memref_slice %arg6[%add3A_174, %dma_wait3A_187] : memref<25x100xi32, #tpu.memory_space<vmem>> -> memref<1x100xi32, #tpu.memory_space<vmem>>
      %dma_wait3A_189 = tpu.memref_squeeze %dma_wait3A_188 : memref<1x100xi32, #tpu.memory_space<vmem>> -> memref<100xi32, #tpu.memory_space<vmem>>
      %dma_wait3A_190 = arith.constant 0 : i32
      %dma_wait3A_191 = arith.constant 0 : i32
      %dma_wait3A_192 = tpu.memref_slice %arg2[%dma_wait3A_190, %dma_wait3A_191] : memref<10000x128xf32, #tpu.memory_space<hbm>> -> memref<10000x128xf32, #tpu.memory_space<hbm>>
      tpu.wait_indirect_dma semaphore(%arg13 : memref<!tpu.dma_semaphore, #tpu.memory_space<semaphore_mem>>) src(%dma_wait3A_192 : memref<10000x128xf32, #tpu.memory_space<hbm>>) dst(%arg9 : memref<100x128xf32, #tpu.memory_space<vmem>>)
      "tpu.region"() ({
        %run_scoped3A_213 = tpu.sem_alloc : memref<!tpu.dma_semaphore, #tpu.memory_space<semaphore_mem>>
        %dma_start3A_214 = arith.constant 0 : i32
        %dma_start3A_215 = tpu.memref_slice %arg7[%add3A_174, %dma_start3A_214] : memref<25x100xi32, #tpu.memory_space<vmem>> -> memref<1x100xi32, #tpu.memory_space<vmem>>
        %dma_start3A_216 = tpu.memref_squeeze %dma_start3A_215 : memref<1x100xi32, #tpu.memory_space<vmem>> -> memref<100xi32, #tpu.memory_space<vmem>>
        %dma_start3A_217 = arith.constant 0 : i32
        %dma_start3A_218 = arith.constant 0 : i32
        %dma_start3A_219 = tpu.memref_slice %arg11[%dma_start3A_217, %dma_start3A_218] : memref<10240x128xf32, #tpu.memory_space<vmem_shared>> -> memref<10240x128xf32, #tpu.memory_space<vmem_shared>>
        tpu.enqueue_indirect_dma source(%arg9 : memref<100x128xf32, #tpu.memory_space<vmem>>) target(%dma_start3A_219 : memref<10240x128xf32, #tpu.memory_space<vmem_shared>>) offsets(%dma_start3A_216 : memref<100xi32, #tpu.memory_space<vmem>>) semaphore(%run_scoped3A_213 : memref<!tpu.dma_semaphore, #tpu.memory_space<semaphore_mem>>) {add = true}
        %dma_wait3A_220 = arith.constant 0 : i32
        %dma_wait3A_221 = tpu.memref_slice %arg7[%add3A_174, %dma_wait3A_220] : memref<25x100xi32, #tpu.memory_space<vmem>> -> memref<1x100xi32, #tpu.memory_space<vmem>>
        %dma_wait3A_222 = tpu.memref_squeeze %dma_wait3A_221 : memref<1x100xi32, #tpu.memory_space<vmem>> -> memref<100xi32, #tpu.memory_space<vmem>>
        %dma_wait3A_223 = arith.constant 0 : i32
        %dma_wait3A_224 = arith.constant 0 : i32
        %dma_wait3A_225 = tpu.memref_slice %arg11[%dma_wait3A_223, %dma_wait3A_224] : memref<10240x128xf32, #tpu.memory_space<vmem_shared>> -> memref<10240x128xf32, #tpu.memory_space<vmem_shared>>
        tpu.wait_indirect_dma semaphore(%run_scoped3A_213 : memref<!tpu.dma_semaphore, #tpu.memory_space<semaphore_mem>>) src(%arg9 : memref<100x128xf32, #tpu.memory_space<vmem>>) dst(%dma_wait3A_225 : memref<10240x128xf32, #tpu.memory_space<vmem_shared>>)
        tpu.yield
      }) : () -> ()
      %add3A_193 = arith.constant 3 : i32
      %add3A_194 = arith.addi %add3A_174, %add3A_193 : i32
      %lt3A_195 = arith.constant 25 : i32
      %lt3A_196 = arith.cmpi slt, %add3A_194, %lt3A_195 : i32
      %convert_element_type3A_197 = arith.extui %lt3A_196 : i1 to i32
      %cond3A_198 = arith.constant 0 : i32
      %cond3A_199 = arith.cmpi ne, %convert_element_type3A_197, %cond3A_198 : i32
      scf.if %cond3A_199 {
        %add3A_213 = arith.constant 3 : i32
        %add3A_214 = arith.addi %add3A_174, %add3A_213 : i32
        %dma_start3A_215 = arith.constant 0 : i32
        %dma_start3A_216 = tpu.memref_slice %arg6[%add3A_214, %dma_start3A_215] : memref<25x100xi32, #tpu.memory_space<vmem>> -> memref<1x100xi32, #tpu.memory_space<vmem>>
        %dma_start3A_217 = tpu.memref_squeeze %dma_start3A_216 : memref<1x100xi32, #tpu.memory_space<vmem>> -> memref<100xi32, #tpu.memory_space<vmem>>
        %dma_start3A_218 = arith.constant 0 : i32
        %dma_start3A_219 = arith.constant 0 : i32
        %dma_start3A_220 = tpu.memref_slice %arg2[%dma_start3A_218, %dma_start3A_219] : memref<10000x128xf32, #tpu.memory_space<hbm>> -> memref<10000x128xf32, #tpu.memory_space<hbm>>
        tpu.enqueue_indirect_dma source(%dma_start3A_220 : memref<10000x128xf32, #tpu.memory_space<hbm>>) target(%arg9 : memref<100x128xf32, #tpu.memory_space<vmem>>) offsets(%dma_start3A_217 : memref<100xi32, #tpu.memory_space<vmem>>) semaphore(%arg13 : memref<!tpu.dma_semaphore, #tpu.memory_space<semaphore_mem>>)
      } else {
      }
      %dma_wait3A_200 = arith.constant 0 : i32
      %dma_wait3A_201 = tpu.memref_slice %arg6[%add3A_176, %dma_wait3A_200] : memref<25x100xi32, #tpu.memory_space<vmem>> -> memref<1x100xi32, #tpu.memory_space<vmem>>
      %dma_wait3A_202 = tpu.memref_squeeze %dma_wait3A_201 : memref<1x100xi32, #tpu.memory_space<vmem>> -> memref<100xi32, #tpu.memory_space<vmem>>
      %dma_wait3A_203 = arith.constant 0 : i32
      %dma_wait3A_204 = arith.constant 0 : i32
      %dma_wait3A_205 = tpu.memref_slice %arg2[%dma_wait3A_203, %dma_wait3A_204] : memref<10000x128xf32, #tpu.memory_space<hbm>> -> memref<10000x128xf32, #tpu.memory_space<hbm>>
      tpu.wait_indirect_dma semaphore(%arg14 : memref<!tpu.dma_semaphore, #tpu.memory_space<semaphore_mem>>) src(%dma_wait3A_205 : memref<10000x128xf32, #tpu.memory_space<hbm>>) dst(%arg10 : memref<100x128xf32, #tpu.memory_space<vmem>>)
      "tpu.region"() ({
        %run_scoped3A_213 = tpu.sem_alloc : memref<!tpu.dma_semaphore, #tpu.memory_space<semaphore_mem>>
        %dma_start3A_214 = arith.constant 0 : i32
        %dma_start3A_215 = tpu.memref_slice %arg7[%add3A_176, %dma_start3A_214] : memref<25x100xi32, #tpu.memory_space<vmem>> -> memref<1x100xi32, #tpu.memory_space<vmem>>
        %dma_start3A_216 = tpu.memref_squeeze %dma_start3A_215 : memref<1x100xi32, #tpu.memory_space<vmem>> -> memref<100xi32, #tpu.memory_space<vmem>>
        %dma_start3A_217 = arith.constant 0 : i32
        %dma_start3A_218 = arith.constant 0 : i32
        %dma_start3A_219 = tpu.memref_slice %arg11[%dma_start3A_217, %dma_start3A_218] : memref<10240x128xf32, #tpu.memory_space<vmem_shared>> -> memref<10240x128xf32, #tpu.memory_space<vmem_shared>>
        tpu.enqueue_indirect_dma source(%arg10 : memref<100x128xf32, #tpu.memory_space<vmem>>) target(%dma_start3A_219 : memref<10240x128xf32, #tpu.memory_space<vmem_shared>>) offsets(%dma_start3A_216 : memref<100xi32, #tpu.memory_space<vmem>>) semaphore(%run_scoped3A_213 : memref<!tpu.dma_semaphore, #tpu.memory_space<semaphore_mem>>) {add = true}
        %dma_wait3A_220 = arith.constant 0 : i32
        %dma_wait3A_221 = tpu.memref_slice %arg7[%add3A_176, %dma_wait3A_220] : memref<25x100xi32, #tpu.memory_space<vmem>> -> memref<1x100xi32, #tpu.memory_space<vmem>>
        %dma_wait3A_222 = tpu.memref_squeeze %dma_wait3A_221 : memref<1x100xi32, #tpu.memory_space<vmem>> -> memref<100xi32, #tpu.memory_space<vmem>>
        %dma_wait3A_223 = arith.constant 0 : i32
        %dma_wait3A_224 = arith.constant 0 : i32
        %dma_wait3A_225 = tpu.memref_slice %arg11[%dma_wait3A_223, %dma_wait3A_224] : memref<10240x128xf32, #tpu.memory_space<vmem_shared>> -> memref<10240x128xf32, #tpu.memory_space<vmem_shared>>
        tpu.wait_indirect_dma semaphore(%run_scoped3A_213 : memref<!tpu.dma_semaphore, #tpu.memory_space<semaphore_mem>>) src(%arg10 : memref<100x128xf32, #tpu.memory_space<vmem>>) dst(%dma_wait3A_225 : memref<10240x128xf32, #tpu.memory_space<vmem_shared>>)
        tpu.yield
      }) : () -> ()
      %add3A_206 = arith.constant 3 : i32
      %add3A_207 = arith.addi %add3A_176, %add3A_206 : i32
      %lt3A_208 = arith.constant 25 : i32
      %lt3A_209 = arith.cmpi slt, %add3A_207, %lt3A_208 : i32
      %convert_element_type3A_210 = arith.extui %lt3A_209 : i1 to i32
      %cond3A_211 = arith.constant 0 : i32
      %cond3A_212 = arith.cmpi ne, %convert_element_type3A_210, %cond3A_211 : i32
      scf.if %cond3A_212 {
        %add3A_213 = arith.constant 3 : i32
        %add3A_214 = arith.addi %add3A_176, %add3A_213 : i32
        %dma_start3A_215 = arith.constant 0 : i32
        %dma_start3A_216 = tpu.memref_slice %arg6[%add3A_214, %dma_start3A_215] : memref<25x100xi32, #tpu.memory_space<vmem>> -> memref<1x100xi32, #tpu.memory_space<vmem>>
        %dma_start3A_217 = tpu.memref_squeeze %dma_start3A_216 : memref<1x100xi32, #tpu.memory_space<vmem>> -> memref<100xi32, #tpu.memory_space<vmem>>
        %dma_start3A_218 = arith.constant 0 : i32
        %dma_start3A_219 = arith.constant 0 : i32
        %dma_start3A_220 = tpu.memref_slice %arg2[%dma_start3A_218, %dma_start3A_219] : memref<10000x128xf32, #tpu.memory_space<hbm>> -> memref<10000x128xf32, #tpu.memory_space<hbm>>
        tpu.enqueue_indirect_dma source(%dma_start3A_220 : memref<10000x128xf32, #tpu.memory_space<hbm>>) target(%arg10 : memref<100x128xf32, #tpu.memory_space<vmem>>) offsets(%dma_start3A_217 : memref<100xi32, #tpu.memory_space<vmem>>) semaphore(%arg14 : memref<!tpu.dma_semaphore, #tpu.memory_space<semaphore_mem>>)
      } else {
      }
    }
    %scan3A_160 = arith.constant 8 : i32
    %dma_wait3A_161 = arith.constant 24 : i32
    %dma_wait3A_162 = arith.constant 0 : i32
    %dma_wait3A_163 = tpu.memref_slice %arg6[%dma_wait3A_161, %dma_wait3A_162] : memref<25x100xi32, #tpu.memory_space<vmem>> -> memref<1x100xi32, #tpu.memory_space<vmem>>
    %dma_wait3A_164 = tpu.memref_squeeze %dma_wait3A_163 : memref<1x100xi32, #tpu.memory_space<vmem>> -> memref<100xi32, #tpu.memory_space<vmem>>
    %dma_wait3A_165 = arith.constant 0 : i32
    %dma_wait3A_166 = arith.constant 0 : i32
    %dma_wait3A_167 = tpu.memref_slice %arg2[%dma_wait3A_165, %dma_wait3A_166] : memref<10000x128xf32, #tpu.memory_space<hbm>> -> memref<10000x128xf32, #tpu.memory_space<hbm>>
    tpu.wait_indirect_dma semaphore(%arg12 : memref<!tpu.dma_semaphore, #tpu.memory_space<semaphore_mem>>) src(%dma_wait3A_167 : memref<10000x128xf32, #tpu.memory_space<hbm>>) dst(%arg8 : memref<100x128xf32, #tpu.memory_space<vmem>>)
    %run_scoped3A_168 = arith.constant 24 : i32
    "tpu.region"() ({
      %run_scoped3A_170 = tpu.sem_alloc : memref<!tpu.dma_semaphore, #tpu.memory_space<semaphore_mem>>
      %dma_start3A_171 = arith.constant 0 : i32
      %dma_start3A_172 = tpu.memref_slice %arg7[%run_scoped3A_168, %dma_start3A_171] : memref<25x100xi32, #tpu.memory_space<vmem>> -> memref<1x100xi32, #tpu.memory_space<vmem>>
      %dma_start3A_173 = tpu.memref_squeeze %dma_start3A_172 : memref<1x100xi32, #tpu.memory_space<vmem>> -> memref<100xi32, #tpu.memory_space<vmem>>
      %dma_start3A_174 = arith.constant 0 : i32
      %dma_start3A_175 = arith.constant 0 : i32
      %dma_start3A_176 = tpu.memref_slice %arg11[%dma_start3A_174, %dma_start3A_175] : memref<10240x128xf32, #tpu.memory_space<vmem_shared>> -> memref<10240x128xf32, #tpu.memory_space<vmem_shared>>
      tpu.enqueue_indirect_dma source(%arg8 : memref<100x128xf32, #tpu.memory_space<vmem>>) target(%dma_start3A_176 : memref<10240x128xf32, #tpu.memory_space<vmem_shared>>) offsets(%dma_start3A_173 : memref<100xi32, #tpu.memory_space<vmem>>) semaphore(%run_scoped3A_170 : memref<!tpu.dma_semaphore, #tpu.memory_space<semaphore_mem>>) {add = true}
      %dma_wait3A_177 = arith.constant 0 : i32
      %dma_wait3A_178 = tpu.memref_slice %arg7[%run_scoped3A_168, %dma_wait3A_177] : memref<25x100xi32, #tpu.memory_space<vmem>> -> memref<1x100xi32, #tpu.memory_space<vmem>>
      %dma_wait3A_179 = tpu.memref_squeeze %dma_wait3A_178 : memref<1x100xi32, #tpu.memory_space<vmem>> -> memref<100xi32, #tpu.memory_space<vmem>>
      %dma_wait3A_180 = arith.constant 0 : i32
      %dma_wait3A_181 = arith.constant 0 : i32
      %dma_wait3A_182 = tpu.memref_slice %arg11[%dma_wait3A_180, %dma_wait3A_181] : memref<10240x128xf32, #tpu.memory_space<vmem_shared>> -> memref<10240x128xf32, #tpu.memory_space<vmem_shared>>
      tpu.wait_indirect_dma semaphore(%run_scoped3A_170 : memref<!tpu.dma_semaphore, #tpu.memory_space<semaphore_mem>>) src(%arg8 : memref<100x128xf32, #tpu.memory_space<vmem>>) dst(%dma_wait3A_182 : memref<10240x128xf32, #tpu.memory_space<vmem_shared>>)
      tpu.yield
    }) : () -> ()
    %barrier3A_169 = arith.constant 0 : index
    tpu.barrier barrier_id(%barrier3A_169)
    "tpu.region"() ({
      %run_scoped3A_170 = tpu.sem_alloc : memref<!tpu.dma_semaphore, #tpu.memory_space<semaphore_mem>>
      %dma_start3A_171 = arith.constant 0 : i32
      %dma_start3A_172 = tpu.memref_slice %arg5[%arg0, %mul3A_2, %dma_start3A_171] : memref<2x10240x128xf32, #tpu.memory_space<hbm>> -> memref<1x640x128xf32, #tpu.memory_space<hbm>>
      %dma_start3A_173 = tpu.memref_squeeze %dma_start3A_172 : memref<1x640x128xf32, #tpu.memory_space<hbm>> -> memref<640x128xf32, #tpu.memory_space<hbm>>
      %dma_start3A_174 = arith.constant 0 : i32
      %dma_start3A_175 = tpu.memref_slice %arg11[%mul3A_2, %dma_start3A_174] : memref<10240x128xf32, #tpu.memory_space<vmem_shared>> -> memref<640x128xf32, #tpu.memory_space<vmem_shared>>
      tpu.enqueue_dma source(%dma_start3A_175 : memref<640x128xf32, #tpu.memory_space<vmem_shared>>) target(%dma_start3A_173 : memref<640x128xf32, #tpu.memory_space<hbm>>) target_semaphore(%run_scoped3A_170 : memref<!tpu.dma_semaphore, #tpu.memory_space<semaphore_mem>>)
      %dma_wait3A_176 = arith.constant 0 : i32
      %dma_wait3A_177 = tpu.memref_slice %arg5[%arg0, %mul3A_2, %dma_wait3A_176] : memref<2x10240x128xf32, #tpu.memory_space<hbm>> -> memref<1x640x128xf32, #tpu.memory_space<hbm>>
      %dma_wait3A_178 = tpu.memref_squeeze %dma_wait3A_177 : memref<1x640x128xf32, #tpu.memory_space<hbm>> -> memref<640x128xf32, #tpu.memory_space<hbm>>
      %dma_wait3A_179 = arith.constant 0 : i32
      %dma_wait3A_180 = tpu.memref_slice %arg11[%mul3A_2, %dma_wait3A_179] : memref<10240x128xf32, #tpu.memory_space<vmem_shared>> -> memref<640x128xf32, #tpu.memory_space<vmem_shared>>
      tpu.wait_dma2 semaphore(%run_scoped3A_170 : memref<!tpu.dma_semaphore, #tpu.memory_space<semaphore_mem>>) src(%dma_wait3A_180 : memref<640x128xf32, #tpu.memory_space<vmem_shared>>) dst(%dma_wait3A_178 : memref<640x128xf32, #tpu.memory_space<hbm>>)
      tpu.yield
    }) : () -> ()
    return
  }
}

module attributes {stable_mosaic.version = 14 : i64} {
  func.func @_tc1_body(%arg0: i32, %arg1: memref<2000x2xf32, #tpu.memory_space<vmem>>, %arg2: memref<2000x128xf32, #tpu.memory_space<vmem>>, %arg3: memref<128x128xf32, #tpu.memory_space<vmem>>, %arg4: memref<2000x128xf32, #tpu.memory_space<vmem>>, %arg5: memref<2000x1xf32, #tpu.memory_space<vmem>>) attributes {dimension_semantics = [#tpu.dimension_semantics<arbitrary>], iteration_bounds = array<i64: 5>, scalar_prefetch = 0 : i64, scratch_operands = 0 : i64, tpu.core_type = #tpu.core_type<tc>, window_params = [{transform_indices = @transform_0, window_bounds = array<i64: 2000, 2>}, {transform_indices = @transform_1, window_bounds = array<i64: 2000, 128>}, {pipeline_mode = #tpu.pipeline_mode<synchronous>, transform_indices = @transform_2, window_bounds = array<i64: 128, 128>}, {transform_indices = @transform_3, window_bounds = array<i64: 2000, 128>}, {transform_indices = @transform_4, window_bounds = array<i64: 2000, 1>}]} {
    %get3A = arith.constant 0 : index
    %get3A_0 = arith.constant 0 : index
    %get3A_1 = vector.load %arg1[%get3A, %get3A_0] : memref<2000x2xf32, #tpu.memory_space<vmem>>, vector<2000x1xf32>
    %get3A_2 = arith.constant 0 : index
    %get3A_3 = arith.constant 1 : index
    %get3A_4 = vector.load %arg1[%get3A_2, %get3A_3] : memref<2000x2xf32, #tpu.memory_space<vmem>>, vector<2000x1xf32>
    %add3A = arith.addf %get3A_1, %get3A_4 : vector<2000x1xf32>
    %add3A_5 = arith.constant 1.000000e+00 : f32
    %add3A_6 = vector.broadcast %add3A_5 : f32 to vector<2000x1xf32>
    %add3A_7 = arith.addf %add3A, %add3A_6 : vector<2000x1xf32>
    %rsqrt3A = math.rsqrt %add3A_7 : vector<2000x1xf32>
    %get3A_8 = arith.constant 0 : index
    %get3A_9 = arith.constant 0 : index
    %get3A_10 = vector.load %arg2[%get3A_8, %get3A_9] : memref<2000x128xf32, #tpu.memory_space<vmem>>, vector<2000x128xf32>
    %get3A_11 = arith.constant 0 : index
    %get3A_12 = arith.constant 0 : index
    %get3A_13 = vector.load %arg3[%get3A_11, %get3A_12] : memref<128x128xf32, #tpu.memory_space<vmem>>, vector<128x128xf32>
    %dot_general3A = arith.constant dense<0.000000e+00> : vector<2000x128xf32>
    %dot_general3A_14 = tpu.matmul %get3A_10, %get3A_13, %dot_general3A {dimension_numbers = #tpu.dot_dimension_numbers<[1], [0], [0], [1], [0, 0, 1, 1], [], []>, transpose_lhs_hint = false} : vector<2000x128xf32>, vector<128x128xf32>, vector<2000x128xf32> -> vector<2000x128xf32>
    %mul3A = vector.broadcast %rsqrt3A : vector<2000x1xf32> to vector<2000x128xf32>
    %mul3A_15 = arith.mulf %dot_general3A_14, %mul3A : vector<2000x128xf32>
    %swap3A = arith.constant 0 : index
    %swap3A_16 = arith.constant 0 : index
    %swap3A_17 = vector.load %arg4[%swap3A, %swap3A_16] : memref<2000x128xf32, #tpu.memory_space<vmem>>, vector<2000x128xf32>
    tpu.vector_store %arg4[%swap3A, %swap3A_16], %mul3A_15 {strides = array<i32>} : memref<2000x128xf32, #tpu.memory_space<vmem>>, vector<2000x128xf32>,
    %swap3A_18 = arith.constant 0 : index
    %swap3A_19 = arith.constant 0 : index
    %swap3A_20 = vector.load %arg5[%swap3A_18, %swap3A_19] : memref<2000x1xf32, #tpu.memory_space<vmem>>, vector<2000x1xf32>
    tpu.vector_store %arg5[%swap3A_18, %swap3A_19], %rsqrt3A {strides = array<i32>} : memref<2000x1xf32, #tpu.memory_space<vmem>>, vector<2000x1xf32>,
    return
  }
  func.func @transform_0(%arg0: i32) -> (i32, i32) {
    %c0_i32 = arith.constant 0 : i32
    %c0_i32_0 = arith.constant 0 : i32
    return %arg0, %c0_i32 : i32, i32
  }
  func.func @transform_1(%arg0: i32) -> (i32, i32) {
    %c0_i32 = arith.constant 0 : i32
    %c0_i32_0 = arith.constant 0 : i32
    return %arg0, %c0_i32 : i32, i32
  }
  func.func @transform_2(%arg0: i32) -> (i32, i32) {
    %c0_i32 = arith.constant 0 : i32
    %c0_i32_0 = arith.constant 0 : i32
    %c0_i32_1 = arith.constant 0 : i32
    return %c0_i32, %c0_i32_0 : i32, i32
  }
  func.func @transform_3(%arg0: i32) -> (i32, i32) {
    %c0_i32 = arith.constant 0 : i32
    %c0_i32_0 = arith.constant 0 : i32
    return %arg0, %c0_i32 : i32, i32
  }
  func.func @transform_4(%arg0: i32) -> (i32, i32) {
    %c0_i32 = arith.constant 0 : i32
    %c0_i32_0 = arith.constant 0 : i32
    return %arg0, %c0_i32 : i32, i32
  }
}

module attributes {stable_mosaic.version = 14 : i64} {
  func.func @_tc2_body(%arg0: i32, %arg1: memref<1x2000x128xf32, #tpu.memory_space<vmem>>, %arg2: memref<1x2000x128xf32, #tpu.memory_space<vmem>>, %arg3: memref<2000x128xf32, #tpu.memory_space<vmem>>, %arg4: memref<2000x1xf32, #tpu.memory_space<vmem>>, %arg5: memref<1x128xf32, #tpu.memory_space<vmem>>, %arg6: memref<128x128xf32, #tpu.memory_space<vmem>>, %arg7: memref<2000x128xf32, #tpu.memory_space<vmem>>) attributes {dimension_semantics = [#tpu.dimension_semantics<arbitrary>], iteration_bounds = array<i64: 5>, scalar_prefetch = 0 : i64, scratch_operands = 0 : i64, tpu.core_type = #tpu.core_type<tc>, window_params = [{transform_indices = @transform_0, window_bounds = array<i64: 1, 2000, 128>}, {transform_indices = @transform_1, window_bounds = array<i64: 1, 2000, 128>}, {transform_indices = @transform_2, window_bounds = array<i64: 2000, 128>}, {transform_indices = @transform_3, window_bounds = array<i64: 2000, 1>}, {pipeline_mode = #tpu.pipeline_mode<synchronous>, transform_indices = @transform_4, window_bounds = array<i64: 1, 128>}, {pipeline_mode = #tpu.pipeline_mode<synchronous>, transform_indices = @transform_5, window_bounds = array<i64: 128, 128>}, {transform_indices = @transform_6, window_bounds = array<i64: 2000, 128>}]} {
    %get3A = arith.constant 0 : index
    %get3A_0 = arith.constant 0 : index
    %get3A_1 = vector.load %arg4[%get3A, %get3A_0] : memref<2000x1xf32, #tpu.memory_space<vmem>>, vector<2000x1xf32>
    %get3A_2 = arith.constant 0 : index
    %get3A_3 = arith.constant 0 : index
    %get3A_4 = arith.constant 0 : index
    %get3A_5 = vector.load %arg1[%get3A_2, %get3A_3, %get3A_4] : memref<1x2000x128xf32, #tpu.memory_space<vmem>>, vector<1x2000x128xf32>
    %get3A_6 = vector.shape_cast %get3A_5 : vector<1x2000x128xf32> to vector<2000x128xf32>
    %get3A_7 = arith.constant 0 : index
    %get3A_8 = arith.constant 0 : index
    %get3A_9 = arith.constant 0 : index
    %get3A_10 = vector.load %arg2[%get3A_7, %get3A_8, %get3A_9] : memref<1x2000x128xf32, #tpu.memory_space<vmem>>, vector<1x2000x128xf32>
    %get3A_11 = vector.shape_cast %get3A_10 : vector<1x2000x128xf32> to vector<2000x128xf32>
    %add3A = arith.addf %get3A_6, %get3A_11 : vector<2000x128xf32>
    %get3A_12 = arith.constant 0 : index
    %get3A_13 = arith.constant 0 : index
    %get3A_14 = vector.load %arg3[%get3A_12, %get3A_13] : memref<2000x128xf32, #tpu.memory_space<vmem>>, vector<2000x128xf32>
    %add3A_15 = arith.addf %add3A, %get3A_14 : vector<2000x128xf32>
    %mul3A = vector.broadcast %get3A_1 : vector<2000x1xf32> to vector<2000x128xf32>
    %mul3A_16 = arith.mulf %add3A_15, %mul3A : vector<2000x128xf32>
    %get3A_17 = arith.constant 0 : index
    %get3A_18 = arith.constant 0 : index
    %get3A_19 = vector.load %arg5[%get3A_17, %get3A_18] : memref<1x128xf32, #tpu.memory_space<vmem>>, vector<1x128xf32>
    %add3A_20 = vector.broadcast %get3A_19 : vector<1x128xf32> to vector<2000x128xf32>
    %add3A_21 = arith.addf %mul3A_16, %add3A_20 : vector<2000x128xf32>
    %max3A = arith.constant 0.000000e+00 : f32
    %max3A_22 = vector.broadcast %max3A : f32 to vector<2000x128xf32>
    %max3A_23 = arith.maximumf %add3A_21, %max3A_22 : vector<2000x128xf32>
    %get3A_24 = arith.constant 0 : index
    %get3A_25 = arith.constant 0 : index
    %get3A_26 = vector.load %arg6[%get3A_24, %get3A_25] : memref<128x128xf32, #tpu.memory_space<vmem>>, vector<128x128xf32>
    %dot_general3A = arith.constant dense<0.000000e+00> : vector<2000x128xf32>
    %dot_general3A_27 = tpu.matmul %max3A_23, %get3A_26, %dot_general3A {dimension_numbers = #tpu.dot_dimension_numbers<[1], [0], [0], [1], [0, 0, 1, 1], [], []>, transpose_lhs_hint = false} : vector<2000x128xf32>, vector<128x128xf32>, vector<2000x128xf32> -> vector<2000x128xf32>
    %mul3A_28 = vector.broadcast %get3A_1 : vector<2000x1xf32> to vector<2000x128xf32>
    %mul3A_29 = arith.mulf %dot_general3A_27, %mul3A_28 : vector<2000x128xf32>
    %swap3A = arith.constant 0 : index
    %swap3A_30 = arith.constant 0 : index
    %swap3A_31 = vector.load %arg7[%swap3A, %swap3A_30] : memref<2000x128xf32, #tpu.memory_space<vmem>>, vector<2000x128xf32>
    tpu.vector_store %arg7[%swap3A, %swap3A_30], %mul3A_29 {strides = array<i32>} : memref<2000x128xf32, #tpu.memory_space<vmem>>, vector<2000x128xf32>,
    return
  }
  func.func @transform_0(%arg0: i32) -> (i32, i32, i32) {
    %c0_i32 = arith.constant 0 : i32
    %c0_i32_0 = arith.constant 0 : i32
    %c0_i32_1 = arith.constant 0 : i32
    return %c0_i32, %arg0, %c0_i32_0 : i32, i32, i32
  }
  func.func @transform_1(%arg0: i32) -> (i32, i32, i32) {
    %c1_i32 = arith.constant 1 : i32
    %c0_i32 = arith.constant 0 : i32
    %c0_i32_0 = arith.constant 0 : i32
    return %c1_i32, %arg0, %c0_i32 : i32, i32, i32
  }
  func.func @transform_2(%arg0: i32) -> (i32, i32) {
    %c0_i32 = arith.constant 0 : i32
    %c0_i32_0 = arith.constant 0 : i32
    return %arg0, %c0_i32 : i32, i32
  }
  func.func @transform_3(%arg0: i32) -> (i32, i32) {
    %c0_i32 = arith.constant 0 : i32
    %c0_i32_0 = arith.constant 0 : i32
    return %arg0, %c0_i32 : i32, i32
  }
  func.func @transform_4(%arg0: i32) -> (i32, i32) {
    %c0_i32 = arith.constant 0 : i32
    %c0_i32_0 = arith.constant 0 : i32
    %c0_i32_1 = arith.constant 0 : i32
    return %c0_i32, %c0_i32_0 : i32, i32
  }
  func.func @transform_5(%arg0: i32) -> (i32, i32) {
    %c0_i32 = arith.constant 0 : i32
    %c0_i32_0 = arith.constant 0 : i32
    %c0_i32_1 = arith.constant 0 : i32
    return %c0_i32, %c0_i32_0 : i32, i32
  }
  func.func @transform_6(%arg0: i32) -> (i32, i32) {
    %c0_i32 = arith.constant 0 : i32
    %c0_i32_0 = arith.constant 0 : i32
    return %arg0, %c0_i32 : i32, i32
  }
}

module attributes {stable_mosaic.version = 14 : i64} {
  func.func @_tc3_body(%arg0: i32, %arg1: memref<1x10000x128xf32, #tpu.memory_space<vmem>>, %arg2: memref<1x10000x128xf32, #tpu.memory_space<vmem>>, %arg3: memref<10000x128xf32, #tpu.memory_space<vmem>>, %arg4: memref<10000x1xf32, #tpu.memory_space<vmem>>, %arg5: memref<1x128xf32, #tpu.memory_space<vmem>>, %arg6: memref<128x10xf32, #tpu.memory_space<vmem>>, %arg7: memref<10x1xf32, #tpu.memory_space<vmem>>, %arg8: memref<10x10000xf32, #tpu.memory_space<vmem>>) attributes {dimension_semantics = [#tpu.dimension_semantics<arbitrary>], iteration_bounds = array<i64: 1>, scalar_prefetch = 0 : i64, scratch_operands = 0 : i64, tpu.core_type = #tpu.core_type<tc>, window_params = [{transform_indices = @transform_0, window_bounds = array<i64: 1, 10000, 128>}, {transform_indices = @transform_1, window_bounds = array<i64: 1, 10000, 128>}, {pipeline_mode = #tpu.pipeline_mode<synchronous>, transform_indices = @transform_2, window_bounds = array<i64: 10000, 128>}, {pipeline_mode = #tpu.pipeline_mode<synchronous>, transform_indices = @transform_3, window_bounds = array<i64: 10000, 1>}, {pipeline_mode = #tpu.pipeline_mode<synchronous>, transform_indices = @transform_4, window_bounds = array<i64: 1, 128>}, {pipeline_mode = #tpu.pipeline_mode<synchronous>, transform_indices = @transform_5, window_bounds = array<i64: 128, 10>}, {pipeline_mode = #tpu.pipeline_mode<synchronous>, transform_indices = @transform_6, window_bounds = array<i64: 10, 1>}, {pipeline_mode = #tpu.pipeline_mode<synchronous>, transform_indices = @transform_7, window_bounds = array<i64: 10, 10000>}]} {
    %get3A = arith.constant 0 : index
    %get3A_0 = arith.constant 0 : index
    %get3A_1 = vector.load %arg4[%get3A, %get3A_0] : memref<10000x1xf32, #tpu.memory_space<vmem>>, vector<10000x1xf32>
    %get3A_2 = arith.constant 0 : index
    %get3A_3 = arith.constant 0 : index
    %get3A_4 = arith.constant 0 : index
    %get3A_5 = vector.load %arg1[%get3A_2, %get3A_3, %get3A_4] : memref<1x10000x128xf32, #tpu.memory_space<vmem>>, vector<1x10000x128xf32>
    %get3A_6 = vector.shape_cast %get3A_5 : vector<1x10000x128xf32> to vector<10000x128xf32>
    %get3A_7 = arith.constant 0 : index
    %get3A_8 = arith.constant 0 : index
    %get3A_9 = arith.constant 0 : index
    %get3A_10 = vector.load %arg2[%get3A_7, %get3A_8, %get3A_9] : memref<1x10000x128xf32, #tpu.memory_space<vmem>>, vector<1x10000x128xf32>
    %get3A_11 = vector.shape_cast %get3A_10 : vector<1x10000x128xf32> to vector<10000x128xf32>
    %add3A = arith.addf %get3A_6, %get3A_11 : vector<10000x128xf32>
    %get3A_12 = arith.constant 0 : index
    %get3A_13 = arith.constant 0 : index
    %get3A_14 = vector.load %arg3[%get3A_12, %get3A_13] : memref<10000x128xf32, #tpu.memory_space<vmem>>, vector<10000x128xf32>
    %add3A_15 = arith.addf %add3A, %get3A_14 : vector<10000x128xf32>
    %mul3A = vector.broadcast %get3A_1 : vector<10000x1xf32> to vector<10000x128xf32>
    %mul3A_16 = arith.mulf %add3A_15, %mul3A : vector<10000x128xf32>
    %get3A_17 = arith.constant 0 : index
    %get3A_18 = arith.constant 0 : index
    %get3A_19 = vector.load %arg5[%get3A_17, %get3A_18] : memref<1x128xf32, #tpu.memory_space<vmem>>, vector<1x128xf32>
    %add3A_20 = vector.broadcast %get3A_19 : vector<1x128xf32> to vector<10000x128xf32>
    %add3A_21 = arith.addf %mul3A_16, %add3A_20 : vector<10000x128xf32>
    %max3A = arith.constant 0.000000e+00 : f32
    %max3A_22 = vector.broadcast %max3A : f32 to vector<10000x128xf32>
    %max3A_23 = arith.maximumf %add3A_21, %max3A_22 : vector<10000x128xf32>
    %get3A_24 = arith.constant 0 : index
    %get3A_25 = arith.constant 0 : index
    %get3A_26 = vector.load %arg6[%get3A_24, %get3A_25] : memref<128x10xf32, #tpu.memory_space<vmem>>, vector<128x10xf32>
    %dot_general3A = arith.constant dense<0.000000e+00> : vector<10x10000xf32>
    %dot_general3A_27 = tpu.matmul %get3A_26, %max3A_23, %dot_general3A {dimension_numbers = #tpu.dot_dimension_numbers<[0], [1], [1], [0], [0, 1, 1, 0], [], []>, transpose_lhs_hint = false} : vector<128x10xf32>, vector<10000x128xf32>, vector<10x10000xf32> -> vector<10x10000xf32>
    %get3A_28 = arith.constant 0 : index
    %get3A_29 = arith.constant 0 : index
    %get3A_30 = vector.load %arg7[%get3A_28, %get3A_29] : memref<10x1xf32, #tpu.memory_space<vmem>>, vector<10x1xf32>
    %add3A_31 = vector.broadcast %get3A_30 : vector<10x1xf32> to vector<10x10000xf32>
    %add3A_32 = arith.addf %dot_general3A_27, %add3A_31 : vector<10x10000xf32>
    %swap3A = arith.constant 0 : index
    %swap3A_33 = arith.constant 0 : index
    %swap3A_34 = vector.load %arg8[%swap3A, %swap3A_33] : memref<10x10000xf32, #tpu.memory_space<vmem>>, vector<10x10000xf32>
    tpu.vector_store %arg8[%swap3A, %swap3A_33], %add3A_32 {strides = array<i32>} : memref<10x10000xf32, #tpu.memory_space<vmem>>, vector<10x10000xf32>,
    return
  }
  func.func @transform_0(%arg0: i32) -> (i32, i32, i32) {
    %c0_i32 = arith.constant 0 : i32
    %c0_i32_0 = arith.constant 0 : i32
    %c0_i32_1 = arith.constant 0 : i32
    %c0_i32_2 = arith.constant 0 : i32
    return %c0_i32, %c0_i32_0, %c0_i32_1 : i32, i32, i32
  }
  func.func @transform_1(%arg0: i32) -> (i32, i32, i32) {
    %c1_i32 = arith.constant 1 : i32
    %c0_i32 = arith.constant 0 : i32
    %c0_i32_0 = arith.constant 0 : i32
    %c0_i32_1 = arith.constant 0 : i32
    return %c1_i32, %c0_i32, %c0_i32_0 : i32, i32, i32
  }
  func.func @transform_2(%arg0: i32) -> (i32, i32) {
    %c0_i32 = arith.constant 0 : i32
    %c0_i32_0 = arith.constant 0 : i32
    %c0_i32_1 = arith.constant 0 : i32
    return %c0_i32, %c0_i32_0 : i32, i32
  }
  func.func @transform_3(%arg0: i32) -> (i32, i32) {
    %c0_i32 = arith.constant 0 : i32
    %c0_i32_0 = arith.constant 0 : i32
    %c0_i32_1 = arith.constant 0 : i32
    return %c0_i32, %c0_i32_0 : i32, i32
  }
  func.func @transform_4(%arg0: i32) -> (i32, i32) {
    %c0_i32 = arith.constant 0 : i32
    %c0_i32_0 = arith.constant 0 : i32
    %c0_i32_1 = arith.constant 0 : i32
    return %c0_i32, %c0_i32_0 : i32, i32
  }
  func.func @transform_5(%arg0: i32) -> (i32, i32) {
    %c0_i32 = arith.constant 0 : i32
    %c0_i32_0 = arith.constant 0 : i32
    %c0_i32_1 = arith.constant 0 : i32
    return %c0_i32, %c0_i32_0 : i32, i32
  }
  func.func @transform_6(%arg0: i32) -> (i32, i32) {
    %c0_i32 = arith.constant 0 : i32
    %c0_i32_0 = arith.constant 0 : i32
    %c0_i32_1 = arith.constant 0 : i32
    return %c0_i32, %c0_i32_0 : i32, i32
  }
  func.func @transform_7(%arg0: i32) -> (i32, i32) {
    %c0_i32 = arith.constant 0 : i32
    %c0_i32_0 = arith.constant 0 : i32
    %c0_i32_1 = arith.constant 0 : i32
    return %c0_i32, %c0_i32_0 : i32, i32
  }
}

</mosaic_0001>

<sc_bundles>
// kernel: kernel.11.cloned.1.call-start
scs
__scs_entry_jumppad:
0x0: {  	(pc) =	sbr.rel $0x88, $3  }
0x1: {  	(tag) =	ssettag $0x0;
	lr =	simm.s32 $0x1  }
0x2: {  	[smem:$0x3F99] =	sst lr;
	_ =	strace $0xD0000000  }
0x3: {  	_ = 	snop  }
0x4: {  	_ = 	snop  }
0x5: {  	_ = 	snop  }
0x6: {  	_ = 	snop  }
0x7: {  	_ = 	snop  }
__scs_overlays_trampoline_lowered:
0x8: {  	[smem:$0x3FA8] =	sst s0  }
0x9: {  	[smem:$0x3FA9] =	sst s1  }
0xa: {  	[smem:$0x3FAA] =	sst s2  }
0xb: {  	[smem:$0x3FAB] =	sst s3  }
0xc: {  	[smem:$0x3FAC] =	sst s4  }
0xd: {  	[smem:$0x3FAD] =	sst s5  }
0xe: {  	[smem:$0x3FAE] =	sst s6  }
0xf: {  	[smem:$0x3FAF] =	sst s7  }
0x10: {  	[smem:$0x3FB0] =	sst s8  }
0x11: {  	[smem:$0x3FB1] =	sst s9;
	s0 =	simm.s32 @!p0 $0x0  }
0x12: {  	s1 =	sld [smem:$0x3F97];
	s0 =	simm.s32 @p0 $0x1  }
0x13: {  	[smem:$0x3FB2] =	sst s0;
	s0 =	simm.s32 @!p1 $0x0  }
0x14: {  	s2 =	sld [smem:$0x3F96];
	s0 =	simm.s32 @p1 $0x1  }
0x15: {  	[smem:$0x3FB3] =	sst s0;
	s0 =	simm.s32 @!p2 $0x0  }
0x16: {  	s3 =	sld [smem:$0x3FDB];
	s0 =	simm.s32 @p2 $0x1  }
0x17: {  	s4 =	simm.s32 $0x1BF5;
	[smem:$0x3FB5] =	sst s0  }
0x18: {  	s0 =	sld [smem:$0x3F98];
	_ =	swait.ge [sflag:s4], $0x0  }
0x19: {  	s7 =	sld [smem:$0x3F99]  }
0x1a: {  	s8 =	sadd.s32 $0xFFFFE003, lr  }
0x1b: {  	s9 =	sadd.s32 $0xFFFFFEF7, lr;
	s5 =	simm.s32 $0xFFFFFFFF;
	p2 =	slt.u32 s8, $0xFFFFF086  }
0x1c: {  	p1 =	slt.u32 s9, $0xF7A;
	s5 =	simm.s32 @!p2 $0x0  }
0x1d: {  	s5 =	simm.s32 @p1 $0x1;
	p0 =	seq.s32 s7, s2  }
0x1e: {  	s7 =	smul.u32 @!p0 $0xF7A, s2;
	p2 =	seq.s32 @!p0 s5, $0x0  }
0x1f: {  	s9 =	smul.u32 $0xF7A, s1;
	s8 =	simm.s32 @!p0 $0x1BF5;
	p2 =	por !p2, p0  }
0x20: {  	[sflag:s8] =	ssyncset.s32 @!p0 $0xFFFFF086;
	s6 =	sadd.s32 @!p0 s3, s7;
	s7 =	simm.s32 @!p0 $0x108  }
0x21: {  	s3 =	sadd.s32 s3, s9;
	s6 =	sadd.s32 @!p0 $0x88, s6;
	s7 =	simm.s32 @p2 $0x1082  }
0x22: {  	[simem:s7], [sflag:s8] =	dma.local @!p0 [hbm:s6], $0xF7A  }
0x23: {  	s9 =	sor.u32 $0xD0000000, s2;
	s6 =	simm.s32 $0x108;
	_ =	swait.ge @!p0 [sflag:s8], $0x0  }
0x24: {  	s3 =	sadd.s32 $0x88, s3;
	s6 =	simm.s32 @!p1 $0x1082;
	[sflag:s4] =	ssyncset.s32 $0xFFFFF086  }
0x25: {  	[simem:s6], [sflag:s4] =	dma.local [hbm:s3], $0xF7A  }
0x26: {  	[smem:$0x3F99] =	sst s1;
	(tag) =	ssettag s2;
	_ =	strace s9  }
0x27: {  	s1 =	sld [smem:$0x3FA9]  }
0x28: {  	s2 =	sld [smem:$0x3FAA]  }
0x29: {  	s4 =	sld [smem:$0x3FAC]  }
0x2a: {  	p0 =	seq.s32 s5, $0x0;
	s5 =	sld [smem:$0x3FAD]  }
0x2b: {  	s6 =	sld [smem:$0x3FAE]  }
0x2c: {  	s7 =	sld [smem:$0x3FAF]  }
0x2d: {  	s3 =	simm.s32 $0x108;
	s8 =	sld [smem:$0x3FB0]  }
0x2e: {  	s3 =	simm.s32 @!p0 $0x1082;
	s9 =	sld [smem:$0x3FB1]  }
0x2f: {  	lr =	sadd.s32 s0, s3;
	s0 =	sld [smem:$0x3FA8]  }
0x30: {  	s3 =	sld [smem:$0x3FAB]  }
0x31: {  	[smem:$0x3FB4] =	sst s10  }
0x32: {  	s10 =	sld [smem:$0x3FB2];
	_ =	sdelay $0x3  }
0x33: {  	p0 =	seq.s32 s10, $0x1;
	s10 =	sld [smem:$0x3FB4];
	_ =	sdelay $0x3  }
0x34: {  	[smem:$0x3FB4] =	sst s10  }
0x35: {  	s10 =	sld [smem:$0x3FB3];
	_ =	sdelay $0x3  }
0x36: {  	p1 =	seq.s32 s10, $0x1;
	s10 =	sld [smem:$0x3FB4];
	_ =	sdelay $0x3  }
0x37: {  	[smem:$0x3FB4] =	sst s10  }
0x38: {  	s10 =	sld [smem:$0x3FB5]  }
0x39: {  	_ = 	snop;
	(pc) =	sbr.ind lr, $3  }
0x3a: {  	_ = 	snop  }
0x3b: {  	_ = 	snop  }
0x3c: {  	p2 =	seq.s32 s10, $0x1;
	s10 =	sld [smem:$0x3FB4]  }
0x3d: {  	_ =	shalt  }
0x3e: {  	_ =	shalt  }
0x3f: {  	_ =	shalt  }
0x40: {  	_ =	shalt  }
0x41: {  	_ =	shalt  }
0x42: {  	_ =	shalt  }
0x43: {  	_ =	shalt  }
0x44: {  	_ =	shalt  }
0x45: {  	_ =	shalt  }
0x46: {  	_ =	shalt  }
0x47: {  	_ =	shalt  }
0x48: {  	_ =	shalt  }
0x49: {  	_ =	shalt  }
0x4a: {  	_ =	shalt  }
0x4b: {  	_ =	shalt  }
0x4c: {  	_ =	shalt  }
0x4d: {  	_ =	shalt  }
0x4e: {  	_ =	shalt  }
0x4f: {  	_ =	shalt  }
0x50: {  	_ =	shalt  }
0x51: {  	_ =	shalt  }
0x52: {  	_ =	shalt  }
0x53: {  	_ =	shalt  }
0x54: {  	_ =	shalt  }
0x55: {  	_ =	shalt  }
0x56: {  	_ =	shalt  }
0x57: {  	_ =	shalt  }
0x58: {  	_ =	shalt  }
0x59: {  	_ =	shalt  }
0x5a: {  	_ =	shalt  }
0x5b: {  	_ =	shalt  }
0x5c: {  	_ =	shalt  }
0x5d: {  	_ =	shalt  }
0x5e: {  	_ =	shalt  }
0x5f: {  	_ =	shalt  }
0x60: {  	_ =	shalt  }
0x61: {  	_ =	shalt  }
0x62: {  	_ =	shalt  }
0x63: {  	_ =	shalt  }
0x64: {  	_ =	shalt  }
0x65: {  	_ =	shalt  }
0x66: {  	_ =	shalt  }
0x67: {  	_ =	shalt  }
0x68: {  	_ =	shalt  }
0x69: {  	_ =	shalt  }
0x6a: {  	_ =	shalt  }
0x6b: {  	_ =	shalt  }
0x6c: {  	_ =	shalt  }
0x6d: {  	_ =	shalt  }
0x6e: {  	_ =	shalt  }
0x6f: {  	_ =	shalt  }
0x70: {  	_ =	shalt  }
0x71: {  	_ =	shalt  }
0x72: {  	_ =	shalt  }
0x73: {  	_ =	shalt  }
0x74: {  	_ =	shalt  }
0x75: {  	_ =	shalt  }
0x76: {  	_ =	shalt  }
0x77: {  	_ =	shalt  }
0x78: {  	_ =	shalt  }
0x79: {  	_ =	shalt  }
0x7a: {  	_ =	shalt  }
0x7b: {  	_ =	shalt  }
0x7c: {  	_ =	shalt  }
0x7d: {  	_ =	shalt  }
0x7e: {  	_ =	shalt  }
0x7f: {  	_ =	shalt  }
0x80: {  	_ =	shalt  }
0x81: {  	_ =	shalt  }
0x82: {  	_ =	shalt  }
0x83: {  	_ =	shalt  }
0x84: {  	_ =	shalt  }
0x85: {  	_ =	shalt  }
0x86: {  	_ =	shalt  }
0x87: {  	_ =	shalt  }
.Lfunc_end0:
.L_simem_size_0:
called_computation.1_lowered:
.L_overlay_start_0:
0x88: {  	s2 =	sld [smem:$0x3FD9]  }
0x89: {  	s3 =	sld [smem:$0x3FFE];
	_ =	sdelay $0x1  }
0x8a: {  	s1 =	srdreg.scid  }
0x8b: {  	s0 =	sand.u32 $0x1, s1  }
0x8c: {  	s16 =	sshll.u32 s0, $0xA;
	s2 =	sadd.s32 s3, s2  }
0x8d: {  	s2 =	sadd.s32 s2, s16  }
0x8e: {  	[smem:$0x3FC0] =	sst s2  }
0x8f: {  	_ = 	snop  }
0x90: {  	(tm) =	ssettm $0x1  }
0x91: {  	s17 =	sld [smem:$0x3FFB];
	_ =	sdelay $0x3  }
0x92: {  	_ =	strace s17  }
0x93: {  	s2 =	sld [smem:$0x3FFC];
	_ =	sdelay $0x3  }
0x94: {  	_ =	strace s2  }
0x95: {  	s2 =	sld [smem:$0x3FFD];
	_ =	sdelay $0x3  }
0x96: {  	_ =	strace s2  }
0x97: {  	_ =	strace $0x8FFFFFFF  }
0x98: {  	s18 =	sld [smem:$0x3FDB];
	_ =	sdelay $0x1  }
0x99: {  	s19 =	simm.s32 $_scs_section_size  }
0x9a: {  	s4 =	simm.s32 $_size__tile_overlayer_lowered;
	s5 =	simm.s32 $_tile_overlayer_lowered  }
0x9b: {  	s22 =	simm.s32 $0x1BFF;
	s21 =	sshll.u32 s5, $0x1;
	s2 =	sadd.s32 s19, s18  }
0x9c: {  	s6 =	simm.s32 $0x0;
	s20 =	sshll.u32 s4, $0x1;
	s4 =	sadd.s32 s21, s2  }
0x9d: {  	[timem:s6], [sflag:s22] =	dma.local [hbm:s4], s20  }
0x9e: {  	_ =	swait.ge [sflag:s22], s20  }
0x9f: {  	s3 =	ssub.s32 $0x0, s20;
	[sflag:s22] =	ssyncset.done $0x0  }
0xa0: {  	[sflag:s22] =	ssyncadd.s32 s3;
	_ =	sdelay $0x1  }
0xa1: {  	s23 =	simm.s32 $0x1B8B  }
0xa2: {  	_ =	swait.ge [sflag:s23], $0x1  }
0xa3: {  	[sflag:s23] =	ssyncset.done $0x0  }
0xa4: {  	s25 =	simm.s32 $0x1B8E;
	s24 =	sld [smem:$0x3FFE];
	[sflag:s23] =	ssyncadd.s32 $0xFFFFFFFF  }
0xa5: {  	s26 =	simm.s32 $execute0_lowered;
	[smem:$0x3FD2] =	sst s25  }
0xa6: {  	s4 =	sshll.u32 s26, $0x1;
	_ =	strace $0x80000049;
	[dreg:$0x1] =	wrdreg $0xFFFFFFFF  }
0xa7: {  	s28 =	simm.s32 $_size_execute0_lowered;
	s2 =	sadd.s32 s2, s4;
	[dreg:$0x0] =	wrdreg $0x0  }
0xa8: {  	s4 =	sshll.u32 s28, $0x1;
	[dreg:$0x2] =	wrdreg s2  }
0xa9: {  	[dreg:$0x3] =	wrdreg s4  }
0xaa: {  	[dreg:$0x4] =	wrdreg $0xC0  }
0xab: {  	_ =	task [dreg:s6], $0x5FFFF  }
0xac: {  	[dreg:$0x1] =	wrdreg $0xFFFFFFFF  }
0xad: {  	[dreg:$0x0] =	wrdreg $0x60  }
0xae: {  	[dreg:$0x2] =	wrdreg s24  }
0xaf: {  	[dreg:$0x3] =	wrdreg $0xBC000  }
0xb0: {  	[dreg:$0x4] =	wrdreg $0x9  }
0xb1: {  	_ =	task.clear_ibuf [dreg:s6], $0x5FFFF;
	_ =	strace $0x90000049  }
0xb2: {  	s29 =	simm.s32 $0x9;
	_ =	strace $0x8000004B  }
0xb3: {  	_ =	swait.ge [sflag:s29], $0x1  }
0xb4: {  	[sflag:s29] =	ssyncadd.s32 $0xFFFFFFFF  }
0xb5: {  	_ =	strace $0x9000004B  }
0xb6: {  	_ =	sfence  }
0xb7: {  	s30 =	sld [smem:$0x0];
	_ =	sdelay $0x2  }
0xb8: {  	s31 =	sshll.u32 s1, $0xD;
	s1 =	sshrl.u32 s1, $0x2  }
0xb9: {  	s3 =	sand.u32 $0x4000, s31;
	s1 =	sadd.s32 s1, s30  }
0xba: {  	s0 =	sor.u32 s3, s0;
	s1 =	sshll.u32 s1, $0x11  }
0xbb: {  	s0 =	sor.u32 s1, s0  }
0xbc: {  	s0 =	sadd.s32 $0x8F2B, s0  }
0xbd: {  	[sflag:s0] =	ssyncadd.remote.s32 $0x1  }
0xbe: {  	_ =	sfence.sel $0xFFFF  }
0xbf: {  	[dreg:$0x0] =	wrdreg $0xFFFFFFFF;
	(pc) =	sbr.abs _section_cstart, $3  }
0xc0: {  	[dreg:$0x1] =	wrdreg $0xFFFFFFFF  }
0xc1: {  	_ =	task.clear_ibuf [dreg:s6], $0x2FFFF;
	_ =	strace $0x9FFFFFFF  }
0xc2: {  	(tm) =	ssettm $0x7FFFFFFF  }
0xc3: {  	_ =	shalt  }
tec
execute0_lowered:
.L_overlay_start_1:
0x0: {  	(tag) =	ssettag $0x1  }
0x1: {  	s0 =	rddreg [dreg:$0x0]  }
0x2: {  	s1 =	rddreg [dreg:$0x1];
	s16 =	simm.s32 $0x0  }
0x3: {  	s2 =	srdreg.scid;
	s3 =	stileid.u32;
	s29 =	simm.s32 $0x5400  }
0x4: {  	[smem:$0x7FF] =	sst s16;
	s2 =	sand.u32 $0x1, s2;
	s8 =	smul.u32 $0x50000, s3  }
0x5: {  	s7 =	sadd.s32 $0x1FA00, s0;
	s17 =	sshll.u32 s3, $0xB;
	s5 =	smul.u32 $0x140000, s2  }
0x6: {  	s11 =	ssub.s32 $0x2, s2;
	s2 =	sshll.u32 s2, $0xF;
	s8 =	sshrl.u32 s8, $0x2  }
0x7: {  	s9 =	sadd.s32 $0xFA00, s0;
	s2 =	sor.u32 s17, s2;
	s12 =	sadd.s32 s8, s1  }
0x8: {  	_ =	strace $0x8000004A;
	s21 =	sadd.s32 s7, s2;
	[dreg:$0x14] =	wrdreg s12  }
0x9: {  	s31 =	simm.s32 $0x8800;
	s23 =	sadd.s32 s9, s2;
	[dreg:$0xa] =	wrdreg s21  }
0xa: {  	s6 =	smul.u32 $0x14000, s3;
	s8 =	sadd.s32 $0x2800, s12;
	[dreg:$0xb] =	wrdreg s23  }
0xb: {  	s4 =	sadd.s32 $0x2FA00, s0;
	s13 =	sadd.s32 $0x5000, s12;
	[dreg:$0x3] =	wrdreg s8  }
0xc: {  	s10 =	sshrl.u32 s11, $0x1;
	s14 =	sadd.s32 $0x7800, s12;
	[dreg:$0x4] =	wrdreg s13  }
0xd: {  	s17 =	simm.s32 $0x0;
	s15 =	sadd.s32 $0xA000, s12;
	[dreg:$0x5] =	wrdreg s14  }
0xe: {  	s5 =	sadd.s32 s6, s5;
	s18 =	sadd.s32 $0xC800, s12;
	[dreg:$0x6] =	wrdreg s15  }
0xf: {  	s6 =	ssub.s32 s11, s10;
	s19 =	sadd.s32 $0xF000, s12;
	[dreg:$0x7] =	wrdreg s18  }
0x10: {  	s22 =	sor.u32 $0x200, s2;
	s20 =	sadd.s32 $0x11800, s12;
	[dreg:$0x8] =	wrdreg s19  }
0x11: {  	s25 =	sor.u32 $0x400, s2;
	s24 =	sadd.s32 s7, s22;
	[dreg:$0x9] =	wrdreg s20  }
0x12: {  	s2 =	sor.u32 $0x600, s2;
	s26 =	sadd.s32 s7, s25;
	[dreg:$0xc] =	wrdreg s24  }
0x13: {  	s5 =	sshrl.u32 s5, $0x3;
	s28 =	sadd.s32 s9, s25;
	[dreg:$0xe] =	wrdreg s26  }
0x14: {  	s7 =	sadd.s32 s7, s2;
	s2 =	sadd.s32 s9, s2;
	[dreg:$0xf] =	wrdreg s28  }
0x15: {  	s30 =	smax.u32 s6, $0x1;
	s23 =	simm.s32 $0x2000;
	[dreg:$0x10] =	wrdreg s7  }
0x16: {  	s6 =	simm.s32 $0x2;
	s0 =	sadd.s32 s5, s0;
	[dreg:$0x11] =	wrdreg s2  }
0x17: {  	s8 =	sadd.s32 s9, s22;
	[dreg:$0x13] =	wrdreg s30;
	s24 =	simm.s32 $0x4  }
0x18: {  	s26 =	simm.s32 $0x64;
	[dreg:$0xd] =	wrdreg s8;
	s0 =	sadd.s32 $0x56C00, s0  }
0x19: {  	v0 =	vimm.f32 $0.0e+00;
	s9 =	simm.s32 $0x3;
	[dreg:$0x12] =	wrdreg s0;
	s0 =	simm.s32 $0x1  }
.LBB2_1:
0x1a: {  	s18 =	simm.s32 $0x0;
	s19 =	simm.s32 $0x200  }
.LBB2_2:
0x1b: {  	p0 =	sne.s32 s19, $0x9E00;
	[tilespmem:s18+$0x2070] =	vst v0  }
0x1c: {  	[tilespmem:s18+$0x2000] =	vst v0  }
0x1d: {  	[tilespmem:s18+$0x2010] =	vst v0  }
.Ltmp0:
0x1e: {  	[tilespmem:s18+$0x2020] =	vst v0;
	(pc) =	sbr.rel @p0 .LBB2_2-.Ltmp0, $4  }
0x1f: {  	[tilespmem:s18+$0x2030] =	vst v0  }
0x20: {  	[tilespmem:s18+$0x2040] =	vst v0  }
0x21: {  	[tilespmem:s18+$0x2050] =	vst v0  }
0x22: {  	[tilespmem:s18+$0x2060] =	vst v0;
	s18 =	sshra.s32 s19, $0x2;
	s19 =	sadd.s32 $0x200, s19  }
0x23: {  	[tilespmem:s18+$0x2070] =	vst v0  }
0x24: {  	[tilespmem:s18+$0x2000] =	vst v0  }
0x25: {  	[tilespmem:s18+$0x2010] =	vst v0  }
0x26: {  	[tilespmem:s18+$0x2020] =	vst v0  }
0x27: {  	[tilespmem:s18+$0x2030] =	vst v0  }
0x28: {  	[tilespmem:s18+$0x2040] =	vst v0  }
0x29: {  	[tilespmem:s18+$0x2050] =	vst v0  }
0x2a: {  	[tilespmem:s18+$0x2060] =	vst v0;
	s2 =	rddreg [dreg:$0x14]  }
0x2b: {  	[spmem:s2] =	stream.linear.scatter [tilespmem:s23], [sflag:$0x4], $0x2800, $0x38;
	[tilespmem:$0x1FC00] =	vst v63  }
0x2c: {  	_ =	swait.ge [sflag:s24], $0x2800  }
0x2d: {  	[sflag:s24] =	ssyncset.done $0x0  }
0x2e: {  	s3 =	rddreg [dreg:$0x3];
	[sflag:s24] =	ssyncadd.s32 $0xFFFFD800  }
0x2f: {  	[spmem:s3] =	stream.linear.scatter [tilespmem:s23], [sflag:$0x4], $0x2800, $0x38;
	[tilespmem:$0x1FC00] =	vst v63  }
0x30: {  	_ =	swait.ge [sflag:s24], $0x2800  }
0x31: {  	[sflag:s24] =	ssyncset.done $0x0  }
0x32: {  	s5 =	rddreg [dreg:$0x4];
	[sflag:s24] =	ssyncadd.s32 $0xFFFFD800  }
0x33: {  	[spmem:s5] =	stream.linear.scatter [tilespmem:s23], [sflag:$0x4], $0x2800, $0x38;
	[tilespmem:$0x1FC00] =	vst v63  }
0x34: {  	_ =	swait.ge [sflag:s24], $0x2800  }
0x35: {  	[sflag:s24] =	ssyncset.done $0x0  }
0x36: {  	s7 =	rddreg [dreg:$0x5];
	[sflag:s24] =	ssyncadd.s32 $0xFFFFD800  }
0x37: {  	[spmem:s7] =	stream.linear.scatter [tilespmem:s23], [sflag:$0x4], $0x2800, $0x38;
	[tilespmem:$0x1FC00] =	vst v63  }
0x38: {  	_ =	swait.ge [sflag:s24], $0x2800  }
0x39: {  	[sflag:s24] =	ssyncset.done $0x0  }
0x3a: {  	s8 =	rddreg [dreg:$0x6];
	[sflag:s24] =	ssyncadd.s32 $0xFFFFD800  }
0x3b: {  	[spmem:s8] =	stream.linear.scatter [tilespmem:s23], [sflag:$0x4], $0x2800, $0x38;
	[tilespmem:$0x1FC00] =	vst v63  }
0x3c: {  	_ =	swait.ge [sflag:s24], $0x2800  }
0x3d: {  	[sflag:s24] =	ssyncset.done $0x0  }
0x3e: {  	s10 =	rddreg [dreg:$0x7];
	[sflag:s24] =	ssyncadd.s32 $0xFFFFD800  }
0x3f: {  	[spmem:s10] =	stream.linear.scatter [tilespmem:s23], [sflag:$0x4], $0x2800, $0x38;
	[tilespmem:$0x1FC00] =	vst v63  }
0x40: {  	_ =	swait.ge [sflag:s24], $0x2800  }
0x41: {  	[sflag:s24] =	ssyncset.done $0x0  }
0x42: {  	s11 =	rddreg [dreg:$0x8];
	[sflag:s24] =	ssyncadd.s32 $0xFFFFD800  }
0x43: {  	[spmem:s11] =	stream.linear.scatter [tilespmem:s23], [sflag:$0x4], $0x2800, $0x38;
	[tilespmem:$0x1FC00] =	vst v63  }
0x44: {  	_ =	swait.ge [sflag:s24], $0x2800  }
0x45: {  	[sflag:s24] =	ssyncset.done $0x0  }
0x46: {  	s12 =	rddreg [dreg:$0x9];
	[sflag:s24] =	ssyncadd.s32 $0xFFFFD800  }
0x47: {  	[spmem:s12] =	stream.linear.scatter [tilespmem:s23], [sflag:$0x4], $0x2800, $0x38;
	[tilespmem:$0x1FC00] =	vst v63  }
0x48: {  	_ =	swait.ge [sflag:s24], $0x2800  }
0x49: {  	[sflag:s24] =	ssyncset.done $0x0  }
0x4a: {  	[sflag:s24] =	ssyncadd.s32 $0xFFFFD800  }
0x4b: {  	[bflag:$0x0] =	sbarrier.arrive $0xFFFF  }
0x4c: {  	s13 =	rddreg [dreg:$0xa]  }
0x4d: {  	[tilespmem:s16], [sflag:$0x4] =	stream.linear.gather [hbm4b:s13+s16], $0xC80, $0x38;
	[tilespmem:$0x1FC00] =	vst v63  }
0x4e: {  	_ =	swait.ge [sflag:s24], $0xC80  }
0x4f: {  	[sflag:s24] =	ssyncset.done $0x0  }
0x50: {  	s3 =	simm.s32 $0x1000;
	s14 =	rddreg [dreg:$0xb];
	[sflag:s24] =	ssyncadd.s32 $0xFFFFF380  }
0x51: {  	[tilespmem:s3], [sflag:$0x4] =	stream.linear.gather [hbm4b:s14+s16], $0xC80, $0x38;
	[tilespmem:$0x1FC00] =	vst v63  }
0x52: {  	_ =	swait.ge [sflag:s24], $0xC80  }
0x53: {  	[sflag:s24] =	ssyncset.done $0x0  }
0x54: {  	[sflag:s24] =	ssyncadd.s32 $0xFFFFF380  }
0x55: {  	[tilespmem:s23], [sflag:$0x1] =	stream.indirect.gather [hbm4b:s4+s26], $0x80, s16, s26, $0xb8;
	[tilespmem:$0x1FC00] =	vst v63  }
0x56: {  	s15 =	simm.s32 $0x80  }
0x57: {  	[tilespmem:s29], [sflag:$0x2] =	stream.indirect.gather [hbm4b:s4+s26], $0x80, s15, s26, $0xb8;
	[tilespmem:$0x1FC00] =	vst v63  }
0x58: {  	s18 =	simm.s32 $0x100  }
0x59: {  	[tilespmem:s31], [sflag:$0x3] =	stream.indirect.gather [hbm4b:s4+s26], $0x80, s18, s26, $0xb8;
	[tilespmem:$0x1FC00] =	vst v63  }
0x5a: {  	_ =	swait.ge [sflag:s0], $0x3200  }
0x5b: {  	[sflag:s0] =	ssyncset.done $0x0  }
0x5c: {  	[sflag:s0] =	ssyncadd.s32 $0xFFFFCE00  }
0x5d: {  	[spmem:s1] =	stream.indirect.scatter.add.f32 [tilespmem:s23], [sflag:$0x4], $0x80, s3, s26, $0xb8;
	[tilespmem:$0x1FC00] =	vst v63  }
0x5e: {  	_ =	swait.ge [sflag:s24], $0x3200  }
0x5f: {  	[sflag:s24] =	ssyncset.done $0x0  }
0x60: {  	s19 =	simm.s32 $0x180;
	[sflag:s24] =	ssyncadd.s32 $0xFFFFCE00  }
0x61: {  	[tilespmem:s23], [sflag:$0x1] =	stream.indirect.gather [hbm4b:s4+s26], $0x80, s19, s26, $0xb8;
	[tilespmem:$0x1FC00] =	vst v63  }
0x62: {  	_ =	swait.ge [sflag:s6], $0x3200  }
0x63: {  	[sflag:s6] =	ssyncset.done $0x0  }
0x64: {  	s20 =	simm.s32 $0x1080;
	[sflag:s6] =	ssyncadd.s32 $0xFFFFCE00  }
0x65: {  	[spmem:s1] =	stream.indirect.scatter.add.f32 [tilespmem:s29], [sflag:$0x4], $0x80, s20, s26, $0xb8;
	[tilespmem:$0x1FC00] =	vst v63  }
0x66: {  	_ =	swait.ge [sflag:s24], $0x3200  }
0x67: {  	[sflag:s24] =	ssyncset.done $0x0  }
0x68: {  	s21 =	simm.s32 $0x200;
	[sflag:s24] =	ssyncadd.s32 $0xFFFFCE00  }
0x69: {  	[tilespmem:s29], [sflag:$0x2] =	stream.indirect.gather [hbm4b:s4+s26], $0x80, s21, s26, $0xb8;
	[tilespmem:$0x1FC00] =	vst v63  }
0x6a: {  	_ =	swait.ge [sflag:s9], $0x3200  }
0x6b: {  	[sflag:s9] =	ssyncset.done $0x0  }
0x6c: {  	s22 =	simm.s32 $0x1100;
	[sflag:s9] =	ssyncadd.s32 $0xFFFFCE00  }
0x6d: {  	[spmem:s1] =	stream.indirect.scatter.add.f32 [tilespmem:s31], [sflag:$0x4], $0x80, s22, s26, $0xb8;
	[tilespmem:$0x1FC00] =	vst v63  }
0x6e: {  	_ =	swait.ge [sflag:s24], $0x3200  }
0x6f: {  	[sflag:s24] =	ssyncset.done $0x0  }
0x70: {  	s25 =	simm.s32 $0x280;
	[sflag:s24] =	ssyncadd.s32 $0xFFFFCE00  }
0x71: {  	[tilespmem:s31], [sflag:$0x3] =	stream.indirect.gather [hbm4b:s4+s26], $0x80, s25, s26, $0xb8;
	[tilespmem:$0x1FC00] =	vst v63  }
0x72: {  	_ =	swait.ge [sflag:s0], $0x3200  }
0x73: {  	[sflag:s0] =	ssyncset.done $0x0  }
0x74: {  	s28 =	simm.s32 $0x1180;
	[sflag:s0] =	ssyncadd.s32 $0xFFFFCE00  }
0x75: {  	[spmem:s1] =	stream.indirect.scatter.add.f32 [tilespmem:s23], [sflag:$0x4], $0x80, s28, s26, $0xb8;
	[tilespmem:$0x1FC00] =	vst v63  }
0x76: {  	_ =	swait.ge [sflag:s24], $0x3200  }
0x77: {  	[sflag:s24] =	ssyncset.done $0x0  }
0x78: {  	s30 =	simm.s32 $0x300;
	[sflag:s24] =	ssyncadd.s32 $0xFFFFCE00  }
0x79: {  	[tilespmem:s23], [sflag:$0x1] =	stream.indirect.gather [hbm4b:s4+s26], $0x80, s30, s26, $0xb8;
	[tilespmem:$0x1FC00] =	vst v63  }
0x7a: {  	_ =	swait.ge [sflag:s6], $0x3200  }
0x7b: {  	[sflag:s6] =	ssyncset.done $0x0  }
0x7c: {  	s12 =	simm.s32 $0x1200;
	[sflag:s6] =	ssyncadd.s32 $0xFFFFCE00  }
0x7d: {  	[spmem:s1] =	stream.indirect.scatter.add.f32 [tilespmem:s29], [sflag:$0x4], $0x80, s12, s26, $0xb8;
	[tilespmem:$0x1FC00] =	vst v63  }
0x7e: {  	_ =	swait.ge [sflag:s24], $0x3200  }
0x7f: {  	[sflag:s24] =	ssyncset.done $0x0  }
0x80: {  	s13 =	simm.s32 $0x380;
	[sflag:s24] =	ssyncadd.s32 $0xFFFFCE00  }
0x81: {  	[tilespmem:s29], [sflag:$0x2] =	stream.indirect.gather [hbm4b:s4+s26], $0x80, s13, s26, $0xb8;
	[tilespmem:$0x1FC00] =	vst v63  }
0x82: {  	_ =	swait.ge [sflag:s9], $0x3200  }
0x83: {  	[sflag:s9] =	ssyncset.done $0x0  }
0x84: {  	s14 =	simm.s32 $0x1280;
	[sflag:s9] =	ssyncadd.s32 $0xFFFFCE00  }
0x85: {  	[spmem:s1] =	stream.indirect.scatter.add.f32 [tilespmem:s31], [sflag:$0x4], $0x80, s14, s26, $0xb8;
	[tilespmem:$0x1FC00] =	vst v63  }
0x86: {  	_ =	swait.ge [sflag:s24], $0x3200  }
0x87: {  	[sflag:s24] =	ssyncset.done $0x0  }
0x88: {  	s15 =	simm.s32 $0x400;
	[sflag:s24] =	ssyncadd.s32 $0xFFFFCE00  }
0x89: {  	[tilespmem:s31], [sflag:$0x3] =	stream.indirect.gather [hbm4b:s4+s26], $0x80, s15, s26, $0xb8;
	[tilespmem:$0x1FC00] =	vst v63  }
0x8a: {  	_ =	swait.ge [sflag:s0], $0x3200  }
0x8b: {  	[sflag:s0] =	ssyncset.done $0x0  }
0x8c: {  	s18 =	simm.s32 $0x1300;
	[sflag:s0] =	ssyncadd.s32 $0xFFFFCE00  }
0x8d: {  	[spmem:s1] =	stream.indirect.scatter.add.f32 [tilespmem:s23], [sflag:$0x4], $0x80, s18, s26, $0xb8;
	[tilespmem:$0x1FC00] =	vst v63  }
0x8e: {  	_ =	swait.ge [sflag:s24], $0x3200  }
0x8f: {  	[sflag:s24] =	ssyncset.done $0x0  }
0x90: {  	s19 =	simm.s32 $0x480;
	[sflag:s24] =	ssyncadd.s32 $0xFFFFCE00  }
0x91: {  	[tilespmem:s23], [sflag:$0x1] =	stream.indirect.gather [hbm4b:s4+s26], $0x80, s19, s26, $0xb8;
	[tilespmem:$0x1FC00] =	vst v63  }
0x92: {  	_ =	swait.ge [sflag:s6], $0x3200  }
0x93: {  	[sflag:s6] =	ssyncset.done $0x0  }
0x94: {  	s20 =	simm.s32 $0x1380;
	[sflag:s6] =	ssyncadd.s32 $0xFFFFCE00  }
0x95: {  	[spmem:s1] =	stream.indirect.scatter.add.f32 [tilespmem:s29], [sflag:$0x4], $0x80, s20, s26, $0xb8;
	[tilespmem:$0x1FC00] =	vst v63  }
0x96: {  	_ =	swait.ge [sflag:s24], $0x3200  }
0x97: {  	[sflag:s24] =	ssyncset.done $0x0  }
0x98: {  	s21 =	simm.s32 $0x500;
	[sflag:s24] =	ssyncadd.s32 $0xFFFFCE00  }
0x99: {  	[tilespmem:s29], [sflag:$0x2] =	stream.indirect.gather [hbm4b:s4+s26], $0x80, s21, s26, $0xb8;
	[tilespmem:$0x1FC00] =	vst v63  }
0x9a: {  	_ =	swait.ge [sflag:s9], $0x3200  }
0x9b: {  	[sflag:s9] =	ssyncset.done $0x0  }
0x9c: {  	s22 =	simm.s32 $0x1400;
	[sflag:s9] =	ssyncadd.s32 $0xFFFFCE00  }
0x9d: {  	[spmem:s1] =	stream.indirect.scatter.add.f32 [tilespmem:s31], [sflag:$0x4], $0x80, s22, s26, $0xb8;
	[tilespmem:$0x1FC00] =	vst v63  }
0x9e: {  	_ =	swait.ge [sflag:s24], $0x3200  }
0x9f: {  	[sflag:s24] =	ssyncset.done $0x0  }
0xa0: {  	s25 =	simm.s32 $0x580;
	[sflag:s24] =	ssyncadd.s32 $0xFFFFCE00  }
0xa1: {  	[tilespmem:s31], [sflag:$0x3] =	stream.indirect.gather [hbm4b:s4+s26], $0x80, s25, s26, $0xb8;
	[tilespmem:$0x1FC00] =	vst v63  }
0xa2: {  	_ =	swait.ge [sflag:s0], $0x3200  }
0xa3: {  	[sflag:s0] =	ssyncset.done $0x0  }
0xa4: {  	s28 =	simm.s32 $0x1480;
	[sflag:s0] =	ssyncadd.s32 $0xFFFFCE00  }
0xa5: {  	[spmem:s1] =	stream.indirect.scatter.add.f32 [tilespmem:s23], [sflag:$0x4], $0x80, s28, s26, $0xb8;
	[tilespmem:$0x1FC00] =	vst v63  }
0xa6: {  	_ =	swait.ge [sflag:s24], $0x3200  }
0xa7: {  	[sflag:s24] =	ssyncset.done $0x0  }
0xa8: {  	s30 =	simm.s32 $0x600;
	[sflag:s24] =	ssyncadd.s32 $0xFFFFCE00  }
0xa9: {  	[tilespmem:s23], [sflag:$0x1] =	stream.indirect.gather [hbm4b:s4+s26], $0x80, s30, s26, $0xb8;
	[tilespmem:$0x1FC00] =	vst v63  }
0xaa: {  	_ =	swait.ge [sflag:s6], $0x3200  }
0xab: {  	[sflag:s6] =	ssyncset.done $0x0  }
0xac: {  	s2 =	simm.s32 $0x1500;
	[sflag:s6] =	ssyncadd.s32 $0xFFFFCE00  }
0xad: {  	[spmem:s1] =	stream.indirect.scatter.add.f32 [tilespmem:s29], [sflag:$0x4], $0x80, s2, s26, $0xb8;
	[tilespmem:$0x1FC00] =	vst v63  }
0xae: {  	_ =	swait.ge [sflag:s24], $0x3200  }
0xaf: {  	[sflag:s24] =	ssyncset.done $0x0  }
0xb0: {  	s12 =	simm.s32 $0x680;
	[sflag:s24] =	ssyncadd.s32 $0xFFFFCE00  }
0xb1: {  	[tilespmem:s29], [sflag:$0x2] =	stream.indirect.gather [hbm4b:s4+s26], $0x80, s12, s26, $0xb8;
	[tilespmem:$0x1FC00] =	vst v63  }
0xb2: {  	_ =	swait.ge [sflag:s9], $0x3200  }
0xb3: {  	[sflag:s9] =	ssyncset.done $0x0  }
0xb4: {  	s13 =	simm.s32 $0x1580;
	[sflag:s9] =	ssyncadd.s32 $0xFFFFCE00  }
0xb5: {  	[spmem:s1] =	stream.indirect.scatter.add.f32 [tilespmem:s31], [sflag:$0x4], $0x80, s13, s26, $0xb8;
	[tilespmem:$0x1FC00] =	vst v63  }
0xb6: {  	_ =	swait.ge [sflag:s24], $0x3200  }
0xb7: {  	[sflag:s24] =	ssyncset.done $0x0  }
0xb8: {  	s14 =	simm.s32 $0x700;
	[sflag:s24] =	ssyncadd.s32 $0xFFFFCE00  }
0xb9: {  	[tilespmem:s31], [sflag:$0x3] =	stream.indirect.gather [hbm4b:s4+s26], $0x80, s14, s26, $0xb8;
	[tilespmem:$0x1FC00] =	vst v63  }
0xba: {  	_ =	swait.ge [sflag:s0], $0x3200  }
0xbb: {  	[sflag:s0] =	ssyncset.done $0x0  }
0xbc: {  	s15 =	simm.s32 $0x1600;
	[sflag:s0] =	ssyncadd.s32 $0xFFFFCE00  }
0xbd: {  	[spmem:s1] =	stream.indirect.scatter.add.f32 [tilespmem:s23], [sflag:$0x4], $0x80, s15, s26, $0xb8;
	[tilespmem:$0x1FC00] =	vst v63  }
0xbe: {  	_ =	swait.ge [sflag:s24], $0x3200  }
0xbf: {  	[sflag:s24] =	ssyncset.done $0x0  }
0xc0: {  	s19 =	simm.s32 $0x780;
	[sflag:s24] =	ssyncadd.s32 $0xFFFFCE00  }
0xc1: {  	[tilespmem:s23], [sflag:$0x1] =	stream.indirect.gather [hbm4b:s4+s26], $0x80, s19, s26, $0xb8;
	[tilespmem:$0x1FC00] =	vst v63  }
0xc2: {  	_ =	swait.ge [sflag:s6], $0x3200  }
0xc3: {  	[sflag:s6] =	ssyncset.done $0x0  }
0xc4: {  	s20 =	simm.s32 $0x1680;
	[sflag:s6] =	ssyncadd.s32 $0xFFFFCE00  }
0xc5: {  	[spmem:s1] =	stream.indirect.scatter.add.f32 [tilespmem:s29], [sflag:$0x4], $0x80, s20, s26, $0xb8;
	[tilespmem:$0x1FC00] =	vst v63  }
0xc6: {  	_ =	swait.ge [sflag:s24], $0x3200  }
0xc7: {  	[sflag:s24] =	ssyncset.done $0x0  }
0xc8: {  	s21 =	simm.s32 $0x800;
	[sflag:s24] =	ssyncadd.s32 $0xFFFFCE00  }
0xc9: {  	[tilespmem:s29], [sflag:$0x2] =	stream.indirect.gather [hbm4b:s4+s26], $0x80, s21, s26, $0xb8;
	[tilespmem:$0x1FC00] =	vst v63  }
0xca: {  	_ =	swait.ge [sflag:s9], $0x3200  }
0xcb: {  	[sflag:s9] =	ssyncset.done $0x0  }
0xcc: {  	s22 =	simm.s32 $0x1700;
	[sflag:s9] =	ssyncadd.s32 $0xFFFFCE00  }
0xcd: {  	[spmem:s1] =	stream.indirect.scatter.add.f32 [tilespmem:s31], [sflag:$0x4], $0x80, s22, s26, $0xb8;
	[tilespmem:$0x1FC00] =	vst v63  }
0xce: {  	_ =	swait.ge [sflag:s24], $0x3200  }
0xcf: {  	[sflag:s24] =	ssyncset.done $0x0  }
0xd0: {  	s25 =	simm.s32 $0x880;
	[sflag:s24] =	ssyncadd.s32 $0xFFFFCE00  }
0xd1: {  	[tilespmem:s31], [sflag:$0x3] =	stream.indirect.gather [hbm4b:s4+s26], $0x80, s25, s26, $0xb8;
	[tilespmem:$0x1FC00] =	vst v63  }
0xd2: {  	_ =	swait.ge [sflag:s0], $0x3200  }
0xd3: {  	[sflag:s0] =	ssyncset.done $0x0  }
0xd4: {  	s28 =	simm.s32 $0x1780;
	[sflag:s0] =	ssyncadd.s32 $0xFFFFCE00  }
0xd5: {  	[spmem:s1] =	stream.indirect.scatter.add.f32 [tilespmem:s23], [sflag:$0x4], $0x80, s28, s26, $0xb8;
	[tilespmem:$0x1FC00] =	vst v63  }
0xd6: {  	_ =	swait.ge [sflag:s24], $0x3200  }
0xd7: {  	[sflag:s24] =	ssyncset.done $0x0  }
0xd8: {  	s30 =	simm.s32 $0x900;
	[sflag:s24] =	ssyncadd.s32 $0xFFFFCE00  }
0xd9: {  	[tilespmem:s23], [sflag:$0x1] =	stream.indirect.gather [hbm4b:s4+s26], $0x80, s30, s26, $0xb8;
	[tilespmem:$0x1FC00] =	vst v63  }
0xda: {  	_ =	swait.ge [sflag:s6], $0x3200  }
0xdb: {  	[sflag:s6] =	ssyncset.done $0x0  }
0xdc: {  	s2 =	simm.s32 $0x1800;
	[sflag:s6] =	ssyncadd.s32 $0xFFFFCE00  }
0xdd: {  	[spmem:s1] =	stream.indirect.scatter.add.f32 [tilespmem:s29], [sflag:$0x4], $0x80, s2, s26, $0xb8;
	[tilespmem:$0x1FC00] =	vst v63  }
0xde: {  	_ =	swait.ge [sflag:s24], $0x3200  }
0xdf: {  	[sflag:s24] =	ssyncset.done $0x0  }
0xe0: {  	s12 =	simm.s32 $0x980;
	[sflag:s24] =	ssyncadd.s32 $0xFFFFCE00  }
0xe1: {  	[tilespmem:s29], [sflag:$0x2] =	stream.indirect.gather [hbm4b:s4+s26], $0x80, s12, s26, $0xb8;
	[tilespmem:$0x1FC00] =	vst v63  }
0xe2: {  	_ =	swait.ge [sflag:s9], $0x3200  }
0xe3: {  	[sflag:s9] =	ssyncset.done $0x0  }
0xe4: {  	s13 =	simm.s32 $0x1880;
	[sflag:s9] =	ssyncadd.s32 $0xFFFFCE00  }
0xe5: {  	[spmem:s1] =	stream.indirect.scatter.add.f32 [tilespmem:s31], [sflag:$0x4], $0x80, s13, s26, $0xb8;
	[tilespmem:$0x1FC00] =	vst v63  }
0xe6: {  	_ =	swait.ge [sflag:s24], $0x3200  }
0xe7: {  	[sflag:s24] =	ssyncset.done $0x0  }
0xe8: {  	s14 =	simm.s32 $0xA00;
	[sflag:s24] =	ssyncadd.s32 $0xFFFFCE00  }
0xe9: {  	[tilespmem:s31], [sflag:$0x3] =	stream.indirect.gather [hbm4b:s4+s26], $0x80, s14, s26, $0xb8;
	[tilespmem:$0x1FC00] =	vst v63  }
0xea: {  	_ =	swait.ge [sflag:s0], $0x3200  }
0xeb: {  	[sflag:s0] =	ssyncset.done $0x0  }
0xec: {  	s15 =	simm.s32 $0x1900;
	[sflag:s0] =	ssyncadd.s32 $0xFFFFCE00  }
0xed: {  	[spmem:s1] =	stream.indirect.scatter.add.f32 [tilespmem:s23], [sflag:$0x4], $0x80, s15, s26, $0xb8;
	[tilespmem:$0x1FC00] =	vst v63  }
0xee: {  	_ =	swait.ge [sflag:s24], $0x3200  }
0xef: {  	[sflag:s24] =	ssyncset.done $0x0  }
0xf0: {  	s25 =	simm.s32 $0xA80;
	[sflag:s24] =	ssyncadd.s32 $0xFFFFCE00  }
0xf1: {  	[tilespmem:s23], [sflag:$0x1] =	stream.indirect.gather [hbm4b:s4+s26], $0x80, s25, s26, $0xb8;
	[tilespmem:$0x1FC00] =	vst v63  }
0xf2: {  	_ =	swait.ge [sflag:s6], $0x3200  }
0xf3: {  	[sflag:s6] =	ssyncset.done $0x0  }
0xf4: {  	s2 =	simm.s32 $0x1980;
	[sflag:s6] =	ssyncadd.s32 $0xFFFFCE00  }
0xf5: {  	[spmem:s1] =	stream.indirect.scatter.add.f32 [tilespmem:s29], [sflag:$0x4], $0x80, s2, s26, $0xb8;
	[tilespmem:$0x1FC00] =	vst v63  }
0xf6: {  	_ =	swait.ge [sflag:s24], $0x3200  }
0xf7: {  	[sflag:s24] =	ssyncset.done $0x0  }
0xf8: {  	s12 =	simm.s32 $0xB00;
	[sflag:s24] =	ssyncadd.s32 $0xFFFFCE00  }
0xf9: {  	[tilespmem:s29], [sflag:$0x2] =	stream.indirect.gather [hbm4b:s4+s26], $0x80, s12, s26, $0xb8;
	[tilespmem:$0x1FC00] =	vst v63  }
0xfa: {  	_ =	swait.ge [sflag:s9], $0x3200  }
0xfb: {  	[sflag:s9] =	ssyncset.done $0x0  }
0xfc: {  	s13 =	simm.s32 $0x1A00;
	[sflag:s9] =	ssyncadd.s32 $0xFFFFCE00  }
0xfd: {  	[spmem:s1] =	stream.indirect.scatter.add.f32 [tilespmem:s31], [sflag:$0x4], $0x80, s13, s26, $0xb8;
	[tilespmem:$0x1FC00] =	vst v63  }
0xfe: {  	_ =	swait.ge [sflag:s24], $0x3200  }
0xff: {  	[sflag:s24] =	ssyncset.done $0x0  }
0x100: {  	s14 =	simm.s32 $0xB80;
	[sflag:s24] =	ssyncadd.s32 $0xFFFFCE00  }
0x101: {  	[tilespmem:s31], [sflag:$0x3] =	stream.indirect.gather [hbm4b:s4+s26], $0x80, s14, s26, $0xb8;
	[tilespmem:$0x1FC00] =	vst v63  }
0x102: {  	_ =	swait.ge [sflag:s0], $0x3200  }
0x103: {  	[sflag:s0] =	ssyncset.done $0x0  }
0x104: {  	s15 =	simm.s32 $0x1A80;
	[sflag:s0] =	ssyncadd.s32 $0xFFFFCE00  }
0x105: {  	[spmem:s1] =	stream.indirect.scatter.add.f32 [tilespmem:s23], [sflag:$0x4], $0x80, s15, s26, $0xb8;
	[tilespmem:$0x1FC00] =	vst v63  }
0x106: {  	_ =	swait.ge [sflag:s24], $0x3200  }
0x107: {  	[sflag:s24] =	ssyncset.done $0x0  }
0x108: {  	s25 =	simm.s32 $0xC00;
	[sflag:s24] =	ssyncadd.s32 $0xFFFFCE00  }
0x109: {  	[tilespmem:s23], [sflag:$0x1] =	stream.indirect.gather [hbm4b:s4+s26], $0x80, s25, s26, $0xb8;
	[tilespmem:$0x1FC00] =	vst v63  }
0x10a: {  	_ =	swait.ge [sflag:s6], $0x3200  }
0x10b: {  	[sflag:s6] =	ssyncset.done $0x0  }
0x10c: {  	s2 =	simm.s32 $0x1B00;
	[sflag:s6] =	ssyncadd.s32 $0xFFFFCE00  }
0x10d: {  	[spmem:s1] =	stream.indirect.scatter.add.f32 [tilespmem:s29], [sflag:$0x4], $0x80, s2, s26, $0xb8;
	[tilespmem:$0x1FC00] =	vst v63  }
0x10e: {  	_ =	swait.ge [sflag:s24], $0x3200  }
0x10f: {  	[sflag:s24] =	ssyncset.done $0x0  }
0x110: {  	[sflag:s24] =	ssyncadd.s32 $0xFFFFCE00  }
0x111: {  	_ =	swait.ge [sflag:s9], $0x3200  }
0x112: {  	[sflag:s9] =	ssyncset.done $0x0  }
0x113: {  	s12 =	simm.s32 $0x1B80;
	[sflag:s9] =	ssyncadd.s32 $0xFFFFCE00  }
0x114: {  	[spmem:s1] =	stream.indirect.scatter.add.f32 [tilespmem:s31], [sflag:$0x4], $0x80, s12, s26, $0xb8;
	[tilespmem:$0x1FC00] =	vst v63  }
0x115: {  	_ =	swait.ge [sflag:s24], $0x3200  }
0x116: {  	[sflag:s24] =	ssyncset.done $0x0  }
0x117: {  	[sflag:s24] =	ssyncadd.s32 $0xFFFFCE00  }
0x118: {  	_ =	swait.ge [sflag:s0], $0x3200  }
0x119: {  	[sflag:s0] =	ssyncset.done $0x0  }
0x11a: {  	s13 =	simm.s32 $0x1C00;
	[sflag:s0] =	ssyncadd.s32 $0xFFFFCE00  }
0x11b: {  	[spmem:s1] =	stream.indirect.scatter.add.f32 [tilespmem:s23], [sflag:$0x4], $0x80, s13, s26, $0xb8;
	[tilespmem:$0x1FC00] =	vst v63  }
0x11c: {  	_ =	swait.ge [sflag:s24], $0x3200  }
0x11d: {  	[sflag:s24] =	ssyncset.done $0x0  }
0x11e: {  	s14 =	rddreg [dreg:$0xc];
	[sflag:s24] =	ssyncadd.s32 $0xFFFFCE00  }
0x11f: {  	[tilespmem:s16], [sflag:$0x4] =	stream.linear.gather [hbm4b:s14+s16], $0xC80, $0x38;
	[tilespmem:$0x1FC00] =	vst v63  }
0x120: {  	_ =	swait.ge [sflag:s24], $0xC80  }
0x121: {  	[sflag:s24] =	ssyncset.done $0x0  }
0x122: {  	s15 =	rddreg [dreg:$0xd];
	[sflag:s24] =	ssyncadd.s32 $0xFFFFF380  }
0x123: {  	[tilespmem:s3], [sflag:$0x4] =	stream.linear.gather [hbm4b:s15+s16], $0xC80, $0x38;
	[tilespmem:$0x1FC00] =	vst v63  }
0x124: {  	_ =	swait.ge [sflag:s24], $0xC80  }
0x125: {  	[sflag:s24] =	ssyncset.done $0x0  }
0x126: {  	[sflag:s24] =	ssyncadd.s32 $0xFFFFF380  }
0x127: {  	[tilespmem:s23], [sflag:$0x1] =	stream.indirect.gather [hbm4b:s4+s26], $0x80, s16, s26, $0xb8;
	[tilespmem:$0x1FC00] =	vst v63  }
0x128: {  	s25 =	simm.s32 $0x80  }
0x129: {  	[tilespmem:s29], [sflag:$0x2] =	stream.indirect.gather [hbm4b:s4+s26], $0x80, s25, s26, $0xb8;
	[tilespmem:$0x1FC00] =	vst v63  }
0x12a: {  	s7 =	simm.s32 $0x100  }
0x12b: {  	[tilespmem:s31], [sflag:$0x3] =	stream.indirect.gather [hbm4b:s4+s26], $0x80, s7, s26, $0xb8;
	[tilespmem:$0x1FC00] =	vst v63  }
0x12c: {  	_ =	swait.ge [sflag:s0], $0x3200  }
0x12d: {  	[sflag:s0] =	ssyncset.done $0x0  }
0x12e: {  	[sflag:s0] =	ssyncadd.s32 $0xFFFFCE00  }
0x12f: {  	[spmem:s1] =	stream.indirect.scatter.add.f32 [tilespmem:s23], [sflag:$0x4], $0x80, s3, s26, $0xb8;
	[tilespmem:$0x1FC00] =	vst v63  }
0x130: {  	_ =	swait.ge [sflag:s24], $0x3200  }
0x131: {  	[sflag:s24] =	ssyncset.done $0x0  }
0x132: {  	s5 =	simm.s32 $0x180;
	[sflag:s24] =	ssyncadd.s32 $0xFFFFCE00  }
0x133: {  	[tilespmem:s23], [sflag:$0x1] =	stream.indirect.gather [hbm4b:s4+s26], $0x80, s5, s26, $0xb8;
	[tilespmem:$0x1FC00] =	vst v63  }
0x134: {  	_ =	swait.ge [sflag:s6], $0x3200  }
0x135: {  	[sflag:s6] =	ssyncset.done $0x0  }
0x136: {  	s8 =	simm.s32 $0x1080;
	[sflag:s6] =	ssyncadd.s32 $0xFFFFCE00  }
0x137: {  	[spmem:s1] =	stream.indirect.scatter.add.f32 [tilespmem:s29], [sflag:$0x4], $0x80, s8, s26, $0xb8;
	[tilespmem:$0x1FC00] =	vst v63  }
0x138: {  	_ =	swait.ge [sflag:s24], $0x3200  }
0x139: {  	[sflag:s24] =	ssyncset.done $0x0  }
0x13a: {  	s10 =	simm.s32 $0x200;
	[sflag:s24] =	ssyncadd.s32 $0xFFFFCE00  }
0x13b: {  	[tilespmem:s29], [sflag:$0x2] =	stream.indirect.gather [hbm4b:s4+s26], $0x80, s10, s26, $0xb8;
	[tilespmem:$0x1FC00] =	vst v63  }
0x13c: {  	_ =	swait.ge [sflag:s9], $0x3200  }
0x13d: {  	[sflag:s9] =	ssyncset.done $0x0  }
0x13e: {  	s11 =	simm.s32 $0x1100;
	[sflag:s9] =	ssyncadd.s32 $0xFFFFCE00  }
0x13f: {  	[spmem:s1] =	stream.indirect.scatter.add.f32 [tilespmem:s31], [sflag:$0x4], $0x80, s11, s26, $0xb8;
	[tilespmem:$0x1FC00] =	vst v63  }
0x140: {  	_ =	swait.ge [sflag:s24], $0x3200  }
0x141: {  	[sflag:s24] =	ssyncset.done $0x0  }
0x142: {  	s2 =	simm.s32 $0x280;
	[sflag:s24] =	ssyncadd.s32 $0xFFFFCE00  }
0x143: {  	[tilespmem:s31], [sflag:$0x3] =	stream.indirect.gather [hbm4b:s4+s26], $0x80, s2, s26, $0xb8;
	[tilespmem:$0x1FC00] =	vst v63  }
0x144: {  	_ =	swait.ge [sflag:s0], $0x3200  }
0x145: {  	[sflag:s0] =	ssyncset.done $0x0  }
0x146: {  	s5 =	simm.s32 $0x1180;
	[sflag:s0] =	ssyncadd.s32 $0xFFFFCE00  }
0x147: {  	[spmem:s1] =	stream.indirect.scatter.add.f32 [tilespmem:s23], [sflag:$0x4], $0x80, s5, s26, $0xb8;
	[tilespmem:$0x1FC00] =	vst v63  }
0x148: {  	_ =	swait.ge [sflag:s24], $0x3200  }
0x149: {  	[sflag:s24] =	ssyncset.done $0x0  }
0x14a: {  	s7 =	simm.s32 $0x300;
	[sflag:s24] =	ssyncadd.s32 $0xFFFFCE00  }
0x14b: {  	[tilespmem:s23], [sflag:$0x1] =	stream.indirect.gather [hbm4b:s4+s26], $0x80, s7, s26, $0xb8;
	[tilespmem:$0x1FC00] =	vst v63  }
0x14c: {  	_ =	swait.ge [sflag:s6], $0x3200  }
0x14d: {  	[sflag:s6] =	ssyncset.done $0x0  }
0x14e: {  	s8 =	simm.s32 $0x1200;
	[sflag:s6] =	ssyncadd.s32 $0xFFFFCE00  }
0x14f: {  	[spmem:s1] =	stream.indirect.scatter.add.f32 [tilespmem:s29], [sflag:$0x4], $0x80, s8, s26, $0xb8;
	[tilespmem:$0x1FC00] =	vst v63  }
0x150: {  	_ =	swait.ge [sflag:s24], $0x3200  }
0x151: {  	[sflag:s24] =	ssyncset.done $0x0  }
0x152: {  	s10 =	simm.s32 $0x380;
	[sflag:s24] =	ssyncadd.s32 $0xFFFFCE00  }
0x153: {  	[tilespmem:s29], [sflag:$0x2] =	stream.indirect.gather [hbm4b:s4+s26], $0x80, s10, s26, $0xb8;
	[tilespmem:$0x1FC00] =	vst v63  }
0x154: {  	_ =	swait.ge [sflag:s9], $0x3200  }
0x155: {  	[sflag:s9] =	ssyncset.done $0x0  }
0x156: {  	s11 =	simm.s32 $0x1280;
	[sflag:s9] =	ssyncadd.s32 $0xFFFFCE00  }
0x157: {  	[spmem:s1] =	stream.indirect.scatter.add.f32 [tilespmem:s31], [sflag:$0x4], $0x80, s11, s26, $0xb8;
	[tilespmem:$0x1FC00] =	vst v63  }
0x158: {  	_ =	swait.ge [sflag:s24], $0x3200  }
0x159: {  	[sflag:s24] =	ssyncset.done $0x0  }
0x15a: {  	s12 =	simm.s32 $0x400;
	[sflag:s24] =	ssyncadd.s32 $0xFFFFCE00  }
0x15b: {  	[tilespmem:s31], [sflag:$0x3] =	stream.indirect.gather [hbm4b:s4+s26], $0x80, s12, s26, $0xb8;
	[tilespmem:$0x1FC00] =	vst v63  }
0x15c: {  	_ =	swait.ge [sflag:s0], $0x3200  }
0x15d: {  	[sflag:s0] =	ssyncset.done $0x0  }
0x15e: {  	s13 =	simm.s32 $0x1300;
	[sflag:s0] =	ssyncadd.s32 $0xFFFFCE00  }
0x15f: {  	[spmem:s1] =	stream.indirect.scatter.add.f32 [tilespmem:s23], [sflag:$0x4], $0x80, s13, s26, $0xb8;
	[tilespmem:$0x1FC00] =	vst v63  }
0x160: {  	_ =	swait.ge [sflag:s24], $0x3200  }
0x161: {  	[sflag:s24] =	ssyncset.done $0x0  }
0x162: {  	s14 =	simm.s32 $0x480;
	[sflag:s24] =	ssyncadd.s32 $0xFFFFCE00  }
0x163: {  	[tilespmem:s23], [sflag:$0x1] =	stream.indirect.gather [hbm4b:s4+s26], $0x80, s14, s26, $0xb8;
	[tilespmem:$0x1FC00] =	vst v63  }
0x164: {  	_ =	swait.ge [sflag:s6], $0x3200  }
0x165: {  	[sflag:s6] =	ssyncset.done $0x0  }
0x166: {  	s15 =	simm.s32 $0x1380;
	[sflag:s6] =	ssyncadd.s32 $0xFFFFCE00  }
0x167: {  	[spmem:s1] =	stream.indirect.scatter.add.f32 [tilespmem:s29], [sflag:$0x4], $0x80, s15, s26, $0xb8;
	[tilespmem:$0x1FC00] =	vst v63  }
0x168: {  	_ =	swait.ge [sflag:s24], $0x3200  }
0x169: {  	[sflag:s24] =	ssyncset.done $0x0  }
0x16a: {  	s18 =	simm.s32 $0x500;
	[sflag:s24] =	ssyncadd.s32 $0xFFFFCE00  }
0x16b: {  	[tilespmem:s29], [sflag:$0x2] =	stream.indirect.gather [hbm4b:s4+s26], $0x80, s18, s26, $0xb8;
	[tilespmem:$0x1FC00] =	vst v63  }
0x16c: {  	_ =	swait.ge [sflag:s9], $0x3200  }
0x16d: {  	[sflag:s9] =	ssyncset.done $0x0  }
0x16e: {  	s18 =	simm.s32 $0x1400;
	[sflag:s9] =	ssyncadd.s32 $0xFFFFCE00  }
0x16f: {  	[spmem:s1] =	stream.indirect.scatter.add.f32 [tilespmem:s31], [sflag:$0x4], $0x80, s18, s26, $0xb8;
	[tilespmem:$0x1FC00] =	vst v63  }
0x170: {  	_ =	swait.ge [sflag:s24], $0x3200  }
0x171: {  	[sflag:s24] =	ssyncset.done $0x0  }
0x172: {  	s18 =	simm.s32 $0x580;
	[sflag:s24] =	ssyncadd.s32 $0xFFFFCE00  }
0x173: {  	[tilespmem:s31], [sflag:$0x3] =	stream.indirect.gather [hbm4b:s4+s26], $0x80, s18, s26, $0xb8;
	[tilespmem:$0x1FC00] =	vst v63  }
0x174: {  	_ =	swait.ge [sflag:s0], $0x3200  }
0x175: {  	[sflag:s0] =	ssyncset.done $0x0  }
0x176: {  	s18 =	simm.s32 $0x1480;
	[sflag:s0] =	ssyncadd.s32 $0xFFFFCE00  }
0x177: {  	[spmem:s1] =	stream.indirect.scatter.add.f32 [tilespmem:s23], [sflag:$0x4], $0x80, s18, s26, $0xb8;
	[tilespmem:$0x1FC00] =	vst v63  }
0x178: {  	_ =	swait.ge [sflag:s24], $0x3200  }
0x179: {  	[sflag:s24] =	ssyncset.done $0x0  }
0x17a: {  	s18 =	simm.s32 $0x600;
	[sflag:s24] =	ssyncadd.s32 $0xFFFFCE00  }
0x17b: {  	[tilespmem:s23], [sflag:$0x1] =	stream.indirect.gather [hbm4b:s4+s26], $0x80, s18, s26, $0xb8;
	[tilespmem:$0x1FC00] =	vst v63  }
0x17c: {  	_ =	swait.ge [sflag:s6], $0x3200  }
0x17d: {  	[sflag:s6] =	ssyncset.done $0x0  }
0x17e: {  	s18 =	simm.s32 $0x1500;
	[sflag:s6] =	ssyncadd.s32 $0xFFFFCE00  }
0x17f: {  	[spmem:s1] =	stream.indirect.scatter.add.f32 [tilespmem:s29], [sflag:$0x4], $0x80, s18, s26, $0xb8;
	[tilespmem:$0x1FC00] =	vst v63  }
0x180: {  	_ =	swait.ge [sflag:s24], $0x3200  }
0x181: {  	[sflag:s24] =	ssyncset.done $0x0  }
0x182: {  	s18 =	simm.s32 $0x680;
	[sflag:s24] =	ssyncadd.s32 $0xFFFFCE00  }
0x183: {  	[tilespmem:s29], [sflag:$0x2] =	stream.indirect.gather [hbm4b:s4+s26], $0x80, s18, s26, $0xb8;
	[tilespmem:$0x1FC00] =	vst v63  }
0x184: {  	_ =	swait.ge [sflag:s9], $0x3200  }
0x185: {  	[sflag:s9] =	ssyncset.done $0x0  }
0x186: {  	s18 =	simm.s32 $0x1580;
	[sflag:s9] =	ssyncadd.s32 $0xFFFFCE00  }
0x187: {  	[spmem:s1] =	stream.indirect.scatter.add.f32 [tilespmem:s31], [sflag:$0x4], $0x80, s18, s26, $0xb8;
	[tilespmem:$0x1FC00] =	vst v63  }
0x188: {  	_ =	swait.ge [sflag:s24], $0x3200  }
0x189: {  	[sflag:s24] =	ssyncset.done $0x0  }
0x18a: {  	s18 =	simm.s32 $0x700;
	[sflag:s24] =	ssyncadd.s32 $0xFFFFCE00  }
0x18b: {  	[tilespmem:s31], [sflag:$0x3] =	stream.indirect.gather [hbm4b:s4+s26], $0x80, s18, s26, $0xb8;
	[tilespmem:$0x1FC00] =	vst v63  }
0x18c: {  	_ =	swait.ge [sflag:s0], $0x3200  }
0x18d: {  	[sflag:s0] =	ssyncset.done $0x0  }
0x18e: {  	s18 =	simm.s32 $0x1600;
	[sflag:s0] =	ssyncadd.s32 $0xFFFFCE00  }
0x18f: {  	[spmem:s1] =	stream.indirect.scatter.add.f32 [tilespmem:s23], [sflag:$0x4], $0x80, s18, s26, $0xb8;
	[tilespmem:$0x1FC00] =	vst v63  }
0x190: {  	_ =	swait.ge [sflag:s24], $0x3200  }
0x191: {  	[sflag:s24] =	ssyncset.done $0x0  }
0x192: {  	s18 =	simm.s32 $0x780;
	[sflag:s24] =	ssyncadd.s32 $0xFFFFCE00  }
0x193: {  	[tilespmem:s23], [sflag:$0x1] =	stream.indirect.gather [hbm4b:s4+s26], $0x80, s18, s26, $0xb8;
	[tilespmem:$0x1FC00] =	vst v63  }
0x194: {  	_ =	swait.ge [sflag:s6], $0x3200  }
0x195: {  	[sflag:s6] =	ssyncset.done $0x0  }
0x196: {  	s18 =	simm.s32 $0x1680;
	[sflag:s6] =	ssyncadd.s32 $0xFFFFCE00  }
0x197: {  	[spmem:s1] =	stream.indirect.scatter.add.f32 [tilespmem:s29], [sflag:$0x4], $0x80, s18, s26, $0xb8;
	[tilespmem:$0x1FC00] =	vst v63  }
0x198: {  	_ =	swait.ge [sflag:s24], $0x3200  }
0x199: {  	[sflag:s24] =	ssyncset.done $0x0  }
0x19a: {  	s19 =	simm.s32 $0x800;
	[sflag:s24] =	ssyncadd.s32 $0xFFFFCE00  }
0x19b: {  	[tilespmem:s29], [sflag:$0x2] =	stream.indirect.gather [hbm4b:s4+s26], $0x80, s19, s26, $0xb8;
	[tilespmem:$0x1FC00] =	vst v63  }
0x19c: {  	_ =	swait.ge [sflag:s9], $0x3200  }
0x19d: {  	[sflag:s9] =	ssyncset.done $0x0  }
0x19e: {  	s20 =	simm.s32 $0x1700;
	[sflag:s9] =	ssyncadd.s32 $0xFFFFCE00  }
0x19f: {  	[spmem:s1] =	stream.indirect.scatter.add.f32 [tilespmem:s31], [sflag:$0x4], $0x80, s20, s26, $0xb8;
	[tilespmem:$0x1FC00] =	vst v63  }
0x1a0: {  	_ =	swait.ge [sflag:s24], $0x3200  }
0x1a1: {  	[sflag:s24] =	ssyncset.done $0x0  }
0x1a2: {  	s21 =	simm.s32 $0x880;
	[sflag:s24] =	ssyncadd.s32 $0xFFFFCE00  }
0x1a3: {  	[tilespmem:s31], [sflag:$0x3] =	stream.indirect.gather [hbm4b:s4+s26], $0x80, s21, s26, $0xb8;
	[tilespmem:$0x1FC00] =	vst v63  }
0x1a4: {  	_ =	swait.ge [sflag:s0], $0x3200  }
0x1a5: {  	[sflag:s0] =	ssyncset.done $0x0  }
0x1a6: {  	s22 =	simm.s32 $0x1780;
	[sflag:s0] =	ssyncadd.s32 $0xFFFFCE00  }
0x1a7: {  	[spmem:s1] =	stream.indirect.scatter.add.f32 [tilespmem:s23], [sflag:$0x4], $0x80, s22, s26, $0xb8;
	[tilespmem:$0x1FC00] =	vst v63  }
0x1a8: {  	_ =	swait.ge [sflag:s24], $0x3200  }
0x1a9: {  	[sflag:s24] =	ssyncset.done $0x0  }
0x1aa: {  	s28 =	simm.s32 $0x900;
	[sflag:s24] =	ssyncadd.s32 $0xFFFFCE00  }
0x1ab: {  	[tilespmem:s23], [sflag:$0x1] =	stream.indirect.gather [hbm4b:s4+s26], $0x80, s28, s26, $0xb8;
	[tilespmem:$0x1FC00] =	vst v63  }
0x1ac: {  	_ =	swait.ge [sflag:s6], $0x3200  }
0x1ad: {  	[sflag:s6] =	ssyncset.done $0x0  }
0x1ae: {  	s30 =	simm.s32 $0x1800;
	[sflag:s6] =	ssyncadd.s32 $0xFFFFCE00  }
0x1af: {  	[spmem:s1] =	stream.indirect.scatter.add.f32 [tilespmem:s29], [sflag:$0x4], $0x80, s30, s26, $0xb8;
	[tilespmem:$0x1FC00] =	vst v63  }
0x1b0: {  	_ =	swait.ge [sflag:s24], $0x3200  }
0x1b1: {  	[sflag:s24] =	ssyncset.done $0x0  }
0x1b2: {  	s20 =	simm.s32 $0x980;
	[sflag:s24] =	ssyncadd.s32 $0xFFFFCE00  }
0x1b3: {  	[tilespmem:s29], [sflag:$0x2] =	stream.indirect.gather [hbm4b:s4+s26], $0x80, s20, s26, $0xb8;
	[tilespmem:$0x1FC00] =	vst v63  }
0x1b4: {  	_ =	swait.ge [sflag:s9], $0x3200  }
0x1b5: {  	[sflag:s9] =	ssyncset.done $0x0  }
0x1b6: {  	s21 =	simm.s32 $0x1880;
	[sflag:s9] =	ssyncadd.s32 $0xFFFFCE00  }
0x1b7: {  	[spmem:s1] =	stream.indirect.scatter.add.f32 [tilespmem:s31], [sflag:$0x4], $0x80, s21, s26, $0xb8;
	[tilespmem:$0x1FC00] =	vst v63  }
0x1b8: {  	_ =	swait.ge [sflag:s24], $0x3200  }
0x1b9: {  	[sflag:s24] =	ssyncset.done $0x0  }
0x1ba: {  	s22 =	simm.s32 $0xA00;
	[sflag:s24] =	ssyncadd.s32 $0xFFFFCE00  }
0x1bb: {  	[tilespmem:s31], [sflag:$0x3] =	stream.indirect.gather [hbm4b:s4+s26], $0x80, s22, s26, $0xb8;
	[tilespmem:$0x1FC00] =	vst v63  }
0x1bc: {  	_ =	swait.ge [sflag:s0], $0x3200  }
0x1bd: {  	[sflag:s0] =	ssyncset.done $0x0  }
0x1be: {  	s28 =	simm.s32 $0x1900;
	[sflag:s0] =	ssyncadd.s32 $0xFFFFCE00  }
0x1bf: {  	[spmem:s1] =	stream.indirect.scatter.add.f32 [tilespmem:s23], [sflag:$0x4], $0x80, s28, s26, $0xb8;
	[tilespmem:$0x1FC00] =	vst v63  }
0x1c0: {  	_ =	swait.ge [sflag:s24], $0x3200  }
0x1c1: {  	[sflag:s24] =	ssyncset.done $0x0  }
0x1c2: {  	s30 =	simm.s32 $0xA80;
	[sflag:s24] =	ssyncadd.s32 $0xFFFFCE00  }
0x1c3: {  	[tilespmem:s23], [sflag:$0x1] =	stream.indirect.gather [hbm4b:s4+s26], $0x80, s30, s26, $0xb8;
	[tilespmem:$0x1FC00] =	vst v63  }
0x1c4: {  	_ =	swait.ge [sflag:s6], $0x3200  }
0x1c5: {  	[sflag:s6] =	ssyncset.done $0x0  }
0x1c6: {  	s19 =	simm.s32 $0x1980;
	[sflag:s6] =	ssyncadd.s32 $0xFFFFCE00  }
0x1c7: {  	[spmem:s1] =	stream.indirect.scatter.add.f32 [tilespmem:s29], [sflag:$0x4], $0x80, s19, s26, $0xb8;
	[tilespmem:$0x1FC00] =	vst v63  }
0x1c8: {  	_ =	swait.ge [sflag:s24], $0x3200  }
0x1c9: {  	[sflag:s24] =	ssyncset.done $0x0  }
0x1ca: {  	s20 =	simm.s32 $0xB00;
	[sflag:s24] =	ssyncadd.s32 $0xFFFFCE00  }
0x1cb: {  	[tilespmem:s29], [sflag:$0x2] =	stream.indirect.gather [hbm4b:s4+s26], $0x80, s20, s26, $0xb8;
	[tilespmem:$0x1FC00] =	vst v63  }
0x1cc: {  	_ =	swait.ge [sflag:s9], $0x3200  }
0x1cd: {  	[sflag:s9] =	ssyncset.done $0x0  }
0x1ce: {  	s21 =	simm.s32 $0x1A00;
	[sflag:s9] =	ssyncadd.s32 $0xFFFFCE00  }
0x1cf: {  	[spmem:s1] =	stream.indirect.scatter.add.f32 [tilespmem:s31], [sflag:$0x4], $0x80, s21, s26, $0xb8;
	[tilespmem:$0x1FC00] =	vst v63  }
0x1d0: {  	_ =	swait.ge [sflag:s24], $0x3200  }
0x1d1: {  	[sflag:s24] =	ssyncset.done $0x0  }
0x1d2: {  	s22 =	simm.s32 $0xB80;
	[sflag:s24] =	ssyncadd.s32 $0xFFFFCE00  }
0x1d3: {  	[tilespmem:s31], [sflag:$0x3] =	stream.indirect.gather [hbm4b:s4+s26], $0x80, s22, s26, $0xb8;
	[tilespmem:$0x1FC00] =	vst v63  }
0x1d4: {  	_ =	swait.ge [sflag:s0], $0x3200  }
0x1d5: {  	[sflag:s0] =	ssyncset.done $0x0  }
0x1d6: {  	s28 =	simm.s32 $0x1A80;
	[sflag:s0] =	ssyncadd.s32 $0xFFFFCE00  }
0x1d7: {  	[spmem:s1] =	stream.indirect.scatter.add.f32 [tilespmem:s23], [sflag:$0x4], $0x80, s28, s26, $0xb8;
	[tilespmem:$0x1FC00] =	vst v63  }
0x1d8: {  	_ =	swait.ge [sflag:s24], $0x3200  }
0x1d9: {  	[sflag:s24] =	ssyncset.done $0x0  }
0x1da: {  	s30 =	simm.s32 $0xC00;
	[sflag:s24] =	ssyncadd.s32 $0xFFFFCE00  }
0x1db: {  	[tilespmem:s23], [sflag:$0x1] =	stream.indirect.gather [hbm4b:s4+s26], $0x80, s30, s26, $0xb8;
	[tilespmem:$0x1FC00] =	vst v63  }
0x1dc: {  	_ =	swait.ge [sflag:s6], $0x3200  }
0x1dd: {  	[sflag:s6] =	ssyncset.done $0x0  }
0x1de: {  	s19 =	simm.s32 $0x1B00;
	[sflag:s6] =	ssyncadd.s32 $0xFFFFCE00  }
0x1df: {  	[spmem:s1] =	stream.indirect.scatter.add.f32 [tilespmem:s29], [sflag:$0x4], $0x80, s19, s26, $0xb8;
	[tilespmem:$0x1FC00] =	vst v63  }
0x1e0: {  	_ =	swait.ge [sflag:s24], $0x3200  }
0x1e1: {  	[sflag:s24] =	ssyncset.done $0x0  }
0x1e2: {  	[sflag:s24] =	ssyncadd.s32 $0xFFFFCE00  }
0x1e3: {  	_ =	swait.ge [sflag:s9], $0x3200  }
0x1e4: {  	[sflag:s9] =	ssyncset.done $0x0  }
0x1e5: {  	s20 =	simm.s32 $0x1B80;
	[sflag:s9] =	ssyncadd.s32 $0xFFFFCE00  }
0x1e6: {  	[spmem:s1] =	stream.indirect.scatter.add.f32 [tilespmem:s31], [sflag:$0x4], $0x80, s20, s26, $0xb8;
	[tilespmem:$0x1FC00] =	vst v63  }
0x1e7: {  	_ =	swait.ge [sflag:s24], $0x3200  }
0x1e8: {  	[sflag:s24] =	ssyncset.done $0x0  }
0x1e9: {  	[sflag:s24] =	ssyncadd.s32 $0xFFFFCE00  }
0x1ea: {  	_ =	swait.ge [sflag:s0], $0x3200  }
0x1eb: {  	[sflag:s0] =	ssyncset.done $0x0  }
0x1ec: {  	s21 =	simm.s32 $0x1C00;
	[sflag:s0] =	ssyncadd.s32 $0xFFFFCE00  }
0x1ed: {  	[spmem:s1] =	stream.indirect.scatter.add.f32 [tilespmem:s23], [sflag:$0x4], $0x80, s21, s26, $0xb8;
	[tilespmem:$0x1FC00] =	vst v63  }
0x1ee: {  	_ =	swait.ge [sflag:s24], $0x3200  }
0x1ef: {  	[sflag:s24] =	ssyncset.done $0x0  }
0x1f0: {  	s22 =	rddreg [dreg:$0xe];
	[sflag:s24] =	ssyncadd.s32 $0xFFFFCE00  }
0x1f1: {  	[tilespmem:s16], [sflag:$0x4] =	stream.linear.gather [hbm4b:s22+s16], $0xC80, $0x38;
	[tilespmem:$0x1FC00] =	vst v63  }
0x1f2: {  	_ =	swait.ge [sflag:s24], $0xC80  }
0x1f3: {  	[sflag:s24] =	ssyncset.done $0x0  }
0x1f4: {  	s28 =	rddreg [dreg:$0xf];
	[sflag:s24] =	ssyncadd.s32 $0xFFFFF380  }
0x1f5: {  	[tilespmem:s3], [sflag:$0x4] =	stream.linear.gather [hbm4b:s28+s16], $0xC80, $0x38;
	[tilespmem:$0x1FC00] =	vst v63  }
0x1f6: {  	_ =	swait.ge [sflag:s24], $0xC80  }
0x1f7: {  	[sflag:s24] =	ssyncset.done $0x0  }
0x1f8: {  	[sflag:s24] =	ssyncadd.s32 $0xFFFFF380  }
0x1f9: {  	[tilespmem:s23], [sflag:$0x1] =	stream.indirect.gather [hbm4b:s4+s26], $0x80, s16, s26, $0xb8;
	[tilespmem:$0x1FC00] =	vst v63  }
0x1fa: {  	_ = 	snop  }
0x1fb: {  	[tilespmem:s29], [sflag:$0x2] =	stream.indirect.gather [hbm4b:s4+s26], $0x80, s25, s26, $0xb8;
	[tilespmem:$0x1FC00] =	vst v63  }
0x1fc: {  	s30 =	simm.s32 $0x100  }
0x1fd: {  	[tilespmem:s31], [sflag:$0x3] =	stream.indirect.gather [hbm4b:s4+s26], $0x80, s30, s26, $0xb8;
	[tilespmem:$0x1FC00] =	vst v63  }
0x1fe: {  	_ =	swait.ge [sflag:s0], $0x3200  }
0x1ff: {  	[sflag:s0] =	ssyncset.done $0x0  }
0x200: {  	[sflag:s0] =	ssyncadd.s32 $0xFFFFCE00  }
0x201: {  	[spmem:s1] =	stream.indirect.scatter.add.f32 [tilespmem:s23], [sflag:$0x4], $0x80, s3, s26, $0xb8;
	[tilespmem:$0x1FC00] =	vst v63  }
0x202: {  	_ =	swait.ge [sflag:s24], $0x3200  }
0x203: {  	[sflag:s24] =	ssyncset.done $0x0  }
0x204: {  	s20 =	simm.s32 $0x180;
	[sflag:s24] =	ssyncadd.s32 $0xFFFFCE00  }
0x205: {  	[tilespmem:s23], [sflag:$0x1] =	stream.indirect.gather [hbm4b:s4+s26], $0x80, s20, s26, $0xb8;
	[tilespmem:$0x1FC00] =	vst v63  }
0x206: {  	_ =	swait.ge [sflag:s6], $0x3200  }
0x207: {  	[sflag:s6] =	ssyncset.done $0x0  }
0x208: {  	s21 =	simm.s32 $0x1080;
	[sflag:s6] =	ssyncadd.s32 $0xFFFFCE00  }
0x209: {  	[spmem:s1] =	stream.indirect.scatter.add.f32 [tilespmem:s29], [sflag:$0x4], $0x80, s21, s26, $0xb8;
	[tilespmem:$0x1FC00] =	vst v63  }
0x20a: {  	_ =	swait.ge [sflag:s24], $0x3200  }
0x20b: {  	[sflag:s24] =	ssyncset.done $0x0  }
0x20c: {  	s22 =	simm.s32 $0x200;
	[sflag:s24] =	ssyncadd.s32 $0xFFFFCE00  }
0x20d: {  	[tilespmem:s29], [sflag:$0x2] =	stream.indirect.gather [hbm4b:s4+s26], $0x80, s22, s26, $0xb8;
	[tilespmem:$0x1FC00] =	vst v63  }
0x20e: {  	_ =	swait.ge [sflag:s9], $0x3200  }
0x20f: {  	[sflag:s9] =	ssyncset.done $0x0  }
0x210: {  	s25 =	simm.s32 $0x1100;
	[sflag:s9] =	ssyncadd.s32 $0xFFFFCE00  }
0x211: {  	[spmem:s1] =	stream.indirect.scatter.add.f32 [tilespmem:s31], [sflag:$0x4], $0x80, s25, s26, $0xb8;
	[tilespmem:$0x1FC00] =	vst v63  }
0x212: {  	_ =	swait.ge [sflag:s24], $0x3200  }
0x213: {  	[sflag:s24] =	ssyncset.done $0x0  }
0x214: {  	[sflag:s24] =	ssyncadd.s32 $0xFFFFCE00  }
0x215: {  	[tilespmem:s31], [sflag:$0x3] =	stream.indirect.gather [hbm4b:s4+s26], $0x80, s2, s26, $0xb8;
	[tilespmem:$0x1FC00] =	vst v63  }
0x216: {  	_ =	swait.ge [sflag:s0], $0x3200  }
0x217: {  	[sflag:s0] =	ssyncset.done $0x0  }
0x218: {  	[sflag:s0] =	ssyncadd.s32 $0xFFFFCE00  }
0x219: {  	[spmem:s1] =	stream.indirect.scatter.add.f32 [tilespmem:s23], [sflag:$0x4], $0x80, s5, s26, $0xb8;
	[tilespmem:$0x1FC00] =	vst v63  }
0x21a: {  	_ =	swait.ge [sflag:s24], $0x3200  }
0x21b: {  	[sflag:s24] =	ssyncset.done $0x0  }
0x21c: {  	[sflag:s24] =	ssyncadd.s32 $0xFFFFCE00  }
0x21d: {  	[tilespmem:s23], [sflag:$0x1] =	stream.indirect.gather [hbm4b:s4+s26], $0x80, s7, s26, $0xb8;
	[tilespmem:$0x1FC00] =	vst v63  }
0x21e: {  	_ =	swait.ge [sflag:s6], $0x3200  }
0x21f: {  	[sflag:s6] =	ssyncset.done $0x0  }
0x220: {  	[sflag:s6] =	ssyncadd.s32 $0xFFFFCE00  }
0x221: {  	[spmem:s1] =	stream.indirect.scatter.add.f32 [tilespmem:s29], [sflag:$0x4], $0x80, s8, s26, $0xb8;
	[tilespmem:$0x1FC00] =	vst v63  }
0x222: {  	_ =	swait.ge [sflag:s24], $0x3200  }
0x223: {  	[sflag:s24] =	ssyncset.done $0x0  }
0x224: {  	[sflag:s24] =	ssyncadd.s32 $0xFFFFCE00  }
0x225: {  	[tilespmem:s29], [sflag:$0x2] =	stream.indirect.gather [hbm4b:s4+s26], $0x80, s10, s26, $0xb8;
	[tilespmem:$0x1FC00] =	vst v63  }
0x226: {  	_ =	swait.ge [sflag:s9], $0x3200  }
0x227: {  	[sflag:s9] =	ssyncset.done $0x0  }
0x228: {  	[sflag:s9] =	ssyncadd.s32 $0xFFFFCE00  }
0x229: {  	[spmem:s1] =	stream.indirect.scatter.add.f32 [tilespmem:s31], [sflag:$0x4], $0x80, s11, s26, $0xb8;
	[tilespmem:$0x1FC00] =	vst v63  }
0x22a: {  	_ =	swait.ge [sflag:s24], $0x3200  }
0x22b: {  	[sflag:s24] =	ssyncset.done $0x0  }
0x22c: {  	[sflag:s24] =	ssyncadd.s32 $0xFFFFCE00  }
0x22d: {  	[tilespmem:s31], [sflag:$0x3] =	stream.indirect.gather [hbm4b:s4+s26], $0x80, s12, s26, $0xb8;
	[tilespmem:$0x1FC00] =	vst v63  }
0x22e: {  	_ =	swait.ge [sflag:s0], $0x3200  }
0x22f: {  	[sflag:s0] =	ssyncset.done $0x0  }
0x230: {  	[sflag:s0] =	ssyncadd.s32 $0xFFFFCE00  }
0x231: {  	[spmem:s1] =	stream.indirect.scatter.add.f32 [tilespmem:s23], [sflag:$0x4], $0x80, s13, s26, $0xb8;
	[tilespmem:$0x1FC00] =	vst v63  }
0x232: {  	_ =	swait.ge [sflag:s24], $0x3200  }
0x233: {  	[sflag:s24] =	ssyncset.done $0x0  }
0x234: {  	[sflag:s24] =	ssyncadd.s32 $0xFFFFCE00  }
0x235: {  	[tilespmem:s23], [sflag:$0x1] =	stream.indirect.gather [hbm4b:s4+s26], $0x80, s14, s26, $0xb8;
	[tilespmem:$0x1FC00] =	vst v63  }
0x236: {  	_ =	swait.ge [sflag:s6], $0x3200  }
0x237: {  	[sflag:s6] =	ssyncset.done $0x0  }
0x238: {  	[sflag:s6] =	ssyncadd.s32 $0xFFFFCE00  }
0x239: {  	[spmem:s1] =	stream.indirect.scatter.add.f32 [tilespmem:s29], [sflag:$0x4], $0x80, s15, s26, $0xb8;
	[tilespmem:$0x1FC00] =	vst v63  }
0x23a: {  	_ =	swait.ge [sflag:s24], $0x3200  }
0x23b: {  	[sflag:s24] =	ssyncset.done $0x0  }
0x23c: {  	s28 =	simm.s32 $0x500;
	[sflag:s24] =	ssyncadd.s32 $0xFFFFCE00  }
0x23d: {  	[tilespmem:s29], [sflag:$0x2] =	stream.indirect.gather [hbm4b:s4+s26], $0x80, s28, s26, $0xb8;
	[tilespmem:$0x1FC00] =	vst v63  }
0x23e: {  	_ =	swait.ge [sflag:s9], $0x3200  }
0x23f: {  	[sflag:s9] =	ssyncset.done $0x0  }
0x240: {  	s30 =	simm.s32 $0x1400;
	[sflag:s9] =	ssyncadd.s32 $0xFFFFCE00  }
0x241: {  	[spmem:s1] =	stream.indirect.scatter.add.f32 [tilespmem:s31], [sflag:$0x4], $0x80, s30, s26, $0xb8;
	[tilespmem:$0x1FC00] =	vst v63  }
0x242: {  	_ =	swait.ge [sflag:s24], $0x3200  }
0x243: {  	[sflag:s24] =	ssyncset.done $0x0  }
0x244: {  	s20 =	simm.s32 $0x580;
	[sflag:s24] =	ssyncadd.s32 $0xFFFFCE00  }
0x245: {  	[tilespmem:s31], [sflag:$0x3] =	stream.indirect.gather [hbm4b:s4+s26], $0x80, s20, s26, $0xb8;
	[tilespmem:$0x1FC00] =	vst v63  }
0x246: {  	_ =	swait.ge [sflag:s0], $0x3200  }
0x247: {  	[sflag:s0] =	ssyncset.done $0x0  }
0x248: {  	s21 =	simm.s32 $0x1480;
	[sflag:s0] =	ssyncadd.s32 $0xFFFFCE00  }
0x249: {  	[spmem:s1] =	stream.indirect.scatter.add.f32 [tilespmem:s23], [sflag:$0x4], $0x80, s21, s26, $0xb8;
	[tilespmem:$0x1FC00] =	vst v63  }
0x24a: {  	_ =	swait.ge [sflag:s24], $0x3200  }
0x24b: {  	[sflag:s24] =	ssyncset.done $0x0  }
0x24c: {  	s22 =	simm.s32 $0x600;
	[sflag:s24] =	ssyncadd.s32 $0xFFFFCE00  }
0x24d: {  	[tilespmem:s23], [sflag:$0x1] =	stream.indirect.gather [hbm4b:s4+s26], $0x80, s22, s26, $0xb8;
	[tilespmem:$0x1FC00] =	vst v63  }
0x24e: {  	_ =	swait.ge [sflag:s6], $0x3200  }
0x24f: {  	[sflag:s6] =	ssyncset.done $0x0  }
0x250: {  	s28 =	simm.s32 $0x1500;
	[sflag:s6] =	ssyncadd.s32 $0xFFFFCE00  }
0x251: {  	[spmem:s1] =	stream.indirect.scatter.add.f32 [tilespmem:s29], [sflag:$0x4], $0x80, s28, s26, $0xb8;
	[tilespmem:$0x1FC00] =	vst v63  }
0x252: {  	_ =	swait.ge [sflag:s24], $0x3200  }
0x253: {  	[sflag:s24] =	ssyncset.done $0x0  }
0x254: {  	s30 =	simm.s32 $0x680;
	[sflag:s24] =	ssyncadd.s32 $0xFFFFCE00  }
0x255: {  	[tilespmem:s29], [sflag:$0x2] =	stream.indirect.gather [hbm4b:s4+s26], $0x80, s30, s26, $0xb8;
	[tilespmem:$0x1FC00] =	vst v63  }
0x256: {  	_ =	swait.ge [sflag:s9], $0x3200  }
0x257: {  	[sflag:s9] =	ssyncset.done $0x0  }
0x258: {  	s18 =	simm.s32 $0x1580;
	[sflag:s9] =	ssyncadd.s32 $0xFFFFCE00  }
0x259: {  	[spmem:s1] =	stream.indirect.scatter.add.f32 [tilespmem:s31], [sflag:$0x4], $0x80, s18, s26, $0xb8;
	[tilespmem:$0x1FC00] =	vst v63  }
0x25a: {  	_ =	swait.ge [sflag:s24], $0x3200  }
0x25b: {  	[sflag:s24] =	ssyncset.done $0x0  }
0x25c: {  	s18 =	simm.s32 $0x700;
	[sflag:s24] =	ssyncadd.s32 $0xFFFFCE00  }
0x25d: {  	[tilespmem:s31], [sflag:$0x3] =	stream.indirect.gather [hbm4b:s4+s26], $0x80, s18, s26, $0xb8;
	[tilespmem:$0x1FC00] =	vst v63  }
0x25e: {  	_ =	swait.ge [sflag:s0], $0x3200  }
0x25f: {  	[sflag:s0] =	ssyncset.done $0x0  }
0x260: {  	s18 =	simm.s32 $0x1600;
	[sflag:s0] =	ssyncadd.s32 $0xFFFFCE00  }
0x261: {  	[spmem:s1] =	stream.indirect.scatter.add.f32 [tilespmem:s23], [sflag:$0x4], $0x80, s18, s26, $0xb8;
	[tilespmem:$0x1FC00] =	vst v63  }
0x262: {  	_ =	swait.ge [sflag:s24], $0x3200  }
0x263: {  	[sflag:s24] =	ssyncset.done $0x0  }
0x264: {  	s18 =	simm.s32 $0x780;
	[sflag:s24] =	ssyncadd.s32 $0xFFFFCE00  }
0x265: {  	[tilespmem:s23], [sflag:$0x1] =	stream.indirect.gather [hbm4b:s4+s26], $0x80, s18, s26, $0xb8;
	[tilespmem:$0x1FC00] =	vst v63  }
0x266: {  	_ =	swait.ge [sflag:s6], $0x3200  }
0x267: {  	[sflag:s6] =	ssyncset.done $0x0  }
0x268: {  	s18 =	simm.s32 $0x1680;
	[sflag:s6] =	ssyncadd.s32 $0xFFFFCE00  }
0x269: {  	[spmem:s1] =	stream.indirect.scatter.add.f32 [tilespmem:s29], [sflag:$0x4], $0x80, s18, s26, $0xb8;
	[tilespmem:$0x1FC00] =	vst v63  }
0x26a: {  	_ =	swait.ge [sflag:s24], $0x3200  }
0x26b: {  	[sflag:s24] =	ssyncset.done $0x0  }
0x26c: {  	s18 =	simm.s32 $0x800;
	[sflag:s24] =	ssyncadd.s32 $0xFFFFCE00  }
0x26d: {  	[tilespmem:s29], [sflag:$0x2] =	stream.indirect.gather [hbm4b:s4+s26], $0x80, s18, s26, $0xb8;
	[tilespmem:$0x1FC00] =	vst v63  }
0x26e: {  	_ =	swait.ge [sflag:s9], $0x3200  }
0x26f: {  	[sflag:s9] =	ssyncset.done $0x0  }
0x270: {  	s18 =	simm.s32 $0x1700;
	[sflag:s9] =	ssyncadd.s32 $0xFFFFCE00  }
0x271: {  	[spmem:s1] =	stream.indirect.scatter.add.f32 [tilespmem:s31], [sflag:$0x4], $0x80, s18, s26, $0xb8;
	[tilespmem:$0x1FC00] =	vst v63  }
0x272: {  	_ =	swait.ge [sflag:s24], $0x3200  }
0x273: {  	[sflag:s24] =	ssyncset.done $0x0  }
0x274: {  	s18 =	simm.s32 $0x880;
	[sflag:s24] =	ssyncadd.s32 $0xFFFFCE00  }
0x275: {  	[tilespmem:s31], [sflag:$0x3] =	stream.indirect.gather [hbm4b:s4+s26], $0x80, s18, s26, $0xb8;
	[tilespmem:$0x1FC00] =	vst v63  }
0x276: {  	_ =	swait.ge [sflag:s0], $0x3200  }
0x277: {  	[sflag:s0] =	ssyncset.done $0x0  }
0x278: {  	s18 =	simm.s32 $0x1780;
	[sflag:s0] =	ssyncadd.s32 $0xFFFFCE00  }
0x279: {  	[spmem:s1] =	stream.indirect.scatter.add.f32 [tilespmem:s23], [sflag:$0x4], $0x80, s18, s26, $0xb8;
	[tilespmem:$0x1FC00] =	vst v63  }
0x27a: {  	_ =	swait.ge [sflag:s24], $0x3200  }
0x27b: {  	[sflag:s24] =	ssyncset.done $0x0  }
0x27c: {  	s18 =	simm.s32 $0x900;
	[sflag:s24] =	ssyncadd.s32 $0xFFFFCE00  }
0x27d: {  	[tilespmem:s23], [sflag:$0x1] =	stream.indirect.gather [hbm4b:s4+s26], $0x80, s18, s26, $0xb8;
	[tilespmem:$0x1FC00] =	vst v63  }
0x27e: {  	_ =	swait.ge [sflag:s6], $0x3200  }
0x27f: {  	[sflag:s6] =	ssyncset.done $0x0  }
0x280: {  	s18 =	simm.s32 $0x1800;
	[sflag:s6] =	ssyncadd.s32 $0xFFFFCE00  }
0x281: {  	[spmem:s1] =	stream.indirect.scatter.add.f32 [tilespmem:s29], [sflag:$0x4], $0x80, s18, s26, $0xb8;
	[tilespmem:$0x1FC00] =	vst v63  }
0x282: {  	_ =	swait.ge [sflag:s24], $0x3200  }
0x283: {  	[sflag:s24] =	ssyncset.done $0x0  }
0x284: {  	s18 =	simm.s32 $0x980;
	[sflag:s24] =	ssyncadd.s32 $0xFFFFCE00  }
0x285: {  	[tilespmem:s29], [sflag:$0x2] =	stream.indirect.gather [hbm4b:s4+s26], $0x80, s18, s26, $0xb8;
	[tilespmem:$0x1FC00] =	vst v63  }
0x286: {  	_ =	swait.ge [sflag:s9], $0x3200  }
0x287: {  	[sflag:s9] =	ssyncset.done $0x0  }
0x288: {  	s18 =	simm.s32 $0x1880;
	[sflag:s9] =	ssyncadd.s32 $0xFFFFCE00  }
0x289: {  	[spmem:s1] =	stream.indirect.scatter.add.f32 [tilespmem:s31], [sflag:$0x4], $0x80, s18, s26, $0xb8;
	[tilespmem:$0x1FC00] =	vst v63  }
0x28a: {  	_ =	swait.ge [sflag:s24], $0x3200  }
0x28b: {  	[sflag:s24] =	ssyncset.done $0x0  }
0x28c: {  	s18 =	simm.s32 $0xA00;
	[sflag:s24] =	ssyncadd.s32 $0xFFFFCE00  }
0x28d: {  	[tilespmem:s31], [sflag:$0x3] =	stream.indirect.gather [hbm4b:s4+s26], $0x80, s18, s26, $0xb8;
	[tilespmem:$0x1FC00] =	vst v63  }
0x28e: {  	_ =	swait.ge [sflag:s0], $0x3200  }
0x28f: {  	[sflag:s0] =	ssyncset.done $0x0  }
0x290: {  	s18 =	simm.s32 $0x1900;
	[sflag:s0] =	ssyncadd.s32 $0xFFFFCE00  }
0x291: {  	[spmem:s1] =	stream.indirect.scatter.add.f32 [tilespmem:s23], [sflag:$0x4], $0x80, s18, s26, $0xb8;
	[tilespmem:$0x1FC00] =	vst v63  }
0x292: {  	_ =	swait.ge [sflag:s24], $0x3200  }
0x293: {  	[sflag:s24] =	ssyncset.done $0x0  }
0x294: {  	s18 =	simm.s32 $0xA80;
	[sflag:s24] =	ssyncadd.s32 $0xFFFFCE00  }
0x295: {  	[tilespmem:s23], [sflag:$0x1] =	stream.indirect.gather [hbm4b:s4+s26], $0x80, s18, s26, $0xb8;
	[tilespmem:$0x1FC00] =	vst v63  }
0x296: {  	_ =	swait.ge [sflag:s6], $0x3200  }
0x297: {  	[sflag:s6] =	ssyncset.done $0x0  }
0x298: {  	s18 =	simm.s32 $0x1980;
	[sflag:s6] =	ssyncadd.s32 $0xFFFFCE00  }
0x299: {  	[spmem:s1] =	stream.indirect.scatter.add.f32 [tilespmem:s29], [sflag:$0x4], $0x80, s18, s26, $0xb8;
	[tilespmem:$0x1FC00] =	vst v63  }
0x29a: {  	_ =	swait.ge [sflag:s24], $0x3200  }
0x29b: {  	[sflag:s24] =	ssyncset.done $0x0  }
0x29c: {  	s18 =	simm.s32 $0xB00;
	[sflag:s24] =	ssyncadd.s32 $0xFFFFCE00  }
0x29d: {  	[tilespmem:s29], [sflag:$0x2] =	stream.indirect.gather [hbm4b:s4+s26], $0x80, s18, s26, $0xb8;
	[tilespmem:$0x1FC00] =	vst v63  }
0x29e: {  	_ =	swait.ge [sflag:s9], $0x3200  }
0x29f: {  	[sflag:s9] =	ssyncset.done $0x0  }
0x2a0: {  	s18 =	simm.s32 $0x1A00;
	[sflag:s9] =	ssyncadd.s32 $0xFFFFCE00  }
0x2a1: {  	[spmem:s1] =	stream.indirect.scatter.add.f32 [tilespmem:s31], [sflag:$0x4], $0x80, s18, s26, $0xb8;
	[tilespmem:$0x1FC00] =	vst v63  }
0x2a2: {  	_ =	swait.ge [sflag:s24], $0x3200  }
0x2a3: {  	[sflag:s24] =	ssyncset.done $0x0  }
0x2a4: {  	s18 =	simm.s32 $0xB80;
	[sflag:s24] =	ssyncadd.s32 $0xFFFFCE00  }
0x2a5: {  	[tilespmem:s31], [sflag:$0x3] =	stream.indirect.gather [hbm4b:s4+s26], $0x80, s18, s26, $0xb8;
	[tilespmem:$0x1FC00] =	vst v63  }
0x2a6: {  	_ =	swait.ge [sflag:s0], $0x3200  }
0x2a7: {  	[sflag:s0] =	ssyncset.done $0x0  }
0x2a8: {  	s18 =	simm.s32 $0x1A80;
	[sflag:s0] =	ssyncadd.s32 $0xFFFFCE00  }
0x2a9: {  	[spmem:s1] =	stream.indirect.scatter.add.f32 [tilespmem:s23], [sflag:$0x4], $0x80, s18, s26, $0xb8;
	[tilespmem:$0x1FC00] =	vst v63  }
0x2aa: {  	_ =	swait.ge [sflag:s24], $0x3200  }
0x2ab: {  	[sflag:s24] =	ssyncset.done $0x0  }
0x2ac: {  	s18 =	simm.s32 $0xC00;
	[sflag:s24] =	ssyncadd.s32 $0xFFFFCE00  }
0x2ad: {  	[tilespmem:s23], [sflag:$0x1] =	stream.indirect.gather [hbm4b:s4+s26], $0x80, s18, s26, $0xb8;
	[tilespmem:$0x1FC00] =	vst v63  }
0x2ae: {  	_ =	swait.ge [sflag:s6], $0x3200  }
0x2af: {  	[sflag:s6] =	ssyncset.done $0x0  }
0x2b0: {  	s18 =	simm.s32 $0x1B00;
	[sflag:s6] =	ssyncadd.s32 $0xFFFFCE00  }
0x2b1: {  	[spmem:s1] =	stream.indirect.scatter.add.f32 [tilespmem:s29], [sflag:$0x4], $0x80, s18, s26, $0xb8;
	[tilespmem:$0x1FC00] =	vst v63  }
0x2b2: {  	_ =	swait.ge [sflag:s24], $0x3200  }
0x2b3: {  	[sflag:s24] =	ssyncset.done $0x0  }
0x2b4: {  	[sflag:s24] =	ssyncadd.s32 $0xFFFFCE00  }
0x2b5: {  	_ =	swait.ge [sflag:s9], $0x3200  }
0x2b6: {  	[sflag:s9] =	ssyncset.done $0x0  }
0x2b7: {  	s18 =	simm.s32 $0x1B80;
	[sflag:s9] =	ssyncadd.s32 $0xFFFFCE00  }
0x2b8: {  	[spmem:s1] =	stream.indirect.scatter.add.f32 [tilespmem:s31], [sflag:$0x4], $0x80, s18, s26, $0xb8;
	[tilespmem:$0x1FC00] =	vst v63  }
0x2b9: {  	_ =	swait.ge [sflag:s24], $0x3200  }
0x2ba: {  	[sflag:s24] =	ssyncset.done $0x0  }
0x2bb: {  	[sflag:s24] =	ssyncadd.s32 $0xFFFFCE00  }
0x2bc: {  	_ =	swait.ge [sflag:s0], $0x3200  }
0x2bd: {  	[sflag:s0] =	ssyncset.done $0x0  }
0x2be: {  	s18 =	simm.s32 $0x1C00;
	[sflag:s0] =	ssyncadd.s32 $0xFFFFCE00  }
0x2bf: {  	[spmem:s1] =	stream.indirect.scatter.add.f32 [tilespmem:s23], [sflag:$0x4], $0x80, s18, s26, $0xb8;
	[tilespmem:$0x1FC00] =	vst v63  }
0x2c0: {  	_ =	swait.ge [sflag:s24], $0x3200  }
0x2c1: {  	[sflag:s24] =	ssyncset.done $0x0  }
0x2c2: {  	s18 =	rddreg [dreg:$0x10];
	[sflag:s24] =	ssyncadd.s32 $0xFFFFCE00  }
0x2c3: {  	[tilespmem:s16], [sflag:$0x4] =	stream.linear.gather [hbm4b:s18+s16], $0xC80, $0x38;
	[tilespmem:$0x1FC00] =	vst v63  }
0x2c4: {  	_ =	swait.ge [sflag:s24], $0xC80  }
0x2c5: {  	[sflag:s24] =	ssyncset.done $0x0  }
0x2c6: {  	s18 =	rddreg [dreg:$0x11];
	[sflag:s24] =	ssyncadd.s32 $0xFFFFF380  }
0x2c7: {  	[tilespmem:s3], [sflag:$0x4] =	stream.linear.gather [hbm4b:s18+s16], $0xC80, $0x38;
	[tilespmem:$0x1FC00] =	vst v63  }
0x2c8: {  	_ =	swait.ge [sflag:s24], $0xC80  }
0x2c9: {  	[sflag:s24] =	ssyncset.done $0x0  }
0x2ca: {  	[sflag:s24] =	ssyncadd.s32 $0xFFFFF380  }
0x2cb: {  	[tilespmem:s23], [sflag:$0x1] =	stream.indirect.gather [hbm4b:s4+s26], $0x80, s16, s26, $0xb8;
	[tilespmem:$0x1FC00] =	vst v63  }
0x2cc: {  	s19 =	simm.s32 $0x80  }
0x2cd: {  	[tilespmem:s29], [sflag:$0x2] =	stream.indirect.gather [hbm4b:s4+s26], $0x80, s19, s26, $0xb8;
	[tilespmem:$0x1FC00] =	vst v63  }
0x2ce: {  	s19 =	simm.s32 $0x100  }
0x2cf: {  	[tilespmem:s31], [sflag:$0x3] =	stream.indirect.gather [hbm4b:s4+s26], $0x80, s19, s26, $0xb8;
	[tilespmem:$0x1FC00] =	vst v63  }
0x2d0: {  	_ =	swait.ge [sflag:s0], $0x3200  }
0x2d1: {  	[sflag:s0] =	ssyncset.done $0x0  }
0x2d2: {  	[sflag:s0] =	ssyncadd.s32 $0xFFFFCE00  }
0x2d3: {  	[spmem:s1] =	stream.indirect.scatter.add.f32 [tilespmem:s23], [sflag:$0x4], $0x80, s3, s26, $0xb8;
	[tilespmem:$0x1FC00] =	vst v63  }
0x2d4: {  	_ =	swait.ge [sflag:s24], $0x3200  }
0x2d5: {  	[sflag:s24] =	ssyncset.done $0x0  }
0x2d6: {  	s18 =	simm.s32 $0x180;
	[sflag:s24] =	ssyncadd.s32 $0xFFFFCE00  }
0x2d7: {  	[tilespmem:s23], [sflag:$0x1] =	stream.indirect.gather [hbm4b:s4+s26], $0x80, s18, s26, $0xb8;
	[tilespmem:$0x1FC00] =	vst v63  }
0x2d8: {  	_ =	swait.ge [sflag:s6], $0x3200  }
0x2d9: {  	[sflag:s6] =	ssyncset.done $0x0  }
0x2da: {  	s19 =	simm.s32 $0x1080;
	[sflag:s6] =	ssyncadd.s32 $0xFFFFCE00  }
0x2db: {  	[spmem:s1] =	stream.indirect.scatter.add.f32 [tilespmem:s29], [sflag:$0x4], $0x80, s19, s26, $0xb8;
	[tilespmem:$0x1FC00] =	vst v63  }
0x2dc: {  	_ =	swait.ge [sflag:s24], $0x3200  }
0x2dd: {  	[sflag:s24] =	ssyncset.done $0x0  }
0x2de: {  	s18 =	simm.s32 $0x200;
	[sflag:s24] =	ssyncadd.s32 $0xFFFFCE00  }
0x2df: {  	[tilespmem:s29], [sflag:$0x2] =	stream.indirect.gather [hbm4b:s4+s26], $0x80, s18, s26, $0xb8;
	[tilespmem:$0x1FC00] =	vst v63  }
0x2e0: {  	_ =	swait.ge [sflag:s9], $0x3200  }
0x2e1: {  	[sflag:s9] =	ssyncset.done $0x0  }
0x2e2: {  	s19 =	simm.s32 $0x1100;
	[sflag:s9] =	ssyncadd.s32 $0xFFFFCE00  }
0x2e3: {  	[spmem:s1] =	stream.indirect.scatter.add.f32 [tilespmem:s31], [sflag:$0x4], $0x80, s19, s26, $0xb8;
	[tilespmem:$0x1FC00] =	vst v63  }
0x2e4: {  	_ =	swait.ge [sflag:s24], $0x3200  }
0x2e5: {  	[sflag:s24] =	ssyncset.done $0x0  }
0x2e6: {  	s2 =	simm.s32 $0x280;
	[sflag:s24] =	ssyncadd.s32 $0xFFFFCE00  }
0x2e7: {  	[tilespmem:s31], [sflag:$0x3] =	stream.indirect.gather [hbm4b:s4+s26], $0x80, s2, s26, $0xb8;
	[tilespmem:$0x1FC00] =	vst v63  }
0x2e8: {  	_ =	swait.ge [sflag:s0], $0x3200  }
0x2e9: {  	[sflag:s0] =	ssyncset.done $0x0  }
0x2ea: {  	s5 =	simm.s32 $0x1180;
	[sflag:s0] =	ssyncadd.s32 $0xFFFFCE00  }
0x2eb: {  	[spmem:s1] =	stream.indirect.scatter.add.f32 [tilespmem:s23], [sflag:$0x4], $0x80, s5, s26, $0xb8;
	[tilespmem:$0x1FC00] =	vst v63  }
0x2ec: {  	_ =	swait.ge [sflag:s24], $0x3200  }
0x2ed: {  	[sflag:s24] =	ssyncset.done $0x0  }
0x2ee: {  	s7 =	simm.s32 $0x300;
	[sflag:s24] =	ssyncadd.s32 $0xFFFFCE00  }
0x2ef: {  	[tilespmem:s23], [sflag:$0x1] =	stream.indirect.gather [hbm4b:s4+s26], $0x80, s7, s26, $0xb8;
	[tilespmem:$0x1FC00] =	vst v63  }
0x2f0: {  	_ =	swait.ge [sflag:s6], $0x3200  }
0x2f1: {  	[sflag:s6] =	ssyncset.done $0x0  }
0x2f2: {  	s8 =	simm.s32 $0x1200;
	[sflag:s6] =	ssyncadd.s32 $0xFFFFCE00  }
0x2f3: {  	[spmem:s1] =	stream.indirect.scatter.add.f32 [tilespmem:s29], [sflag:$0x4], $0x80, s8, s26, $0xb8;
	[tilespmem:$0x1FC00] =	vst v63  }
0x2f4: {  	_ =	swait.ge [sflag:s24], $0x3200  }
0x2f5: {  	[sflag:s24] =	ssyncset.done $0x0  }
0x2f6: {  	s10 =	simm.s32 $0x380;
	[sflag:s24] =	ssyncadd.s32 $0xFFFFCE00  }
0x2f7: {  	[tilespmem:s29], [sflag:$0x2] =	stream.indirect.gather [hbm4b:s4+s26], $0x80, s10, s26, $0xb8;
	[tilespmem:$0x1FC00] =	vst v63  }
0x2f8: {  	_ =	swait.ge [sflag:s9], $0x3200  }
0x2f9: {  	[sflag:s9] =	ssyncset.done $0x0  }
0x2fa: {  	s11 =	simm.s32 $0x1280;
	[sflag:s9] =	ssyncadd.s32 $0xFFFFCE00  }
0x2fb: {  	[spmem:s1] =	stream.indirect.scatter.add.f32 [tilespmem:s31], [sflag:$0x4], $0x80, s11, s26, $0xb8;
	[tilespmem:$0x1FC00] =	vst v63  }
0x2fc: {  	_ =	swait.ge [sflag:s24], $0x3200  }
0x2fd: {  	[sflag:s24] =	ssyncset.done $0x0  }
0x2fe: {  	s12 =	simm.s32 $0x400;
	[sflag:s24] =	ssyncadd.s32 $0xFFFFCE00  }
0x2ff: {  	[tilespmem:s31], [sflag:$0x3] =	stream.indirect.gather [hbm4b:s4+s26], $0x80, s12, s26, $0xb8;
	[tilespmem:$0x1FC00] =	vst v63  }
0x300: {  	_ =	swait.ge [sflag:s0], $0x3200  }
0x301: {  	[sflag:s0] =	ssyncset.done $0x0  }
0x302: {  	s13 =	simm.s32 $0x1300;
	[sflag:s0] =	ssyncadd.s32 $0xFFFFCE00  }
0x303: {  	[spmem:s1] =	stream.indirect.scatter.add.f32 [tilespmem:s23], [sflag:$0x4], $0x80, s13, s26, $0xb8;
	[tilespmem:$0x1FC00] =	vst v63  }
0x304: {  	_ =	swait.ge [sflag:s24], $0x3200  }
0x305: {  	[sflag:s24] =	ssyncset.done $0x0  }
0x306: {  	s14 =	simm.s32 $0x480;
	[sflag:s24] =	ssyncadd.s32 $0xFFFFCE00  }
0x307: {  	[tilespmem:s23], [sflag:$0x1] =	stream.indirect.gather [hbm4b:s4+s26], $0x80, s14, s26, $0xb8;
	[tilespmem:$0x1FC00] =	vst v63  }
0x308: {  	_ =	swait.ge [sflag:s6], $0x3200  }
0x309: {  	[sflag:s6] =	ssyncset.done $0x0  }
0x30a: {  	s15 =	simm.s32 $0x1380;
	[sflag:s6] =	ssyncadd.s32 $0xFFFFCE00  }
0x30b: {  	[spmem:s1] =	stream.indirect.scatter.add.f32 [tilespmem:s29], [sflag:$0x4], $0x80, s15, s26, $0xb8;
	[tilespmem:$0x1FC00] =	vst v63  }
0x30c: {  	_ =	swait.ge [sflag:s24], $0x3200  }
0x30d: {  	[sflag:s24] =	ssyncset.done $0x0  }
0x30e: {  	s11 =	simm.s32 $0x500;
	[sflag:s24] =	ssyncadd.s32 $0xFFFFCE00  }
0x30f: {  	[tilespmem:s29], [sflag:$0x2] =	stream.indirect.gather [hbm4b:s4+s26], $0x80, s11, s26, $0xb8;
	[tilespmem:$0x1FC00] =	vst v63  }
0x310: {  	_ =	swait.ge [sflag:s9], $0x3200  }
0x311: {  	[sflag:s9] =	ssyncset.done $0x0  }
0x312: {  	s25 =	simm.s32 $0x1400;
	[sflag:s9] =	ssyncadd.s32 $0xFFFFCE00  }
0x313: {  	[spmem:s1] =	stream.indirect.scatter.add.f32 [tilespmem:s31], [sflag:$0x4], $0x80, s25, s26, $0xb8;
	[tilespmem:$0x1FC00] =	vst v63  }
0x314: {  	_ =	swait.ge [sflag:s24], $0x3200  }
0x315: {  	[sflag:s24] =	ssyncset.done $0x0  }
0x316: {  	s20 =	simm.s32 $0x580;
	[sflag:s24] =	ssyncadd.s32 $0xFFFFCE00  }
0x317: {  	[tilespmem:s31], [sflag:$0x3] =	stream.indirect.gather [hbm4b:s4+s26], $0x80, s20, s26, $0xb8;
	[tilespmem:$0x1FC00] =	vst v63  }
0x318: {  	_ =	swait.ge [sflag:s0], $0x3200  }
0x319: {  	[sflag:s0] =	ssyncset.done $0x0  }
0x31a: {  	s21 =	simm.s32 $0x1480;
	[sflag:s0] =	ssyncadd.s32 $0xFFFFCE00  }
0x31b: {  	[spmem:s1] =	stream.indirect.scatter.add.f32 [tilespmem:s23], [sflag:$0x4], $0x80, s21, s26, $0xb8;
	[tilespmem:$0x1FC00] =	vst v63  }
0x31c: {  	_ =	swait.ge [sflag:s24], $0x3200  }
0x31d: {  	[sflag:s24] =	ssyncset.done $0x0  }
0x31e: {  	s22 =	simm.s32 $0x600;
	[sflag:s24] =	ssyncadd.s32 $0xFFFFCE00  }
0x31f: {  	[tilespmem:s23], [sflag:$0x1] =	stream.indirect.gather [hbm4b:s4+s26], $0x80, s22, s26, $0xb8;
	[tilespmem:$0x1FC00] =	vst v63  }
0x320: {  	_ =	swait.ge [sflag:s6], $0x3200  }
0x321: {  	[sflag:s6] =	ssyncset.done $0x0  }
0x322: {  	s28 =	simm.s32 $0x1500;
	[sflag:s6] =	ssyncadd.s32 $0xFFFFCE00  }
0x323: {  	[spmem:s1] =	stream.indirect.scatter.add.f32 [tilespmem:s29], [sflag:$0x4], $0x80, s28, s26, $0xb8;
	[tilespmem:$0x1FC00] =	vst v63  }
0x324: {  	_ =	swait.ge [sflag:s24], $0x3200  }
0x325: {  	[sflag:s24] =	ssyncset.done $0x0  }
0x326: {  	s30 =	simm.s32 $0x680;
	[sflag:s24] =	ssyncadd.s32 $0xFFFFCE00  }
0x327: {  	[tilespmem:s29], [sflag:$0x2] =	stream.indirect.gather [hbm4b:s4+s26], $0x80, s30, s26, $0xb8;
	[tilespmem:$0x1FC00] =	vst v63  }
0x328: {  	_ =	swait.ge [sflag:s9], $0x3200  }
0x329: {  	[sflag:s9] =	ssyncset.done $0x0  }
0x32a: {  	s12 =	simm.s32 $0x1580;
	[sflag:s9] =	ssyncadd.s32 $0xFFFFCE00  }
0x32b: {  	[spmem:s1] =	stream.indirect.scatter.add.f32 [tilespmem:s31], [sflag:$0x4], $0x80, s12, s26, $0xb8;
	[tilespmem:$0x1FC00] =	vst v63  }
0x32c: {  	_ =	swait.ge [sflag:s24], $0x3200  }
0x32d: {  	[sflag:s24] =	ssyncset.done $0x0  }
0x32e: {  	s13 =	simm.s32 $0x700;
	[sflag:s24] =	ssyncadd.s32 $0xFFFFCE00  }
0x32f: {  	[tilespmem:s31], [sflag:$0x3] =	stream.indirect.gather [hbm4b:s4+s26], $0x80, s13, s26, $0xb8;
	[tilespmem:$0x1FC00] =	vst v63  }
0x330: {  	_ =	swait.ge [sflag:s0], $0x3200  }
0x331: {  	[sflag:s0] =	ssyncset.done $0x0  }
0x332: {  	s14 =	simm.s32 $0x1600;
	[sflag:s0] =	ssyncadd.s32 $0xFFFFCE00  }
0x333: {  	[spmem:s1] =	stream.indirect.scatter.add.f32 [tilespmem:s23], [sflag:$0x4], $0x80, s14, s26, $0xb8;
	[tilespmem:$0x1FC00] =	vst v63  }
0x334: {  	_ =	swait.ge [sflag:s24], $0x3200  }
0x335: {  	[sflag:s24] =	ssyncset.done $0x0  }
0x336: {  	s15 =	simm.s32 $0x780;
	[sflag:s24] =	ssyncadd.s32 $0xFFFFCE00  }
0x337: {  	[tilespmem:s23], [sflag:$0x1] =	stream.indirect.gather [hbm4b:s4+s26], $0x80, s15, s26, $0xb8;
	[tilespmem:$0x1FC00] =	vst v63  }
0x338: {  	_ =	swait.ge [sflag:s6], $0x3200  }
0x339: {  	[sflag:s6] =	ssyncset.done $0x0  }
0x33a: {  	s18 =	simm.s32 $0x1680;
	[sflag:s6] =	ssyncadd.s32 $0xFFFFCE00  }
0x33b: {  	[spmem:s1] =	stream.indirect.scatter.add.f32 [tilespmem:s29], [sflag:$0x4], $0x80, s18, s26, $0xb8;
	[tilespmem:$0x1FC00] =	vst v63  }
0x33c: {  	_ =	swait.ge [sflag:s24], $0x3200  }
0x33d: {  	[sflag:s24] =	ssyncset.done $0x0  }
0x33e: {  	s19 =	simm.s32 $0x800;
	[sflag:s24] =	ssyncadd.s32 $0xFFFFCE00  }
0x33f: {  	[tilespmem:s29], [sflag:$0x2] =	stream.indirect.gather [hbm4b:s4+s26], $0x80, s19, s26, $0xb8;
	[tilespmem:$0x1FC00] =	vst v63  }
0x340: {  	_ =	swait.ge [sflag:s9], $0x3200  }
0x341: {  	[sflag:s9] =	ssyncset.done $0x0  }
0x342: {  	s20 =	simm.s32 $0x1700;
	[sflag:s9] =	ssyncadd.s32 $0xFFFFCE00  }
0x343: {  	[spmem:s1] =	stream.indirect.scatter.add.f32 [tilespmem:s31], [sflag:$0x4], $0x80, s20, s26, $0xb8;
	[tilespmem:$0x1FC00] =	vst v63  }
0x344: {  	_ =	swait.ge [sflag:s24], $0x3200  }
0x345: {  	[sflag:s24] =	ssyncset.done $0x0  }
0x346: {  	s21 =	simm.s32 $0x880;
	[sflag:s24] =	ssyncadd.s32 $0xFFFFCE00  }
0x347: {  	[tilespmem:s31], [sflag:$0x3] =	stream.indirect.gather [hbm4b:s4+s26], $0x80, s21, s26, $0xb8;
	[tilespmem:$0x1FC00] =	vst v63  }
0x348: {  	_ =	swait.ge [sflag:s0], $0x3200  }
0x349: {  	[sflag:s0] =	ssyncset.done $0x0  }
0x34a: {  	s22 =	simm.s32 $0x1780;
	[sflag:s0] =	ssyncadd.s32 $0xFFFFCE00  }
0x34b: {  	[spmem:s1] =	stream.indirect.scatter.add.f32 [tilespmem:s23], [sflag:$0x4], $0x80, s22, s26, $0xb8;
	[tilespmem:$0x1FC00] =	vst v63  }
0x34c: {  	_ =	swait.ge [sflag:s24], $0x3200  }
0x34d: {  	[sflag:s24] =	ssyncset.done $0x0  }
0x34e: {  	s25 =	simm.s32 $0x900;
	[sflag:s24] =	ssyncadd.s32 $0xFFFFCE00  }
0x34f: {  	[tilespmem:s23], [sflag:$0x1] =	stream.indirect.gather [hbm4b:s4+s26], $0x80, s25, s26, $0xb8;
	[tilespmem:$0x1FC00] =	vst v63  }
0x350: {  	_ =	swait.ge [sflag:s6], $0x3200  }
0x351: {  	[sflag:s6] =	ssyncset.done $0x0  }
0x352: {  	s28 =	simm.s32 $0x1800;
	[sflag:s6] =	ssyncadd.s32 $0xFFFFCE00  }
0x353: {  	[spmem:s1] =	stream.indirect.scatter.add.f32 [tilespmem:s29], [sflag:$0x4], $0x80, s28, s26, $0xb8;
	[tilespmem:$0x1FC00] =	vst v63  }
0x354: {  	_ =	swait.ge [sflag:s24], $0x3200  }
0x355: {  	[sflag:s24] =	ssyncset.done $0x0  }
0x356: {  	s30 =	simm.s32 $0x980;
	[sflag:s24] =	ssyncadd.s32 $0xFFFFCE00  }
0x357: {  	[tilespmem:s29], [sflag:$0x2] =	stream.indirect.gather [hbm4b:s4+s26], $0x80, s30, s26, $0xb8;
	[tilespmem:$0x1FC00] =	vst v63  }
0x358: {  	_ =	swait.ge [sflag:s9], $0x3200  }
0x359: {  	[sflag:s9] =	ssyncset.done $0x0  }
0x35a: {  	s3 =	simm.s32 $0x1880;
	[sflag:s9] =	ssyncadd.s32 $0xFFFFCE00  }
0x35b: {  	[spmem:s1] =	stream.indirect.scatter.add.f32 [tilespmem:s31], [sflag:$0x4], $0x80, s3, s26, $0xb8;
	[tilespmem:$0x1FC00] =	vst v63  }
0x35c: {  	_ =	swait.ge [sflag:s24], $0x3200  }
0x35d: {  	[sflag:s24] =	ssyncset.done $0x0  }
0x35e: {  	s5 =	simm.s32 $0xA00;
	[sflag:s24] =	ssyncadd.s32 $0xFFFFCE00  }
0x35f: {  	[tilespmem:s31], [sflag:$0x3] =	stream.indirect.gather [hbm4b:s4+s26], $0x80, s5, s26, $0xb8;
	[tilespmem:$0x1FC00] =	vst v63  }
0x360: {  	_ =	swait.ge [sflag:s0], $0x3200  }
0x361: {  	[sflag:s0] =	ssyncset.done $0x0  }
0x362: {  	s7 =	simm.s32 $0x1900;
	[sflag:s0] =	ssyncadd.s32 $0xFFFFCE00  }
0x363: {  	[spmem:s1] =	stream.indirect.scatter.add.f32 [tilespmem:s23], [sflag:$0x4], $0x80, s7, s26, $0xb8;
	[tilespmem:$0x1FC00] =	vst v63  }
0x364: {  	_ =	swait.ge [sflag:s24], $0x3200  }
0x365: {  	[sflag:s24] =	ssyncset.done $0x0  }
0x366: {  	s8 =	simm.s32 $0xA80;
	[sflag:s24] =	ssyncadd.s32 $0xFFFFCE00  }
0x367: {  	[tilespmem:s23], [sflag:$0x1] =	stream.indirect.gather [hbm4b:s4+s26], $0x80, s8, s26, $0xb8;
	[tilespmem:$0x1FC00] =	vst v63  }
0x368: {  	_ =	swait.ge [sflag:s6], $0x3200  }
0x369: {  	[sflag:s6] =	ssyncset.done $0x0  }
0x36a: {  	s10 =	simm.s32 $0x1980;
	[sflag:s6] =	ssyncadd.s32 $0xFFFFCE00  }
0x36b: {  	[spmem:s1] =	stream.indirect.scatter.add.f32 [tilespmem:s29], [sflag:$0x4], $0x80, s10, s26, $0xb8;
	[tilespmem:$0x1FC00] =	vst v63  }
0x36c: {  	_ =	swait.ge [sflag:s24], $0x3200  }
0x36d: {  	[sflag:s24] =	ssyncset.done $0x0  }
0x36e: {  	s11 =	simm.s32 $0xB00;
	[sflag:s24] =	ssyncadd.s32 $0xFFFFCE00  }
0x36f: {  	[tilespmem:s29], [sflag:$0x2] =	stream.indirect.gather [hbm4b:s4+s26], $0x80, s11, s26, $0xb8;
	[tilespmem:$0x1FC00] =	vst v63  }
0x370: {  	_ =	swait.ge [sflag:s9], $0x3200  }
0x371: {  	[sflag:s9] =	ssyncset.done $0x0  }
0x372: {  	s12 =	simm.s32 $0x1A00;
	[sflag:s9] =	ssyncadd.s32 $0xFFFFCE00  }
0x373: {  	[spmem:s1] =	stream.indirect.scatter.add.f32 [tilespmem:s31], [sflag:$0x4], $0x80, s12, s26, $0xb8;
	[tilespmem:$0x1FC00] =	vst v63  }
0x374: {  	_ =	swait.ge [sflag:s24], $0x3200  }
0x375: {  	[sflag:s24] =	ssyncset.done $0x0  }
0x376: {  	s13 =	simm.s32 $0xB80;
	[sflag:s24] =	ssyncadd.s32 $0xFFFFCE00  }
0x377: {  	[tilespmem:s31], [sflag:$0x3] =	stream.indirect.gather [hbm4b:s4+s26], $0x80, s13, s26, $0xb8;
	[tilespmem:$0x1FC00] =	vst v63  }
0x378: {  	_ =	swait.ge [sflag:s0], $0x3200  }
0x379: {  	[sflag:s0] =	ssyncset.done $0x0  }
0x37a: {  	s14 =	simm.s32 $0x1A80;
	[sflag:s0] =	ssyncadd.s32 $0xFFFFCE00  }
0x37b: {  	[spmem:s1] =	stream.indirect.scatter.add.f32 [tilespmem:s23], [sflag:$0x4], $0x80, s14, s26, $0xb8;
	[tilespmem:$0x1FC00] =	vst v63  }
0x37c: {  	_ =	swait.ge [sflag:s24], $0x3200  }
0x37d: {  	[sflag:s24] =	ssyncset.done $0x0  }
0x37e: {  	s15 =	simm.s32 $0xC00;
	[sflag:s24] =	ssyncadd.s32 $0xFFFFCE00  }
0x37f: {  	[tilespmem:s23], [sflag:$0x1] =	stream.indirect.gather [hbm4b:s4+s26], $0x80, s15, s26, $0xb8;
	[tilespmem:$0x1FC00] =	vst v63  }
0x380: {  	_ =	swait.ge [sflag:s6], $0x3200  }
0x381: {  	[sflag:s6] =	ssyncset.done $0x0  }
0x382: {  	s18 =	simm.s32 $0x1B00;
	[sflag:s6] =	ssyncadd.s32 $0xFFFFCE00  }
0x383: {  	[spmem:s1] =	stream.indirect.scatter.add.f32 [tilespmem:s29], [sflag:$0x4], $0x80, s18, s26, $0xb8;
	[tilespmem:$0x1FC00] =	vst v63  }
0x384: {  	_ =	swait.ge [sflag:s24], $0x3200  }
0x385: {  	[sflag:s24] =	ssyncset.done $0x0  }
0x386: {  	[sflag:s24] =	ssyncadd.s32 $0xFFFFCE00  }
0x387: {  	_ =	swait.ge [sflag:s9], $0x3200  }
0x388: {  	[sflag:s9] =	ssyncset.done $0x0  }
0x389: {  	s19 =	simm.s32 $0x1B80;
	[sflag:s9] =	ssyncadd.s32 $0xFFFFCE00  }
0x38a: {  	[spmem:s1] =	stream.indirect.scatter.add.f32 [tilespmem:s31], [sflag:$0x4], $0x80, s19, s26, $0xb8;
	[tilespmem:$0x1FC00] =	vst v63  }
0x38b: {  	_ =	swait.ge [sflag:s24], $0x3200  }
0x38c: {  	[sflag:s24] =	ssyncset.done $0x0  }
0x38d: {  	[sflag:s24] =	ssyncadd.s32 $0xFFFFCE00  }
0x38e: {  	_ =	swait.ge [sflag:s0], $0x3200  }
0x38f: {  	[sflag:s0] =	ssyncset.done $0x0  }
0x390: {  	s20 =	simm.s32 $0x1C00;
	[sflag:s0] =	ssyncadd.s32 $0xFFFFCE00  }
0x391: {  	[spmem:s1] =	stream.indirect.scatter.add.f32 [tilespmem:s23], [sflag:$0x4], $0x80, s20, s26, $0xb8;
	[tilespmem:$0x1FC00] =	vst v63  }
0x392: {  	_ =	swait.ge [sflag:s24], $0x3200  }
0x393: {  	[sflag:s24] =	ssyncset.done $0x0  }
0x394: {  	[sflag:s24] =	ssyncadd.s32 $0xFFFFCE00  }
0x395: {  	s21 =	stileid.u32;
	[bflag:$0x0] =	sbarrier.arrive $0xFFFF  }
0x396: {  	s18 =	sshll.u32 s21, $0x6;
	s22 =	rddreg [dreg:$0x14]  }
0x397: {  	s18 =	sor.u32 $0x1C04, s18;
	s28 =	rddreg [dreg:$0x12];
	s25 =	sshrl.u32 s22, $0x3  }
0x398: {  	[hbm:s28], [sflag:s18] =	dma.local [spmem:s25], $0x2800  }
0x399: {  	_ =	swait.ge [sflag:s24], $0x2800  }
0x39a: {  	s17 =	sadd.s32 $0x1, s17;
	s30 =	rddreg [dreg:$0x13]  }
0x39b: {  	p0 =	sne.s32 s17, s30  }
.Ltmp1:
0x39c: {  	_ = 	snop;
	(pc) =	sbr.rel @p0 .LBB2_1-.Ltmp1, $3  }
0x39d: {  	_ =	sdelay $0x1  }
0x39e: {  	[sflag:s24] =	ssyncset.done $0x0  }
0x39f: {  	[sflag:s24] =	ssyncadd.s32 $0xFFFFD800  }
0x3a0: {  	_ =	sfence.sel $0x180000  }
0x3a1: {  	[bflag:$0x0] =	sbarrier.arrive $0xFFFF  }
0x3a2: {  	_ =	strace $0x9000004A  }
0x3a3: {  	s0 =	stileid.u32;
	[bflag:$0x2] =	sbarrier.arrive $0xFFFF  }
0x3a4: {  	p0 =	sne.s32 s0, $0x0;
	s0 =	rddreg [dreg:$0x2]  }
0x3a5: {  	s0 =	sadd.s32 @!p0 $0x100000, s0  }
0x3a6: {  	[sflag:s0] =	ssyncadd.tile.s32 @!p0 $0x1;
	_ =	shalt  }
.Lfunc_end2:
_tile_overlayer_lowered:
.L_overlay_start_2:
0x3a7: {  	(tag) =	ssettag $0x2  }
0x3a8: {  	s0 =	rddreg [dreg:$0x0];
	s2 =	stileid.u32  }
0x3a9: {  	s1 =	rddreg [dreg:$0x1];
	p0 =	sne.s32 s2, $0x0  }
0x3aa: {  	s3 =	rddreg [dreg:$0x2];
	[bflag:$0x3] =	sbarrier.arrive $0xFFFF;
	s2 =	simm.s32 @!p0 $0x1C04  }
0x3ab: {  	[timem:s3], [sflag:s2] =	dma.local @!p0 [hbm:s0], s1  }
0x3ac: {  	s0 =	simm.s32 @!p0 $0x4  }
0x3ad: {  	_ =	swait.ge @!p0 [sflag:s0], s1  }
0x3ae: {  	s1 =	ssub.s32 @!p0 $0x0, s1;
	[sflag:s0] =	ssyncset.done @!p0 $0x0  }
0x3af: {  	[sflag:s0] =	ssyncadd.s32 @!p0 s1  }
0x3b0: {  	[bflag:$0x3] =	sbarrier.arrive $0xFFFF  }
0x3b1: {  	_ =	shalt  }

// kernel: kernel.14.cloned.1.call-start
scs
__scs_entry_jumppad:
0x0: {  	(pc) =	sbr.rel $0x88, $3  }
0x1: {  	(tag) =	ssettag $0x0;
	lr =	simm.s32 $0x1  }
0x2: {  	[smem:$0x3F99] =	sst lr;
	_ =	strace $0xD0000000  }
0x3: {  	_ = 	snop  }
0x4: {  	_ = 	snop  }
0x5: {  	_ = 	snop  }
0x6: {  	_ = 	snop  }
0x7: {  	_ = 	snop  }
__scs_overlays_trampoline_lowered:
0x8: {  	[smem:$0x3FA8] =	sst s0  }
0x9: {  	[smem:$0x3FA9] =	sst s1  }
0xa: {  	[smem:$0x3FAA] =	sst s2  }
0xb: {  	[smem:$0x3FAB] =	sst s3  }
0xc: {  	[smem:$0x3FAC] =	sst s4  }
0xd: {  	[smem:$0x3FAD] =	sst s5  }
0xe: {  	[smem:$0x3FAE] =	sst s6  }
0xf: {  	[smem:$0x3FAF] =	sst s7  }
0x10: {  	[smem:$0x3FB0] =	sst s8  }
0x11: {  	[smem:$0x3FB1] =	sst s9;
	s0 =	simm.s32 @!p0 $0x0  }
0x12: {  	s1 =	sld [smem:$0x3F97];
	s0 =	simm.s32 @p0 $0x1  }
0x13: {  	[smem:$0x3FB2] =	sst s0;
	s0 =	simm.s32 @!p1 $0x0  }
0x14: {  	s2 =	sld [smem:$0x3F96];
	s0 =	simm.s32 @p1 $0x1  }
0x15: {  	[smem:$0x3FB3] =	sst s0;
	s0 =	simm.s32 @!p2 $0x0  }
0x16: {  	s3 =	sld [smem:$0x3FDB];
	s0 =	simm.s32 @p2 $0x1  }
0x17: {  	s4 =	simm.s32 $0x1BF5;
	[smem:$0x3FB5] =	sst s0  }
0x18: {  	s0 =	sld [smem:$0x3F98];
	_ =	swait.ge [sflag:s4], $0x0  }
0x19: {  	s7 =	sld [smem:$0x3F99]  }
0x1a: {  	s8 =	sadd.s32 $0xFFFFE003, lr  }
0x1b: {  	s9 =	sadd.s32 $0xFFFFFEF7, lr;
	s5 =	simm.s32 $0xFFFFFFFF;
	p2 =	slt.u32 s8, $0xFFFFF086  }
0x1c: {  	p1 =	slt.u32 s9, $0xF7A;
	s5 =	simm.s32 @!p2 $0x0  }
0x1d: {  	s5 =	simm.s32 @p1 $0x1;
	p0 =	seq.s32 s7, s2  }
0x1e: {  	s7 =	smul.u32 @!p0 $0xF7A, s2;
	p2 =	seq.s32 @!p0 s5, $0x0  }
0x1f: {  	s9 =	smul.u32 $0xF7A, s1;
	s8 =	simm.s32 @!p0 $0x1BF5;
	p2 =	por !p2, p0  }
0x20: {  	[sflag:s8] =	ssyncset.s32 @!p0 $0xFFFFF086;
	s6 =	sadd.s32 @!p0 s3, s7;
	s7 =	simm.s32 @!p0 $0x108  }
0x21: {  	s3 =	sadd.s32 s3, s9;
	s6 =	sadd.s32 @!p0 $0x88, s6;
	s7 =	simm.s32 @p2 $0x1082  }
0x22: {  	[simem:s7], [sflag:s8] =	dma.local @!p0 [hbm:s6], $0xF7A  }
0x23: {  	s9 =	sor.u32 $0xD0000000, s2;
	s6 =	simm.s32 $0x108;
	_ =	swait.ge @!p0 [sflag:s8], $0x0  }
0x24: {  	s3 =	sadd.s32 $0x88, s3;
	s6 =	simm.s32 @!p1 $0x1082;
	[sflag:s4] =	ssyncset.s32 $0xFFFFF086  }
0x25: {  	[simem:s6], [sflag:s4] =	dma.local [hbm:s3], $0xF7A  }
0x26: {  	[smem:$0x3F99] =	sst s1;
	(tag) =	ssettag s2;
	_ =	strace s9  }
0x27: {  	s1 =	sld [smem:$0x3FA9]  }
0x28: {  	s2 =	sld [smem:$0x3FAA]  }
0x29: {  	s4 =	sld [smem:$0x3FAC]  }
0x2a: {  	p0 =	seq.s32 s5, $0x0;
	s5 =	sld [smem:$0x3FAD]  }
0x2b: {  	s6 =	sld [smem:$0x3FAE]  }
0x2c: {  	s7 =	sld [smem:$0x3FAF]  }
0x2d: {  	s3 =	simm.s32 $0x108;
	s8 =	sld [smem:$0x3FB0]  }
0x2e: {  	s3 =	simm.s32 @!p0 $0x1082;
	s9 =	sld [smem:$0x3FB1]  }
0x2f: {  	lr =	sadd.s32 s0, s3;
	s0 =	sld [smem:$0x3FA8]  }
0x30: {  	s3 =	sld [smem:$0x3FAB]  }
0x31: {  	[smem:$0x3FB4] =	sst s10  }
0x32: {  	s10 =	sld [smem:$0x3FB2];
	_ =	sdelay $0x3  }
0x33: {  	p0 =	seq.s32 s10, $0x1;
	s10 =	sld [smem:$0x3FB4];
	_ =	sdelay $0x3  }
0x34: {  	[smem:$0x3FB4] =	sst s10  }
0x35: {  	s10 =	sld [smem:$0x3FB3];
	_ =	sdelay $0x3  }
0x36: {  	p1 =	seq.s32 s10, $0x1;
	s10 =	sld [smem:$0x3FB4];
	_ =	sdelay $0x3  }
0x37: {  	[smem:$0x3FB4] =	sst s10  }
0x38: {  	s10 =	sld [smem:$0x3FB5]  }
0x39: {  	_ = 	snop;
	(pc) =	sbr.ind lr, $3  }
0x3a: {  	_ = 	snop  }
0x3b: {  	_ = 	snop  }
0x3c: {  	p2 =	seq.s32 s10, $0x1;
	s10 =	sld [smem:$0x3FB4]  }
0x3d: {  	_ =	shalt  }
0x3e: {  	_ =	shalt  }
0x3f: {  	_ =	shalt  }
0x40: {  	_ =	shalt  }
0x41: {  	_ =	shalt  }
0x42: {  	_ =	shalt  }
0x43: {  	_ =	shalt  }
0x44: {  	_ =	shalt  }
0x45: {  	_ =	shalt  }
0x46: {  	_ =	shalt  }
0x47: {  	_ =	shalt  }
0x48: {  	_ =	shalt  }
0x49: {  	_ =	shalt  }
0x4a: {  	_ =	shalt  }
0x4b: {  	_ =	shalt  }
0x4c: {  	_ =	shalt  }
0x4d: {  	_ =	shalt  }
0x4e: {  	_ =	shalt  }
0x4f: {  	_ =	shalt  }
0x50: {  	_ =	shalt  }
0x51: {  	_ =	shalt  }
0x52: {  	_ =	shalt  }
0x53: {  	_ =	shalt  }
0x54: {  	_ =	shalt  }
0x55: {  	_ =	shalt  }
0x56: {  	_ =	shalt  }
0x57: {  	_ =	shalt  }
0x58: {  	_ =	shalt  }
0x59: {  	_ =	shalt  }
0x5a: {  	_ =	shalt  }
0x5b: {  	_ =	shalt  }
0x5c: {  	_ =	shalt  }
0x5d: {  	_ =	shalt  }
0x5e: {  	_ =	shalt  }
0x5f: {  	_ =	shalt  }
0x60: {  	_ =	shalt  }
0x61: {  	_ =	shalt  }
0x62: {  	_ =	shalt  }
0x63: {  	_ =	shalt  }
0x64: {  	_ =	shalt  }
0x65: {  	_ =	shalt  }
0x66: {  	_ =	shalt  }
0x67: {  	_ =	shalt  }
0x68: {  	_ =	shalt  }
0x69: {  	_ =	shalt  }
0x6a: {  	_ =	shalt  }
0x6b: {  	_ =	shalt  }
0x6c: {  	_ =	shalt  }
0x6d: {  	_ =	shalt  }
0x6e: {  	_ =	shalt  }
0x6f: {  	_ =	shalt  }
0x70: {  	_ =	shalt  }
0x71: {  	_ =	shalt  }
0x72: {  	_ =	shalt  }
0x73: {  	_ =	shalt  }
0x74: {  	_ =	shalt  }
0x75: {  	_ =	shalt  }
0x76: {  	_ =	shalt  }
0x77: {  	_ =	shalt  }
0x78: {  	_ =	shalt  }
0x79: {  	_ =	shalt  }
0x7a: {  	_ =	shalt  }
0x7b: {  	_ =	shalt  }
0x7c: {  	_ =	shalt  }
0x7d: {  	_ =	shalt  }
0x7e: {  	_ =	shalt  }
0x7f: {  	_ =	shalt  }
0x80: {  	_ =	shalt  }
0x81: {  	_ =	shalt  }
0x82: {  	_ =	shalt  }
0x83: {  	_ =	shalt  }
0x84: {  	_ =	shalt  }
0x85: {  	_ =	shalt  }
0x86: {  	_ =	shalt  }
0x87: {  	_ =	shalt  }
.Lfunc_end0:
.L_simem_size_0:
called_computation.2_lowered:
.L_overlay_start_0:
0x88: {  	s2 =	sld [smem:$0x3FD9]  }
0x89: {  	s3 =	sld [smem:$0x3FFE];
	_ =	sdelay $0x1  }
0x8a: {  	s1 =	srdreg.scid  }
0x8b: {  	s0 =	sand.u32 $0x1, s1  }
0x8c: {  	s16 =	sshll.u32 s0, $0xA;
	s2 =	sadd.s32 s3, s2  }
0x8d: {  	s2 =	sadd.s32 s2, s16  }
0x8e: {  	[smem:$0x3FC0] =	sst s2  }
0x8f: {  	_ = 	snop  }
0x90: {  	(tm) =	ssettm $0x1  }
0x91: {  	s17 =	sld [smem:$0x3FFB];
	_ =	sdelay $0x3  }
0x92: {  	_ =	strace s17  }
0x93: {  	s2 =	sld [smem:$0x3FFC];
	_ =	sdelay $0x3  }
0x94: {  	_ =	strace s2  }
0x95: {  	s2 =	sld [smem:$0x3FFD];
	_ =	sdelay $0x3  }
0x96: {  	_ =	strace s2  }
0x97: {  	_ =	strace $0x8FFFFFFF  }
0x98: {  	s18 =	sld [smem:$0x3FDB];
	_ =	sdelay $0x1  }
0x99: {  	s19 =	simm.s32 $_scs_section_size  }
0x9a: {  	s4 =	simm.s32 $_size__tile_overlayer_lowered;
	s5 =	simm.s32 $_tile_overlayer_lowered  }
0x9b: {  	s22 =	simm.s32 $0x1BFF;
	s21 =	sshll.u32 s5, $0x1;
	s2 =	sadd.s32 s19, s18  }
0x9c: {  	s6 =	simm.s32 $0x0;
	s20 =	sshll.u32 s4, $0x1;
	s4 =	sadd.s32 s21, s2  }
0x9d: {  	[timem:s6], [sflag:s22] =	dma.local [hbm:s4], s20  }
0x9e: {  	_ =	swait.ge [sflag:s22], s20  }
0x9f: {  	s3 =	ssub.s32 $0x0, s20;
	[sflag:s22] =	ssyncset.done $0x0  }
0xa0: {  	[sflag:s22] =	ssyncadd.s32 s3;
	_ =	sdelay $0x1  }
0xa1: {  	s23 =	simm.s32 $0x1B8B  }
0xa2: {  	_ =	swait.ge [sflag:s23], $0x1  }
0xa3: {  	[sflag:s23] =	ssyncset.done $0x0  }
0xa4: {  	s25 =	simm.s32 $0x1B8E;
	s24 =	sld [smem:$0x3FFE];
	[sflag:s23] =	ssyncadd.s32 $0xFFFFFFFF  }
0xa5: {  	s26 =	simm.s32 $execute0_lowered;
	[smem:$0x3FD2] =	sst s25  }
0xa6: {  	s4 =	sshll.u32 s26, $0x1;
	_ =	strace $0x8000004C;
	[dreg:$0x1] =	wrdreg $0xFFFFFFFF  }
0xa7: {  	s28 =	simm.s32 $_size_execute0_lowered;
	s2 =	sadd.s32 s2, s4;
	[dreg:$0x0] =	wrdreg $0x0  }
0xa8: {  	s4 =	sshll.u32 s28, $0x1;
	[dreg:$0x2] =	wrdreg s2  }
0xa9: {  	[dreg:$0x3] =	wrdreg s4  }
0xaa: {  	[dreg:$0x4] =	wrdreg $0xC0  }
0xab: {  	_ =	task [dreg:s6], $0x5FFFF  }
0xac: {  	[dreg:$0x1] =	wrdreg $0xFFFFFFFF  }
0xad: {  	[dreg:$0x0] =	wrdreg $0x60  }
0xae: {  	[dreg:$0x2] =	wrdreg s24  }
0xaf: {  	[dreg:$0x3] =	wrdreg $0xBC000  }
0xb0: {  	[dreg:$0x4] =	wrdreg $0x9  }
0xb1: {  	_ =	task.clear_ibuf [dreg:s6], $0x5FFFF;
	_ =	strace $0x9000004C  }
0xb2: {  	s29 =	simm.s32 $0x9;
	_ =	strace $0x8000004E  }
0xb3: {  	_ =	swait.ge [sflag:s29], $0x1  }
0xb4: {  	[sflag:s29] =	ssyncadd.s32 $0xFFFFFFFF  }
0xb5: {  	_ =	strace $0x9000004E  }
0xb6: {  	_ =	sfence  }
0xb7: {  	s30 =	sld [smem:$0x0];
	_ =	sdelay $0x2  }
0xb8: {  	s31 =	sshll.u32 s1, $0xD;
	s1 =	sshrl.u32 s1, $0x2  }
0xb9: {  	s3 =	sand.u32 $0x4000, s31;
	s1 =	sadd.s32 s1, s30  }
0xba: {  	s0 =	sor.u32 s3, s0;
	s1 =	sshll.u32 s1, $0x11  }
0xbb: {  	s0 =	sor.u32 s1, s0  }
0xbc: {  	s0 =	sadd.s32 $0x8F2B, s0  }
0xbd: {  	[sflag:s0] =	ssyncadd.remote.s32 $0x1  }
0xbe: {  	_ =	sfence.sel $0xFFFF  }
0xbf: {  	[dreg:$0x0] =	wrdreg $0xFFFFFFFF;
	(pc) =	sbr.abs _section_cstart, $3  }
0xc0: {  	[dreg:$0x1] =	wrdreg $0xFFFFFFFF  }
0xc1: {  	_ =	task.clear_ibuf [dreg:s6], $0x2FFFF;
	_ =	strace $0x9FFFFFFF  }
0xc2: {  	(tm) =	ssettm $0x7FFFFFFF  }
0xc3: {  	_ =	shalt  }
tec
execute0_lowered:
.L_overlay_start_1:
0x0: {  	(tag) =	ssettag $0x1  }
0x1: {  	s0 =	rddreg [dreg:$0x0]  }
0x2: {  	s1 =	rddreg [dreg:$0x1];
	s16 =	simm.s32 $0x0  }
0x3: {  	s2 =	srdreg.scid;
	s3 =	stileid.u32;
	s29 =	simm.s32 $0x5400  }
0x4: {  	[smem:$0x7FF] =	sst s16;
	s2 =	sand.u32 $0x1, s2;
	s8 =	smul.u32 $0x50000, s3  }
0x5: {  	s7 =	sadd.s32 $0x1FA00, s0;
	s17 =	sshll.u32 s3, $0xB;
	s5 =	smul.u32 $0x140000, s2  }
0x6: {  	s11 =	ssub.s32 $0x2, s2;
	s2 =	sshll.u32 s2, $0xF;
	s8 =	sshrl.u32 s8, $0x2  }
0x7: {  	s9 =	sadd.s32 $0xFA00, s0;
	s2 =	sor.u32 s17, s2;
	s12 =	sadd.s32 s8, s1  }
0x8: {  	_ =	strace $0x8000004D;
	s21 =	sadd.s32 s7, s2;
	[dreg:$0x14] =	wrdreg s12  }
0x9: {  	s31 =	simm.s32 $0x8800;
	s23 =	sadd.s32 s9, s2;
	[dreg:$0xa] =	wrdreg s21  }
0xa: {  	s6 =	smul.u32 $0x14000, s3;
	s8 =	sadd.s32 $0x2800, s12;
	[dreg:$0xb] =	wrdreg s23  }
0xb: {  	s4 =	sadd.s32 $0x2FA00, s0;
	s13 =	sadd.s32 $0x5000, s12;
	[dreg:$0x3] =	wrdreg s8  }
0xc: {  	s10 =	sshrl.u32 s11, $0x1;
	s14 =	sadd.s32 $0x7800, s12;
	[dreg:$0x4] =	wrdreg s13  }
0xd: {  	s17 =	simm.s32 $0x0;
	s15 =	sadd.s32 $0xA000, s12;
	[dreg:$0x5] =	wrdreg s14  }
0xe: {  	s5 =	sadd.s32 s6, s5;
	s18 =	sadd.s32 $0xC800, s12;
	[dreg:$0x6] =	wrdreg s15  }
0xf: {  	s6 =	ssub.s32 s11, s10;
	s19 =	sadd.s32 $0xF000, s12;
	[dreg:$0x7] =	wrdreg s18  }
0x10: {  	s22 =	sor.u32 $0x200, s2;
	s20 =	sadd.s32 $0x11800, s12;
	[dreg:$0x8] =	wrdreg s19  }
0x11: {  	s25 =	sor.u32 $0x400, s2;
	s24 =	sadd.s32 s7, s22;
	[dreg:$0x9] =	wrdreg s20  }
0x12: {  	s2 =	sor.u32 $0x600, s2;
	s26 =	sadd.s32 s7, s25;
	[dreg:$0xc] =	wrdreg s24  }
0x13: {  	s5 =	sshrl.u32 s5, $0x3;
	s28 =	sadd.s32 s9, s25;
	[dreg:$0xe] =	wrdreg s26  }
0x14: {  	s7 =	sadd.s32 s7, s2;
	s2 =	sadd.s32 s9, s2;
	[dreg:$0xf] =	wrdreg s28  }
0x15: {  	s30 =	smax.u32 s6, $0x1;
	s23 =	simm.s32 $0x2000;
	[dreg:$0x10] =	wrdreg s7  }
0x16: {  	s6 =	simm.s32 $0x2;
	s0 =	sadd.s32 s5, s0;
	[dreg:$0x11] =	wrdreg s2  }
0x17: {  	s8 =	sadd.s32 s9, s22;
	[dreg:$0x13] =	wrdreg s30;
	s24 =	simm.s32 $0x4  }
0x18: {  	s26 =	simm.s32 $0x64;
	[dreg:$0xd] =	wrdreg s8;
	s0 =	sadd.s32 $0x56C00, s0  }
0x19: {  	v0 =	vimm.f32 $0.0e+00;
	s9 =	simm.s32 $0x3;
	[dreg:$0x12] =	wrdreg s0;
	s0 =	simm.s32 $0x1  }
.LBB2_1:
0x1a: {  	s18 =	simm.s32 $0x0;
	s19 =	simm.s32 $0x200  }
.LBB2_2:
0x1b: {  	p0 =	sne.s32 s19, $0x9E00;
	[tilespmem:s18+$0x2070] =	vst v0  }
0x1c: {  	[tilespmem:s18+$0x2000] =	vst v0  }
0x1d: {  	[tilespmem:s18+$0x2010] =	vst v0  }
.Ltmp0:
0x1e: {  	[tilespmem:s18+$0x2020] =	vst v0;
	(pc) =	sbr.rel @p0 .LBB2_2-.Ltmp0, $4  }
0x1f: {  	[tilespmem:s18+$0x2030] =	vst v0  }
0x20: {  	[tilespmem:s18+$0x2040] =	vst v0  }
0x21: {  	[tilespmem:s18+$0x2050] =	vst v0  }
0x22: {  	[tilespmem:s18+$0x2060] =	vst v0;
	s18 =	sshra.s32 s19, $0x2;
	s19 =	sadd.s32 $0x200, s19  }
0x23: {  	[tilespmem:s18+$0x2070] =	vst v0  }
0x24: {  	[tilespmem:s18+$0x2000] =	vst v0  }
0x25: {  	[tilespmem:s18+$0x2010] =	vst v0  }
0x26: {  	[tilespmem:s18+$0x2020] =	vst v0  }
0x27: {  	[tilespmem:s18+$0x2030] =	vst v0  }
0x28: {  	[tilespmem:s18+$0x2040] =	vst v0  }
0x29: {  	[tilespmem:s18+$0x2050] =	vst v0  }
0x2a: {  	[tilespmem:s18+$0x2060] =	vst v0;
	s2 =	rddreg [dreg:$0x14]  }
0x2b: {  	[spmem:s2] =	stream.linear.scatter [tilespmem:s23], [sflag:$0x4], $0x2800, $0x38;
	[tilespmem:$0x1FC00] =	vst v63  }
0x2c: {  	_ =	swait.ge [sflag:s24], $0x2800  }
0x2d: {  	[sflag:s24] =	ssyncset.done $0x0  }
0x2e: {  	s3 =	rddreg [dreg:$0x3];
	[sflag:s24] =	ssyncadd.s32 $0xFFFFD800  }
0x2f: {  	[spmem:s3] =	stream.linear.scatter [tilespmem:s23], [sflag:$0x4], $0x2800, $0x38;
	[tilespmem:$0x1FC00] =	vst v63  }
0x30: {  	_ =	swait.ge [sflag:s24], $0x2800  }
0x31: {  	[sflag:s24] =	ssyncset.done $0x0  }
0x32: {  	s5 =	rddreg [dreg:$0x4];
	[sflag:s24] =	ssyncadd.s32 $0xFFFFD800  }
0x33: {  	[spmem:s5] =	stream.linear.scatter [tilespmem:s23], [sflag:$0x4], $0x2800, $0x38;
	[tilespmem:$0x1FC00] =	vst v63  }
0x34: {  	_ =	swait.ge [sflag:s24], $0x2800  }
0x35: {  	[sflag:s24] =	ssyncset.done $0x0  }
0x36: {  	s7 =	rddreg [dreg:$0x5];
	[sflag:s24] =	ssyncadd.s32 $0xFFFFD800  }
0x37: {  	[spmem:s7] =	stream.linear.scatter [tilespmem:s23], [sflag:$0x4], $0x2800, $0x38;
	[tilespmem:$0x1FC00] =	vst v63  }
0x38: {  	_ =	swait.ge [sflag:s24], $0x2800  }
0x39: {  	[sflag:s24] =	ssyncset.done $0x0  }
0x3a: {  	s8 =	rddreg [dreg:$0x6];
	[sflag:s24] =	ssyncadd.s32 $0xFFFFD800  }
0x3b: {  	[spmem:s8] =	stream.linear.scatter [tilespmem:s23], [sflag:$0x4], $0x2800, $0x38;
	[tilespmem:$0x1FC00] =	vst v63  }
0x3c: {  	_ =	swait.ge [sflag:s24], $0x2800  }
0x3d: {  	[sflag:s24] =	ssyncset.done $0x0  }
0x3e: {  	s10 =	rddreg [dreg:$0x7];
	[sflag:s24] =	ssyncadd.s32 $0xFFFFD800  }
0x3f: {  	[spmem:s10] =	stream.linear.scatter [tilespmem:s23], [sflag:$0x4], $0x2800, $0x38;
	[tilespmem:$0x1FC00] =	vst v63  }
0x40: {  	_ =	swait.ge [sflag:s24], $0x2800  }
0x41: {  	[sflag:s24] =	ssyncset.done $0x0  }
0x42: {  	s11 =	rddreg [dreg:$0x8];
	[sflag:s24] =	ssyncadd.s32 $0xFFFFD800  }
0x43: {  	[spmem:s11] =	stream.linear.scatter [tilespmem:s23], [sflag:$0x4], $0x2800, $0x38;
	[tilespmem:$0x1FC00] =	vst v63  }
0x44: {  	_ =	swait.ge [sflag:s24], $0x2800  }
0x45: {  	[sflag:s24] =	ssyncset.done $0x0  }
0x46: {  	s12 =	rddreg [dreg:$0x9];
	[sflag:s24] =	ssyncadd.s32 $0xFFFFD800  }
0x47: {  	[spmem:s12] =	stream.linear.scatter [tilespmem:s23], [sflag:$0x4], $0x2800, $0x38;
	[tilespmem:$0x1FC00] =	vst v63  }
0x48: {  	_ =	swait.ge [sflag:s24], $0x2800  }
0x49: {  	[sflag:s24] =	ssyncset.done $0x0  }
0x4a: {  	[sflag:s24] =	ssyncadd.s32 $0xFFFFD800  }
0x4b: {  	[bflag:$0x0] =	sbarrier.arrive $0xFFFF  }
0x4c: {  	s13 =	rddreg [dreg:$0xa]  }
0x4d: {  	[tilespmem:s16], [sflag:$0x4] =	stream.linear.gather [hbm4b:s13+s16], $0xC80, $0x38;
	[tilespmem:$0x1FC00] =	vst v63  }
0x4e: {  	_ =	swait.ge [sflag:s24], $0xC80  }
0x4f: {  	[sflag:s24] =	ssyncset.done $0x0  }
0x50: {  	s3 =	simm.s32 $0x1000;
	s14 =	rddreg [dreg:$0xb];
	[sflag:s24] =	ssyncadd.s32 $0xFFFFF380  }
0x51: {  	[tilespmem:s3], [sflag:$0x4] =	stream.linear.gather [hbm4b:s14+s16], $0xC80, $0x38;
	[tilespmem:$0x1FC00] =	vst v63  }
0x52: {  	_ =	swait.ge [sflag:s24], $0xC80  }
0x53: {  	[sflag:s24] =	ssyncset.done $0x0  }
0x54: {  	[sflag:s24] =	ssyncadd.s32 $0xFFFFF380  }
0x55: {  	[tilespmem:s23], [sflag:$0x1] =	stream.indirect.gather [hbm4b:s4+s26], $0x80, s16, s26, $0xb8;
	[tilespmem:$0x1FC00] =	vst v63  }
0x56: {  	s15 =	simm.s32 $0x80  }
0x57: {  	[tilespmem:s29], [sflag:$0x2] =	stream.indirect.gather [hbm4b:s4+s26], $0x80, s15, s26, $0xb8;
	[tilespmem:$0x1FC00] =	vst v63  }
0x58: {  	s18 =	simm.s32 $0x100  }
0x59: {  	[tilespmem:s31], [sflag:$0x3] =	stream.indirect.gather [hbm4b:s4+s26], $0x80, s18, s26, $0xb8;
	[tilespmem:$0x1FC00] =	vst v63  }
0x5a: {  	_ =	swait.ge [sflag:s0], $0x3200  }
0x5b: {  	[sflag:s0] =	ssyncset.done $0x0  }
0x5c: {  	[sflag:s0] =	ssyncadd.s32 $0xFFFFCE00  }
0x5d: {  	[spmem:s1] =	stream.indirect.scatter.add.f32 [tilespmem:s23], [sflag:$0x4], $0x80, s3, s26, $0xb8;
	[tilespmem:$0x1FC00] =	vst v63  }
0x5e: {  	_ =	swait.ge [sflag:s24], $0x3200  }
0x5f: {  	[sflag:s24] =	ssyncset.done $0x0  }
0x60: {  	s19 =	simm.s32 $0x180;
	[sflag:s24] =	ssyncadd.s32 $0xFFFFCE00  }
0x61: {  	[tilespmem:s23], [sflag:$0x1] =	stream.indirect.gather [hbm4b:s4+s26], $0x80, s19, s26, $0xb8;
	[tilespmem:$0x1FC00] =	vst v63  }
0x62: {  	_ =	swait.ge [sflag:s6], $0x3200  }
0x63: {  	[sflag:s6] =	ssyncset.done $0x0  }
0x64: {  	s20 =	simm.s32 $0x1080;
	[sflag:s6] =	ssyncadd.s32 $0xFFFFCE00  }
0x65: {  	[spmem:s1] =	stream.indirect.scatter.add.f32 [tilespmem:s29], [sflag:$0x4], $0x80, s20, s26, $0xb8;
	[tilespmem:$0x1FC00] =	vst v63  }
0x66: {  	_ =	swait.ge [sflag:s24], $0x3200  }
0x67: {  	[sflag:s24] =	ssyncset.done $0x0  }
0x68: {  	s21 =	simm.s32 $0x200;
	[sflag:s24] =	ssyncadd.s32 $0xFFFFCE00  }
0x69: {  	[tilespmem:s29], [sflag:$0x2] =	stream.indirect.gather [hbm4b:s4+s26], $0x80, s21, s26, $0xb8;
	[tilespmem:$0x1FC00] =	vst v63  }
0x6a: {  	_ =	swait.ge [sflag:s9], $0x3200  }
0x6b: {  	[sflag:s9] =	ssyncset.done $0x0  }
0x6c: {  	s22 =	simm.s32 $0x1100;
	[sflag:s9] =	ssyncadd.s32 $0xFFFFCE00  }
0x6d: {  	[spmem:s1] =	stream.indirect.scatter.add.f32 [tilespmem:s31], [sflag:$0x4], $0x80, s22, s26, $0xb8;
	[tilespmem:$0x1FC00] =	vst v63  }
0x6e: {  	_ =	swait.ge [sflag:s24], $0x3200  }
0x6f: {  	[sflag:s24] =	ssyncset.done $0x0  }
0x70: {  	s25 =	simm.s32 $0x280;
	[sflag:s24] =	ssyncadd.s32 $0xFFFFCE00  }
0x71: {  	[tilespmem:s31], [sflag:$0x3] =	stream.indirect.gather [hbm4b:s4+s26], $0x80, s25, s26, $0xb8;
	[tilespmem:$0x1FC00] =	vst v63  }
0x72: {  	_ =	swait.ge [sflag:s0], $0x3200  }
0x73: {  	[sflag:s0] =	ssyncset.done $0x0  }
0x74: {  	s28 =	simm.s32 $0x1180;
	[sflag:s0] =	ssyncadd.s32 $0xFFFFCE00  }
0x75: {  	[spmem:s1] =	stream.indirect.scatter.add.f32 [tilespmem:s23], [sflag:$0x4], $0x80, s28, s26, $0xb8;
	[tilespmem:$0x1FC00] =	vst v63  }
0x76: {  	_ =	swait.ge [sflag:s24], $0x3200  }
0x77: {  	[sflag:s24] =	ssyncset.done $0x0  }
0x78: {  	s30 =	simm.s32 $0x300;
	[sflag:s24] =	ssyncadd.s32 $0xFFFFCE00  }
0x79: {  	[tilespmem:s23], [sflag:$0x1] =	stream.indirect.gather [hbm4b:s4+s26], $0x80, s30, s26, $0xb8;
	[tilespmem:$0x1FC00] =	vst v63  }
0x7a: {  	_ =	swait.ge [sflag:s6], $0x3200  }
0x7b: {  	[sflag:s6] =	ssyncset.done $0x0  }
0x7c: {  	s12 =	simm.s32 $0x1200;
	[sflag:s6] =	ssyncadd.s32 $0xFFFFCE00  }
0x7d: {  	[spmem:s1] =	stream.indirect.scatter.add.f32 [tilespmem:s29], [sflag:$0x4], $0x80, s12, s26, $0xb8;
	[tilespmem:$0x1FC00] =	vst v63  }
0x7e: {  	_ =	swait.ge [sflag:s24], $0x3200  }
0x7f: {  	[sflag:s24] =	ssyncset.done $0x0  }
0x80: {  	s13 =	simm.s32 $0x380;
	[sflag:s24] =	ssyncadd.s32 $0xFFFFCE00  }
0x81: {  	[tilespmem:s29], [sflag:$0x2] =	stream.indirect.gather [hbm4b:s4+s26], $0x80, s13, s26, $0xb8;
	[tilespmem:$0x1FC00] =	vst v63  }
0x82: {  	_ =	swait.ge [sflag:s9], $0x3200  }
0x83: {  	[sflag:s9] =	ssyncset.done $0x0  }
0x84: {  	s14 =	simm.s32 $0x1280;
	[sflag:s9] =	ssyncadd.s32 $0xFFFFCE00  }
0x85: {  	[spmem:s1] =	stream.indirect.scatter.add.f32 [tilespmem:s31], [sflag:$0x4], $0x80, s14, s26, $0xb8;
	[tilespmem:$0x1FC00] =	vst v63  }
0x86: {  	_ =	swait.ge [sflag:s24], $0x3200  }
0x87: {  	[sflag:s24] =	ssyncset.done $0x0  }
0x88: {  	s15 =	simm.s32 $0x400;
	[sflag:s24] =	ssyncadd.s32 $0xFFFFCE00  }
0x89: {  	[tilespmem:s31], [sflag:$0x3] =	stream.indirect.gather [hbm4b:s4+s26], $0x80, s15, s26, $0xb8;
	[tilespmem:$0x1FC00] =	vst v63  }
0x8a: {  	_ =	swait.ge [sflag:s0], $0x3200  }
0x8b: {  	[sflag:s0] =	ssyncset.done $0x0  }
0x8c: {  	s18 =	simm.s32 $0x1300;
	[sflag:s0] =	ssyncadd.s32 $0xFFFFCE00  }
0x8d: {  	[spmem:s1] =	stream.indirect.scatter.add.f32 [tilespmem:s23], [sflag:$0x4], $0x80, s18, s26, $0xb8;
	[tilespmem:$0x1FC00] =	vst v63  }
0x8e: {  	_ =	swait.ge [sflag:s24], $0x3200  }
0x8f: {  	[sflag:s24] =	ssyncset.done $0x0  }
0x90: {  	s19 =	simm.s32 $0x480;
	[sflag:s24] =	ssyncadd.s32 $0xFFFFCE00  }
0x91: {  	[tilespmem:s23], [sflag:$0x1] =	stream.indirect.gather [hbm4b:s4+s26], $0x80, s19, s26, $0xb8;
	[tilespmem:$0x1FC00] =	vst v63  }
0x92: {  	_ =	swait.ge [sflag:s6], $0x3200  }
0x93: {  	[sflag:s6] =	ssyncset.done $0x0  }
0x94: {  	s20 =	simm.s32 $0x1380;
	[sflag:s6] =	ssyncadd.s32 $0xFFFFCE00  }
0x95: {  	[spmem:s1] =	stream.indirect.scatter.add.f32 [tilespmem:s29], [sflag:$0x4], $0x80, s20, s26, $0xb8;
	[tilespmem:$0x1FC00] =	vst v63  }
0x96: {  	_ =	swait.ge [sflag:s24], $0x3200  }
0x97: {  	[sflag:s24] =	ssyncset.done $0x0  }
0x98: {  	s21 =	simm.s32 $0x500;
	[sflag:s24] =	ssyncadd.s32 $0xFFFFCE00  }
0x99: {  	[tilespmem:s29], [sflag:$0x2] =	stream.indirect.gather [hbm4b:s4+s26], $0x80, s21, s26, $0xb8;
	[tilespmem:$0x1FC00] =	vst v63  }
0x9a: {  	_ =	swait.ge [sflag:s9], $0x3200  }
0x9b: {  	[sflag:s9] =	ssyncset.done $0x0  }
0x9c: {  	s22 =	simm.s32 $0x1400;
	[sflag:s9] =	ssyncadd.s32 $0xFFFFCE00  }
0x9d: {  	[spmem:s1] =	stream.indirect.scatter.add.f32 [tilespmem:s31], [sflag:$0x4], $0x80, s22, s26, $0xb8;
	[tilespmem:$0x1FC00] =	vst v63  }
0x9e: {  	_ =	swait.ge [sflag:s24], $0x3200  }
0x9f: {  	[sflag:s24] =	ssyncset.done $0x0  }
0xa0: {  	s25 =	simm.s32 $0x580;
	[sflag:s24] =	ssyncadd.s32 $0xFFFFCE00  }
0xa1: {  	[tilespmem:s31], [sflag:$0x3] =	stream.indirect.gather [hbm4b:s4+s26], $0x80, s25, s26, $0xb8;
	[tilespmem:$0x1FC00] =	vst v63  }
0xa2: {  	_ =	swait.ge [sflag:s0], $0x3200  }
0xa3: {  	[sflag:s0] =	ssyncset.done $0x0  }
0xa4: {  	s28 =	simm.s32 $0x1480;
	[sflag:s0] =	ssyncadd.s32 $0xFFFFCE00  }
0xa5: {  	[spmem:s1] =	stream.indirect.scatter.add.f32 [tilespmem:s23], [sflag:$0x4], $0x80, s28, s26, $0xb8;
	[tilespmem:$0x1FC00] =	vst v63  }
0xa6: {  	_ =	swait.ge [sflag:s24], $0x3200  }
0xa7: {  	[sflag:s24] =	ssyncset.done $0x0  }
0xa8: {  	s30 =	simm.s32 $0x600;
	[sflag:s24] =	ssyncadd.s32 $0xFFFFCE00  }
0xa9: {  	[tilespmem:s23], [sflag:$0x1] =	stream.indirect.gather [hbm4b:s4+s26], $0x80, s30, s26, $0xb8;
	[tilespmem:$0x1FC00] =	vst v63  }
0xaa: {  	_ =	swait.ge [sflag:s6], $0x3200  }
0xab: {  	[sflag:s6] =	ssyncset.done $0x0  }
0xac: {  	s2 =	simm.s32 $0x1500;
	[sflag:s6] =	ssyncadd.s32 $0xFFFFCE00  }
0xad: {  	[spmem:s1] =	stream.indirect.scatter.add.f32 [tilespmem:s29], [sflag:$0x4], $0x80, s2, s26, $0xb8;
	[tilespmem:$0x1FC00] =	vst v63  }
0xae: {  	_ =	swait.ge [sflag:s24], $0x3200  }
0xaf: {  	[sflag:s24] =	ssyncset.done $0x0  }
0xb0: {  	s12 =	simm.s32 $0x680;
	[sflag:s24] =	ssyncadd.s32 $0xFFFFCE00  }
0xb1: {  	[tilespmem:s29], [sflag:$0x2] =	stream.indirect.gather [hbm4b:s4+s26], $0x80, s12, s26, $0xb8;
	[tilespmem:$0x1FC00] =	vst v63  }
0xb2: {  	_ =	swait.ge [sflag:s9], $0x3200  }
0xb3: {  	[sflag:s9] =	ssyncset.done $0x0  }
0xb4: {  	s13 =	simm.s32 $0x1580;
	[sflag:s9] =	ssyncadd.s32 $0xFFFFCE00  }
0xb5: {  	[spmem:s1] =	stream.indirect.scatter.add.f32 [tilespmem:s31], [sflag:$0x4], $0x80, s13, s26, $0xb8;
	[tilespmem:$0x1FC00] =	vst v63  }
0xb6: {  	_ =	swait.ge [sflag:s24], $0x3200  }
0xb7: {  	[sflag:s24] =	ssyncset.done $0x0  }
0xb8: {  	s14 =	simm.s32 $0x700;
	[sflag:s24] =	ssyncadd.s32 $0xFFFFCE00  }
0xb9: {  	[tilespmem:s31], [sflag:$0x3] =	stream.indirect.gather [hbm4b:s4+s26], $0x80, s14, s26, $0xb8;
	[tilespmem:$0x1FC00] =	vst v63  }
0xba: {  	_ =	swait.ge [sflag:s0], $0x3200  }
0xbb: {  	[sflag:s0] =	ssyncset.done $0x0  }
0xbc: {  	s15 =	simm.s32 $0x1600;
	[sflag:s0] =	ssyncadd.s32 $0xFFFFCE00  }
0xbd: {  	[spmem:s1] =	stream.indirect.scatter.add.f32 [tilespmem:s23], [sflag:$0x4], $0x80, s15, s26, $0xb8;
	[tilespmem:$0x1FC00] =	vst v63  }
0xbe: {  	_ =	swait.ge [sflag:s24], $0x3200  }
0xbf: {  	[sflag:s24] =	ssyncset.done $0x0  }
0xc0: {  	s19 =	simm.s32 $0x780;
	[sflag:s24] =	ssyncadd.s32 $0xFFFFCE00  }
0xc1: {  	[tilespmem:s23], [sflag:$0x1] =	stream.indirect.gather [hbm4b:s4+s26], $0x80, s19, s26, $0xb8;
	[tilespmem:$0x1FC00] =	vst v63  }
0xc2: {  	_ =	swait.ge [sflag:s6], $0x3200  }
0xc3: {  	[sflag:s6] =	ssyncset.done $0x0  }
0xc4: {  	s20 =	simm.s32 $0x1680;
	[sflag:s6] =	ssyncadd.s32 $0xFFFFCE00  }
0xc5: {  	[spmem:s1] =	stream.indirect.scatter.add.f32 [tilespmem:s29], [sflag:$0x4], $0x80, s20, s26, $0xb8;
	[tilespmem:$0x1FC00] =	vst v63  }
0xc6: {  	_ =	swait.ge [sflag:s24], $0x3200  }
0xc7: {  	[sflag:s24] =	ssyncset.done $0x0  }
0xc8: {  	s21 =	simm.s32 $0x800;
	[sflag:s24] =	ssyncadd.s32 $0xFFFFCE00  }
0xc9: {  	[tilespmem:s29], [sflag:$0x2] =	stream.indirect.gather [hbm4b:s4+s26], $0x80, s21, s26, $0xb8;
	[tilespmem:$0x1FC00] =	vst v63  }
0xca: {  	_ =	swait.ge [sflag:s9], $0x3200  }
0xcb: {  	[sflag:s9] =	ssyncset.done $0x0  }
0xcc: {  	s22 =	simm.s32 $0x1700;
	[sflag:s9] =	ssyncadd.s32 $0xFFFFCE00  }
0xcd: {  	[spmem:s1] =	stream.indirect.scatter.add.f32 [tilespmem:s31], [sflag:$0x4], $0x80, s22, s26, $0xb8;
	[tilespmem:$0x1FC00] =	vst v63  }
0xce: {  	_ =	swait.ge [sflag:s24], $0x3200  }
0xcf: {  	[sflag:s24] =	ssyncset.done $0x0  }
0xd0: {  	s25 =	simm.s32 $0x880;
	[sflag:s24] =	ssyncadd.s32 $0xFFFFCE00  }
0xd1: {  	[tilespmem:s31], [sflag:$0x3] =	stream.indirect.gather [hbm4b:s4+s26], $0x80, s25, s26, $0xb8;
	[tilespmem:$0x1FC00] =	vst v63  }
0xd2: {  	_ =	swait.ge [sflag:s0], $0x3200  }
0xd3: {  	[sflag:s0] =	ssyncset.done $0x0  }
0xd4: {  	s28 =	simm.s32 $0x1780;
	[sflag:s0] =	ssyncadd.s32 $0xFFFFCE00  }
0xd5: {  	[spmem:s1] =	stream.indirect.scatter.add.f32 [tilespmem:s23], [sflag:$0x4], $0x80, s28, s26, $0xb8;
	[tilespmem:$0x1FC00] =	vst v63  }
0xd6: {  	_ =	swait.ge [sflag:s24], $0x3200  }
0xd7: {  	[sflag:s24] =	ssyncset.done $0x0  }
0xd8: {  	s30 =	simm.s32 $0x900;
	[sflag:s24] =	ssyncadd.s32 $0xFFFFCE00  }
0xd9: {  	[tilespmem:s23], [sflag:$0x1] =	stream.indirect.gather [hbm4b:s4+s26], $0x80, s30, s26, $0xb8;
	[tilespmem:$0x1FC00] =	vst v63  }
0xda: {  	_ =	swait.ge [sflag:s6], $0x3200  }
0xdb: {  	[sflag:s6] =	ssyncset.done $0x0  }
0xdc: {  	s2 =	simm.s32 $0x1800;
	[sflag:s6] =	ssyncadd.s32 $0xFFFFCE00  }
0xdd: {  	[spmem:s1] =	stream.indirect.scatter.add.f32 [tilespmem:s29], [sflag:$0x4], $0x80, s2, s26, $0xb8;
	[tilespmem:$0x1FC00] =	vst v63  }
0xde: {  	_ =	swait.ge [sflag:s24], $0x3200  }
0xdf: {  	[sflag:s24] =	ssyncset.done $0x0  }
0xe0: {  	s12 =	simm.s32 $0x980;
	[sflag:s24] =	ssyncadd.s32 $0xFFFFCE00  }
0xe1: {  	[tilespmem:s29], [sflag:$0x2] =	stream.indirect.gather [hbm4b:s4+s26], $0x80, s12, s26, $0xb8;
	[tilespmem:$0x1FC00] =	vst v63  }
0xe2: {  	_ =	swait.ge [sflag:s9], $0x3200  }
0xe3: {  	[sflag:s9] =	ssyncset.done $0x0  }
0xe4: {  	s13 =	simm.s32 $0x1880;
	[sflag:s9] =	ssyncadd.s32 $0xFFFFCE00  }
0xe5: {  	[spmem:s1] =	stream.indirect.scatter.add.f32 [tilespmem:s31], [sflag:$0x4], $0x80, s13, s26, $0xb8;
	[tilespmem:$0x1FC00] =	vst v63  }
0xe6: {  	_ =	swait.ge [sflag:s24], $0x3200  }
0xe7: {  	[sflag:s24] =	ssyncset.done $0x0  }
0xe8: {  	s14 =	simm.s32 $0xA00;
	[sflag:s24] =	ssyncadd.s32 $0xFFFFCE00  }
0xe9: {  	[tilespmem:s31], [sflag:$0x3] =	stream.indirect.gather [hbm4b:s4+s26], $0x80, s14, s26, $0xb8;
	[tilespmem:$0x1FC00] =	vst v63  }
0xea: {  	_ =	swait.ge [sflag:s0], $0x3200  }
0xeb: {  	[sflag:s0] =	ssyncset.done $0x0  }
0xec: {  	s15 =	simm.s32 $0x1900;
	[sflag:s0] =	ssyncadd.s32 $0xFFFFCE00  }
0xed: {  	[spmem:s1] =	stream.indirect.scatter.add.f32 [tilespmem:s23], [sflag:$0x4], $0x80, s15, s26, $0xb8;
	[tilespmem:$0x1FC00] =	vst v63  }
0xee: {  	_ =	swait.ge [sflag:s24], $0x3200  }
0xef: {  	[sflag:s24] =	ssyncset.done $0x0  }
0xf0: {  	s25 =	simm.s32 $0xA80;
	[sflag:s24] =	ssyncadd.s32 $0xFFFFCE00  }
0xf1: {  	[tilespmem:s23], [sflag:$0x1] =	stream.indirect.gather [hbm4b:s4+s26], $0x80, s25, s26, $0xb8;
	[tilespmem:$0x1FC00] =	vst v63  }
0xf2: {  	_ =	swait.ge [sflag:s6], $0x3200  }
0xf3: {  	[sflag:s6] =	ssyncset.done $0x0  }
0xf4: {  	s2 =	simm.s32 $0x1980;
	[sflag:s6] =	ssyncadd.s32 $0xFFFFCE00  }
0xf5: {  	[spmem:s1] =	stream.indirect.scatter.add.f32 [tilespmem:s29], [sflag:$0x4], $0x80, s2, s26, $0xb8;
	[tilespmem:$0x1FC00] =	vst v63  }
0xf6: {  	_ =	swait.ge [sflag:s24], $0x3200  }
0xf7: {  	[sflag:s24] =	ssyncset.done $0x0  }
0xf8: {  	s12 =	simm.s32 $0xB00;
	[sflag:s24] =	ssyncadd.s32 $0xFFFFCE00  }
0xf9: {  	[tilespmem:s29], [sflag:$0x2] =	stream.indirect.gather [hbm4b:s4+s26], $0x80, s12, s26, $0xb8;
	[tilespmem:$0x1FC00] =	vst v63  }
0xfa: {  	_ =	swait.ge [sflag:s9], $0x3200  }
0xfb: {  	[sflag:s9] =	ssyncset.done $0x0  }
0xfc: {  	s13 =	simm.s32 $0x1A00;
	[sflag:s9] =	ssyncadd.s32 $0xFFFFCE00  }
0xfd: {  	[spmem:s1] =	stream.indirect.scatter.add.f32 [tilespmem:s31], [sflag:$0x4], $0x80, s13, s26, $0xb8;
	[tilespmem:$0x1FC00] =	vst v63  }
0xfe: {  	_ =	swait.ge [sflag:s24], $0x3200  }
0xff: {  	[sflag:s24] =	ssyncset.done $0x0  }
0x100: {  	s14 =	simm.s32 $0xB80;
	[sflag:s24] =	ssyncadd.s32 $0xFFFFCE00  }
0x101: {  	[tilespmem:s31], [sflag:$0x3] =	stream.indirect.gather [hbm4b:s4+s26], $0x80, s14, s26, $0xb8;
	[tilespmem:$0x1FC00] =	vst v63  }
0x102: {  	_ =	swait.ge [sflag:s0], $0x3200  }
0x103: {  	[sflag:s0] =	ssyncset.done $0x0  }
0x104: {  	s15 =	simm.s32 $0x1A80;
	[sflag:s0] =	ssyncadd.s32 $0xFFFFCE00  }
0x105: {  	[spmem:s1] =	stream.indirect.scatter.add.f32 [tilespmem:s23], [sflag:$0x4], $0x80, s15, s26, $0xb8;
	[tilespmem:$0x1FC00] =	vst v63  }
0x106: {  	_ =	swait.ge [sflag:s24], $0x3200  }
0x107: {  	[sflag:s24] =	ssyncset.done $0x0  }
0x108: {  	s25 =	simm.s32 $0xC00;
	[sflag:s24] =	ssyncadd.s32 $0xFFFFCE00  }
0x109: {  	[tilespmem:s23], [sflag:$0x1] =	stream.indirect.gather [hbm4b:s4+s26], $0x80, s25, s26, $0xb8;
	[tilespmem:$0x1FC00] =	vst v63  }
0x10a: {  	_ =	swait.ge [sflag:s6], $0x3200  }
0x10b: {  	[sflag:s6] =	ssyncset.done $0x0  }
0x10c: {  	s2 =	simm.s32 $0x1B00;
	[sflag:s6] =	ssyncadd.s32 $0xFFFFCE00  }
0x10d: {  	[spmem:s1] =	stream.indirect.scatter.add.f32 [tilespmem:s29], [sflag:$0x4], $0x80, s2, s26, $0xb8;
	[tilespmem:$0x1FC00] =	vst v63  }
0x10e: {  	_ =	swait.ge [sflag:s24], $0x3200  }
0x10f: {  	[sflag:s24] =	ssyncset.done $0x0  }
0x110: {  	[sflag:s24] =	ssyncadd.s32 $0xFFFFCE00  }
0x111: {  	_ =	swait.ge [sflag:s9], $0x3200  }
0x112: {  	[sflag:s9] =	ssyncset.done $0x0  }
0x113: {  	s12 =	simm.s32 $0x1B80;
	[sflag:s9] =	ssyncadd.s32 $0xFFFFCE00  }
0x114: {  	[spmem:s1] =	stream.indirect.scatter.add.f32 [tilespmem:s31], [sflag:$0x4], $0x80, s12, s26, $0xb8;
	[tilespmem:$0x1FC00] =	vst v63  }
0x115: {  	_ =	swait.ge [sflag:s24], $0x3200  }
0x116: {  	[sflag:s24] =	ssyncset.done $0x0  }
0x117: {  	[sflag:s24] =	ssyncadd.s32 $0xFFFFCE00  }
0x118: {  	_ =	swait.ge [sflag:s0], $0x3200  }
0x119: {  	[sflag:s0] =	ssyncset.done $0x0  }
0x11a: {  	s13 =	simm.s32 $0x1C00;
	[sflag:s0] =	ssyncadd.s32 $0xFFFFCE00  }
0x11b: {  	[spmem:s1] =	stream.indirect.scatter.add.f32 [tilespmem:s23], [sflag:$0x4], $0x80, s13, s26, $0xb8;
	[tilespmem:$0x1FC00] =	vst v63  }
0x11c: {  	_ =	swait.ge [sflag:s24], $0x3200  }
0x11d: {  	[sflag:s24] =	ssyncset.done $0x0  }
0x11e: {  	s14 =	rddreg [dreg:$0xc];
	[sflag:s24] =	ssyncadd.s32 $0xFFFFCE00  }
0x11f: {  	[tilespmem:s16], [sflag:$0x4] =	stream.linear.gather [hbm4b:s14+s16], $0xC80, $0x38;
	[tilespmem:$0x1FC00] =	vst v63  }
0x120: {  	_ =	swait.ge [sflag:s24], $0xC80  }
0x121: {  	[sflag:s24] =	ssyncset.done $0x0  }
0x122: {  	s15 =	rddreg [dreg:$0xd];
	[sflag:s24] =	ssyncadd.s32 $0xFFFFF380  }
0x123: {  	[tilespmem:s3], [sflag:$0x4] =	stream.linear.gather [hbm4b:s15+s16], $0xC80, $0x38;
	[tilespmem:$0x1FC00] =	vst v63  }
0x124: {  	_ =	swait.ge [sflag:s24], $0xC80  }
0x125: {  	[sflag:s24] =	ssyncset.done $0x0  }
0x126: {  	[sflag:s24] =	ssyncadd.s32 $0xFFFFF380  }
0x127: {  	[tilespmem:s23], [sflag:$0x1] =	stream.indirect.gather [hbm4b:s4+s26], $0x80, s16, s26, $0xb8;
	[tilespmem:$0x1FC00] =	vst v63  }
0x128: {  	s25 =	simm.s32 $0x80  }
0x129: {  	[tilespmem:s29], [sflag:$0x2] =	stream.indirect.gather [hbm4b:s4+s26], $0x80, s25, s26, $0xb8;
	[tilespmem:$0x1FC00] =	vst v63  }
0x12a: {  	s7 =	simm.s32 $0x100  }
0x12b: {  	[tilespmem:s31], [sflag:$0x3] =	stream.indirect.gather [hbm4b:s4+s26], $0x80, s7, s26, $0xb8;
	[tilespmem:$0x1FC00] =	vst v63  }
0x12c: {  	_ =	swait.ge [sflag:s0], $0x3200  }
0x12d: {  	[sflag:s0] =	ssyncset.done $0x0  }
0x12e: {  	[sflag:s0] =	ssyncadd.s32 $0xFFFFCE00  }
0x12f: {  	[spmem:s1] =	stream.indirect.scatter.add.f32 [tilespmem:s23], [sflag:$0x4], $0x80, s3, s26, $0xb8;
	[tilespmem:$0x1FC00] =	vst v63  }
0x130: {  	_ =	swait.ge [sflag:s24], $0x3200  }
0x131: {  	[sflag:s24] =	ssyncset.done $0x0  }
0x132: {  	s5 =	simm.s32 $0x180;
	[sflag:s24] =	ssyncadd.s32 $0xFFFFCE00  }
0x133: {  	[tilespmem:s23], [sflag:$0x1] =	stream.indirect.gather [hbm4b:s4+s26], $0x80, s5, s26, $0xb8;
	[tilespmem:$0x1FC00] =	vst v63  }
0x134: {  	_ =	swait.ge [sflag:s6], $0x3200  }
0x135: {  	[sflag:s6] =	ssyncset.done $0x0  }
0x136: {  	s8 =	simm.s32 $0x1080;
	[sflag:s6] =	ssyncadd.s32 $0xFFFFCE00  }
0x137: {  	[spmem:s1] =	stream.indirect.scatter.add.f32 [tilespmem:s29], [sflag:$0x4], $0x80, s8, s26, $0xb8;
	[tilespmem:$0x1FC00] =	vst v63  }
0x138: {  	_ =	swait.ge [sflag:s24], $0x3200  }
0x139: {  	[sflag:s24] =	ssyncset.done $0x0  }
0x13a: {  	s10 =	simm.s32 $0x200;
	[sflag:s24] =	ssyncadd.s32 $0xFFFFCE00  }
0x13b: {  	[tilespmem:s29], [sflag:$0x2] =	stream.indirect.gather [hbm4b:s4+s26], $0x80, s10, s26, $0xb8;
	[tilespmem:$0x1FC00] =	vst v63  }
0x13c: {  	_ =	swait.ge [sflag:s9], $0x3200  }
0x13d: {  	[sflag:s9] =	ssyncset.done $0x0  }
0x13e: {  	s11 =	simm.s32 $0x1100;
	[sflag:s9] =	ssyncadd.s32 $0xFFFFCE00  }
0x13f: {  	[spmem:s1] =	stream.indirect.scatter.add.f32 [tilespmem:s31], [sflag:$0x4], $0x80, s11, s26, $0xb8;
	[tilespmem:$0x1FC00] =	vst v63  }
0x140: {  	_ =	swait.ge [sflag:s24], $0x3200  }
0x141: {  	[sflag:s24] =	ssyncset.done $0x0  }
0x142: {  	s2 =	simm.s32 $0x280;
	[sflag:s24] =	ssyncadd.s32 $0xFFFFCE00  }
0x143: {  	[tilespmem:s31], [sflag:$0x3] =	stream.indirect.gather [hbm4b:s4+s26], $0x80, s2, s26, $0xb8;
	[tilespmem:$0x1FC00] =	vst v63  }
0x144: {  	_ =	swait.ge [sflag:s0], $0x3200  }
0x145: {  	[sflag:s0] =	ssyncset.done $0x0  }
0x146: {  	s5 =	simm.s32 $0x1180;
	[sflag:s0] =	ssyncadd.s32 $0xFFFFCE00  }
0x147: {  	[spmem:s1] =	stream.indirect.scatter.add.f32 [tilespmem:s23], [sflag:$0x4], $0x80, s5, s26, $0xb8;
	[tilespmem:$0x1FC00] =	vst v63  }
0x148: {  	_ =	swait.ge [sflag:s24], $0x3200  }
0x149: {  	[sflag:s24] =	ssyncset.done $0x0  }
0x14a: {  	s7 =	simm.s32 $0x300;
	[sflag:s24] =	ssyncadd.s32 $0xFFFFCE00  }
0x14b: {  	[tilespmem:s23], [sflag:$0x1] =	stream.indirect.gather [hbm4b:s4+s26], $0x80, s7, s26, $0xb8;
	[tilespmem:$0x1FC00] =	vst v63  }
0x14c: {  	_ =	swait.ge [sflag:s6], $0x3200  }
0x14d: {  	[sflag:s6] =	ssyncset.done $0x0  }
0x14e: {  	s8 =	simm.s32 $0x1200;
	[sflag:s6] =	ssyncadd.s32 $0xFFFFCE00  }
0x14f: {  	[spmem:s1] =	stream.indirect.scatter.add.f32 [tilespmem:s29], [sflag:$0x4], $0x80, s8, s26, $0xb8;
	[tilespmem:$0x1FC00] =	vst v63  }
0x150: {  	_ =	swait.ge [sflag:s24], $0x3200  }
0x151: {  	[sflag:s24] =	ssyncset.done $0x0  }
0x152: {  	s10 =	simm.s32 $0x380;
	[sflag:s24] =	ssyncadd.s32 $0xFFFFCE00  }
0x153: {  	[tilespmem:s29], [sflag:$0x2] =	stream.indirect.gather [hbm4b:s4+s26], $0x80, s10, s26, $0xb8;
	[tilespmem:$0x1FC00] =	vst v63  }
0x154: {  	_ =	swait.ge [sflag:s9], $0x3200  }
0x155: {  	[sflag:s9] =	ssyncset.done $0x0  }
0x156: {  	s11 =	simm.s32 $0x1280;
	[sflag:s9] =	ssyncadd.s32 $0xFFFFCE00  }
0x157: {  	[spmem:s1] =	stream.indirect.scatter.add.f32 [tilespmem:s31], [sflag:$0x4], $0x80, s11, s26, $0xb8;
	[tilespmem:$0x1FC00] =	vst v63  }
0x158: {  	_ =	swait.ge [sflag:s24], $0x3200  }
0x159: {  	[sflag:s24] =	ssyncset.done $0x0  }
0x15a: {  	s12 =	simm.s32 $0x400;
	[sflag:s24] =	ssyncadd.s32 $0xFFFFCE00  }
0x15b: {  	[tilespmem:s31], [sflag:$0x3] =	stream.indirect.gather [hbm4b:s4+s26], $0x80, s12, s26, $0xb8;
	[tilespmem:$0x1FC00] =	vst v63  }
0x15c: {  	_ =	swait.ge [sflag:s0], $0x3200  }
0x15d: {  	[sflag:s0] =	ssyncset.done $0x0  }
0x15e: {  	s13 =	simm.s32 $0x1300;
	[sflag:s0] =	ssyncadd.s32 $0xFFFFCE00  }
0x15f: {  	[spmem:s1] =	stream.indirect.scatter.add.f32 [tilespmem:s23], [sflag:$0x4], $0x80, s13, s26, $0xb8;
	[tilespmem:$0x1FC00] =	vst v63  }
0x160: {  	_ =	swait.ge [sflag:s24], $0x3200  }
0x161: {  	[sflag:s24] =	ssyncset.done $0x0  }
0x162: {  	s14 =	simm.s32 $0x480;
	[sflag:s24] =	ssyncadd.s32 $0xFFFFCE00  }
0x163: {  	[tilespmem:s23], [sflag:$0x1] =	stream.indirect.gather [hbm4b:s4+s26], $0x80, s14, s26, $0xb8;
	[tilespmem:$0x1FC00] =	vst v63  }
0x164: {  	_ =	swait.ge [sflag:s6], $0x3200  }
0x165: {  	[sflag:s6] =	ssyncset.done $0x0  }
0x166: {  	s15 =	simm.s32 $0x1380;
	[sflag:s6] =	ssyncadd.s32 $0xFFFFCE00  }
0x167: {  	[spmem:s1] =	stream.indirect.scatter.add.f32 [tilespmem:s29], [sflag:$0x4], $0x80, s15, s26, $0xb8;
	[tilespmem:$0x1FC00] =	vst v63  }
0x168: {  	_ =	swait.ge [sflag:s24], $0x3200  }
0x169: {  	[sflag:s24] =	ssyncset.done $0x0  }
0x16a: {  	s18 =	simm.s32 $0x500;
	[sflag:s24] =	ssyncadd.s32 $0xFFFFCE00  }
0x16b: {  	[tilespmem:s29], [sflag:$0x2] =	stream.indirect.gather [hbm4b:s4+s26], $0x80, s18, s26, $0xb8;
	[tilespmem:$0x1FC00] =	vst v63  }
0x16c: {  	_ =	swait.ge [sflag:s9], $0x3200  }
0x16d: {  	[sflag:s9] =	ssyncset.done $0x0  }
0x16e: {  	s18 =	simm.s32 $0x1400;
	[sflag:s9] =	ssyncadd.s32 $0xFFFFCE00  }
0x16f: {  	[spmem:s1] =	stream.indirect.scatter.add.f32 [tilespmem:s31], [sflag:$0x4], $0x80, s18, s26, $0xb8;
	[tilespmem:$0x1FC00] =	vst v63  }
0x170: {  	_ =	swait.ge [sflag:s24], $0x3200  }
0x171: {  	[sflag:s24] =	ssyncset.done $0x0  }
0x172: {  	s18 =	simm.s32 $0x580;
	[sflag:s24] =	ssyncadd.s32 $0xFFFFCE00  }
0x173: {  	[tilespmem:s31], [sflag:$0x3] =	stream.indirect.gather [hbm4b:s4+s26], $0x80, s18, s26, $0xb8;
	[tilespmem:$0x1FC00] =	vst v63  }
0x174: {  	_ =	swait.ge [sflag:s0], $0x3200  }
0x175: {  	[sflag:s0] =	ssyncset.done $0x0  }
0x176: {  	s18 =	simm.s32 $0x1480;
	[sflag:s0] =	ssyncadd.s32 $0xFFFFCE00  }
0x177: {  	[spmem:s1] =	stream.indirect.scatter.add.f32 [tilespmem:s23], [sflag:$0x4], $0x80, s18, s26, $0xb8;
	[tilespmem:$0x1FC00] =	vst v63  }
0x178: {  	_ =	swait.ge [sflag:s24], $0x3200  }
0x179: {  	[sflag:s24] =	ssyncset.done $0x0  }
0x17a: {  	s18 =	simm.s32 $0x600;
	[sflag:s24] =	ssyncadd.s32 $0xFFFFCE00  }
0x17b: {  	[tilespmem:s23], [sflag:$0x1] =	stream.indirect.gather [hbm4b:s4+s26], $0x80, s18, s26, $0xb8;
	[tilespmem:$0x1FC00] =	vst v63  }
0x17c: {  	_ =	swait.ge [sflag:s6], $0x3200  }
0x17d: {  	[sflag:s6] =	ssyncset.done $0x0  }
0x17e: {  	s18 =	simm.s32 $0x1500;
	[sflag:s6] =	ssyncadd.s32 $0xFFFFCE00  }
0x17f: {  	[spmem:s1] =	stream.indirect.scatter.add.f32 [tilespmem:s29], [sflag:$0x4], $0x80, s18, s26, $0xb8;
	[tilespmem:$0x1FC00] =	vst v63  }
0x180: {  	_ =	swait.ge [sflag:s24], $0x3200  }
0x181: {  	[sflag:s24] =	ssyncset.done $0x0  }
0x182: {  	s18 =	simm.s32 $0x680;
	[sflag:s24] =	ssyncadd.s32 $0xFFFFCE00  }
0x183: {  	[tilespmem:s29], [sflag:$0x2] =	stream.indirect.gather [hbm4b:s4+s26], $0x80, s18, s26, $0xb8;
	[tilespmem:$0x1FC00] =	vst v63  }
0x184: {  	_ =	swait.ge [sflag:s9], $0x3200  }
0x185: {  	[sflag:s9] =	ssyncset.done $0x0  }
0x186: {  	s18 =	simm.s32 $0x1580;
	[sflag:s9] =	ssyncadd.s32 $0xFFFFCE00  }
0x187: {  	[spmem:s1] =	stream.indirect.scatter.add.f32 [tilespmem:s31], [sflag:$0x4], $0x80, s18, s26, $0xb8;
	[tilespmem:$0x1FC00] =	vst v63  }
0x188: {  	_ =	swait.ge [sflag:s24], $0x3200  }
0x189: {  	[sflag:s24] =	ssyncset.done $0x0  }
0x18a: {  	s18 =	simm.s32 $0x700;
	[sflag:s24] =	ssyncadd.s32 $0xFFFFCE00  }
0x18b: {  	[tilespmem:s31], [sflag:$0x3] =	stream.indirect.gather [hbm4b:s4+s26], $0x80, s18, s26, $0xb8;
	[tilespmem:$0x1FC00] =	vst v63  }
0x18c: {  	_ =	swait.ge [sflag:s0], $0x3200  }
0x18d: {  	[sflag:s0] =	ssyncset.done $0x0  }
0x18e: {  	s18 =	simm.s32 $0x1600;
	[sflag:s0] =	ssyncadd.s32 $0xFFFFCE00  }
0x18f: {  	[spmem:s1] =	stream.indirect.scatter.add.f32 [tilespmem:s23], [sflag:$0x4], $0x80, s18, s26, $0xb8;
	[tilespmem:$0x1FC00] =	vst v63  }
0x190: {  	_ =	swait.ge [sflag:s24], $0x3200  }
0x191: {  	[sflag:s24] =	ssyncset.done $0x0  }
0x192: {  	s18 =	simm.s32 $0x780;
	[sflag:s24] =	ssyncadd.s32 $0xFFFFCE00  }
0x193: {  	[tilespmem:s23], [sflag:$0x1] =	stream.indirect.gather [hbm4b:s4+s26], $0x80, s18, s26, $0xb8;
	[tilespmem:$0x1FC00] =	vst v63  }
0x194: {  	_ =	swait.ge [sflag:s6], $0x3200  }
0x195: {  	[sflag:s6] =	ssyncset.done $0x0  }
0x196: {  	s18 =	simm.s32 $0x1680;
	[sflag:s6] =	ssyncadd.s32 $0xFFFFCE00  }
0x197: {  	[spmem:s1] =	stream.indirect.scatter.add.f32 [tilespmem:s29], [sflag:$0x4], $0x80, s18, s26, $0xb8;
	[tilespmem:$0x1FC00] =	vst v63  }
0x198: {  	_ =	swait.ge [sflag:s24], $0x3200  }
0x199: {  	[sflag:s24] =	ssyncset.done $0x0  }
0x19a: {  	s19 =	simm.s32 $0x800;
	[sflag:s24] =	ssyncadd.s32 $0xFFFFCE00  }
0x19b: {  	[tilespmem:s29], [sflag:$0x2] =	stream.indirect.gather [hbm4b:s4+s26], $0x80, s19, s26, $0xb8;
	[tilespmem:$0x1FC00] =	vst v63  }
0x19c: {  	_ =	swait.ge [sflag:s9], $0x3200  }
0x19d: {  	[sflag:s9] =	ssyncset.done $0x0  }
0x19e: {  	s20 =	simm.s32 $0x1700;
	[sflag:s9] =	ssyncadd.s32 $0xFFFFCE00  }
0x19f: {  	[spmem:s1] =	stream.indirect.scatter.add.f32 [tilespmem:s31], [sflag:$0x4], $0x80, s20, s26, $0xb8;
	[tilespmem:$0x1FC00] =	vst v63  }
0x1a0: {  	_ =	swait.ge [sflag:s24], $0x3200  }
0x1a1: {  	[sflag:s24] =	ssyncset.done $0x0  }
0x1a2: {  	s21 =	simm.s32 $0x880;
	[sflag:s24] =	ssyncadd.s32 $0xFFFFCE00  }
0x1a3: {  	[tilespmem:s31], [sflag:$0x3] =	stream.indirect.gather [hbm4b:s4+s26], $0x80, s21, s26, $0xb8;
	[tilespmem:$0x1FC00] =	vst v63  }
0x1a4: {  	_ =	swait.ge [sflag:s0], $0x3200  }
0x1a5: {  	[sflag:s0] =	ssyncset.done $0x0  }
0x1a6: {  	s22 =	simm.s32 $0x1780;
	[sflag:s0] =	ssyncadd.s32 $0xFFFFCE00  }
0x1a7: {  	[spmem:s1] =	stream.indirect.scatter.add.f32 [tilespmem:s23], [sflag:$0x4], $0x80, s22, s26, $0xb8;
	[tilespmem:$0x1FC00] =	vst v63  }
0x1a8: {  	_ =	swait.ge [sflag:s24], $0x3200  }
0x1a9: {  	[sflag:s24] =	ssyncset.done $0x0  }
0x1aa: {  	s28 =	simm.s32 $0x900;
	[sflag:s24] =	ssyncadd.s32 $0xFFFFCE00  }
0x1ab: {  	[tilespmem:s23], [sflag:$0x1] =	stream.indirect.gather [hbm4b:s4+s26], $0x80, s28, s26, $0xb8;
	[tilespmem:$0x1FC00] =	vst v63  }
0x1ac: {  	_ =	swait.ge [sflag:s6], $0x3200  }
0x1ad: {  	[sflag:s6] =	ssyncset.done $0x0  }
0x1ae: {  	s30 =	simm.s32 $0x1800;
	[sflag:s6] =	ssyncadd.s32 $0xFFFFCE00  }
0x1af: {  	[spmem:s1] =	stream.indirect.scatter.add.f32 [tilespmem:s29], [sflag:$0x4], $0x80, s30, s26, $0xb8;
	[tilespmem:$0x1FC00] =	vst v63  }
0x1b0: {  	_ =	swait.ge [sflag:s24], $0x3200  }
0x1b1: {  	[sflag:s24] =	ssyncset.done $0x0  }
0x1b2: {  	s20 =	simm.s32 $0x980;
	[sflag:s24] =	ssyncadd.s32 $0xFFFFCE00  }
0x1b3: {  	[tilespmem:s29], [sflag:$0x2] =	stream.indirect.gather [hbm4b:s4+s26], $0x80, s20, s26, $0xb8;
	[tilespmem:$0x1FC00] =	vst v63  }
0x1b4: {  	_ =	swait.ge [sflag:s9], $0x3200  }
0x1b5: {  	[sflag:s9] =	ssyncset.done $0x0  }
0x1b6: {  	s21 =	simm.s32 $0x1880;
	[sflag:s9] =	ssyncadd.s32 $0xFFFFCE00  }
0x1b7: {  	[spmem:s1] =	stream.indirect.scatter.add.f32 [tilespmem:s31], [sflag:$0x4], $0x80, s21, s26, $0xb8;
	[tilespmem:$0x1FC00] =	vst v63  }
0x1b8: {  	_ =	swait.ge [sflag:s24], $0x3200  }
0x1b9: {  	[sflag:s24] =	ssyncset.done $0x0  }
0x1ba: {  	s22 =	simm.s32 $0xA00;
	[sflag:s24] =	ssyncadd.s32 $0xFFFFCE00  }
0x1bb: {  	[tilespmem:s31], [sflag:$0x3] =	stream.indirect.gather [hbm4b:s4+s26], $0x80, s22, s26, $0xb8;
	[tilespmem:$0x1FC00] =	vst v63  }
0x1bc: {  	_ =	swait.ge [sflag:s0], $0x3200  }
0x1bd: {  	[sflag:s0] =	ssyncset.done $0x0  }
0x1be: {  	s28 =	simm.s32 $0x1900;
	[sflag:s0] =	ssyncadd.s32 $0xFFFFCE00  }
0x1bf: {  	[spmem:s1] =	stream.indirect.scatter.add.f32 [tilespmem:s23], [sflag:$0x4], $0x80, s28, s26, $0xb8;
	[tilespmem:$0x1FC00] =	vst v63  }
0x1c0: {  	_ =	swait.ge [sflag:s24], $0x3200  }
0x1c1: {  	[sflag:s24] =	ssyncset.done $0x0  }
0x1c2: {  	s30 =	simm.s32 $0xA80;
	[sflag:s24] =	ssyncadd.s32 $0xFFFFCE00  }
0x1c3: {  	[tilespmem:s23], [sflag:$0x1] =	stream.indirect.gather [hbm4b:s4+s26], $0x80, s30, s26, $0xb8;
	[tilespmem:$0x1FC00] =	vst v63  }
0x1c4: {  	_ =	swait.ge [sflag:s6], $0x3200  }
0x1c5: {  	[sflag:s6] =	ssyncset.done $0x0  }
0x1c6: {  	s19 =	simm.s32 $0x1980;
	[sflag:s6] =	ssyncadd.s32 $0xFFFFCE00  }
0x1c7: {  	[spmem:s1] =	stream.indirect.scatter.add.f32 [tilespmem:s29], [sflag:$0x4], $0x80, s19, s26, $0xb8;
	[tilespmem:$0x1FC00] =	vst v63  }
0x1c8: {  	_ =	swait.ge [sflag:s24], $0x3200  }
0x1c9: {  	[sflag:s24] =	ssyncset.done $0x0  }
0x1ca: {  	s20 =	simm.s32 $0xB00;
	[sflag:s24] =	ssyncadd.s32 $0xFFFFCE00  }
0x1cb: {  	[tilespmem:s29], [sflag:$0x2] =	stream.indirect.gather [hbm4b:s4+s26], $0x80, s20, s26, $0xb8;
	[tilespmem:$0x1FC00] =	vst v63  }
0x1cc: {  	_ =	swait.ge [sflag:s9], $0x3200  }
0x1cd: {  	[sflag:s9] =	ssyncset.done $0x0  }
0x1ce: {  	s21 =	simm.s32 $0x1A00;
	[sflag:s9] =	ssyncadd.s32 $0xFFFFCE00  }
0x1cf: {  	[spmem:s1] =	stream.indirect.scatter.add.f32 [tilespmem:s31], [sflag:$0x4], $0x80, s21, s26, $0xb8;
	[tilespmem:$0x1FC00] =	vst v63  }
0x1d0: {  	_ =	swait.ge [sflag:s24], $0x3200  }
0x1d1: {  	[sflag:s24] =	ssyncset.done $0x0  }
0x1d2: {  	s22 =	simm.s32 $0xB80;
	[sflag:s24] =	ssyncadd.s32 $0xFFFFCE00  }
0x1d3: {  	[tilespmem:s31], [sflag:$0x3] =	stream.indirect.gather [hbm4b:s4+s26], $0x80, s22, s26, $0xb8;
	[tilespmem:$0x1FC00] =	vst v63  }
0x1d4: {  	_ =	swait.ge [sflag:s0], $0x3200  }
0x1d5: {  	[sflag:s0] =	ssyncset.done $0x0  }
0x1d6: {  	s28 =	simm.s32 $0x1A80;
	[sflag:s0] =	ssyncadd.s32 $0xFFFFCE00  }
0x1d7: {  	[spmem:s1] =	stream.indirect.scatter.add.f32 [tilespmem:s23], [sflag:$0x4], $0x80, s28, s26, $0xb8;
	[tilespmem:$0x1FC00] =	vst v63  }
0x1d8: {  	_ =	swait.ge [sflag:s24], $0x3200  }
0x1d9: {  	[sflag:s24] =	ssyncset.done $0x0  }
0x1da: {  	s30 =	simm.s32 $0xC00;
	[sflag:s24] =	ssyncadd.s32 $0xFFFFCE00  }
0x1db: {  	[tilespmem:s23], [sflag:$0x1] =	stream.indirect.gather [hbm4b:s4+s26], $0x80, s30, s26, $0xb8;
	[tilespmem:$0x1FC00] =	vst v63  }
0x1dc: {  	_ =	swait.ge [sflag:s6], $0x3200  }
0x1dd: {  	[sflag:s6] =	ssyncset.done $0x0  }
0x1de: {  	s19 =	simm.s32 $0x1B00;
	[sflag:s6] =	ssyncadd.s32 $0xFFFFCE00  }
0x1df: {  	[spmem:s1] =	stream.indirect.scatter.add.f32 [tilespmem:s29], [sflag:$0x4], $0x80, s19, s26, $0xb8;
	[tilespmem:$0x1FC00] =	vst v63  }
0x1e0: {  	_ =	swait.ge [sflag:s24], $0x3200  }
0x1e1: {  	[sflag:s24] =	ssyncset.done $0x0  }
0x1e2: {  	[sflag:s24] =	ssyncadd.s32 $0xFFFFCE00  }
0x1e3: {  	_ =	swait.ge [sflag:s9], $0x3200  }
0x1e4: {  	[sflag:s9] =	ssyncset.done $0x0  }
0x1e5: {  	s20 =	simm.s32 $0x1B80;
	[sflag:s9] =	ssyncadd.s32 $0xFFFFCE00  }
0x1e6: {  	[spmem:s1] =	stream.indirect.scatter.add.f32 [tilespmem:s31], [sflag:$0x4], $0x80, s20, s26, $0xb8;
	[tilespmem:$0x1FC00] =	vst v63  }
0x1e7: {  	_ =	swait.ge [sflag:s24], $0x3200  }
0x1e8: {  	[sflag:s24] =	ssyncset.done $0x0  }
0x1e9: {  	[sflag:s24] =	ssyncadd.s32 $0xFFFFCE00  }
0x1ea: {  	_ =	swait.ge [sflag:s0], $0x3200  }
0x1eb: {  	[sflag:s0] =	ssyncset.done $0x0  }
0x1ec: {  	s21 =	simm.s32 $0x1C00;
	[sflag:s0] =	ssyncadd.s32 $0xFFFFCE00  }
0x1ed: {  	[spmem:s1] =	stream.indirect.scatter.add.f32 [tilespmem:s23], [sflag:$0x4], $0x80, s21, s26, $0xb8;
	[tilespmem:$0x1FC00] =	vst v63  }
0x1ee: {  	_ =	swait.ge [sflag:s24], $0x3200  }
0x1ef: {  	[sflag:s24] =	ssyncset.done $0x0  }
0x1f0: {  	s22 =	rddreg [dreg:$0xe];
	[sflag:s24] =	ssyncadd.s32 $0xFFFFCE00  }
0x1f1: {  	[tilespmem:s16], [sflag:$0x4] =	stream.linear.gather [hbm4b:s22+s16], $0xC80, $0x38;
	[tilespmem:$0x1FC00] =	vst v63  }
0x1f2: {  	_ =	swait.ge [sflag:s24], $0xC80  }
0x1f3: {  	[sflag:s24] =	ssyncset.done $0x0  }
0x1f4: {  	s28 =	rddreg [dreg:$0xf];
	[sflag:s24] =	ssyncadd.s32 $0xFFFFF380  }
0x1f5: {  	[tilespmem:s3], [sflag:$0x4] =	stream.linear.gather [hbm4b:s28+s16], $0xC80, $0x38;
	[tilespmem:$0x1FC00] =	vst v63  }
0x1f6: {  	_ =	swait.ge [sflag:s24], $0xC80  }
0x1f7: {  	[sflag:s24] =	ssyncset.done $0x0  }
0x1f8: {  	[sflag:s24] =	ssyncadd.s32 $0xFFFFF380  }
0x1f9: {  	[tilespmem:s23], [sflag:$0x1] =	stream.indirect.gather [hbm4b:s4+s26], $0x80, s16, s26, $0xb8;
	[tilespmem:$0x1FC00] =	vst v63  }
0x1fa: {  	_ = 	snop  }
0x1fb: {  	[tilespmem:s29], [sflag:$0x2] =	stream.indirect.gather [hbm4b:s4+s26], $0x80, s25, s26, $0xb8;
	[tilespmem:$0x1FC00] =	vst v63  }
0x1fc: {  	s30 =	simm.s32 $0x100  }
0x1fd: {  	[tilespmem:s31], [sflag:$0x3] =	stream.indirect.gather [hbm4b:s4+s26], $0x80, s30, s26, $0xb8;
	[tilespmem:$0x1FC00] =	vst v63  }
0x1fe: {  	_ =	swait.ge [sflag:s0], $0x3200  }
0x1ff: {  	[sflag:s0] =	ssyncset.done $0x0  }
0x200: {  	[sflag:s0] =	ssyncadd.s32 $0xFFFFCE00  }
0x201: {  	[spmem:s1] =	stream.indirect.scatter.add.f32 [tilespmem:s23], [sflag:$0x4], $0x80, s3, s26, $0xb8;
	[tilespmem:$0x1FC00] =	vst v63  }
0x202: {  	_ =	swait.ge [sflag:s24], $0x3200  }
0x203: {  	[sflag:s24] =	ssyncset.done $0x0  }
0x204: {  	s20 =	simm.s32 $0x180;
	[sflag:s24] =	ssyncadd.s32 $0xFFFFCE00  }
0x205: {  	[tilespmem:s23], [sflag:$0x1] =	stream.indirect.gather [hbm4b:s4+s26], $0x80, s20, s26, $0xb8;
	[tilespmem:$0x1FC00] =	vst v63  }
0x206: {  	_ =	swait.ge [sflag:s6], $0x3200  }
0x207: {  	[sflag:s6] =	ssyncset.done $0x0  }
0x208: {  	s21 =	simm.s32 $0x1080;
	[sflag:s6] =	ssyncadd.s32 $0xFFFFCE00  }
0x209: {  	[spmem:s1] =	stream.indirect.scatter.add.f32 [tilespmem:s29], [sflag:$0x4], $0x80, s21, s26, $0xb8;
	[tilespmem:$0x1FC00] =	vst v63  }
0x20a: {  	_ =	swait.ge [sflag:s24], $0x3200  }
0x20b: {  	[sflag:s24] =	ssyncset.done $0x0  }
0x20c: {  	s22 =	simm.s32 $0x200;
	[sflag:s24] =	ssyncadd.s32 $0xFFFFCE00  }
0x20d: {  	[tilespmem:s29], [sflag:$0x2] =	stream.indirect.gather [hbm4b:s4+s26], $0x80, s22, s26, $0xb8;
	[tilespmem:$0x1FC00] =	vst v63  }
0x20e: {  	_ =	swait.ge [sflag:s9], $0x3200  }
0x20f: {  	[sflag:s9] =	ssyncset.done $0x0  }
0x210: {  	s25 =	simm.s32 $0x1100;
	[sflag:s9] =	ssyncadd.s32 $0xFFFFCE00  }
0x211: {  	[spmem:s1] =	stream.indirect.scatter.add.f32 [tilespmem:s31], [sflag:$0x4], $0x80, s25, s26, $0xb8;
	[tilespmem:$0x1FC00] =	vst v63  }
0x212: {  	_ =	swait.ge [sflag:s24], $0x3200  }
0x213: {  	[sflag:s24] =	ssyncset.done $0x0  }
0x214: {  	[sflag:s24] =	ssyncadd.s32 $0xFFFFCE00  }
0x215: {  	[tilespmem:s31], [sflag:$0x3] =	stream.indirect.gather [hbm4b:s4+s26], $0x80, s2, s26, $0xb8;
	[tilespmem:$0x1FC00] =	vst v63  }
0x216: {  	_ =	swait.ge [sflag:s0], $0x3200  }
0x217: {  	[sflag:s0] =	ssyncset.done $0x0  }
0x218: {  	[sflag:s0] =	ssyncadd.s32 $0xFFFFCE00  }
0x219: {  	[spmem:s1] =	stream.indirect.scatter.add.f32 [tilespmem:s23], [sflag:$0x4], $0x80, s5, s26, $0xb8;
	[tilespmem:$0x1FC00] =	vst v63  }
0x21a: {  	_ =	swait.ge [sflag:s24], $0x3200  }
0x21b: {  	[sflag:s24] =	ssyncset.done $0x0  }
0x21c: {  	[sflag:s24] =	ssyncadd.s32 $0xFFFFCE00  }
0x21d: {  	[tilespmem:s23], [sflag:$0x1] =	stream.indirect.gather [hbm4b:s4+s26], $0x80, s7, s26, $0xb8;
	[tilespmem:$0x1FC00] =	vst v63  }
0x21e: {  	_ =	swait.ge [sflag:s6], $0x3200  }
0x21f: {  	[sflag:s6] =	ssyncset.done $0x0  }
0x220: {  	[sflag:s6] =	ssyncadd.s32 $0xFFFFCE00  }
0x221: {  	[spmem:s1] =	stream.indirect.scatter.add.f32 [tilespmem:s29], [sflag:$0x4], $0x80, s8, s26, $0xb8;
	[tilespmem:$0x1FC00] =	vst v63  }
0x222: {  	_ =	swait.ge [sflag:s24], $0x3200  }
0x223: {  	[sflag:s24] =	ssyncset.done $0x0  }
0x224: {  	[sflag:s24] =	ssyncadd.s32 $0xFFFFCE00  }
0x225: {  	[tilespmem:s29], [sflag:$0x2] =	stream.indirect.gather [hbm4b:s4+s26], $0x80, s10, s26, $0xb8;
	[tilespmem:$0x1FC00] =	vst v63  }
0x226: {  	_ =	swait.ge [sflag:s9], $0x3200  }
0x227: {  	[sflag:s9] =	ssyncset.done $0x0  }
0x228: {  	[sflag:s9] =	ssyncadd.s32 $0xFFFFCE00  }
0x229: {  	[spmem:s1] =	stream.indirect.scatter.add.f32 [tilespmem:s31], [sflag:$0x4], $0x80, s11, s26, $0xb8;
	[tilespmem:$0x1FC00] =	vst v63  }
0x22a: {  	_ =	swait.ge [sflag:s24], $0x3200  }
0x22b: {  	[sflag:s24] =	ssyncset.done $0x0  }
0x22c: {  	[sflag:s24] =	ssyncadd.s32 $0xFFFFCE00  }
0x22d: {  	[tilespmem:s31], [sflag:$0x3] =	stream.indirect.gather [hbm4b:s4+s26], $0x80, s12, s26, $0xb8;
	[tilespmem:$0x1FC00] =	vst v63  }
0x22e: {  	_ =	swait.ge [sflag:s0], $0x3200  }
0x22f: {  	[sflag:s0] =	ssyncset.done $0x0  }
0x230: {  	[sflag:s0] =	ssyncadd.s32 $0xFFFFCE00  }
0x231: {  	[spmem:s1] =	stream.indirect.scatter.add.f32 [tilespmem:s23], [sflag:$0x4], $0x80, s13, s26, $0xb8;
	[tilespmem:$0x1FC00] =	vst v63  }
0x232: {  	_ =	swait.ge [sflag:s24], $0x3200  }
0x233: {  	[sflag:s24] =	ssyncset.done $0x0  }
0x234: {  	[sflag:s24] =	ssyncadd.s32 $0xFFFFCE00  }
0x235: {  	[tilespmem:s23], [sflag:$0x1] =	stream.indirect.gather [hbm4b:s4+s26], $0x80, s14, s26, $0xb8;
	[tilespmem:$0x1FC00] =	vst v63  }
0x236: {  	_ =	swait.ge [sflag:s6], $0x3200  }
0x237: {  	[sflag:s6] =	ssyncset.done $0x0  }
0x238: {  	[sflag:s6] =	ssyncadd.s32 $0xFFFFCE00  }
0x239: {  	[spmem:s1] =	stream.indirect.scatter.add.f32 [tilespmem:s29], [sflag:$0x4], $0x80, s15, s26, $0xb8;
	[tilespmem:$0x1FC00] =	vst v63  }
0x23a: {  	_ =	swait.ge [sflag:s24], $0x3200  }
0x23b: {  	[sflag:s24] =	ssyncset.done $0x0  }
0x23c: {  	s28 =	simm.s32 $0x500;
	[sflag:s24] =	ssyncadd.s32 $0xFFFFCE00  }
0x23d: {  	[tilespmem:s29], [sflag:$0x2] =	stream.indirect.gather [hbm4b:s4+s26], $0x80, s28, s26, $0xb8;
	[tilespmem:$0x1FC00] =	vst v63  }
0x23e: {  	_ =	swait.ge [sflag:s9], $0x3200  }
0x23f: {  	[sflag:s9] =	ssyncset.done $0x0  }
0x240: {  	s30 =	simm.s32 $0x1400;
	[sflag:s9] =	ssyncadd.s32 $0xFFFFCE00  }
0x241: {  	[spmem:s1] =	stream.indirect.scatter.add.f32 [tilespmem:s31], [sflag:$0x4], $0x80, s30, s26, $0xb8;
	[tilespmem:$0x1FC00] =	vst v63  }
0x242: {  	_ =	swait.ge [sflag:s24], $0x3200  }
0x243: {  	[sflag:s24] =	ssyncset.done $0x0  }
0x244: {  	s20 =	simm.s32 $0x580;
	[sflag:s24] =	ssyncadd.s32 $0xFFFFCE00  }
0x245: {  	[tilespmem:s31], [sflag:$0x3] =	stream.indirect.gather [hbm4b:s4+s26], $0x80, s20, s26, $0xb8;
	[tilespmem:$0x1FC00] =	vst v63  }
0x246: {  	_ =	swait.ge [sflag:s0], $0x3200  }
0x247: {  	[sflag:s0] =	ssyncset.done $0x0  }
0x248: {  	s21 =	simm.s32 $0x1480;
	[sflag:s0] =	ssyncadd.s32 $0xFFFFCE00  }
0x249: {  	[spmem:s1] =	stream.indirect.scatter.add.f32 [tilespmem:s23], [sflag:$0x4], $0x80, s21, s26, $0xb8;
	[tilespmem:$0x1FC00] =	vst v63  }
0x24a: {  	_ =	swait.ge [sflag:s24], $0x3200  }
0x24b: {  	[sflag:s24] =	ssyncset.done $0x0  }
0x24c: {  	s22 =	simm.s32 $0x600;
	[sflag:s24] =	ssyncadd.s32 $0xFFFFCE00  }
0x24d: {  	[tilespmem:s23], [sflag:$0x1] =	stream.indirect.gather [hbm4b:s4+s26], $0x80, s22, s26, $0xb8;
	[tilespmem:$0x1FC00] =	vst v63  }
0x24e: {  	_ =	swait.ge [sflag:s6], $0x3200  }
0x24f: {  	[sflag:s6] =	ssyncset.done $0x0  }
0x250: {  	s28 =	simm.s32 $0x1500;
	[sflag:s6] =	ssyncadd.s32 $0xFFFFCE00  }
0x251: {  	[spmem:s1] =	stream.indirect.scatter.add.f32 [tilespmem:s29], [sflag:$0x4], $0x80, s28, s26, $0xb8;
	[tilespmem:$0x1FC00] =	vst v63  }
0x252: {  	_ =	swait.ge [sflag:s24], $0x3200  }
0x253: {  	[sflag:s24] =	ssyncset.done $0x0  }
0x254: {  	s30 =	simm.s32 $0x680;
	[sflag:s24] =	ssyncadd.s32 $0xFFFFCE00  }
0x255: {  	[tilespmem:s29], [sflag:$0x2] =	stream.indirect.gather [hbm4b:s4+s26], $0x80, s30, s26, $0xb8;
	[tilespmem:$0x1FC00] =	vst v63  }
0x256: {  	_ =	swait.ge [sflag:s9], $0x3200  }
0x257: {  	[sflag:s9] =	ssyncset.done $0x0  }
0x258: {  	s18 =	simm.s32 $0x1580;
	[sflag:s9] =	ssyncadd.s32 $0xFFFFCE00  }
0x259: {  	[spmem:s1] =	stream.indirect.scatter.add.f32 [tilespmem:s31], [sflag:$0x4], $0x80, s18, s26, $0xb8;
	[tilespmem:$0x1FC00] =	vst v63  }
0x25a: {  	_ =	swait.ge [sflag:s24], $0x3200  }
0x25b: {  	[sflag:s24] =	ssyncset.done $0x0  }
0x25c: {  	s18 =	simm.s32 $0x700;
	[sflag:s24] =	ssyncadd.s32 $0xFFFFCE00  }
0x25d: {  	[tilespmem:s31], [sflag:$0x3] =	stream.indirect.gather [hbm4b:s4+s26], $0x80, s18, s26, $0xb8;
	[tilespmem:$0x1FC00] =	vst v63  }
0x25e: {  	_ =	swait.ge [sflag:s0], $0x3200  }
0x25f: {  	[sflag:s0] =	ssyncset.done $0x0  }
0x260: {  	s18 =	simm.s32 $0x1600;
	[sflag:s0] =	ssyncadd.s32 $0xFFFFCE00  }
0x261: {  	[spmem:s1] =	stream.indirect.scatter.add.f32 [tilespmem:s23], [sflag:$0x4], $0x80, s18, s26, $0xb8;
	[tilespmem:$0x1FC00] =	vst v63  }
0x262: {  	_ =	swait.ge [sflag:s24], $0x3200  }
0x263: {  	[sflag:s24] =	ssyncset.done $0x0  }
0x264: {  	s18 =	simm.s32 $0x780;
	[sflag:s24] =	ssyncadd.s32 $0xFFFFCE00  }
0x265: {  	[tilespmem:s23], [sflag:$0x1] =	stream.indirect.gather [hbm4b:s4+s26], $0x80, s18, s26, $0xb8;
	[tilespmem:$0x1FC00] =	vst v63  }
0x266: {  	_ =	swait.ge [sflag:s6], $0x3200  }
0x267: {  	[sflag:s6] =	ssyncset.done $0x0  }
0x268: {  	s18 =	simm.s32 $0x1680;
	[sflag:s6] =	ssyncadd.s32 $0xFFFFCE00  }
0x269: {  	[spmem:s1] =	stream.indirect.scatter.add.f32 [tilespmem:s29], [sflag:$0x4], $0x80, s18, s26, $0xb8;
	[tilespmem:$0x1FC00] =	vst v63  }
0x26a: {  	_ =	swait.ge [sflag:s24], $0x3200  }
0x26b: {  	[sflag:s24] =	ssyncset.done $0x0  }
0x26c: {  	s18 =	simm.s32 $0x800;
	[sflag:s24] =	ssyncadd.s32 $0xFFFFCE00  }
0x26d: {  	[tilespmem:s29], [sflag:$0x2] =	stream.indirect.gather [hbm4b:s4+s26], $0x80, s18, s26, $0xb8;
	[tilespmem:$0x1FC00] =	vst v63  }
0x26e: {  	_ =	swait.ge [sflag:s9], $0x3200  }
0x26f: {  	[sflag:s9] =	ssyncset.done $0x0  }
0x270: {  	s18 =	simm.s32 $0x1700;
	[sflag:s9] =	ssyncadd.s32 $0xFFFFCE00  }
0x271: {  	[spmem:s1] =	stream.indirect.scatter.add.f32 [tilespmem:s31], [sflag:$0x4], $0x80, s18, s26, $0xb8;
	[tilespmem:$0x1FC00] =	vst v63  }
0x272: {  	_ =	swait.ge [sflag:s24], $0x3200  }
0x273: {  	[sflag:s24] =	ssyncset.done $0x0  }
0x274: {  	s18 =	simm.s32 $0x880;
	[sflag:s24] =	ssyncadd.s32 $0xFFFFCE00  }
0x275: {  	[tilespmem:s31], [sflag:$0x3] =	stream.indirect.gather [hbm4b:s4+s26], $0x80, s18, s26, $0xb8;
	[tilespmem:$0x1FC00] =	vst v63  }
0x276: {  	_ =	swait.ge [sflag:s0], $0x3200  }
0x277: {  	[sflag:s0] =	ssyncset.done $0x0  }
0x278: {  	s18 =	simm.s32 $0x1780;
	[sflag:s0] =	ssyncadd.s32 $0xFFFFCE00  }
0x279: {  	[spmem:s1] =	stream.indirect.scatter.add.f32 [tilespmem:s23], [sflag:$0x4], $0x80, s18, s26, $0xb8;
	[tilespmem:$0x1FC00] =	vst v63  }
0x27a: {  	_ =	swait.ge [sflag:s24], $0x3200  }
0x27b: {  	[sflag:s24] =	ssyncset.done $0x0  }
0x27c: {  	s18 =	simm.s32 $0x900;
	[sflag:s24] =	ssyncadd.s32 $0xFFFFCE00  }
0x27d: {  	[tilespmem:s23], [sflag:$0x1] =	stream.indirect.gather [hbm4b:s4+s26], $0x80, s18, s26, $0xb8;
	[tilespmem:$0x1FC00] =	vst v63  }
0x27e: {  	_ =	swait.ge [sflag:s6], $0x3200  }
0x27f: {  	[sflag:s6] =	ssyncset.done $0x0  }
0x280: {  	s18 =	simm.s32 $0x1800;
	[sflag:s6] =	ssyncadd.s32 $0xFFFFCE00  }
0x281: {  	[spmem:s1] =	stream.indirect.scatter.add.f32 [tilespmem:s29], [sflag:$0x4], $0x80, s18, s26, $0xb8;
	[tilespmem:$0x1FC00] =	vst v63  }
0x282: {  	_ =	swait.ge [sflag:s24], $0x3200  }
0x283: {  	[sflag:s24] =	ssyncset.done $0x0  }
0x284: {  	s18 =	simm.s32 $0x980;
	[sflag:s24] =	ssyncadd.s32 $0xFFFFCE00  }
0x285: {  	[tilespmem:s29], [sflag:$0x2] =	stream.indirect.gather [hbm4b:s4+s26], $0x80, s18, s26, $0xb8;
	[tilespmem:$0x1FC00] =	vst v63  }
0x286: {  	_ =	swait.ge [sflag:s9], $0x3200  }
0x287: {  	[sflag:s9] =	ssyncset.done $0x0  }
0x288: {  	s18 =	simm.s32 $0x1880;
	[sflag:s9] =	ssyncadd.s32 $0xFFFFCE00  }
0x289: {  	[spmem:s1] =	stream.indirect.scatter.add.f32 [tilespmem:s31], [sflag:$0x4], $0x80, s18, s26, $0xb8;
	[tilespmem:$0x1FC00] =	vst v63  }
0x28a: {  	_ =	swait.ge [sflag:s24], $0x3200  }
0x28b: {  	[sflag:s24] =	ssyncset.done $0x0  }
0x28c: {  	s18 =	simm.s32 $0xA00;
	[sflag:s24] =	ssyncadd.s32 $0xFFFFCE00  }
0x28d: {  	[tilespmem:s31], [sflag:$0x3] =	stream.indirect.gather [hbm4b:s4+s26], $0x80, s18, s26, $0xb8;
	[tilespmem:$0x1FC00] =	vst v63  }
0x28e: {  	_ =	swait.ge [sflag:s0], $0x3200  }
0x28f: {  	[sflag:s0] =	ssyncset.done $0x0  }
0x290: {  	s18 =	simm.s32 $0x1900;
	[sflag:s0] =	ssyncadd.s32 $0xFFFFCE00  }
0x291: {  	[spmem:s1] =	stream.indirect.scatter.add.f32 [tilespmem:s23], [sflag:$0x4], $0x80, s18, s26, $0xb8;
	[tilespmem:$0x1FC00] =	vst v63  }
0x292: {  	_ =	swait.ge [sflag:s24], $0x3200  }
0x293: {  	[sflag:s24] =	ssyncset.done $0x0  }
0x294: {  	s18 =	simm.s32 $0xA80;
	[sflag:s24] =	ssyncadd.s32 $0xFFFFCE00  }
0x295: {  	[tilespmem:s23], [sflag:$0x1] =	stream.indirect.gather [hbm4b:s4+s26], $0x80, s18, s26, $0xb8;
	[tilespmem:$0x1FC00] =	vst v63  }
0x296: {  	_ =	swait.ge [sflag:s6], $0x3200  }
0x297: {  	[sflag:s6] =	ssyncset.done $0x0  }
0x298: {  	s18 =	simm.s32 $0x1980;
	[sflag:s6] =	ssyncadd.s32 $0xFFFFCE00  }
0x299: {  	[spmem:s1] =	stream.indirect.scatter.add.f32 [tilespmem:s29], [sflag:$0x4], $0x80, s18, s26, $0xb8;
	[tilespmem:$0x1FC00] =	vst v63  }
0x29a: {  	_ =	swait.ge [sflag:s24], $0x3200  }
0x29b: {  	[sflag:s24] =	ssyncset.done $0x0  }
0x29c: {  	s18 =	simm.s32 $0xB00;
	[sflag:s24] =	ssyncadd.s32 $0xFFFFCE00  }
0x29d: {  	[tilespmem:s29], [sflag:$0x2] =	stream.indirect.gather [hbm4b:s4+s26], $0x80, s18, s26, $0xb8;
	[tilespmem:$0x1FC00] =	vst v63  }
0x29e: {  	_ =	swait.ge [sflag:s9], $0x3200  }
0x29f: {  	[sflag:s9] =	ssyncset.done $0x0  }
0x2a0: {  	s18 =	simm.s32 $0x1A00;
	[sflag:s9] =	ssyncadd.s32 $0xFFFFCE00  }
0x2a1: {  	[spmem:s1] =	stream.indirect.scatter.add.f32 [tilespmem:s31], [sflag:$0x4], $0x80, s18, s26, $0xb8;
	[tilespmem:$0x1FC00] =	vst v63  }
0x2a2: {  	_ =	swait.ge [sflag:s24], $0x3200  }
0x2a3: {  	[sflag:s24] =	ssyncset.done $0x0  }
0x2a4: {  	s18 =	simm.s32 $0xB80;
	[sflag:s24] =	ssyncadd.s32 $0xFFFFCE00  }
0x2a5: {  	[tilespmem:s31], [sflag:$0x3] =	stream.indirect.gather [hbm4b:s4+s26], $0x80, s18, s26, $0xb8;
	[tilespmem:$0x1FC00] =	vst v63  }
0x2a6: {  	_ =	swait.ge [sflag:s0], $0x3200  }
0x2a7: {  	[sflag:s0] =	ssyncset.done $0x0  }
0x2a8: {  	s18 =	simm.s32 $0x1A80;
	[sflag:s0] =	ssyncadd.s32 $0xFFFFCE00  }
0x2a9: {  	[spmem:s1] =	stream.indirect.scatter.add.f32 [tilespmem:s23], [sflag:$0x4], $0x80, s18, s26, $0xb8;
	[tilespmem:$0x1FC00] =	vst v63  }
0x2aa: {  	_ =	swait.ge [sflag:s24], $0x3200  }
0x2ab: {  	[sflag:s24] =	ssyncset.done $0x0  }
0x2ac: {  	s18 =	simm.s32 $0xC00;
	[sflag:s24] =	ssyncadd.s32 $0xFFFFCE00  }
0x2ad: {  	[tilespmem:s23], [sflag:$0x1] =	stream.indirect.gather [hbm4b:s4+s26], $0x80, s18, s26, $0xb8;
	[tilespmem:$0x1FC00] =	vst v63  }
0x2ae: {  	_ =	swait.ge [sflag:s6], $0x3200  }
0x2af: {  	[sflag:s6] =	ssyncset.done $0x0  }
0x2b0: {  	s18 =	simm.s32 $0x1B00;
	[sflag:s6] =	ssyncadd.s32 $0xFFFFCE00  }
0x2b1: {  	[spmem:s1] =	stream.indirect.scatter.add.f32 [tilespmem:s29], [sflag:$0x4], $0x80, s18, s26, $0xb8;
	[tilespmem:$0x1FC00] =	vst v63  }
0x2b2: {  	_ =	swait.ge [sflag:s24], $0x3200  }
0x2b3: {  	[sflag:s24] =	ssyncset.done $0x0  }
0x2b4: {  	[sflag:s24] =	ssyncadd.s32 $0xFFFFCE00  }
0x2b5: {  	_ =	swait.ge [sflag:s9], $0x3200  }
0x2b6: {  	[sflag:s9] =	ssyncset.done $0x0  }
0x2b7: {  	s18 =	simm.s32 $0x1B80;
	[sflag:s9] =	ssyncadd.s32 $0xFFFFCE00  }
0x2b8: {  	[spmem:s1] =	stream.indirect.scatter.add.f32 [tilespmem:s31], [sflag:$0x4], $0x80, s18, s26, $0xb8;
	[tilespmem:$0x1FC00] =	vst v63  }
0x2b9: {  	_ =	swait.ge [sflag:s24], $0x3200  }
0x2ba: {  	[sflag:s24] =	ssyncset.done $0x0  }
0x2bb: {  	[sflag:s24] =	ssyncadd.s32 $0xFFFFCE00  }
0x2bc: {  	_ =	swait.ge [sflag:s0], $0x3200  }
0x2bd: {  	[sflag:s0] =	ssyncset.done $0x0  }
0x2be: {  	s18 =	simm.s32 $0x1C00;
	[sflag:s0] =	ssyncadd.s32 $0xFFFFCE00  }
0x2bf: {  	[spmem:s1] =	stream.indirect.scatter.add.f32 [tilespmem:s23], [sflag:$0x4], $0x80, s18, s26, $0xb8;
	[tilespmem:$0x1FC00] =	vst v63  }
0x2c0: {  	_ =	swait.ge [sflag:s24], $0x3200  }
0x2c1: {  	[sflag:s24] =	ssyncset.done $0x0  }
0x2c2: {  	s18 =	rddreg [dreg:$0x10];
	[sflag:s24] =	ssyncadd.s32 $0xFFFFCE00  }
0x2c3: {  	[tilespmem:s16], [sflag:$0x4] =	stream.linear.gather [hbm4b:s18+s16], $0xC80, $0x38;
	[tilespmem:$0x1FC00] =	vst v63  }
0x2c4: {  	_ =	swait.ge [sflag:s24], $0xC80  }
0x2c5: {  	[sflag:s24] =	ssyncset.done $0x0  }
0x2c6: {  	s18 =	rddreg [dreg:$0x11];
	[sflag:s24] =	ssyncadd.s32 $0xFFFFF380  }
0x2c7: {  	[tilespmem:s3], [sflag:$0x4] =	stream.linear.gather [hbm4b:s18+s16], $0xC80, $0x38;
	[tilespmem:$0x1FC00] =	vst v63  }
0x2c8: {  	_ =	swait.ge [sflag:s24], $0xC80  }
0x2c9: {  	[sflag:s24] =	ssyncset.done $0x0  }
0x2ca: {  	[sflag:s24] =	ssyncadd.s32 $0xFFFFF380  }
0x2cb: {  	[tilespmem:s23], [sflag:$0x1] =	stream.indirect.gather [hbm4b:s4+s26], $0x80, s16, s26, $0xb8;
	[tilespmem:$0x1FC00] =	vst v63  }
0x2cc: {  	s19 =	simm.s32 $0x80  }
0x2cd: {  	[tilespmem:s29], [sflag:$0x2] =	stream.indirect.gather [hbm4b:s4+s26], $0x80, s19, s26, $0xb8;
	[tilespmem:$0x1FC00] =	vst v63  }
0x2ce: {  	s19 =	simm.s32 $0x100  }
0x2cf: {  	[tilespmem:s31], [sflag:$0x3] =	stream.indirect.gather [hbm4b:s4+s26], $0x80, s19, s26, $0xb8;
	[tilespmem:$0x1FC00] =	vst v63  }
0x2d0: {  	_ =	swait.ge [sflag:s0], $0x3200  }
0x2d1: {  	[sflag:s0] =	ssyncset.done $0x0  }
0x2d2: {  	[sflag:s0] =	ssyncadd.s32 $0xFFFFCE00  }
0x2d3: {  	[spmem:s1] =	stream.indirect.scatter.add.f32 [tilespmem:s23], [sflag:$0x4], $0x80, s3, s26, $0xb8;
	[tilespmem:$0x1FC00] =	vst v63  }
0x2d4: {  	_ =	swait.ge [sflag:s24], $0x3200  }
0x2d5: {  	[sflag:s24] =	ssyncset.done $0x0  }
0x2d6: {  	s18 =	simm.s32 $0x180;
	[sflag:s24] =	ssyncadd.s32 $0xFFFFCE00  }
0x2d7: {  	[tilespmem:s23], [sflag:$0x1] =	stream.indirect.gather [hbm4b:s4+s26], $0x80, s18, s26, $0xb8;
	[tilespmem:$0x1FC00] =	vst v63  }
0x2d8: {  	_ =	swait.ge [sflag:s6], $0x3200  }
0x2d9: {  	[sflag:s6] =	ssyncset.done $0x0  }
0x2da: {  	s19 =	simm.s32 $0x1080;
	[sflag:s6] =	ssyncadd.s32 $0xFFFFCE00  }
0x2db: {  	[spmem:s1] =	stream.indirect.scatter.add.f32 [tilespmem:s29], [sflag:$0x4], $0x80, s19, s26, $0xb8;
	[tilespmem:$0x1FC00] =	vst v63  }
0x2dc: {  	_ =	swait.ge [sflag:s24], $0x3200  }
0x2dd: {  	[sflag:s24] =	ssyncset.done $0x0  }
0x2de: {  	s18 =	simm.s32 $0x200;
	[sflag:s24] =	ssyncadd.s32 $0xFFFFCE00  }
0x2df: {  	[tilespmem:s29], [sflag:$0x2] =	stream.indirect.gather [hbm4b:s4+s26], $0x80, s18, s26, $0xb8;
	[tilespmem:$0x1FC00] =	vst v63  }
0x2e0: {  	_ =	swait.ge [sflag:s9], $0x3200  }
0x2e1: {  	[sflag:s9] =	ssyncset.done $0x0  }
0x2e2: {  	s19 =	simm.s32 $0x1100;
	[sflag:s9] =	ssyncadd.s32 $0xFFFFCE00  }
0x2e3: {  	[spmem:s1] =	stream.indirect.scatter.add.f32 [tilespmem:s31], [sflag:$0x4], $0x80, s19, s26, $0xb8;
	[tilespmem:$0x1FC00] =	vst v63  }
0x2e4: {  	_ =	swait.ge [sflag:s24], $0x3200  }
0x2e5: {  	[sflag:s24] =	ssyncset.done $0x0  }
0x2e6: {  	s2 =	simm.s32 $0x280;
	[sflag:s24] =	ssyncadd.s32 $0xFFFFCE00  }
0x2e7: {  	[tilespmem:s31], [sflag:$0x3] =	stream.indirect.gather [hbm4b:s4+s26], $0x80, s2, s26, $0xb8;
	[tilespmem:$0x1FC00] =	vst v63  }
0x2e8: {  	_ =	swait.ge [sflag:s0], $0x3200  }
0x2e9: {  	[sflag:s0] =	ssyncset.done $0x0  }
0x2ea: {  	s5 =	simm.s32 $0x1180;
	[sflag:s0] =	ssyncadd.s32 $0xFFFFCE00  }
0x2eb: {  	[spmem:s1] =	stream.indirect.scatter.add.f32 [tilespmem:s23], [sflag:$0x4], $0x80, s5, s26, $0xb8;
	[tilespmem:$0x1FC00] =	vst v63  }
0x2ec: {  	_ =	swait.ge [sflag:s24], $0x3200  }
0x2ed: {  	[sflag:s24] =	ssyncset.done $0x0  }
0x2ee: {  	s7 =	simm.s32 $0x300;
	[sflag:s24] =	ssyncadd.s32 $0xFFFFCE00  }
0x2ef: {  	[tilespmem:s23], [sflag:$0x1] =	stream.indirect.gather [hbm4b:s4+s26], $0x80, s7, s26, $0xb8;
	[tilespmem:$0x1FC00] =	vst v63  }
0x2f0: {  	_ =	swait.ge [sflag:s6], $0x3200  }
0x2f1: {  	[sflag:s6] =	ssyncset.done $0x0  }
0x2f2: {  	s8 =	simm.s32 $0x1200;
	[sflag:s6] =	ssyncadd.s32 $0xFFFFCE00  }
0x2f3: {  	[spmem:s1] =	stream.indirect.scatter.add.f32 [tilespmem:s29], [sflag:$0x4], $0x80, s8, s26, $0xb8;
	[tilespmem:$0x1FC00] =	vst v63  }
0x2f4: {  	_ =	swait.ge [sflag:s24], $0x3200  }
0x2f5: {  	[sflag:s24] =	ssyncset.done $0x0  }
0x2f6: {  	s10 =	simm.s32 $0x380;
	[sflag:s24] =	ssyncadd.s32 $0xFFFFCE00  }
0x2f7: {  	[tilespmem:s29], [sflag:$0x2] =	stream.indirect.gather [hbm4b:s4+s26], $0x80, s10, s26, $0xb8;
	[tilespmem:$0x1FC00] =	vst v63  }
0x2f8: {  	_ =	swait.ge [sflag:s9], $0x3200  }
0x2f9: {  	[sflag:s9] =	ssyncset.done $0x0  }
0x2fa: {  	s11 =	simm.s32 $0x1280;
	[sflag:s9] =	ssyncadd.s32 $0xFFFFCE00  }
0x2fb: {  	[spmem:s1] =	stream.indirect.scatter.add.f32 [tilespmem:s31], [sflag:$0x4], $0x80, s11, s26, $0xb8;
	[tilespmem:$0x1FC00] =	vst v63  }
0x2fc: {  	_ =	swait.ge [sflag:s24], $0x3200  }
0x2fd: {  	[sflag:s24] =	ssyncset.done $0x0  }
0x2fe: {  	s12 =	simm.s32 $0x400;
	[sflag:s24] =	ssyncadd.s32 $0xFFFFCE00  }
0x2ff: {  	[tilespmem:s31], [sflag:$0x3] =	stream.indirect.gather [hbm4b:s4+s26], $0x80, s12, s26, $0xb8;
	[tilespmem:$0x1FC00] =	vst v63  }
0x300: {  	_ =	swait.ge [sflag:s0], $0x3200  }
0x301: {  	[sflag:s0] =	ssyncset.done $0x0  }
0x302: {  	s13 =	simm.s32 $0x1300;
	[sflag:s0] =	ssyncadd.s32 $0xFFFFCE00  }
0x303: {  	[spmem:s1] =	stream.indirect.scatter.add.f32 [tilespmem:s23], [sflag:$0x4], $0x80, s13, s26, $0xb8;
	[tilespmem:$0x1FC00] =	vst v63  }
0x304: {  	_ =	swait.ge [sflag:s24], $0x3200  }
0x305: {  	[sflag:s24] =	ssyncset.done $0x0  }
0x306: {  	s14 =	simm.s32 $0x480;
	[sflag:s24] =	ssyncadd.s32 $0xFFFFCE00  }
0x307: {  	[tilespmem:s23], [sflag:$0x1] =	stream.indirect.gather [hbm4b:s4+s26], $0x80, s14, s26, $0xb8;
	[tilespmem:$0x1FC00] =	vst v63  }
0x308: {  	_ =	swait.ge [sflag:s6], $0x3200  }
0x309: {  	[sflag:s6] =	ssyncset.done $0x0  }
0x30a: {  	s15 =	simm.s32 $0x1380;
	[sflag:s6] =	ssyncadd.s32 $0xFFFFCE00  }
0x30b: {  	[spmem:s1] =	stream.indirect.scatter.add.f32 [tilespmem:s29], [sflag:$0x4], $0x80, s15, s26, $0xb8;
	[tilespmem:$0x1FC00] =	vst v63  }
0x30c: {  	_ =	swait.ge [sflag:s24], $0x3200  }
0x30d: {  	[sflag:s24] =	ssyncset.done $0x0  }
0x30e: {  	s11 =	simm.s32 $0x500;
	[sflag:s24] =	ssyncadd.s32 $0xFFFFCE00  }
0x30f: {  	[tilespmem:s29], [sflag:$0x2] =	stream.indirect.gather [hbm4b:s4+s26], $0x80, s11, s26, $0xb8;
	[tilespmem:$0x1FC00] =	vst v63  }
0x310: {  	_ =	swait.ge [sflag:s9], $0x3200  }
0x311: {  	[sflag:s9] =	ssyncset.done $0x0  }
0x312: {  	s25 =	simm.s32 $0x1400;
	[sflag:s9] =	ssyncadd.s32 $0xFFFFCE00  }
0x313: {  	[spmem:s1] =	stream.indirect.scatter.add.f32 [tilespmem:s31], [sflag:$0x4], $0x80, s25, s26, $0xb8;
	[tilespmem:$0x1FC00] =	vst v63  }
0x314: {  	_ =	swait.ge [sflag:s24], $0x3200  }
0x315: {  	[sflag:s24] =	ssyncset.done $0x0  }
0x316: {  	s20 =	simm.s32 $0x580;
	[sflag:s24] =	ssyncadd.s32 $0xFFFFCE00  }
0x317: {  	[tilespmem:s31], [sflag:$0x3] =	stream.indirect.gather [hbm4b:s4+s26], $0x80, s20, s26, $0xb8;
	[tilespmem:$0x1FC00] =	vst v63  }
0x318: {  	_ =	swait.ge [sflag:s0], $0x3200  }
0x319: {  	[sflag:s0] =	ssyncset.done $0x0  }
0x31a: {  	s21 =	simm.s32 $0x1480;
	[sflag:s0] =	ssyncadd.s32 $0xFFFFCE00  }
0x31b: {  	[spmem:s1] =	stream.indirect.scatter.add.f32 [tilespmem:s23], [sflag:$0x4], $0x80, s21, s26, $0xb8;
	[tilespmem:$0x1FC00] =	vst v63  }
0x31c: {  	_ =	swait.ge [sflag:s24], $0x3200  }
0x31d: {  	[sflag:s24] =	ssyncset.done $0x0  }
0x31e: {  	s22 =	simm.s32 $0x600;
	[sflag:s24] =	ssyncadd.s32 $0xFFFFCE00  }
0x31f: {  	[tilespmem:s23], [sflag:$0x1] =	stream.indirect.gather [hbm4b:s4+s26], $0x80, s22, s26, $0xb8;
	[tilespmem:$0x1FC00] =	vst v63  }
0x320: {  	_ =	swait.ge [sflag:s6], $0x3200  }
0x321: {  	[sflag:s6] =	ssyncset.done $0x0  }
0x322: {  	s28 =	simm.s32 $0x1500;
	[sflag:s6] =	ssyncadd.s32 $0xFFFFCE00  }
0x323: {  	[spmem:s1] =	stream.indirect.scatter.add.f32 [tilespmem:s29], [sflag:$0x4], $0x80, s28, s26, $0xb8;
	[tilespmem:$0x1FC00] =	vst v63  }
0x324: {  	_ =	swait.ge [sflag:s24], $0x3200  }
0x325: {  	[sflag:s24] =	ssyncset.done $0x0  }
0x326: {  	s30 =	simm.s32 $0x680;
	[sflag:s24] =	ssyncadd.s32 $0xFFFFCE00  }
0x327: {  	[tilespmem:s29], [sflag:$0x2] =	stream.indirect.gather [hbm4b:s4+s26], $0x80, s30, s26, $0xb8;
	[tilespmem:$0x1FC00] =	vst v63  }
0x328: {  	_ =	swait.ge [sflag:s9], $0x3200  }
0x329: {  	[sflag:s9] =	ssyncset.done $0x0  }
0x32a: {  	s12 =	simm.s32 $0x1580;
	[sflag:s9] =	ssyncadd.s32 $0xFFFFCE00  }
0x32b: {  	[spmem:s1] =	stream.indirect.scatter.add.f32 [tilespmem:s31], [sflag:$0x4], $0x80, s12, s26, $0xb8;
	[tilespmem:$0x1FC00] =	vst v63  }
0x32c: {  	_ =	swait.ge [sflag:s24], $0x3200  }
0x32d: {  	[sflag:s24] =	ssyncset.done $0x0  }
0x32e: {  	s13 =	simm.s32 $0x700;
	[sflag:s24] =	ssyncadd.s32 $0xFFFFCE00  }
0x32f: {  	[tilespmem:s31], [sflag:$0x3] =	stream.indirect.gather [hbm4b:s4+s26], $0x80, s13, s26, $0xb8;
	[tilespmem:$0x1FC00] =	vst v63  }
0x330: {  	_ =	swait.ge [sflag:s0], $0x3200  }
0x331: {  	[sflag:s0] =	ssyncset.done $0x0  }
0x332: {  	s14 =	simm.s32 $0x1600;
	[sflag:s0] =	ssyncadd.s32 $0xFFFFCE00  }
0x333: {  	[spmem:s1] =	stream.indirect.scatter.add.f32 [tilespmem:s23], [sflag:$0x4], $0x80, s14, s26, $0xb8;
	[tilespmem:$0x1FC00] =	vst v63  }
0x334: {  	_ =	swait.ge [sflag:s24], $0x3200  }
0x335: {  	[sflag:s24] =	ssyncset.done $0x0  }
0x336: {  	s15 =	simm.s32 $0x780;
	[sflag:s24] =	ssyncadd.s32 $0xFFFFCE00  }
0x337: {  	[tilespmem:s23], [sflag:$0x1] =	stream.indirect.gather [hbm4b:s4+s26], $0x80, s15, s26, $0xb8;
	[tilespmem:$0x1FC00] =	vst v63  }
0x338: {  	_ =	swait.ge [sflag:s6], $0x3200  }
0x339: {  	[sflag:s6] =	ssyncset.done $0x0  }
0x33a: {  	s18 =	simm.s32 $0x1680;
	[sflag:s6] =	ssyncadd.s32 $0xFFFFCE00  }
0x33b: {  	[spmem:s1] =	stream.indirect.scatter.add.f32 [tilespmem:s29], [sflag:$0x4], $0x80, s18, s26, $0xb8;
	[tilespmem:$0x1FC00] =	vst v63  }
0x33c: {  	_ =	swait.ge [sflag:s24], $0x3200  }
0x33d: {  	[sflag:s24] =	ssyncset.done $0x0  }
0x33e: {  	s19 =	simm.s32 $0x800;
	[sflag:s24] =	ssyncadd.s32 $0xFFFFCE00  }
0x33f: {  	[tilespmem:s29], [sflag:$0x2] =	stream.indirect.gather [hbm4b:s4+s26], $0x80, s19, s26, $0xb8;
	[tilespmem:$0x1FC00] =	vst v63  }
0x340: {  	_ =	swait.ge [sflag:s9], $0x3200  }
0x341: {  	[sflag:s9] =	ssyncset.done $0x0  }
0x342: {  	s20 =	simm.s32 $0x1700;
	[sflag:s9] =	ssyncadd.s32 $0xFFFFCE00  }
0x343: {  	[spmem:s1] =	stream.indirect.scatter.add.f32 [tilespmem:s31], [sflag:$0x4], $0x80, s20, s26, $0xb8;
	[tilespmem:$0x1FC00] =	vst v63  }
0x344: {  	_ =	swait.ge [sflag:s24], $0x3200  }
0x345: {  	[sflag:s24] =	ssyncset.done $0x0  }
0x346: {  	s21 =	simm.s32 $0x880;
	[sflag:s24] =	ssyncadd.s32 $0xFFFFCE00  }
0x347: {  	[tilespmem:s31], [sflag:$0x3] =	stream.indirect.gather [hbm4b:s4+s26], $0x80, s21, s26, $0xb8;
	[tilespmem:$0x1FC00] =	vst v63  }
0x348: {  	_ =	swait.ge [sflag:s0], $0x3200  }
0x349: {  	[sflag:s0] =	ssyncset.done $0x0  }
0x34a: {  	s22 =	simm.s32 $0x1780;
	[sflag:s0] =	ssyncadd.s32 $0xFFFFCE00  }
0x34b: {  	[spmem:s1] =	stream.indirect.scatter.add.f32 [tilespmem:s23], [sflag:$0x4], $0x80, s22, s26, $0xb8;
	[tilespmem:$0x1FC00] =	vst v63  }
0x34c: {  	_ =	swait.ge [sflag:s24], $0x3200  }
0x34d: {  	[sflag:s24] =	ssyncset.done $0x0  }
0x34e: {  	s25 =	simm.s32 $0x900;
	[sflag:s24] =	ssyncadd.s32 $0xFFFFCE00  }
0x34f: {  	[tilespmem:s23], [sflag:$0x1] =	stream.indirect.gather [hbm4b:s4+s26], $0x80, s25, s26, $0xb8;
	[tilespmem:$0x1FC00] =	vst v63  }
0x350: {  	_ =	swait.ge [sflag:s6], $0x3200  }
0x351: {  	[sflag:s6] =	ssyncset.done $0x0  }
0x352: {  	s28 =	simm.s32 $0x1800;
	[sflag:s6] =	ssyncadd.s32 $0xFFFFCE00  }
0x353: {  	[spmem:s1] =	stream.indirect.scatter.add.f32 [tilespmem:s29], [sflag:$0x4], $0x80, s28, s26, $0xb8;
	[tilespmem:$0x1FC00] =	vst v63  }
0x354: {  	_ =	swait.ge [sflag:s24], $0x3200  }
0x355: {  	[sflag:s24] =	ssyncset.done $0x0  }
0x356: {  	s30 =	simm.s32 $0x980;
	[sflag:s24] =	ssyncadd.s32 $0xFFFFCE00  }
0x357: {  	[tilespmem:s29], [sflag:$0x2] =	stream.indirect.gather [hbm4b:s4+s26], $0x80, s30, s26, $0xb8;
	[tilespmem:$0x1FC00] =	vst v63  }
0x358: {  	_ =	swait.ge [sflag:s9], $0x3200  }
0x359: {  	[sflag:s9] =	ssyncset.done $0x0  }
0x35a: {  	s3 =	simm.s32 $0x1880;
	[sflag:s9] =	ssyncadd.s32 $0xFFFFCE00  }
0x35b: {  	[spmem:s1] =	stream.indirect.scatter.add.f32 [tilespmem:s31], [sflag:$0x4], $0x80, s3, s26, $0xb8;
	[tilespmem:$0x1FC00] =	vst v63  }
0x35c: {  	_ =	swait.ge [sflag:s24], $0x3200  }
0x35d: {  	[sflag:s24] =	ssyncset.done $0x0  }
0x35e: {  	s5 =	simm.s32 $0xA00;
	[sflag:s24] =	ssyncadd.s32 $0xFFFFCE00  }
0x35f: {  	[tilespmem:s31], [sflag:$0x3] =	stream.indirect.gather [hbm4b:s4+s26], $0x80, s5, s26, $0xb8;
	[tilespmem:$0x1FC00] =	vst v63  }
0x360: {  	_ =	swait.ge [sflag:s0], $0x3200  }
0x361: {  	[sflag:s0] =	ssyncset.done $0x0  }
0x362: {  	s7 =	simm.s32 $0x1900;
	[sflag:s0] =	ssyncadd.s32 $0xFFFFCE00  }
0x363: {  	[spmem:s1] =	stream.indirect.scatter.add.f32 [tilespmem:s23], [sflag:$0x4], $0x80, s7, s26, $0xb8;
	[tilespmem:$0x1FC00] =	vst v63  }
0x364: {  	_ =	swait.ge [sflag:s24], $0x3200  }
0x365: {  	[sflag:s24] =	ssyncset.done $0x0  }
0x366: {  	s8 =	simm.s32 $0xA80;
	[sflag:s24] =	ssyncadd.s32 $0xFFFFCE00  }
0x367: {  	[tilespmem:s23], [sflag:$0x1] =	stream.indirect.gather [hbm4b:s4+s26], $0x80, s8, s26, $0xb8;
	[tilespmem:$0x1FC00] =	vst v63  }
0x368: {  	_ =	swait.ge [sflag:s6], $0x3200  }
0x369: {  	[sflag:s6] =	ssyncset.done $0x0  }
0x36a: {  	s10 =	simm.s32 $0x1980;
	[sflag:s6] =	ssyncadd.s32 $0xFFFFCE00  }
0x36b: {  	[spmem:s1] =	stream.indirect.scatter.add.f32 [tilespmem:s29], [sflag:$0x4], $0x80, s10, s26, $0xb8;
	[tilespmem:$0x1FC00] =	vst v63  }
0x36c: {  	_ =	swait.ge [sflag:s24], $0x3200  }
0x36d: {  	[sflag:s24] =	ssyncset.done $0x0  }
0x36e: {  	s11 =	simm.s32 $0xB00;
	[sflag:s24] =	ssyncadd.s32 $0xFFFFCE00  }
0x36f: {  	[tilespmem:s29], [sflag:$0x2] =	stream.indirect.gather [hbm4b:s4+s26], $0x80, s11, s26, $0xb8;
	[tilespmem:$0x1FC00] =	vst v63  }
0x370: {  	_ =	swait.ge [sflag:s9], $0x3200  }
0x371: {  	[sflag:s9] =	ssyncset.done $0x0  }
0x372: {  	s12 =	simm.s32 $0x1A00;
	[sflag:s9] =	ssyncadd.s32 $0xFFFFCE00  }
0x373: {  	[spmem:s1] =	stream.indirect.scatter.add.f32 [tilespmem:s31], [sflag:$0x4], $0x80, s12, s26, $0xb8;
	[tilespmem:$0x1FC00] =	vst v63  }
0x374: {  	_ =	swait.ge [sflag:s24], $0x3200  }
0x375: {  	[sflag:s24] =	ssyncset.done $0x0  }
0x376: {  	s13 =	simm.s32 $0xB80;
	[sflag:s24] =	ssyncadd.s32 $0xFFFFCE00  }
0x377: {  	[tilespmem:s31], [sflag:$0x3] =	stream.indirect.gather [hbm4b:s4+s26], $0x80, s13, s26, $0xb8;
	[tilespmem:$0x1FC00] =	vst v63  }
0x378: {  	_ =	swait.ge [sflag:s0], $0x3200  }
0x379: {  	[sflag:s0] =	ssyncset.done $0x0  }
0x37a: {  	s14 =	simm.s32 $0x1A80;
	[sflag:s0] =	ssyncadd.s32 $0xFFFFCE00  }
0x37b: {  	[spmem:s1] =	stream.indirect.scatter.add.f32 [tilespmem:s23], [sflag:$0x4], $0x80, s14, s26, $0xb8;
	[tilespmem:$0x1FC00] =	vst v63  }
0x37c: {  	_ =	swait.ge [sflag:s24], $0x3200  }
0x37d: {  	[sflag:s24] =	ssyncset.done $0x0  }
0x37e: {  	s15 =	simm.s32 $0xC00;
	[sflag:s24] =	ssyncadd.s32 $0xFFFFCE00  }
0x37f: {  	[tilespmem:s23], [sflag:$0x1] =	stream.indirect.gather [hbm4b:s4+s26], $0x80, s15, s26, $0xb8;
	[tilespmem:$0x1FC00] =	vst v63  }
0x380: {  	_ =	swait.ge [sflag:s6], $0x3200  }
0x381: {  	[sflag:s6] =	ssyncset.done $0x0  }
0x382: {  	s18 =	simm.s32 $0x1B00;
	[sflag:s6] =	ssyncadd.s32 $0xFFFFCE00  }
0x383: {  	[spmem:s1] =	stream.indirect.scatter.add.f32 [tilespmem:s29], [sflag:$0x4], $0x80, s18, s26, $0xb8;
	[tilespmem:$0x1FC00] =	vst v63  }
0x384: {  	_ =	swait.ge [sflag:s24], $0x3200  }
0x385: {  	[sflag:s24] =	ssyncset.done $0x0  }
0x386: {  	[sflag:s24] =	ssyncadd.s32 $0xFFFFCE00  }
0x387: {  	_ =	swait.ge [sflag:s9], $0x3200  }
0x388: {  	[sflag:s9] =	ssyncset.done $0x0  }
0x389: {  	s19 =	simm.s32 $0x1B80;
	[sflag:s9] =	ssyncadd.s32 $0xFFFFCE00  }
0x38a: {  	[spmem:s1] =	stream.indirect.scatter.add.f32 [tilespmem:s31], [sflag:$0x4], $0x80, s19, s26, $0xb8;
	[tilespmem:$0x1FC00] =	vst v63  }
0x38b: {  	_ =	swait.ge [sflag:s24], $0x3200  }
0x38c: {  	[sflag:s24] =	ssyncset.done $0x0  }
0x38d: {  	[sflag:s24] =	ssyncadd.s32 $0xFFFFCE00  }
0x38e: {  	_ =	swait.ge [sflag:s0], $0x3200  }
0x38f: {  	[sflag:s0] =	ssyncset.done $0x0  }
0x390: {  	s20 =	simm.s32 $0x1C00;
	[sflag:s0] =	ssyncadd.s32 $0xFFFFCE00  }
0x391: {  	[spmem:s1] =	stream.indirect.scatter.add.f32 [tilespmem:s23], [sflag:$0x4], $0x80, s20, s26, $0xb8;
	[tilespmem:$0x1FC00] =	vst v63  }
0x392: {  	_ =	swait.ge [sflag:s24], $0x3200  }
0x393: {  	[sflag:s24] =	ssyncset.done $0x0  }
0x394: {  	[sflag:s24] =	ssyncadd.s32 $0xFFFFCE00  }
0x395: {  	s21 =	stileid.u32;
	[bflag:$0x0] =	sbarrier.arrive $0xFFFF  }
0x396: {  	s18 =	sshll.u32 s21, $0x6;
	s22 =	rddreg [dreg:$0x14]  }
0x397: {  	s18 =	sor.u32 $0x1C04, s18;
	s28 =	rddreg [dreg:$0x12];
	s25 =	sshrl.u32 s22, $0x3  }
0x398: {  	[hbm:s28], [sflag:s18] =	dma.local [spmem:s25], $0x2800  }
0x399: {  	_ =	swait.ge [sflag:s24], $0x2800  }
0x39a: {  	s17 =	sadd.s32 $0x1, s17;
	s30 =	rddreg [dreg:$0x13]  }
0x39b: {  	p0 =	sne.s32 s17, s30  }
.Ltmp1:
0x39c: {  	_ = 	snop;
	(pc) =	sbr.rel @p0 .LBB2_1-.Ltmp1, $3  }
0x39d: {  	_ =	sdelay $0x1  }
0x39e: {  	[sflag:s24] =	ssyncset.done $0x0  }
0x39f: {  	[sflag:s24] =	ssyncadd.s32 $0xFFFFD800  }
0x3a0: {  	_ =	sfence.sel $0x180000  }
0x3a1: {  	[bflag:$0x0] =	sbarrier.arrive $0xFFFF  }
0x3a2: {  	_ =	strace $0x9000004D  }
0x3a3: {  	s0 =	stileid.u32;
	[bflag:$0x2] =	sbarrier.arrive $0xFFFF  }
0x3a4: {  	p0 =	sne.s32 s0, $0x0;
	s0 =	rddreg [dreg:$0x2]  }
0x3a5: {  	s0 =	sadd.s32 @!p0 $0x100000, s0  }
0x3a6: {  	[sflag:s0] =	ssyncadd.tile.s32 @!p0 $0x1;
	_ =	shalt  }
.Lfunc_end2:
_tile_overlayer_lowered:
.L_overlay_start_2:
0x3a7: {  	(tag) =	ssettag $0x2  }
0x3a8: {  	s0 =	rddreg [dreg:$0x0];
	s2 =	stileid.u32  }
0x3a9: {  	s1 =	rddreg [dreg:$0x1];
	p0 =	sne.s32 s2, $0x0  }
0x3aa: {  	s3 =	rddreg [dreg:$0x2];
	[bflag:$0x3] =	sbarrier.arrive $0xFFFF;
	s2 =	simm.s32 @!p0 $0x1C04  }
0x3ab: {  	[timem:s3], [sflag:s2] =	dma.local @!p0 [hbm:s0], s1  }
0x3ac: {  	s0 =	simm.s32 @!p0 $0x4  }
0x3ad: {  	_ =	swait.ge @!p0 [sflag:s0], s1  }
0x3ae: {  	s1 =	ssub.s32 @!p0 $0x0, s1;
	[sflag:s0] =	ssyncset.done @!p0 $0x0  }
0x3af: {  	[sflag:s0] =	ssyncadd.s32 @!p0 s1  }
0x3b0: {  	[bflag:$0x3] =	sbarrier.arrive $0xFFFF  }
0x3b1: {  	_ =	shalt  }

// kernel: kernel.8.cloned.1.call-start
scs
__scs_entry_jumppad:
0x0: {  	(pc) =	sbr.rel $0x88, $3  }
0x1: {  	(tag) =	ssettag $0x0;
	lr =	simm.s32 $0x1  }
0x2: {  	[smem:$0x3F99] =	sst lr;
	_ =	strace $0xD0000000  }
0x3: {  	_ = 	snop  }
0x4: {  	_ = 	snop  }
0x5: {  	_ = 	snop  }
0x6: {  	_ = 	snop  }
0x7: {  	_ = 	snop  }
__scs_overlays_trampoline_lowered:
0x8: {  	[smem:$0x3FA8] =	sst s0  }
0x9: {  	[smem:$0x3FA9] =	sst s1  }
0xa: {  	[smem:$0x3FAA] =	sst s2  }
0xb: {  	[smem:$0x3FAB] =	sst s3  }
0xc: {  	[smem:$0x3FAC] =	sst s4  }
0xd: {  	[smem:$0x3FAD] =	sst s5  }
0xe: {  	[smem:$0x3FAE] =	sst s6  }
0xf: {  	[smem:$0x3FAF] =	sst s7  }
0x10: {  	[smem:$0x3FB0] =	sst s8  }
0x11: {  	[smem:$0x3FB1] =	sst s9;
	s0 =	simm.s32 @!p0 $0x0  }
0x12: {  	s1 =	sld [smem:$0x3F97];
	s0 =	simm.s32 @p0 $0x1  }
0x13: {  	[smem:$0x3FB2] =	sst s0;
	s0 =	simm.s32 @!p1 $0x0  }
0x14: {  	s2 =	sld [smem:$0x3F96];
	s0 =	simm.s32 @p1 $0x1  }
0x15: {  	[smem:$0x3FB3] =	sst s0;
	s0 =	simm.s32 @!p2 $0x0  }
0x16: {  	s3 =	sld [smem:$0x3FDB];
	s0 =	simm.s32 @p2 $0x1  }
0x17: {  	s4 =	simm.s32 $0x1BF5;
	[smem:$0x3FB5] =	sst s0  }
0x18: {  	s0 =	sld [smem:$0x3F98];
	_ =	swait.ge [sflag:s4], $0x0  }
0x19: {  	s7 =	sld [smem:$0x3F99]  }
0x1a: {  	s8 =	sadd.s32 $0xFFFFE003, lr  }
0x1b: {  	s9 =	sadd.s32 $0xFFFFFEF7, lr;
	s5 =	simm.s32 $0xFFFFFFFF;
	p2 =	slt.u32 s8, $0xFFFFF086  }
0x1c: {  	p1 =	slt.u32 s9, $0xF7A;
	s5 =	simm.s32 @!p2 $0x0  }
0x1d: {  	s5 =	simm.s32 @p1 $0x1;
	p0 =	seq.s32 s7, s2  }
0x1e: {  	s7 =	smul.u32 @!p0 $0xF7A, s2;
	p2 =	seq.s32 @!p0 s5, $0x0  }
0x1f: {  	s9 =	smul.u32 $0xF7A, s1;
	s8 =	simm.s32 @!p0 $0x1BF5;
	p2 =	por !p2, p0  }
0x20: {  	[sflag:s8] =	ssyncset.s32 @!p0 $0xFFFFF086;
	s6 =	sadd.s32 @!p0 s3, s7;
	s7 =	simm.s32 @!p0 $0x108  }
0x21: {  	s3 =	sadd.s32 s3, s9;
	s6 =	sadd.s32 @!p0 $0x88, s6;
	s7 =	simm.s32 @p2 $0x1082  }
0x22: {  	[simem:s7], [sflag:s8] =	dma.local @!p0 [hbm:s6], $0xF7A  }
0x23: {  	s9 =	sor.u32 $0xD0000000, s2;
	s6 =	simm.s32 $0x108;
	_ =	swait.ge @!p0 [sflag:s8], $0x0  }
0x24: {  	s3 =	sadd.s32 $0x88, s3;
	s6 =	simm.s32 @!p1 $0x1082;
	[sflag:s4] =	ssyncset.s32 $0xFFFFF086  }
0x25: {  	[simem:s6], [sflag:s4] =	dma.local [hbm:s3], $0xF7A  }
0x26: {  	[smem:$0x3F99] =	sst s1;
	(tag) =	ssettag s2;
	_ =	strace s9  }
0x27: {  	s1 =	sld [smem:$0x3FA9]  }
0x28: {  	s2 =	sld [smem:$0x3FAA]  }
0x29: {  	s4 =	sld [smem:$0x3FAC]  }
0x2a: {  	p0 =	seq.s32 s5, $0x0;
	s5 =	sld [smem:$0x3FAD]  }
0x2b: {  	s6 =	sld [smem:$0x3FAE]  }
0x2c: {  	s7 =	sld [smem:$0x3FAF]  }
0x2d: {  	s3 =	simm.s32 $0x108;
	s8 =	sld [smem:$0x3FB0]  }
0x2e: {  	s3 =	simm.s32 @!p0 $0x1082;
	s9 =	sld [smem:$0x3FB1]  }
0x2f: {  	lr =	sadd.s32 s0, s3;
	s0 =	sld [smem:$0x3FA8]  }
0x30: {  	s3 =	sld [smem:$0x3FAB]  }
0x31: {  	[smem:$0x3FB4] =	sst s10  }
0x32: {  	s10 =	sld [smem:$0x3FB2];
	_ =	sdelay $0x3  }
0x33: {  	p0 =	seq.s32 s10, $0x1;
	s10 =	sld [smem:$0x3FB4];
	_ =	sdelay $0x3  }
0x34: {  	[smem:$0x3FB4] =	sst s10  }
0x35: {  	s10 =	sld [smem:$0x3FB3];
	_ =	sdelay $0x3  }
0x36: {  	p1 =	seq.s32 s10, $0x1;
	s10 =	sld [smem:$0x3FB4];
	_ =	sdelay $0x3  }
0x37: {  	[smem:$0x3FB4] =	sst s10  }
0x38: {  	s10 =	sld [smem:$0x3FB5]  }
0x39: {  	_ = 	snop;
	(pc) =	sbr.ind lr, $3  }
0x3a: {  	_ = 	snop  }
0x3b: {  	_ = 	snop  }
0x3c: {  	p2 =	seq.s32 s10, $0x1;
	s10 =	sld [smem:$0x3FB4]  }
0x3d: {  	_ =	shalt  }
0x3e: {  	_ =	shalt  }
0x3f: {  	_ =	shalt  }
0x40: {  	_ =	shalt  }
0x41: {  	_ =	shalt  }
0x42: {  	_ =	shalt  }
0x43: {  	_ =	shalt  }
0x44: {  	_ =	shalt  }
0x45: {  	_ =	shalt  }
0x46: {  	_ =	shalt  }
0x47: {  	_ =	shalt  }
0x48: {  	_ =	shalt  }
0x49: {  	_ =	shalt  }
0x4a: {  	_ =	shalt  }
0x4b: {  	_ =	shalt  }
0x4c: {  	_ =	shalt  }
0x4d: {  	_ =	shalt  }
0x4e: {  	_ =	shalt  }
0x4f: {  	_ =	shalt  }
0x50: {  	_ =	shalt  }
0x51: {  	_ =	shalt  }
0x52: {  	_ =	shalt  }
0x53: {  	_ =	shalt  }
0x54: {  	_ =	shalt  }
0x55: {  	_ =	shalt  }
0x56: {  	_ =	shalt  }
0x57: {  	_ =	shalt  }
0x58: {  	_ =	shalt  }
0x59: {  	_ =	shalt  }
0x5a: {  	_ =	shalt  }
0x5b: {  	_ =	shalt  }
0x5c: {  	_ =	shalt  }
0x5d: {  	_ =	shalt  }
0x5e: {  	_ =	shalt  }
0x5f: {  	_ =	shalt  }
0x60: {  	_ =	shalt  }
0x61: {  	_ =	shalt  }
0x62: {  	_ =	shalt  }
0x63: {  	_ =	shalt  }
0x64: {  	_ =	shalt  }
0x65: {  	_ =	shalt  }
0x66: {  	_ =	shalt  }
0x67: {  	_ =	shalt  }
0x68: {  	_ =	shalt  }
0x69: {  	_ =	shalt  }
0x6a: {  	_ =	shalt  }
0x6b: {  	_ =	shalt  }
0x6c: {  	_ =	shalt  }
0x6d: {  	_ =	shalt  }
0x6e: {  	_ =	shalt  }
0x6f: {  	_ =	shalt  }
0x70: {  	_ =	shalt  }
0x71: {  	_ =	shalt  }
0x72: {  	_ =	shalt  }
0x73: {  	_ =	shalt  }
0x74: {  	_ =	shalt  }
0x75: {  	_ =	shalt  }
0x76: {  	_ =	shalt  }
0x77: {  	_ =	shalt  }
0x78: {  	_ =	shalt  }
0x79: {  	_ =	shalt  }
0x7a: {  	_ =	shalt  }
0x7b: {  	_ =	shalt  }
0x7c: {  	_ =	shalt  }
0x7d: {  	_ =	shalt  }
0x7e: {  	_ =	shalt  }
0x7f: {  	_ =	shalt  }
0x80: {  	_ =	shalt  }
0x81: {  	_ =	shalt  }
0x82: {  	_ =	shalt  }
0x83: {  	_ =	shalt  }
0x84: {  	_ =	shalt  }
0x85: {  	_ =	shalt  }
0x86: {  	_ =	shalt  }
0x87: {  	_ =	shalt  }
.Lfunc_end0:
.L_simem_size_0:
called_computation_lowered:
.L_overlay_start_0:
0x88: {  	s2 =	sld [smem:$0x3FD9]  }
0x89: {  	s3 =	sld [smem:$0x3FFE];
	_ =	sdelay $0x1  }
0x8a: {  	s1 =	srdreg.scid  }
0x8b: {  	s0 =	sand.u32 $0x1, s1  }
0x8c: {  	s17 =	sshll.u32 s0, $0xA;
	s2 =	sadd.s32 s3, s2  }
0x8d: {  	s2 =	sadd.s32 s2, s17  }
0x8e: {  	[smem:$0x3FC0] =	sst s2  }
0x8f: {  	_ = 	snop  }
0x90: {  	s2 =	sld [smem:$0x3FD0];
	(tm) =	ssettm $0x1  }
0x91: {  	s18 =	sld [smem:$0x3FFB];
	_ =	sdelay $0x3  }
0x92: {  	_ =	strace s18  }
0x93: {  	s3 =	sld [smem:$0x3FFC];
	_ =	sdelay $0x3  }
0x94: {  	_ =	strace s3  }
0x95: {  	s3 =	sld [smem:$0x3FFD];
	_ =	sdelay $0x3  }
0x96: {  	_ =	strace s3  }
0x97: {  	_ =	strace $0x8FFFFFFF  }
0x98: {  	s19 =	sld [smem:$0x3FDB];
	_ =	sdelay $0x1  }
0x99: {  	s4 =	simm.s32 $_scs_section_size  }
0x9a: {  	s5 =	simm.s32 $_size__tile_overlayer_lowered;
	s6 =	simm.s32 $_tile_overlayer_lowered  }
0x9b: {  	s22 =	simm.s32 $0x1BFF;
	s21 =	sshll.u32 s6, $0x1;
	s3 =	sadd.s32 s4, s19  }
0x9c: {  	s7 =	simm.s32 $0x0;
	s20 =	sshll.u32 s5, $0x1;
	s5 =	sadd.s32 s21, s3  }
0x9d: {  	[timem:s7], [sflag:s22] =	dma.local [hbm:s5], s20  }
0x9e: {  	_ =	swait.ge [sflag:s22], s20  }
0x9f: {  	s4 =	ssub.s32 $0x0, s20;
	[sflag:s22] =	ssyncset.done $0x0  }
0xa0: {  	[sflag:s22] =	ssyncadd.s32 s4;
	_ =	sdelay $0x1  }
0xa1: {  	s23 =	simm.s32 $0x1B8B  }
0xa2: {  	_ =	swait.ge [sflag:s23], $0x1  }
0xa3: {  	[sflag:s23] =	ssyncset.done $0x0  }
0xa4: {  	s25 =	simm.s32 $0x1B8E;
	s24 =	sld [smem:$0x3FFE];
	[sflag:s23] =	ssyncadd.s32 $0xFFFFFFFF  }
0xa5: {  	s26 =	simm.s32 $execute0_lowered;
	[smem:$0x3FD2] =	sst s25  }
0xa6: {  	s5 =	sshll.u32 s26, $0x1;
	_ =	strace $0x80000046;
	[dreg:$0x1] =	wrdreg $0xFFFFFFFF  }
0xa7: {  	s28 =	simm.s32 $_size_execute0_lowered;
	s3 =	sadd.s32 s3, s5;
	[dreg:$0x0] =	wrdreg $0x0  }
0xa8: {  	s5 =	sshll.u32 s28, $0x1;
	[dreg:$0x2] =	wrdreg s3  }
0xa9: {  	[dreg:$0x3] =	wrdreg s5  }
0xaa: {  	[dreg:$0x4] =	wrdreg $0xC0  }
0xab: {  	_ =	task [dreg:s7], $0x5FFFF  }
0xac: {  	[dreg:$0x1] =	wrdreg $0xFFFFFFFF  }
0xad: {  	[dreg:$0x0] =	wrdreg $0x60  }
0xae: {  	[dreg:$0x2] =	wrdreg s24  }
0xaf: {  	[dreg:$0x3] =	wrdreg s2  }
0xb0: {  	[dreg:$0x4] =	wrdreg $0x37000  }
0xb1: {  	[dreg:$0x5] =	wrdreg $0x9  }
0xb2: {  	_ =	task.clear_ibuf [dreg:s7], $0x6FFFF;
	_ =	strace $0x90000046  }
0xb3: {  	s29 =	simm.s32 $0x9;
	_ =	strace $0x80000048  }
0xb4: {  	_ =	swait.ge [sflag:s29], $0x1  }
0xb5: {  	[sflag:s29] =	ssyncadd.s32 $0xFFFFFFFF  }
0xb6: {  	_ =	strace $0x90000048  }
0xb7: {  	_ =	sfence  }
0xb8: {  	s30 =	sld [smem:$0x0];
	_ =	sdelay $0x2  }
0xb9: {  	s31 =	sshll.u32 s1, $0xD;
	s1 =	sshrl.u32 s1, $0x2  }
0xba: {  	s3 =	sand.u32 $0x4000, s31;
	s1 =	sadd.s32 s1, s30  }
0xbb: {  	s0 =	sor.u32 s3, s0;
	s1 =	sshll.u32 s1, $0x11  }
0xbc: {  	s0 =	sor.u32 s1, s0  }
0xbd: {  	s0 =	sadd.s32 $0x8F2B, s0  }
0xbe: {  	[sflag:s0] =	ssyncadd.remote.s32 $0x1  }
0xbf: {  	_ =	sfence.sel $0xFFFF  }
0xc0: {  	[dreg:$0x0] =	wrdreg $0xFFFFFFFF;
	(pc) =	sbr.abs _section_cstart, $3  }
0xc1: {  	[dreg:$0x1] =	wrdreg $0xFFFFFFFF  }
0xc2: {  	_ =	task.clear_ibuf [dreg:s7], $0x2FFFF;
	_ =	strace $0x9FFFFFFF  }
0xc3: {  	(tm) =	ssettm $0x7FFFFFFF  }
tec
execute0_lowered:
.L_overlay_start_1:
0x0: {  	(tag) =	ssettag $0x1  }
0x1: {  	s4 =	rddreg [dreg:$0x0]  }
0x2: {  	s6 =	rddreg [dreg:$0x1]  }
0x3: {  	s0 =	srdreg.scid;
	s2 =	rddreg [dreg:$0x2]  }
0x4: {  	s3 =	simm.s32 $0x0;
	s11 =	simm.s32 $0x3400;
	s14 =	simm.s32 $0x20  }
0x5: {  	s15 =	simm.s32 $0x10;
	s5 =	sand.u32 $0x1, s0;
	s0 =	stileid.u32  }
0x6: {  	s16 =	simm.s32 $0x0;
	[smem:$0x7FF] =	sst s3;
	s8 =	smul.u32 $0xA00, s0  }
0x7: {  	s1 =	sshll.u32 s5, $0x4;
	s9 =	ssub.s32 $0x2, s5;
	s10 =	smul.u32 $0x500, s0  }
0x8: {  	s5 =	sshll.u32 s5, $0x7;
	s12 =	sshll.u32 s0, $0x6;
	s7 =	sor.u32 s0, s1  }
0x9: {  	s1 =	rddreg [dreg:$0x3];
	_ =	strace $0x80000047;
	s29 =	sshrl.u32 s9, $0x1  }
0xa: {  	s12 =	sor.u32 $0x1C01, s12;
	s7 =	smul.u32 $0x680, s7;
	s8 =	sshrl.u32 s8, $0x2  }
0xb: {  	s30 =	sor.u32 s5, s10;
	s10 =	simm.s32 $0x64;
	s5 =	sadd.s32 s8, s2  }
0xc: {  	s31 =	sshrl.u32 s30, $0x3;
	s8 =	simm.s32 $0x1;
	s4 =	sadd.s32 s7, s4  }
0xd: {  	s7 =	ssub.s32 s9, s29;
	s6 =	sadd.s32 s6, s31;
	s9 =	simm.s32 $0x3480  }
0xe: {  	v0 =	vimm.f32 $1.000000000e+00;
	v1 =	vimm.f32 $0.0e+00;
	s13 =	sshrl.u32 s5, $0x3;
	s4 =	sadd.s32 $0x2A00, s4;
	s7 =	smax.u32 s7, $0x1  }
.LBB2_1:
0xf: {  	[tilespmem:s3], [sflag:$0x1] =	stream.linear.gather [hbm4b:s4+s3], $0x3200, $0x38;
	[tilespmem:$0x3980] =	vst v63  }
0x10: {  	_ =	swait.ge [sflag:s8], $0x3200  }
0x11: {  	[sflag:s8] =	ssyncset.done $0x0  }
0x12: {  	[sflag:s8] =	ssyncadd.s32 $0xFFFFCE00  }
0x13: {  	[tilespmem:$0x3400] =	vst v0  }
0x14: {  	[tilespmem:$0x3410] =	vst v0  }
0x15: {  	[tilespmem:$0x3420] =	vst v0  }
0x16: {  	[tilespmem:$0x3430] =	vst v0  }
0x17: {  	[tilespmem:$0x3440] =	vst v0  }
0x18: {  	[tilespmem:$0x3450] =	vst v0  }
0x19: {  	[tilespmem:$0x3480] =	vst v1  }
0x1a: {  	[tilespmem:$0x3490] =	vst v1  }
0x1b: {  	[tilespmem:$0x34A0] =	vst v1  }
0x1c: {  	[tilespmem:$0x34B0] =	vst v1  }
0x1d: {  	[tilespmem:$0x34C0] =	vst v1  }
0x1e: {  	[tilespmem:$0x34D0] =	vst v1  }
0x1f: {  	[tilespmem:$0x34E0] =	vst v1  }
0x20: {  	[tilespmem:$0x34F0] =	vst v1  }
0x21: {  	[tilespmem:$0x3500] =	vst v1  }
0x22: {  	[tilespmem:$0x3510] =	vst v1  }
0x23: {  	[tilespmem:$0x3520] =	vst v1  }
0x24: {  	[tilespmem:$0x3530] =	vst v1  }
0x25: {  	[tilespmem:$0x3540] =	vst v1  }
0x26: {  	[tilespmem:$0x3550] =	vst v1  }
0x27: {  	[tilespmem:$0x3560] =	vst v1  }
0x28: {  	[tilespmem:$0x3570] =	vst v1  }
0x29: {  	[tilespmem:$0x3580] =	vst v1  }
0x2a: {  	[tilespmem:$0x3590] =	vst v1  }
0x2b: {  	[tilespmem:$0x35A0] =	vst v1  }
0x2c: {  	[tilespmem:$0x35B0] =	vst v1  }
0x2d: {  	[tilespmem:$0x35C0] =	vst v1  }
0x2e: {  	[tilespmem:$0x35D0] =	vst v1  }
0x2f: {  	[tilespmem:$0x35E0] =	vst v1  }
0x30: {  	[tilespmem:$0x35F0] =	vst v1  }
0x31: {  	[tilespmem:$0x3600] =	vst v1  }
0x32: {  	[tilespmem:$0x3610] =	vst v1  }
0x33: {  	[tilespmem:$0x3620] =	vst v1  }
0x34: {  	[tilespmem:$0x3630] =	vst v1  }
0x35: {  	[tilespmem:$0x3640] =	vst v1  }
0x36: {  	[tilespmem:$0x3650] =	vst v1  }
0x37: {  	[tilespmem:$0x3660] =	vst v1  }
0x38: {  	[tilespmem:$0x3670] =	vst v1  }
0x39: {  	[tilespmem:$0x3680] =	vst v1  }
0x3a: {  	[tilespmem:$0x3690] =	vst v1  }
0x3b: {  	[tilespmem:$0x36A0] =	vst v1  }
0x3c: {  	[tilespmem:$0x36B0] =	vst v1  }
0x3d: {  	[tilespmem:$0x36C0] =	vst v1  }
0x3e: {  	[tilespmem:$0x36D0] =	vst v1  }
0x3f: {  	[tilespmem:$0x36E0] =	vst v1  }
0x40: {  	[tilespmem:$0x36F0] =	vst v1  }
0x41: {  	[tilespmem:$0x3454] =	vst v0  }
0x42: {  	[spmem:s5] =	stream.linear.scatter [tilespmem:s9], [sflag:$0x1], $0x280, $0x38;
	[tilespmem:$0x3980] =	vst v63  }
0x43: {  	_ =	swait.ge [sflag:s8], $0x280  }
0x44: {  	[sflag:s8] =	ssyncset.done $0x0  }
0x45: {  	[sflag:s8] =	ssyncadd.s32 $0xFFFFFD80  }
0x46: {  	s17 =	simm.s32 $0x0;
	[bflag:$0x0] =	sbarrier.arrive $0xFFFF  }
0x47: {  	[spmem:s2] =	stream.indirect.scatter.add.f32 [tilespmem:s11], [sflag:$0x1], $0x1, s17, s10, $0xb8;
	[tilespmem:$0x3980] =	vst v63  }
0x48: {  	_ =	swait.ge [sflag:s8], $0x64  }
0x49: {  	s17 =	simm.s32 $0x200;
	[sflag:s8] =	ssyncset.done $0x0  }
.LBB2_2:
0x4a: {  	s18 =	sshra.s32 s17, $0x2;
	[sflag:s8] =	ssyncadd.s32 $0xFFFFFF9C;
	p0 =	sne.s32 s17, $0xC600  }
0x4b: {  	[spmem:s2] =	stream.indirect.scatter.add.f32 [tilespmem:s11], [sflag:$0x1], $0x1, s18, s10, $0xb8;
	[tilespmem:$0x3980] =	vst v63  }
.Ltmp0:
0x4c: {  	_ = 	snop;
	(pc) =	sbr.rel @p0 .LBB2_2-.Ltmp0, $4  }
0x4d: {  	_ = 	snop  }
0x4e: {  	s17 =	sadd.s32 $0x200, s17  }
0x4f: {  	_ =	swait.ge [sflag:s8], $0x64  }
0x50: {  	[sflag:s8] =	ssyncset.done $0x0  }
0x51: {  	s16 =	sadd.s32 $0x1, s16  }
0x52: {  	[sflag:s8] =	ssyncadd.s32 $0xFFFFFF9C;
	p0 =	sne.s32 s16, s7  }
.Ltmp1:
0x53: {  	[bflag:$0x0] =	sbarrier.arrive $0xFFFF;
	(pc) =	sbr.rel @p0 .LBB2_1-.Ltmp1, $4  }
0x54: {  	[hbm:s6@s14], [sflag:s12] =	dma.strided [spmem:s13@s15], $0x50, s8, $0x10   }
0x55: {  	_ =	swait.ge [sflag:s8], $0x50  }
0x56: {  	[sflag:s8] =	ssyncset.done $0x0  }
0x57: {  	[sflag:s8] =	ssyncadd.s32 $0xFFFFFFB0  }
0x58: {  	_ =	sfence.sel $0x180000  }
0x59: {  	[bflag:$0x0] =	sbarrier.arrive $0xFFFF  }
0x5a: {  	p0 =	sne.s32 s0, $0x0;
	_ =	strace $0x90000047  }
0x5b: {  	s0 =	sadd.s32 @!p0 $0x100000, s1;
	[bflag:$0x2] =	sbarrier.arrive $0xFFFF  }
0x5c: {  	[sflag:s0] =	ssyncadd.tile.s32 @!p0 $0x1;
	_ =	shalt  }
.Lfunc_end2:
_tile_overlayer_lowered:
.L_overlay_start_2:
0x5d: {  	(tag) =	ssettag $0x2  }
0x5e: {  	s0 =	rddreg [dreg:$0x0];
	s2 =	stileid.u32  }
0x5f: {  	s1 =	rddreg [dreg:$0x1];
	p0 =	sne.s32 s2, $0x0  }
0x60: {  	s3 =	rddreg [dreg:$0x2];
	[bflag:$0x3] =	sbarrier.arrive $0xFFFF;
	s2 =	simm.s32 @!p0 $0x1C01  }
0x61: {  	[timem:s3], [sflag:s2] =	dma.local @!p0 [hbm:s0], s1  }
0x62: {  	s0 =	simm.s32 @!p0 $0x1  }
0x63: {  	_ =	swait.ge @!p0 [sflag:s0], s1  }
0x64: {  	s1 =	ssub.s32 @!p0 $0x0, s1;
	[sflag:s0] =	ssyncset.done @!p0 $0x0  }
0x65: {  	[sflag:s0] =	ssyncadd.s32 @!p0 s1  }
0x66: {  	[bflag:$0x3] =	sbarrier.arrive $0xFFFF  }
0x67: {  	_ =	shalt  }

</sc_bundles>
